<compile_context>
chip_gen: v7x
topology: tpu7x:2x2x1
jax: 0.10.2.dev20260603
libtpu: 0.0.44.dev20260713+nightly
codegen_flags: <defaults>
</compile_context>

<pallas_src>
import functools

import jax
import jax.numpy as jnp
from jax import lax
from jax.experimental import pallas as pl
from jax.experimental.pallas import tpu as pltpu
from jax.experimental.pallas import tpu_sc as plsc

TOPK = 8
LANES = 16
NSUB = 16
P_TC = 28

_SORT8 = ((0, 2), (1, 3), (4, 6), (5, 7),
          (0, 4), (1, 5), (2, 6), (3, 7),
          (0, 1), (2, 3), (4, 5), (6, 7),
          (2, 4), (3, 5), (1, 4), (3, 6),
          (1, 2), (3, 4), (5, 6))
_BITONIC8 = ((0, 4), (1, 5), (2, 6), (3, 7),
             (0, 2), (1, 3), (4, 6), (5, 7),
             (0, 1), (2, 3), (4, 5), (6, 7))


def _sort_net(vals, net):
    for i, j in net:
        a, b = vals[i], vals[j]
        vals[i] = jnp.minimum(a, b)
        vals[j] = jnp.maximum(a, b)
    return vals


def _merge_top8(top, other):
    merged = [jnp.maximum(top[m], other[7 - m]) for m in range(8)]
    return _sort_net(merged, _BITONIC8)


def _tc_block(in_ref, out_ref):
    x = in_ref[0]
    s_rows = x.shape[0]
    blk = s_rows // 8
    s = [x[blk * k:blk * (k + 1), :] for k in range(8)]
    s = _sort_net(s, _SORT8)
    length = blk
    while length > 1:
        h = length // 2
        lo = [v[:h] for v in s]
        hi = [v[h:] for v in s]
        m = [jnp.maximum(lo[i], hi[7 - i]) for i in range(8)]
        s = _sort_net(m, _BITONIC8)
        length = h
    for k in range(TOPK):
        out_ref[0, k, :] = s[7 - k][0]


def _tc_topk(inputs, npair, ncb):
    b_dim, s_dim, c_dim = inputs.shape
    return pl.pallas_call(
        _tc_block,
        grid=(npair,),
        in_specs=[pl.BlockSpec((1, s_dim, 128),
                               lambda i: (i // ncb, 0, i % ncb))],
        out_specs=pl.BlockSpec((1, TOPK, 128), lambda i: (i, 0, 0)),
        out_shape=jax.ShapeDtypeStruct((npair, TOPK, 128), jnp.float32),
    )(inputs)


def kernel(inputs):
    b_dim, s_dim, c_dim = inputs.shape
    ncb = c_dim // 128
    npairs_all = b_dim * ncb
    np_sc = npairs_all - P_TC
    pairs_per_sc = np_sc // 2
    nq = 8
    q_rows = s_dim // nq
    chunk_rows = 256
    nchunks = q_rows // chunk_rows
    nq_sc = pairs_per_sc * nq
    mesh = plsc.VectorSubcoreMesh(core_axis_name="c", subcore_axis_name="s")
    neg_inf = jnp.float32(-jnp.inf)

    @functools.partial(
        pl.kernel,
        mesh=mesh,
        out_type=(
            jax.ShapeDtypeStruct((np_sc, nq, TOPK, 128), jnp.float32),
            jax.ShapeDtypeStruct((np_sc, TOPK, 128), jnp.float32),
        ),
        scratch_types=[
            pltpu.VMEM((chunk_rows, 128), jnp.float32),
            pltpu.VMEM((chunk_rows, 128), jnp.float32),
            pltpu.VMEM((8, TOPK, LANES), jnp.float32),
            pltpu.VMEM((TOPK, 128), jnp.float32),
            pltpu.VMEM((nq, TOPK, 128), jnp.float32),
            pltpu.SemaphoreType.DMA,
            pltpu.SemaphoreType.DMA,
        ],
    )
    def sc_topk(in_hbm, cand_hbm, out_hbm, slab0, slab1, tbuf, outbuf,
                mslab, sem0, sem1):
        cid = lax.axis_index("c")
        sid = lax.axis_index("s")
        slabs = (slab0, slab1)
        sems = (sem0, sem1)

        def task_coords(t_loc):
            pl_idx = cid * pairs_per_sc + t_loc // nq
            pg = P_TC + pl_idx
            return pl_idx, pg // ncb, pg % ncb, t_loc % nq

        def chunk_src(t_loc, ci):
            _, b, cb, q = task_coords(t_loc)
            row0 = q * q_rows + ci * chunk_rows
            return in_hbm.at[b, pl.ds(row0, chunk_rows),
                             pl.ds(cb * 128, 128)]

        def compute_chunk(slab, tbuf):
            def group_body(g, _):
                top = tuple(tbuf[g, k] for k in range(TOPK))

                def seg_body(i, carry):
                    rows = [slab[i * 16 + k, pl.ds(g * LANES, LANES)]
                            for k in range(16)]
                    sa = _sort_net(rows[:8], _SORT8)
                    sb = _sort_net(rows[8:], _SORT8)
                    pair = _merge_top8(sa, sb)
                    return tuple(_merge_top8(list(carry), pair))

                top = lax.fori_loop(0, chunk_rows // 16, seg_body, top)
                for k in range(TOPK):
                    tbuf[g, k] = top[k]
                return 0

            lax.fori_loop(0, 8, group_body, 0)

        @pl.when(sid < nq_sc)
        def _():
            pltpu.async_copy(chunk_src(sid, 0), slabs[0], sems[0])

        ntask_here = (nq_sc - sid + NSUB - 1) // NSUB

        def task_body(j, _):
            t = sid + j * NSUB

            def init_g(g, _):
                for k in range(TOPK):
                    tbuf[g, k] = jnp.full((LANES,), neg_inf, jnp.float32)
                return 0

            lax.fori_loop(0, 8, init_g, 0)

            def pair_body(p, _):
                for sub in range(2):
                    ci = 2 * p + sub
                    ring = sub
                    nci = ci + 1
                    has_next = jnp.logical_or(
                        nci < nchunks, t + NSUB < nq_sc)

                    @pl.when(has_next)
                    def _():
                        nt = jnp.where(nci < nchunks, t, t + NSUB)
                        pltpu.async_copy(
                            chunk_src(nt, lax.rem(nci, nchunks)),
                            slabs[(ring + 1) % 2], sems[(ring + 1) % 2])

                    pltpu.make_async_copy(
                        chunk_src(t, ci), slabs[ring], sems[ring]).wait()
                    compute_chunk(slabs[ring], tbuf)
                return 0

            lax.fori_loop(0, nchunks // 2, pair_body, 0)

            pl_idx, _, _, q = task_coords(t)

            def out_g(g, _):
                for k in range(TOPK):
                    outbuf[k, pl.ds(g * LANES, LANES)] = tbuf[g, k]
                return 0

            lax.fori_loop(0, 8, out_g, 0)
            pltpu.sync_copy(outbuf, cand_hbm.at[pl_idx, q])
            return 0

        lax.fori_loop(0, ntask_here, task_body, 0)

        plsc.subcore_barrier()

        nmerge_here = (pairs_per_sc - sid + NSUB - 1) // NSUB

        def merge_body(j, _):
            pl_idx = cid * pairs_per_sc + sid + j * NSUB
            pltpu.sync_copy(cand_hbm.at[pl_idx], mslab)

            def group_body(g, _):
                qlists = [
                    [mslab[q, k, pl.ds(g * LANES, LANES)]
                     for k in range(TOPK)]
                    for q in range(nq)
                ]
                while len(qlists) > 1:
                    qlists = [_merge_top8(qlists[2 * i], qlists[2 * i + 1])
                              for i in range(len(qlists) // 2)]
                top = qlists[0]
                for k in range(TOPK):
                    outbuf[k, pl.ds(g * LANES, LANES)] = top[7 - k]
                return 0

            lax.fori_loop(0, 8, group_body, 0)
            pltpu.sync_copy(outbuf, out_hbm.at[pl_idx])
            return 0

        lax.fori_loop(0, nmerge_here, merge_body, 0)

    _, sc_out = sc_topk(inputs)
    tc_out = _tc_topk(inputs, P_TC, ncb)
    allp = jnp.concatenate([tc_out, sc_out], axis=0)
    out = allp.reshape(b_dim, ncb, TOPK, 128).transpose(0, 1, 3, 2)
    return out.reshape(b_dim, c_dim * TOPK)

# --- scband reference (transcript-rebuilt; emitter-appended) ---
"""Pipeline reference for scband-kmax-pooling-80762565034393 (READ-ONLY COPY).

The authoritative reference and input builder live on the scoring server;
editing this copy changes nothing except your own understanding.
"""

import jax, jax.numpy as jnp
import numpy as np

K = 8

def setup_inputs(seed: int = 0) -> dict:
    key = jax.random.key(seed)
    inputs = jax.random.normal(key, (8, 4096, 768), dtype=jnp.float32)
    return {"inputs": inputs}

def reference(inputs):
    # KMaxPooling: transpose [B, S, C] -> [B, C, S], top_k over last dim, flatten
    shifted = jnp.transpose(inputs, (0, 2, 1))  # [B, C, S]
    top_k_vals, _ = jax.lax.top_k(shifted, K)   # [B, C, K], sorted descending
    B = top_k_vals.shape[0]
    return top_k_vals.reshape(B, -1)            # [B, C*K]

if __name__ == "__main__":
    import jax
    _d = setup_inputs()
    print(jax.jit(kernel)(*tuple(_d.values())))

</pallas_src>

<mosaic_0001>
#map = affine_map<(d0, d1) -> (0, 0, 0)>
#map1 = affine_map<(d0, d1) -> (0)>
#map2 = affine_map<(d0, d1) -> (0, 0, 0, 0)>
module attributes {stable_mosaic.version = 14 : i64} {
  func.func @_rewritten_body(%arg0: i32, %arg1: i32, %arg2: memref<8x4096x768xf32, #tpu.memory_space<hbm>>, %arg3: memref<1xf32, #tpu.memory_space<hbm>>, %arg4: memref<20x8x8x128xf32, #tpu.memory_space<hbm>>, %arg5: memref<20x8x128xf32, #tpu.memory_space<hbm>>, %arg6: memref<256x128xf32, #tpu.memory_space<vmem>>, %arg7: memref<256x128xf32, #tpu.memory_space<vmem>>, %arg8: memref<8x8x16xf32, #tpu.memory_space<vmem>>, %arg9: memref<8x128xf32, #tpu.memory_space<vmem>>, %arg10: memref<8x8x128xf32, #tpu.memory_space<vmem>>, %arg11: memref<!tpu.dma_semaphore, #tpu.memory_space<semaphore_mem>>, %arg12: memref<!tpu.dma_semaphore, #tpu.memory_space<semaphore_mem>>) attributes {dimension_semantics = [#tpu.dimension_semantics<core_parallel>, #tpu.dimension_semantics<subcore_parallel>], iteration_bounds = array<i64: 2, 16>, scalar_prefetch = 0 : i64, scratch_operands = 7 : i64, tpu.core_type = #tpu.core_type<sc_vector_subcore>, window_params = [{transform_indices = #map}, {transform_indices = #map1}, {transform_indices = #map2}, {transform_indices = #map}]} {
    %empty_ref3A = memref.alloca() : memref<16xf32, #tpu.memory_space<vmem>>
    "tpu.region"() ({
      %run_scoped3A = tpu.sem_alloc : memref<!tpu.dma_semaphore, #tpu.memory_space<semaphore_mem>>
      %dma_start3A = arith.constant 0 : i32
      %dma_start3A_78 = tpu.memref_slice %empty_ref3A[%dma_start3A] : memref<16xf32, #tpu.memory_space<vmem>> -> memref<1xf32, #tpu.memory_space<vmem>>
      %dma_start3A_79 = arith.constant 0 : i32
      %dma_start3A_80 = tpu.memref_slice %empty_ref3A[%dma_start3A_79] : memref<16xf32, #tpu.memory_space<vmem>> -> memref<1xf32, #tpu.memory_space<vmem>>
      tpu.enqueue_dma source(%arg3 : memref<1xf32, #tpu.memory_space<hbm>>) target(%dma_start3A_80 : memref<1xf32, #tpu.memory_space<vmem>>) target_semaphore(%run_scoped3A : memref<!tpu.dma_semaphore, #tpu.memory_space<semaphore_mem>>)
      %dma_wait3A = arith.constant 0 : i32
      %dma_wait3A_81 = tpu.memref_slice %empty_ref3A[%dma_wait3A] : memref<16xf32, #tpu.memory_space<vmem>> -> memref<1xf32, #tpu.memory_space<vmem>>
      %dma_wait3A_82 = arith.constant 0 : i32
      %dma_wait3A_83 = tpu.memref_slice %empty_ref3A[%dma_wait3A_82] : memref<16xf32, #tpu.memory_space<vmem>> -> memref<1xf32, #tpu.memory_space<vmem>>
      tpu.wait_dma2 semaphore(%run_scoped3A : memref<!tpu.dma_semaphore, #tpu.memory_space<semaphore_mem>>) src(%arg3 : memref<1xf32, #tpu.memory_space<hbm>>) dst(%dma_wait3A_83 : memref<1xf32, #tpu.memory_space<vmem>>)
      tpu.yield
    }) : () -> ()
    %get3A = arith.constant 0 : index
    %get3A_0 = tpu.vector_load %empty_ref3A[%get3A] {strides = array<i32>} : memref<16xf32, #tpu.memory_space<vmem>>, vector<16xf32>,
    %get3A_1 = vector.shape_cast %get3A_0 : vector<16xf32> to vector<16xf32>
    %slice3A = vector.extract_strided_slice %get3A_1 {offsets = [0], sizes = [1], strides = [1]} : vector<16xf32> to vector<1xf32>
    %squeeze3A = vector.extract %slice3A[0] : f32 from vector<1xf32>
    %lt3A = arith.constant 80 : i32
    %lt3A_2 = arith.cmpi slt, %arg1, %lt3A : i32
    %convert_element_type3A = arith.extui %lt3A_2 : i1 to i32
    %cond3A = arith.constant 0 : i32
    %cond3A_3 = arith.cmpi ne, %convert_element_type3A, %cond3A : i32
    scf.if %cond3A_3 {
      %mul3A = arith.constant 10 : i32
      %mul3A_78 = arith.muli %arg0, %mul3A : i32
      %jit3A_79 = arith.constant 8 : i32
      %div3A_80 = arith.divsi %arg1, %jit3A_79 : i32
      %sign3A_81 = arith.constant 0 : i32
      %sign3A_82 = arith.cmpi sgt, %arg1, %sign3A_81 : i32
      %sign3A_83 = arith.extui %sign3A_82 : i1 to i32
      %sign3A_84 = arith.constant 0 : i32
      %sign3A_85 = arith.cmpi slt, %arg1, %sign3A_84 : i32
      %sign3A_86 = arith.extui %sign3A_85 : i1 to i32
      %sign3A_87 = arith.subi %sign3A_83, %sign3A_86 : i32
      %sign3A_88 = arith.constant 0 : i32
      %sign3A_89 = arith.cmpi sgt, %jit3A_79, %sign3A_88 : i32
      %sign3A_90 = arith.extui %sign3A_89 : i1 to i32
      %sign3A_91 = arith.constant 0 : i32
      %sign3A_92 = arith.cmpi slt, %jit3A_79, %sign3A_91 : i32
      %sign3A_93 = arith.extui %sign3A_92 : i1 to i32
      %sign3A_94 = arith.subi %sign3A_90, %sign3A_93 : i32
      %ne3A_95 = arith.cmpi ne, %sign3A_87, %sign3A_94 : i32
      %rem3A_96 = arith.remsi %arg1, %jit3A_79 : i32
      %ne3A_97 = arith.constant 0 : i32
      %ne3A_98 = arith.cmpi ne, %rem3A_96, %ne3A_97 : i32
      %and3A_99 = arith.andi %ne3A_95, %ne3A_98 : i1
      %sub3A_100 = arith.constant 1 : i32
      %sub3A_101 = arith.subi %div3A_80, %sub3A_100 : i32
      %select_n3A_102 = arith.select %and3A_99, %sub3A_101, %div3A_80 : i32
      %add3A_103 = arith.addi %mul3A_78, %select_n3A_102 : i32
      %add3A_104 = arith.constant 28 : i32
      %add3A_105 = arith.addi %add3A_104, %add3A_103 : i32
      %jit3A_106 = arith.constant 6 : i32
      %div3A_107 = arith.divsi %add3A_105, %jit3A_106 : i32
      %sign3A_108 = arith.constant 0 : i32
      %sign3A_109 = arith.cmpi sgt, %add3A_105, %sign3A_108 : i32
      %sign3A_110 = arith.extui %sign3A_109 : i1 to i32
      %sign3A_111 = arith.constant 0 : i32
      %sign3A_112 = arith.cmpi slt, %add3A_105, %sign3A_111 : i32
      %sign3A_113 = arith.extui %sign3A_112 : i1 to i32
      %sign3A_114 = arith.subi %sign3A_110, %sign3A_113 : i32
      %sign3A_115 = arith.constant 0 : i32
      %sign3A_116 = arith.cmpi sgt, %jit3A_106, %sign3A_115 : i32
      %sign3A_117 = arith.extui %sign3A_116 : i1 to i32
      %sign3A_118 = arith.constant 0 : i32
      %sign3A_119 = arith.cmpi slt, %jit3A_106, %sign3A_118 : i32
      %sign3A_120 = arith.extui %sign3A_119 : i1 to i32
      %sign3A_121 = arith.subi %sign3A_117, %sign3A_120 : i32
      %ne3A_122 = arith.cmpi ne, %sign3A_114, %sign3A_121 : i32
      %rem3A_123 = arith.remsi %add3A_105, %jit3A_106 : i32
      %ne3A_124 = arith.constant 0 : i32
      %ne3A_125 = arith.cmpi ne, %rem3A_123, %ne3A_124 : i32
      %and3A_126 = arith.andi %ne3A_122, %ne3A_125 : i1
      %sub3A_127 = arith.constant 1 : i32
      %sub3A_128 = arith.subi %div3A_107, %sub3A_127 : i32
      %select_n3A_129 = arith.select %and3A_126, %sub3A_128, %div3A_107 : i32
      %jit3A_130 = arith.constant 6 : i32
      %eq3A = arith.constant 0 : i32
      %eq3A_131 = arith.cmpi eq, %jit3A_130, %eq3A : i32
      %jit3A_132 = arith.constant 1 : i32
      %select_n3A_133 = arith.select %eq3A_131, %jit3A_132, %jit3A_130 : i32
      %rem3A_134 = arith.remsi %add3A_105, %select_n3A_133 : i32
      %ne3A_135 = arith.constant 0 : i32
      %ne3A_136 = arith.cmpi ne, %rem3A_134, %ne3A_135 : i32
      %lt3A_137 = arith.constant 0 : i32
      %lt3A_138 = arith.cmpi slt, %rem3A_134, %lt3A_137 : i32
      %lt3A_139 = arith.constant 0 : i32
      %lt3A_140 = arith.cmpi slt, %select_n3A_133, %lt3A_139 : i32
      %ne3A_141 = arith.xori %lt3A_138, %lt3A_140 : i1
      %and3A_142 = arith.andi %ne3A_141, %ne3A_136 : i1
      %add3A_143 = arith.addi %rem3A_134, %select_n3A_133 : i32
      %select_n3A_144 = arith.select %and3A_142, %add3A_143, %rem3A_134 : i32
      %jit3A_145 = arith.constant 8 : i32
      %eq3A_146 = arith.constant 0 : i32
      %eq3A_147 = arith.cmpi eq, %jit3A_145, %eq3A_146 : i32
      %jit3A_148 = arith.constant 1 : i32
      %select_n3A_149 = arith.select %eq3A_147, %jit3A_148, %jit3A_145 : i32
      %rem3A_150 = arith.remsi %arg1, %select_n3A_149 : i32
      %ne3A_151 = arith.constant 0 : i32
      %ne3A_152 = arith.cmpi ne, %rem3A_150, %ne3A_151 : i32
      %lt3A_153 = arith.constant 0 : i32
      %lt3A_154 = arith.cmpi slt, %rem3A_150, %lt3A_153 : i32
      %lt3A_155 = arith.constant 0 : i32
      %lt3A_156 = arith.cmpi slt, %select_n3A_149, %lt3A_155 : i32
      %ne3A_157 = arith.xori %lt3A_154, %lt3A_156 : i1
      %and3A_158 = arith.andi %ne3A_157, %ne3A_152 : i1
      %add3A_159 = arith.addi %rem3A_150, %select_n3A_149 : i32
      %select_n3A_160 = arith.select %and3A_158, %add3A_159, %rem3A_150 : i32
      %mul3A_161 = arith.constant 512 : i32
      %mul3A_162 = arith.muli %select_n3A_160, %mul3A_161 : i32
      %add3A_163 = arith.constant 0 : i32
      %add3A_164 = arith.addi %mul3A_162, %add3A_163 : i32
      %mul3A_165 = arith.constant 128 : i32
      %mul3A_166 = arith.muli %select_n3A_144, %mul3A_165 : i32
      %dma_start3A = tpu.memref_slice %arg2[%select_n3A_129, %add3A_164, %mul3A_166] : memref<8x4096x768xf32, #tpu.memory_space<hbm>> -> memref<1x256x128xf32, #tpu.memory_space<hbm>>
      %dma_start3A_167 = tpu.memref_squeeze %dma_start3A : memref<1x256x128xf32, #tpu.memory_space<hbm>> -> memref<256x128xf32, #tpu.memory_space<hbm>>
      %dma_start3A_168 = tpu.memref_slice %arg2[%select_n3A_129, %add3A_164, %mul3A_166] : memref<8x4096x768xf32, #tpu.memory_space<hbm>> -> memref<1x256x128xf32, #tpu.memory_space<hbm>>
      %dma_start3A_169 = tpu.memref_squeeze %dma_start3A_168 : memref<1x256x128xf32, #tpu.memory_space<hbm>> -> memref<256x128xf32, #tpu.memory_space<hbm>>
      tpu.enqueue_dma source(%dma_start3A_169 : memref<256x128xf32, #tpu.memory_space<hbm>>) target(%arg6 : memref<256x128xf32, #tpu.memory_space<vmem>>) target_semaphore(%arg11 : memref<!tpu.dma_semaphore, #tpu.memory_space<semaphore_mem>>)
    } else {
    }
    %sub3A = arith.constant 80 : i32
    %sub3A_4 = arith.subi %sub3A, %arg1 : i32
    %add3A = arith.constant 16 : i32
    %add3A_5 = arith.addi %sub3A_4, %add3A : i32
    %sub3A_6 = arith.constant 1 : i32
    %sub3A_7 = arith.subi %add3A_5, %sub3A_6 : i32
    %jit3A = arith.constant 16 : i32
    %div3A = arith.divsi %sub3A_7, %jit3A : i32
    %sign3A = arith.constant 0 : i32
    %sign3A_8 = arith.cmpi sgt, %sub3A_7, %sign3A : i32
    %sign3A_9 = arith.extui %sign3A_8 : i1 to i32
    %sign3A_10 = arith.constant 0 : i32
    %sign3A_11 = arith.cmpi slt, %sub3A_7, %sign3A_10 : i32
    %sign3A_12 = arith.extui %sign3A_11 : i1 to i32
    %sign3A_13 = arith.subi %sign3A_9, %sign3A_12 : i32
    %sign3A_14 = arith.constant 0 : i32
    %sign3A_15 = arith.cmpi sgt, %jit3A, %sign3A_14 : i32
    %sign3A_16 = arith.extui %sign3A_15 : i1 to i32
    %sign3A_17 = arith.constant 0 : i32
    %sign3A_18 = arith.cmpi slt, %jit3A, %sign3A_17 : i32
    %sign3A_19 = arith.extui %sign3A_18 : i1 to i32
    %sign3A_20 = arith.subi %sign3A_16, %sign3A_19 : i32
    %ne3A = arith.cmpi ne, %sign3A_13, %sign3A_20 : i32
    %rem3A = arith.remsi %sub3A_7, %jit3A : i32
    %ne3A_21 = arith.constant 0 : i32
    %ne3A_22 = arith.cmpi ne, %rem3A, %ne3A_21 : i32
    %and3A = arith.andi %ne3A, %ne3A_22 : i1
    %sub3A_23 = arith.constant 1 : i32
    %sub3A_24 = arith.subi %div3A, %sub3A_23 : i32
    %select_n3A = arith.select %and3A, %sub3A_24, %div3A : i32
    %while3A = arith.constant 0 : i32
    %while3A_25 = arith.constant 0 : i32
    %while3A_26 = arith.subi %select_n3A, %while3A : i32
    %while3A_27 = arith.addi %while3A, %while3A_26 : i32
    %while3A_28 = arith.constant 1 : i32
    %while3A_29 = arith.divsi %while3A_26, %while3A_28 : i32
    %while3A_30 = arith.muli %while3A_29, %while3A_28 : i32
    %while3A_31 = arith.addi %while3A, %while3A_30 : i32
    %while3A_32 = arith.constant 1 : i32
    %while3A_33 = scf.for %while3A_78 = %while3A to %while3A_31 step %while3A_32 iter_args(%while3A_79 = %while3A_25) -> (i32)  : i32 {
      %mul3A = arith.constant 16 : i32
      %mul3A_80 = arith.muli %while3A_78, %mul3A : i32
      %add3A_81 = arith.addi %arg1, %mul3A_80 : i32
      %scan3A = arith.constant 0 : i32
      %scan3A_82 = arith.constant 0 : i32
      %scan3A_83 = arith.constant 8 : i32
      %scan3A_84 = arith.addi %scan3A_82, %scan3A_83 : i32
      %scan3A_85 = arith.constant 1 : i32
      %scan3A_86 = scf.for %scan3A_420 = %scan3A_82 to %scan3A_84 step %scan3A_85 iter_args(%scan3A_421 = %scan3A) -> (i32)  : i32 {
        %broadcast_in_dim3A = vector.broadcast %squeeze3A : f32 to vector<16xf32>
        %swap3A = arith.constant 0 : i32
        %swap3A_422 = arith.index_cast %scan3A_420 : i32 to index
        %swap3A_423 = arith.index_cast %swap3A : i32 to index
        %swap3A_424 = arith.constant 0 : index
        %swap3A_425 = tpu.vector_load %arg8[%swap3A_422, %swap3A_423, %swap3A_424] {strides = array<i32>} : memref<8x8x16xf32, #tpu.memory_space<vmem>>, vector<1x1x16xf32>,
        %swap3A_426 = vector.shape_cast %swap3A_425 : vector<1x1x16xf32> to vector<16xf32>
        %swap3A_427 = vector.shape_cast %broadcast_in_dim3A : vector<16xf32> to vector<1x1x16xf32>
        tpu.vector_store %arg8[%swap3A_422, %swap3A_423, %swap3A_424], %swap3A_427 {strides = array<i32>} : memref<8x8x16xf32, #tpu.memory_space<vmem>>, vector<1x1x16xf32>,
        %broadcast_in_dim3A_428 = vector.broadcast %squeeze3A : f32 to vector<16xf32>
        %swap3A_429 = arith.constant 1 : i32
        %swap3A_430 = arith.index_cast %scan3A_420 : i32 to index
        %swap3A_431 = arith.index_cast %swap3A_429 : i32 to index
        %swap3A_432 = arith.constant 0 : index
        %swap3A_433 = tpu.vector_load %arg8[%swap3A_430, %swap3A_431, %swap3A_432] {strides = array<i32>} : memref<8x8x16xf32, #tpu.memory_space<vmem>>, vector<1x1x16xf32>,
        %swap3A_434 = vector.shape_cast %swap3A_433 : vector<1x1x16xf32> to vector<16xf32>
        %swap3A_435 = vector.shape_cast %broadcast_in_dim3A_428 : vector<16xf32> to vector<1x1x16xf32>
        tpu.vector_store %arg8[%swap3A_430, %swap3A_431, %swap3A_432], %swap3A_435 {strides = array<i32>} : memref<8x8x16xf32, #tpu.memory_space<vmem>>, vector<1x1x16xf32>,
        %broadcast_in_dim3A_436 = vector.broadcast %squeeze3A : f32 to vector<16xf32>
        %swap3A_437 = arith.constant 2 : i32
        %swap3A_438 = arith.index_cast %scan3A_420 : i32 to index
        %swap3A_439 = arith.index_cast %swap3A_437 : i32 to index
        %swap3A_440 = arith.constant 0 : index
        %swap3A_441 = tpu.vector_load %arg8[%swap3A_438, %swap3A_439, %swap3A_440] {strides = array<i32>} : memref<8x8x16xf32, #tpu.memory_space<vmem>>, vector<1x1x16xf32>,
        %swap3A_442 = vector.shape_cast %swap3A_441 : vector<1x1x16xf32> to vector<16xf32>
        %swap3A_443 = vector.shape_cast %broadcast_in_dim3A_436 : vector<16xf32> to vector<1x1x16xf32>
        tpu.vector_store %arg8[%swap3A_438, %swap3A_439, %swap3A_440], %swap3A_443 {strides = array<i32>} : memref<8x8x16xf32, #tpu.memory_space<vmem>>, vector<1x1x16xf32>,
        %broadcast_in_dim3A_444 = vector.broadcast %squeeze3A : f32 to vector<16xf32>
        %swap3A_445 = arith.constant 3 : i32
        %swap3A_446 = arith.index_cast %scan3A_420 : i32 to index
        %swap3A_447 = arith.index_cast %swap3A_445 : i32 to index
        %swap3A_448 = arith.constant 0 : index
        %swap3A_449 = tpu.vector_load %arg8[%swap3A_446, %swap3A_447, %swap3A_448] {strides = array<i32>} : memref<8x8x16xf32, #tpu.memory_space<vmem>>, vector<1x1x16xf32>,
        %swap3A_450 = vector.shape_cast %swap3A_449 : vector<1x1x16xf32> to vector<16xf32>
        %swap3A_451 = vector.shape_cast %broadcast_in_dim3A_444 : vector<16xf32> to vector<1x1x16xf32>
        tpu.vector_store %arg8[%swap3A_446, %swap3A_447, %swap3A_448], %swap3A_451 {strides = array<i32>} : memref<8x8x16xf32, #tpu.memory_space<vmem>>, vector<1x1x16xf32>,
        %broadcast_in_dim3A_452 = vector.broadcast %squeeze3A : f32 to vector<16xf32>
        %swap3A_453 = arith.constant 4 : i32
        %swap3A_454 = arith.index_cast %scan3A_420 : i32 to index
        %swap3A_455 = arith.index_cast %swap3A_453 : i32 to index
        %swap3A_456 = arith.constant 0 : index
        %swap3A_457 = tpu.vector_load %arg8[%swap3A_454, %swap3A_455, %swap3A_456] {strides = array<i32>} : memref<8x8x16xf32, #tpu.memory_space<vmem>>, vector<1x1x16xf32>,
        %swap3A_458 = vector.shape_cast %swap3A_457 : vector<1x1x16xf32> to vector<16xf32>
        %swap3A_459 = vector.shape_cast %broadcast_in_dim3A_452 : vector<16xf32> to vector<1x1x16xf32>
        tpu.vector_store %arg8[%swap3A_454, %swap3A_455, %swap3A_456], %swap3A_459 {strides = array<i32>} : memref<8x8x16xf32, #tpu.memory_space<vmem>>, vector<1x1x16xf32>,
        %broadcast_in_dim3A_460 = vector.broadcast %squeeze3A : f32 to vector<16xf32>
        %swap3A_461 = arith.constant 5 : i32
        %swap3A_462 = arith.index_cast %scan3A_420 : i32 to index
        %swap3A_463 = arith.index_cast %swap3A_461 : i32 to index
        %swap3A_464 = arith.constant 0 : index
        %swap3A_465 = tpu.vector_load %arg8[%swap3A_462, %swap3A_463, %swap3A_464] {strides = array<i32>} : memref<8x8x16xf32, #tpu.memory_space<vmem>>, vector<1x1x16xf32>,
        %swap3A_466 = vector.shape_cast %swap3A_465 : vector<1x1x16xf32> to vector<16xf32>
        %swap3A_467 = vector.shape_cast %broadcast_in_dim3A_460 : vector<16xf32> to vector<1x1x16xf32>
        tpu.vector_store %arg8[%swap3A_462, %swap3A_463, %swap3A_464], %swap3A_467 {strides = array<i32>} : memref<8x8x16xf32, #tpu.memory_space<vmem>>, vector<1x1x16xf32>,
        %broadcast_in_dim3A_468 = vector.broadcast %squeeze3A : f32 to vector<16xf32>
        %swap3A_469 = arith.constant 6 : i32
        %swap3A_470 = arith.index_cast %scan3A_420 : i32 to index
        %swap3A_471 = arith.index_cast %swap3A_469 : i32 to index
        %swap3A_472 = arith.constant 0 : index
        %swap3A_473 = tpu.vector_load %arg8[%swap3A_470, %swap3A_471, %swap3A_472] {strides = array<i32>} : memref<8x8x16xf32, #tpu.memory_space<vmem>>, vector<1x1x16xf32>,
        %swap3A_474 = vector.shape_cast %swap3A_473 : vector<1x1x16xf32> to vector<16xf32>
        %swap3A_475 = vector.shape_cast %broadcast_in_dim3A_468 : vector<16xf32> to vector<1x1x16xf32>
        tpu.vector_store %arg8[%swap3A_470, %swap3A_471, %swap3A_472], %swap3A_475 {strides = array<i32>} : memref<8x8x16xf32, #tpu.memory_space<vmem>>, vector<1x1x16xf32>,
        %broadcast_in_dim3A_476 = vector.broadcast %squeeze3A : f32 to vector<16xf32>
        %swap3A_477 = arith.constant 7 : i32
        %swap3A_478 = arith.index_cast %scan3A_420 : i32 to index
        %swap3A_479 = arith.index_cast %swap3A_477 : i32 to index
        %swap3A_480 = arith.constant 0 : index
        %swap3A_481 = tpu.vector_load %arg8[%swap3A_478, %swap3A_479, %swap3A_480] {strides = array<i32>} : memref<8x8x16xf32, #tpu.memory_space<vmem>>, vector<1x1x16xf32>,
        %swap3A_482 = vector.shape_cast %swap3A_481 : vector<1x1x16xf32> to vector<16xf32>
        %swap3A_483 = vector.shape_cast %broadcast_in_dim3A_476 : vector<16xf32> to vector<1x1x16xf32>
        tpu.vector_store %arg8[%swap3A_478, %swap3A_479, %swap3A_480], %swap3A_483 {strides = array<i32>} : memref<8x8x16xf32, #tpu.memory_space<vmem>>, vector<1x1x16xf32>,
        %scan3A_484 = arith.constant 0 : i32
        scf.yield %scan3A_484 : i32
      }
      %scan3A_87 = arith.constant 8 : i32
      %scan3A_88 = arith.constant 0 : i32
      %scan3A_89 = arith.constant 0 : i32
      %mul3A_90 = arith.constant 2 : i32
      %mul3A_91 = arith.muli %mul3A_90, %scan3A_89 : i32
      %add3A_92 = arith.constant 0 : i32
      %add3A_93 = arith.addi %mul3A_91, %add3A_92 : i32
      %add3A_94 = arith.constant 1 : i32
      %add3A_95 = arith.addi %add3A_93, %add3A_94 : i32
      %lt3A_96 = arith.constant 2 : i32
      %lt3A_97 = arith.cmpi slt, %add3A_95, %lt3A_96 : i32
      %add3A_98 = arith.constant 16 : i32
      %add3A_99 = arith.addi %add3A_81, %add3A_98 : i32
      %lt3A_100 = arith.constant 80 : i32
      %lt3A_101 = arith.cmpi slt, %add3A_99, %lt3A_100 : i32
      %or3A = arith.ori %lt3A_97, %lt3A_101 : i1
      %convert_element_type3A_102 = arith.extui %or3A : i1 to i32
      %cond3A_103 = arith.constant 0 : i32
      %cond3A_104 = arith.cmpi ne, %convert_element_type3A_102, %cond3A_103 : i32
      scf.if %cond3A_104 {
        %lt3A_420 = arith.constant 2 : i32
        %lt3A_421 = arith.cmpi slt, %add3A_95, %lt3A_420 : i32
        %add3A_422 = arith.constant 16 : i32
        %add3A_423 = arith.addi %add3A_81, %add3A_422 : i32
        %select_n3A_424 = arith.select %lt3A_421, %add3A_81, %add3A_423 : i32
        %rem3A_425 = arith.constant 2 : i32
        %rem3A_426 = arith.remsi %add3A_95, %rem3A_425 : i32
        %mul3A_427 = arith.constant 10 : i32
        %mul3A_428 = arith.muli %arg0, %mul3A_427 : i32
        %jit3A_429 = arith.constant 8 : i32
        %div3A_430 = arith.divsi %select_n3A_424, %jit3A_429 : i32
        %sign3A_431 = arith.constant 0 : i32
        %sign3A_432 = arith.cmpi sgt, %select_n3A_424, %sign3A_431 : i32
        %sign3A_433 = arith.extui %sign3A_432 : i1 to i32
        %sign3A_434 = arith.constant 0 : i32
        %sign3A_435 = arith.cmpi slt, %select_n3A_424, %sign3A_434 : i32
        %sign3A_436 = arith.extui %sign3A_435 : i1 to i32
        %sign3A_437 = arith.subi %sign3A_433, %sign3A_436 : i32
        %sign3A_438 = arith.constant 0 : i32
        %sign3A_439 = arith.cmpi sgt, %jit3A_429, %sign3A_438 : i32
        %sign3A_440 = arith.extui %sign3A_439 : i1 to i32
        %sign3A_441 = arith.constant 0 : i32
        %sign3A_442 = arith.cmpi slt, %jit3A_429, %sign3A_441 : i32
        %sign3A_443 = arith.extui %sign3A_442 : i1 to i32
        %sign3A_444 = arith.subi %sign3A_440, %sign3A_443 : i32
        %ne3A_445 = arith.cmpi ne, %sign3A_437, %sign3A_444 : i32
        %rem3A_446 = arith.remsi %select_n3A_424, %jit3A_429 : i32
        %ne3A_447 = arith.constant 0 : i32
        %ne3A_448 = arith.cmpi ne, %rem3A_446, %ne3A_447 : i32
        %and3A_449 = arith.andi %ne3A_445, %ne3A_448 : i1
        %sub3A_450 = arith.constant 1 : i32
        %sub3A_451 = arith.subi %div3A_430, %sub3A_450 : i32
        %select_n3A_452 = arith.select %and3A_449, %sub3A_451, %div3A_430 : i32
        %add3A_453 = arith.addi %mul3A_428, %select_n3A_452 : i32
        %add3A_454 = arith.constant 28 : i32
        %add3A_455 = arith.addi %add3A_454, %add3A_453 : i32
        %jit3A_456 = arith.constant 6 : i32
        %div3A_457 = arith.divsi %add3A_455, %jit3A_456 : i32
        %sign3A_458 = arith.constant 0 : i32
        %sign3A_459 = arith.cmpi sgt, %add3A_455, %sign3A_458 : i32
        %sign3A_460 = arith.extui %sign3A_459 : i1 to i32
        %sign3A_461 = arith.constant 0 : i32
        %sign3A_462 = arith.cmpi slt, %add3A_455, %sign3A_461 : i32
        %sign3A_463 = arith.extui %sign3A_462 : i1 to i32
        %sign3A_464 = arith.subi %sign3A_460, %sign3A_463 : i32
        %sign3A_465 = arith.constant 0 : i32
        %sign3A_466 = arith.cmpi sgt, %jit3A_456, %sign3A_465 : i32
        %sign3A_467 = arith.extui %sign3A_466 : i1 to i32
        %sign3A_468 = arith.constant 0 : i32
        %sign3A_469 = arith.cmpi slt, %jit3A_456, %sign3A_468 : i32
        %sign3A_470 = arith.extui %sign3A_469 : i1 to i32
        %sign3A_471 = arith.subi %sign3A_467, %sign3A_470 : i32
        %ne3A_472 = arith.cmpi ne, %sign3A_464, %sign3A_471 : i32
        %rem3A_473 = arith.remsi %add3A_455, %jit3A_456 : i32
        %ne3A_474 = arith.constant 0 : i32
        %ne3A_475 = arith.cmpi ne, %rem3A_473, %ne3A_474 : i32
        %and3A_476 = arith.andi %ne3A_472, %ne3A_475 : i1
        %sub3A_477 = arith.constant 1 : i32
        %sub3A_478 = arith.subi %div3A_457, %sub3A_477 : i32
        %select_n3A_479 = arith.select %and3A_476, %sub3A_478, %div3A_457 : i32
        %jit3A_480 = arith.constant 6 : i32
        %eq3A_481 = arith.constant 0 : i32
        %eq3A_482 = arith.cmpi eq, %jit3A_480, %eq3A_481 : i32
        %jit3A_483 = arith.constant 1 : i32
        %select_n3A_484 = arith.select %eq3A_482, %jit3A_483, %jit3A_480 : i32
        %rem3A_485 = arith.remsi %add3A_455, %select_n3A_484 : i32
        %ne3A_486 = arith.constant 0 : i32
        %ne3A_487 = arith.cmpi ne, %rem3A_485, %ne3A_486 : i32
        %lt3A_488 = arith.constant 0 : i32
        %lt3A_489 = arith.cmpi slt, %rem3A_485, %lt3A_488 : i32
        %lt3A_490 = arith.constant 0 : i32
        %lt3A_491 = arith.cmpi slt, %select_n3A_484, %lt3A_490 : i32
        %ne3A_492 = arith.xori %lt3A_489, %lt3A_491 : i1
        %and3A_493 = arith.andi %ne3A_492, %ne3A_487 : i1
        %add3A_494 = arith.addi %rem3A_485, %select_n3A_484 : i32
        %select_n3A_495 = arith.select %and3A_493, %add3A_494, %rem3A_485 : i32
        %jit3A_496 = arith.constant 8 : i32
        %eq3A_497 = arith.constant 0 : i32
        %eq3A_498 = arith.cmpi eq, %jit3A_496, %eq3A_497 : i32
        %jit3A_499 = arith.constant 1 : i32
        %select_n3A_500 = arith.select %eq3A_498, %jit3A_499, %jit3A_496 : i32
        %rem3A_501 = arith.remsi %select_n3A_424, %select_n3A_500 : i32
        %ne3A_502 = arith.constant 0 : i32
        %ne3A_503 = arith.cmpi ne, %rem3A_501, %ne3A_502 : i32
        %lt3A_504 = arith.constant 0 : i32
        %lt3A_505 = arith.cmpi slt, %rem3A_501, %lt3A_504 : i32
        %lt3A_506 = arith.constant 0 : i32
        %lt3A_507 = arith.cmpi slt, %select_n3A_500, %lt3A_506 : i32
        %ne3A_508 = arith.xori %lt3A_505, %lt3A_507 : i1
        %and3A_509 = arith.andi %ne3A_508, %ne3A_503 : i1
        %add3A_510 = arith.addi %rem3A_501, %select_n3A_500 : i32
        %select_n3A_511 = arith.select %and3A_509, %add3A_510, %rem3A_501 : i32
        %mul3A_512 = arith.constant 512 : i32
        %mul3A_513 = arith.muli %select_n3A_511, %mul3A_512 : i32
        %mul3A_514 = arith.constant 256 : i32
        %mul3A_515 = arith.muli %rem3A_426, %mul3A_514 : i32
        %add3A_516 = arith.addi %mul3A_513, %mul3A_515 : i32
        %mul3A_517 = arith.constant 128 : i32
        %mul3A_518 = arith.muli %select_n3A_495, %mul3A_517 : i32
        %dma_start3A = tpu.memref_slice %arg2[%select_n3A_479, %add3A_516, %mul3A_518] : memref<8x4096x768xf32, #tpu.memory_space<hbm>> -> memref<1x256x128xf32, #tpu.memory_space<hbm>>
        %dma_start3A_519 = tpu.memref_squeeze %dma_start3A : memref<1x256x128xf32, #tpu.memory_space<hbm>> -> memref<256x128xf32, #tpu.memory_space<hbm>>
        %dma_start3A_520 = tpu.memref_slice %arg2[%select_n3A_479, %add3A_516, %mul3A_518] : memref<8x4096x768xf32, #tpu.memory_space<hbm>> -> memref<1x256x128xf32, #tpu.memory_space<hbm>>
        %dma_start3A_521 = tpu.memref_squeeze %dma_start3A_520 : memref<1x256x128xf32, #tpu.memory_space<hbm>> -> memref<256x128xf32, #tpu.memory_space<hbm>>
        tpu.enqueue_dma source(%dma_start3A_521 : memref<256x128xf32, #tpu.memory_space<hbm>>) target(%arg7 : memref<256x128xf32, #tpu.memory_space<vmem>>) target_semaphore(%arg12 : memref<!tpu.dma_semaphore, #tpu.memory_space<semaphore_mem>>)
      } else {
      }
      %mul3A_105 = arith.constant 10 : i32
      %mul3A_106 = arith.muli %arg0, %mul3A_105 : i32
      %jit3A_107 = arith.constant 8 : i32
      %div3A_108 = arith.divsi %add3A_81, %jit3A_107 : i32
      %sign3A_109 = arith.constant 0 : i32
      %sign3A_110 = arith.cmpi sgt, %add3A_81, %sign3A_109 : i32
      %sign3A_111 = arith.extui %sign3A_110 : i1 to i32
      %sign3A_112 = arith.constant 0 : i32
      %sign3A_113 = arith.cmpi slt, %add3A_81, %sign3A_112 : i32
      %sign3A_114 = arith.extui %sign3A_113 : i1 to i32
      %sign3A_115 = arith.subi %sign3A_111, %sign3A_114 : i32
      %sign3A_116 = arith.constant 0 : i32
      %sign3A_117 = arith.cmpi sgt, %jit3A_107, %sign3A_116 : i32
      %sign3A_118 = arith.extui %sign3A_117 : i1 to i32
      %sign3A_119 = arith.constant 0 : i32
      %sign3A_120 = arith.cmpi slt, %jit3A_107, %sign3A_119 : i32
      %sign3A_121 = arith.extui %sign3A_120 : i1 to i32
      %sign3A_122 = arith.subi %sign3A_118, %sign3A_121 : i32
      %ne3A_123 = arith.cmpi ne, %sign3A_115, %sign3A_122 : i32
      %rem3A_124 = arith.remsi %add3A_81, %jit3A_107 : i32
      %ne3A_125 = arith.constant 0 : i32
      %ne3A_126 = arith.cmpi ne, %rem3A_124, %ne3A_125 : i32
      %and3A_127 = arith.andi %ne3A_123, %ne3A_126 : i1
      %sub3A_128 = arith.constant 1 : i32
      %sub3A_129 = arith.subi %div3A_108, %sub3A_128 : i32
      %select_n3A_130 = arith.select %and3A_127, %sub3A_129, %div3A_108 : i32
      %add3A_131 = arith.addi %mul3A_106, %select_n3A_130 : i32
      %add3A_132 = arith.constant 28 : i32
      %add3A_133 = arith.addi %add3A_132, %add3A_131 : i32
      %jit3A_134 = arith.constant 6 : i32
      %div3A_135 = arith.divsi %add3A_133, %jit3A_134 : i32
      %sign3A_136 = arith.constant 0 : i32
      %sign3A_137 = arith.cmpi sgt, %add3A_133, %sign3A_136 : i32
      %sign3A_138 = arith.extui %sign3A_137 : i1 to i32
      %sign3A_139 = arith.constant 0 : i32
      %sign3A_140 = arith.cmpi slt, %add3A_133, %sign3A_139 : i32
      %sign3A_141 = arith.extui %sign3A_140 : i1 to i32
      %sign3A_142 = arith.subi %sign3A_138, %sign3A_141 : i32
      %sign3A_143 = arith.constant 0 : i32
      %sign3A_144 = arith.cmpi sgt, %jit3A_134, %sign3A_143 : i32
      %sign3A_145 = arith.extui %sign3A_144 : i1 to i32
      %sign3A_146 = arith.constant 0 : i32
      %sign3A_147 = arith.cmpi slt, %jit3A_134, %sign3A_146 : i32
      %sign3A_148 = arith.extui %sign3A_147 : i1 to i32
      %sign3A_149 = arith.subi %sign3A_145, %sign3A_148 : i32
      %ne3A_150 = arith.cmpi ne, %sign3A_142, %sign3A_149 : i32
      %rem3A_151 = arith.remsi %add3A_133, %jit3A_134 : i32
      %ne3A_152 = arith.constant 0 : i32
      %ne3A_153 = arith.cmpi ne, %rem3A_151, %ne3A_152 : i32
      %and3A_154 = arith.andi %ne3A_150, %ne3A_153 : i1
      %sub3A_155 = arith.constant 1 : i32
      %sub3A_156 = arith.subi %div3A_135, %sub3A_155 : i32
      %select_n3A_157 = arith.select %and3A_154, %sub3A_156, %div3A_135 : i32
      %jit3A_158 = arith.constant 6 : i32
      %eq3A = arith.constant 0 : i32
      %eq3A_159 = arith.cmpi eq, %jit3A_158, %eq3A : i32
      %jit3A_160 = arith.constant 1 : i32
      %select_n3A_161 = arith.select %eq3A_159, %jit3A_160, %jit3A_158 : i32
      %rem3A_162 = arith.remsi %add3A_133, %select_n3A_161 : i32
      %ne3A_163 = arith.constant 0 : i32
      %ne3A_164 = arith.cmpi ne, %rem3A_162, %ne3A_163 : i32
      %lt3A_165 = arith.constant 0 : i32
      %lt3A_166 = arith.cmpi slt, %rem3A_162, %lt3A_165 : i32
      %lt3A_167 = arith.constant 0 : i32
      %lt3A_168 = arith.cmpi slt, %select_n3A_161, %lt3A_167 : i32
      %ne3A_169 = arith.xori %lt3A_166, %lt3A_168 : i1
      %and3A_170 = arith.andi %ne3A_169, %ne3A_164 : i1
      %add3A_171 = arith.addi %rem3A_162, %select_n3A_161 : i32
      %select_n3A_172 = arith.select %and3A_170, %add3A_171, %rem3A_162 : i32
      %jit3A_173 = arith.constant 8 : i32
      %eq3A_174 = arith.constant 0 : i32
      %eq3A_175 = arith.cmpi eq, %jit3A_173, %eq3A_174 : i32
      %jit3A_176 = arith.constant 1 : i32
      %select_n3A_177 = arith.select %eq3A_175, %jit3A_176, %jit3A_173 : i32
      %rem3A_178 = arith.remsi %add3A_81, %select_n3A_177 : i32
      %ne3A_179 = arith.constant 0 : i32
      %ne3A_180 = arith.cmpi ne, %rem3A_178, %ne3A_179 : i32
      %lt3A_181 = arith.constant 0 : i32
      %lt3A_182 = arith.cmpi slt, %rem3A_178, %lt3A_181 : i32
      %lt3A_183 = arith.constant 0 : i32
      %lt3A_184 = arith.cmpi slt, %select_n3A_177, %lt3A_183 : i32
      %ne3A_185 = arith.xori %lt3A_182, %lt3A_184 : i1
      %and3A_186 = arith.andi %ne3A_185, %ne3A_180 : i1
      %add3A_187 = arith.addi %rem3A_178, %select_n3A_177 : i32
      %select_n3A_188 = arith.select %and3A_186, %add3A_187, %rem3A_178 : i32
      %mul3A_189 = arith.constant 512 : i32
      %mul3A_190 = arith.muli %select_n3A_188, %mul3A_189 : i32
      %mul3A_191 = arith.constant 256 : i32
      %mul3A_192 = arith.muli %add3A_93, %mul3A_191 : i32
      %add3A_193 = arith.addi %mul3A_190, %mul3A_192 : i32
      %mul3A_194 = arith.constant 128 : i32
      %mul3A_195 = arith.muli %select_n3A_172, %mul3A_194 : i32
      %dma_wait3A = tpu.memref_slice %arg2[%select_n3A_157, %add3A_193, %mul3A_195] : memref<8x4096x768xf32, #tpu.memory_space<hbm>> -> memref<1x256x128xf32, #tpu.memory_space<hbm>>
      %dma_wait3A_196 = tpu.memref_squeeze %dma_wait3A : memref<1x256x128xf32, #tpu.memory_space<hbm>> -> memref<256x128xf32, #tpu.memory_space<hbm>>
      %dma_wait3A_197 = tpu.memref_slice %arg2[%select_n3A_157, %add3A_193, %mul3A_195] : memref<8x4096x768xf32, #tpu.memory_space<hbm>> -> memref<1x256x128xf32, #tpu.memory_space<hbm>>
      %dma_wait3A_198 = tpu.memref_squeeze %dma_wait3A_197 : memref<1x256x128xf32, #tpu.memory_space<hbm>> -> memref<256x128xf32, #tpu.memory_space<hbm>>
      tpu.wait_dma2 semaphore(%arg11 : memref<!tpu.dma_semaphore, #tpu.memory_space<semaphore_mem>>) src(%dma_wait3A_198 : memref<256x128xf32, #tpu.memory_space<hbm>>) dst(%arg6 : memref<256x128xf32, #tpu.memory_space<vmem>>)
      %scan3A_199 = arith.constant 0 : i32
      %scan3A_200 = arith.constant 0 : i32
      %scan3A_201 = arith.constant 8 : i32
      %scan3A_202 = arith.addi %scan3A_200, %scan3A_201 : i32
      %scan3A_203 = arith.constant 1 : i32
      %scan3A_204 = scf.for %scan3A_420 = %scan3A_200 to %scan3A_202 step %scan3A_203 iter_args(%scan3A_421 = %scan3A_199) -> (i32)  : i32 {
        %get3A_422 = arith.constant 0 : i32
        %get3A_423 = arith.index_cast %scan3A_420 : i32 to index
        %get3A_424 = arith.index_cast %get3A_422 : i32 to index
        %get3A_425 = arith.constant 0 : index
        %get3A_426 = tpu.vector_load %arg8[%get3A_423, %get3A_424, %get3A_425] {strides = array<i32>} : memref<8x8x16xf32, #tpu.memory_space<vmem>>, vector<1x1x16xf32>,
        %get3A_427 = vector.shape_cast %get3A_426 : vector<1x1x16xf32> to vector<16xf32>
        %get3A_428 = arith.constant 1 : i32
        %get3A_429 = arith.index_cast %scan3A_420 : i32 to index
        %get3A_430 = arith.index_cast %get3A_428 : i32 to index
        %get3A_431 = arith.constant 0 : index
        %get3A_432 = tpu.vector_load %arg8[%get3A_429, %get3A_430, %get3A_431] {strides = array<i32>} : memref<8x8x16xf32, #tpu.memory_space<vmem>>, vector<1x1x16xf32>,
        %get3A_433 = vector.shape_cast %get3A_432 : vector<1x1x16xf32> to vector<16xf32>
        %get3A_434 = arith.constant 2 : i32
        %get3A_435 = arith.index_cast %scan3A_420 : i32 to index
        %get3A_436 = arith.index_cast %get3A_434 : i32 to index
        %get3A_437 = arith.constant 0 : index
        %get3A_438 = tpu.vector_load %arg8[%get3A_435, %get3A_436, %get3A_437] {strides = array<i32>} : memref<8x8x16xf32, #tpu.memory_space<vmem>>, vector<1x1x16xf32>,
        %get3A_439 = vector.shape_cast %get3A_438 : vector<1x1x16xf32> to vector<16xf32>
        %get3A_440 = arith.constant 3 : i32
        %get3A_441 = arith.index_cast %scan3A_420 : i32 to index
        %get3A_442 = arith.index_cast %get3A_440 : i32 to index
        %get3A_443 = arith.constant 0 : index
        %get3A_444 = tpu.vector_load %arg8[%get3A_441, %get3A_442, %get3A_443] {strides = array<i32>} : memref<8x8x16xf32, #tpu.memory_space<vmem>>, vector<1x1x16xf32>,
        %get3A_445 = vector.shape_cast %get3A_444 : vector<1x1x16xf32> to vector<16xf32>
        %get3A_446 = arith.constant 4 : i32
        %get3A_447 = arith.index_cast %scan3A_420 : i32 to index
        %get3A_448 = arith.index_cast %get3A_446 : i32 to index
        %get3A_449 = arith.constant 0 : index
        %get3A_450 = tpu.vector_load %arg8[%get3A_447, %get3A_448, %get3A_449] {strides = array<i32>} : memref<8x8x16xf32, #tpu.memory_space<vmem>>, vector<1x1x16xf32>,
        %get3A_451 = vector.shape_cast %get3A_450 : vector<1x1x16xf32> to vector<16xf32>
        %get3A_452 = arith.constant 5 : i32
        %get3A_453 = arith.index_cast %scan3A_420 : i32 to index
        %get3A_454 = arith.index_cast %get3A_452 : i32 to index
        %get3A_455 = arith.constant 0 : index
        %get3A_456 = tpu.vector_load %arg8[%get3A_453, %get3A_454, %get3A_455] {strides = array<i32>} : memref<8x8x16xf32, #tpu.memory_space<vmem>>, vector<1x1x16xf32>,
        %get3A_457 = vector.shape_cast %get3A_456 : vector<1x1x16xf32> to vector<16xf32>
        %get3A_458 = arith.constant 6 : i32
        %get3A_459 = arith.index_cast %scan3A_420 : i32 to index
        %get3A_460 = arith.index_cast %get3A_458 : i32 to index
        %get3A_461 = arith.constant 0 : index
        %get3A_462 = tpu.vector_load %arg8[%get3A_459, %get3A_460, %get3A_461] {strides = array<i32>} : memref<8x8x16xf32, #tpu.memory_space<vmem>>, vector<1x1x16xf32>,
        %get3A_463 = vector.shape_cast %get3A_462 : vector<1x1x16xf32> to vector<16xf32>
        %get3A_464 = arith.constant 7 : i32
        %get3A_465 = arith.index_cast %scan3A_420 : i32 to index
        %get3A_466 = arith.index_cast %get3A_464 : i32 to index
        %get3A_467 = arith.constant 0 : index
        %get3A_468 = tpu.vector_load %arg8[%get3A_465, %get3A_466, %get3A_467] {strides = array<i32>} : memref<8x8x16xf32, #tpu.memory_space<vmem>>, vector<1x1x16xf32>,
        %get3A_469 = vector.shape_cast %get3A_468 : vector<1x1x16xf32> to vector<16xf32>
        %scan3A_470 = arith.constant 0 : i32
        %scan3A_471 = arith.constant 16 : i32
        %scan3A_472 = arith.addi %scan3A_470, %scan3A_471 : i32
        %scan3A_473 = arith.constant 1 : i32
        %scan3A_474:8 = scf.for %scan3A_532 = %scan3A_470 to %scan3A_472 step %scan3A_473 iter_args(%scan3A_533 = %get3A_427, %scan3A_534 = %get3A_433, %scan3A_535 = %get3A_439, %scan3A_536 = %get3A_445, %scan3A_537 = %get3A_451, %scan3A_538 = %get3A_457, %scan3A_539 = %get3A_463, %scan3A_540 = %get3A_469) -> (vector<16xf32>, vector<16xf32>, vector<16xf32>, vector<16xf32>, vector<16xf32>, vector<16xf32>, vector<16xf32>, vector<16xf32>)  : i32 {
          %mul3A_541 = arith.constant 16 : i32
          %mul3A_542 = arith.muli %scan3A_532, %mul3A_541 : i32
          %add3A_543 = arith.constant 0 : i32
          %add3A_544 = arith.addi %mul3A_542, %add3A_543 : i32
          %mul3A_545 = arith.constant 16 : i32
          %mul3A_546 = arith.muli %scan3A_420, %mul3A_545 : i32
          %get3A_547 = arith.index_cast %add3A_544 : i32 to index
          %get3A_548 = arith.index_cast %mul3A_546 : i32 to index
          %get3A_549 = tpu.vector_load %arg6[%get3A_547, %get3A_548] {strides = array<i32>} : memref<256x128xf32, #tpu.memory_space<vmem>>, vector<1x16xf32>,
          %get3A_550 = vector.shape_cast %get3A_549 : vector<1x16xf32> to vector<16xf32>
          %mul3A_551 = arith.constant 16 : i32
          %mul3A_552 = arith.muli %scan3A_532, %mul3A_551 : i32
          %add3A_553 = arith.constant 1 : i32
          %add3A_554 = arith.addi %mul3A_552, %add3A_553 : i32
          %mul3A_555 = arith.constant 16 : i32
          %mul3A_556 = arith.muli %scan3A_420, %mul3A_555 : i32
          %get3A_557 = arith.index_cast %add3A_554 : i32 to index
          %get3A_558 = arith.index_cast %mul3A_556 : i32 to index
          %get3A_559 = tpu.vector_load %arg6[%get3A_557, %get3A_558] {strides = array<i32>} : memref<256x128xf32, #tpu.memory_space<vmem>>, vector<1x16xf32>,
          %get3A_560 = vector.shape_cast %get3A_559 : vector<1x16xf32> to vector<16xf32>
          %mul3A_561 = arith.constant 16 : i32
          %mul3A_562 = arith.muli %scan3A_532, %mul3A_561 : i32
          %add3A_563 = arith.constant 2 : i32
          %add3A_564 = arith.addi %mul3A_562, %add3A_563 : i32
          %mul3A_565 = arith.constant 16 : i32
          %mul3A_566 = arith.muli %scan3A_420, %mul3A_565 : i32
          %get3A_567 = arith.index_cast %add3A_564 : i32 to index
          %get3A_568 = arith.index_cast %mul3A_566 : i32 to index
          %get3A_569 = tpu.vector_load %arg6[%get3A_567, %get3A_568] {strides = array<i32>} : memref<256x128xf32, #tpu.memory_space<vmem>>, vector<1x16xf32>,
          %get3A_570 = vector.shape_cast %get3A_569 : vector<1x16xf32> to vector<16xf32>
          %mul3A_571 = arith.constant 16 : i32
          %mul3A_572 = arith.muli %scan3A_532, %mul3A_571 : i32
          %add3A_573 = arith.constant 3 : i32
          %add3A_574 = arith.addi %mul3A_572, %add3A_573 : i32
          %mul3A_575 = arith.constant 16 : i32
          %mul3A_576 = arith.muli %scan3A_420, %mul3A_575 : i32
          %get3A_577 = arith.index_cast %add3A_574 : i32 to index
          %get3A_578 = arith.index_cast %mul3A_576 : i32 to index
          %get3A_579 = tpu.vector_load %arg6[%get3A_577, %get3A_578] {strides = array<i32>} : memref<256x128xf32, #tpu.memory_space<vmem>>, vector<1x16xf32>,
          %get3A_580 = vector.shape_cast %get3A_579 : vector<1x16xf32> to vector<16xf32>
          %mul3A_581 = arith.constant 16 : i32
          %mul3A_582 = arith.muli %scan3A_532, %mul3A_581 : i32
          %add3A_583 = arith.constant 4 : i32
          %add3A_584 = arith.addi %mul3A_582, %add3A_583 : i32
          %mul3A_585 = arith.constant 16 : i32
          %mul3A_586 = arith.muli %scan3A_420, %mul3A_585 : i32
          %get3A_587 = arith.index_cast %add3A_584 : i32 to index
          %get3A_588 = arith.index_cast %mul3A_586 : i32 to index
          %get3A_589 = tpu.vector_load %arg6[%get3A_587, %get3A_588] {strides = array<i32>} : memref<256x128xf32, #tpu.memory_space<vmem>>, vector<1x16xf32>,
          %get3A_590 = vector.shape_cast %get3A_589 : vector<1x16xf32> to vector<16xf32>
          %mul3A_591 = arith.constant 16 : i32
          %mul3A_592 = arith.muli %scan3A_532, %mul3A_591 : i32
          %add3A_593 = arith.constant 5 : i32
          %add3A_594 = arith.addi %mul3A_592, %add3A_593 : i32
          %mul3A_595 = arith.constant 16 : i32
          %mul3A_596 = arith.muli %scan3A_420, %mul3A_595 : i32
          %get3A_597 = arith.index_cast %add3A_594 : i32 to index
          %get3A_598 = arith.index_cast %mul3A_596 : i32 to index
          %get3A_599 = tpu.vector_load %arg6[%get3A_597, %get3A_598] {strides = array<i32>} : memref<256x128xf32, #tpu.memory_space<vmem>>, vector<1x16xf32>,
          %get3A_600 = vector.shape_cast %get3A_599 : vector<1x16xf32> to vector<16xf32>
          %mul3A_601 = arith.constant 16 : i32
          %mul3A_602 = arith.muli %scan3A_532, %mul3A_601 : i32
          %add3A_603 = arith.constant 6 : i32
          %add3A_604 = arith.addi %mul3A_602, %add3A_603 : i32
          %mul3A_605 = arith.constant 16 : i32
          %mul3A_606 = arith.muli %scan3A_420, %mul3A_605 : i32
          %get3A_607 = arith.index_cast %add3A_604 : i32 to index
          %get3A_608 = arith.index_cast %mul3A_606 : i32 to index
          %get3A_609 = tpu.vector_load %arg6[%get3A_607, %get3A_608] {strides = array<i32>} : memref<256x128xf32, #tpu.memory_space<vmem>>, vector<1x16xf32>,
          %get3A_610 = vector.shape_cast %get3A_609 : vector<1x16xf32> to vector<16xf32>
          %mul3A_611 = arith.constant 16 : i32
          %mul3A_612 = arith.muli %scan3A_532, %mul3A_611 : i32
          %add3A_613 = arith.constant 7 : i32
          %add3A_614 = arith.addi %mul3A_612, %add3A_613 : i32
          %mul3A_615 = arith.constant 16 : i32
          %mul3A_616 = arith.muli %scan3A_420, %mul3A_615 : i32
          %get3A_617 = arith.index_cast %add3A_614 : i32 to index
          %get3A_618 = arith.index_cast %mul3A_616 : i32 to index
          %get3A_619 = tpu.vector_load %arg6[%get3A_617, %get3A_618] {strides = array<i32>} : memref<256x128xf32, #tpu.memory_space<vmem>>, vector<1x16xf32>,
          %get3A_620 = vector.shape_cast %get3A_619 : vector<1x16xf32> to vector<16xf32>
          %mul3A_621 = arith.constant 16 : i32
          %mul3A_622 = arith.muli %scan3A_532, %mul3A_621 : i32
          %add3A_623 = arith.constant 8 : i32
          %add3A_624 = arith.addi %mul3A_622, %add3A_623 : i32
          %mul3A_625 = arith.constant 16 : i32
          %mul3A_626 = arith.muli %scan3A_420, %mul3A_625 : i32
          %get3A_627 = arith.index_cast %add3A_624 : i32 to index
          %get3A_628 = arith.index_cast %mul3A_626 : i32 to index
          %get3A_629 = tpu.vector_load %arg6[%get3A_627, %get3A_628] {strides = array<i32>} : memref<256x128xf32, #tpu.memory_space<vmem>>, vector<1x16xf32>,
          %get3A_630 = vector.shape_cast %get3A_629 : vector<1x16xf32> to vector<16xf32>
          %mul3A_631 = arith.constant 16 : i32
          %mul3A_632 = arith.muli %scan3A_532, %mul3A_631 : i32
          %add3A_633 = arith.constant 9 : i32
          %add3A_634 = arith.addi %mul3A_632, %add3A_633 : i32
          %mul3A_635 = arith.constant 16 : i32
          %mul3A_636 = arith.muli %scan3A_420, %mul3A_635 : i32
          %get3A_637 = arith.index_cast %add3A_634 : i32 to index
          %get3A_638 = arith.index_cast %mul3A_636 : i32 to index
          %get3A_639 = tpu.vector_load %arg6[%get3A_637, %get3A_638] {strides = array<i32>} : memref<256x128xf32, #tpu.memory_space<vmem>>, vector<1x16xf32>,
          %get3A_640 = vector.shape_cast %get3A_639 : vector<1x16xf32> to vector<16xf32>
          %mul3A_641 = arith.constant 16 : i32
          %mul3A_642 = arith.muli %scan3A_532, %mul3A_641 : i32
          %add3A_643 = arith.constant 10 : i32
          %add3A_644 = arith.addi %mul3A_642, %add3A_643 : i32
          %mul3A_645 = arith.constant 16 : i32
          %mul3A_646 = arith.muli %scan3A_420, %mul3A_645 : i32
          %get3A_647 = arith.index_cast %add3A_644 : i32 to index
          %get3A_648 = arith.index_cast %mul3A_646 : i32 to index
          %get3A_649 = tpu.vector_load %arg6[%get3A_647, %get3A_648] {strides = array<i32>} : memref<256x128xf32, #tpu.memory_space<vmem>>, vector<1x16xf32>,
          %get3A_650 = vector.shape_cast %get3A_649 : vector<1x16xf32> to vector<16xf32>
          %mul3A_651 = arith.constant 16 : i32
          %mul3A_652 = arith.muli %scan3A_532, %mul3A_651 : i32
          %add3A_653 = arith.constant 11 : i32
          %add3A_654 = arith.addi %mul3A_652, %add3A_653 : i32
          %mul3A_655 = arith.constant 16 : i32
          %mul3A_656 = arith.muli %scan3A_420, %mul3A_655 : i32
          %get3A_657 = arith.index_cast %add3A_654 : i32 to index
          %get3A_658 = arith.index_cast %mul3A_656 : i32 to index
          %get3A_659 = tpu.vector_load %arg6[%get3A_657, %get3A_658] {strides = array<i32>} : memref<256x128xf32, #tpu.memory_space<vmem>>, vector<1x16xf32>,
          %get3A_660 = vector.shape_cast %get3A_659 : vector<1x16xf32> to vector<16xf32>
          %mul3A_661 = arith.constant 16 : i32
          %mul3A_662 = arith.muli %scan3A_532, %mul3A_661 : i32
          %add3A_663 = arith.constant 12 : i32
          %add3A_664 = arith.addi %mul3A_662, %add3A_663 : i32
          %mul3A_665 = arith.constant 16 : i32
          %mul3A_666 = arith.muli %scan3A_420, %mul3A_665 : i32
          %get3A_667 = arith.index_cast %add3A_664 : i32 to index
          %get3A_668 = arith.index_cast %mul3A_666 : i32 to index
          %get3A_669 = tpu.vector_load %arg6[%get3A_667, %get3A_668] {strides = array<i32>} : memref<256x128xf32, #tpu.memory_space<vmem>>, vector<1x16xf32>,
          %get3A_670 = vector.shape_cast %get3A_669 : vector<1x16xf32> to vector<16xf32>
          %mul3A_671 = arith.constant 16 : i32
          %mul3A_672 = arith.muli %scan3A_532, %mul3A_671 : i32
          %add3A_673 = arith.constant 13 : i32
          %add3A_674 = arith.addi %mul3A_672, %add3A_673 : i32
          %mul3A_675 = arith.constant 16 : i32
          %mul3A_676 = arith.muli %scan3A_420, %mul3A_675 : i32
          %get3A_677 = arith.index_cast %add3A_674 : i32 to index
          %get3A_678 = arith.index_cast %mul3A_676 : i32 to index
          %get3A_679 = tpu.vector_load %arg6[%get3A_677, %get3A_678] {strides = array<i32>} : memref<256x128xf32, #tpu.memory_space<vmem>>, vector<1x16xf32>,
          %get3A_680 = vector.shape_cast %get3A_679 : vector<1x16xf32> to vector<16xf32>
          %mul3A_681 = arith.constant 16 : i32
          %mul3A_682 = arith.muli %scan3A_532, %mul3A_681 : i32
          %add3A_683 = arith.constant 14 : i32
          %add3A_684 = arith.addi %mul3A_682, %add3A_683 : i32
          %mul3A_685 = arith.constant 16 : i32
          %mul3A_686 = arith.muli %scan3A_420, %mul3A_685 : i32
          %get3A_687 = arith.index_cast %add3A_684 : i32 to index
          %get3A_688 = arith.index_cast %mul3A_686 : i32 to index
          %get3A_689 = tpu.vector_load %arg6[%get3A_687, %get3A_688] {strides = array<i32>} : memref<256x128xf32, #tpu.memory_space<vmem>>, vector<1x16xf32>,
          %get3A_690 = vector.shape_cast %get3A_689 : vector<1x16xf32> to vector<16xf32>
          %mul3A_691 = arith.constant 16 : i32
          %mul3A_692 = arith.muli %scan3A_532, %mul3A_691 : i32
          %add3A_693 = arith.constant 15 : i32
          %add3A_694 = arith.addi %mul3A_692, %add3A_693 : i32
          %mul3A_695 = arith.constant 16 : i32
          %mul3A_696 = arith.muli %scan3A_420, %mul3A_695 : i32
          %get3A_697 = arith.index_cast %add3A_694 : i32 to index
          %get3A_698 = arith.index_cast %mul3A_696 : i32 to index
          %get3A_699 = tpu.vector_load %arg6[%get3A_697, %get3A_698] {strides = array<i32>} : memref<256x128xf32, #tpu.memory_space<vmem>>, vector<1x16xf32>,
          %get3A_700 = vector.shape_cast %get3A_699 : vector<1x16xf32> to vector<16xf32>
          %min3A = arith.minimumf %get3A_550, %get3A_570 : vector<16xf32>
          %max3A = arith.maximumf %get3A_550, %get3A_570 : vector<16xf32>
          %min3A_701 = arith.minimumf %get3A_560, %get3A_580 : vector<16xf32>
          %max3A_702 = arith.maximumf %get3A_560, %get3A_580 : vector<16xf32>
          %min3A_703 = arith.minimumf %get3A_590, %get3A_610 : vector<16xf32>
          %max3A_704 = arith.maximumf %get3A_590, %get3A_610 : vector<16xf32>
          %min3A_705 = arith.minimumf %get3A_600, %get3A_620 : vector<16xf32>
          %max3A_706 = arith.maximumf %get3A_600, %get3A_620 : vector<16xf32>
          %min3A_707 = arith.minimumf %min3A, %min3A_703 : vector<16xf32>
          %max3A_708 = arith.maximumf %min3A, %min3A_703 : vector<16xf32>
          %min3A_709 = arith.minimumf %min3A_701, %min3A_705 : vector<16xf32>
          %max3A_710 = arith.maximumf %min3A_701, %min3A_705 : vector<16xf32>
          %min3A_711 = arith.minimumf %max3A, %max3A_704 : vector<16xf32>
          %max3A_712 = arith.maximumf %max3A, %max3A_704 : vector<16xf32>
          %min3A_713 = arith.minimumf %max3A_702, %max3A_706 : vector<16xf32>
          %max3A_714 = arith.maximumf %max3A_702, %max3A_706 : vector<16xf32>
          %min3A_715 = arith.minimumf %min3A_707, %min3A_709 : vector<16xf32>
          %max3A_716 = arith.maximumf %min3A_707, %min3A_709 : vector<16xf32>
          %min3A_717 = arith.minimumf %min3A_711, %min3A_713 : vector<16xf32>
          %max3A_718 = arith.maximumf %min3A_711, %min3A_713 : vector<16xf32>
          %min3A_719 = arith.minimumf %max3A_708, %max3A_710 : vector<16xf32>
          %max3A_720 = arith.maximumf %max3A_708, %max3A_710 : vector<16xf32>
          %min3A_721 = arith.minimumf %max3A_712, %max3A_714 : vector<16xf32>
          %max3A_722 = arith.maximumf %max3A_712, %max3A_714 : vector<16xf32>
          %min3A_723 = arith.minimumf %min3A_717, %min3A_719 : vector<16xf32>
          %max3A_724 = arith.maximumf %min3A_717, %min3A_719 : vector<16xf32>
          %min3A_725 = arith.minimumf %max3A_718, %max3A_720 : vector<16xf32>
          %max3A_726 = arith.maximumf %max3A_718, %max3A_720 : vector<16xf32>
          %min3A_727 = arith.minimumf %max3A_716, %max3A_724 : vector<16xf32>
          %max3A_728 = arith.maximumf %max3A_716, %max3A_724 : vector<16xf32>
          %min3A_729 = arith.minimumf %min3A_725, %min3A_721 : vector<16xf32>
          %max3A_730 = arith.maximumf %min3A_725, %min3A_721 : vector<16xf32>
          %min3A_731 = arith.minimumf %min3A_727, %min3A_723 : vector<16xf32>
          %max3A_732 = arith.maximumf %min3A_727, %min3A_723 : vector<16xf32>
          %min3A_733 = arith.minimumf %min3A_729, %max3A_728 : vector<16xf32>
          %max3A_734 = arith.maximumf %min3A_729, %max3A_728 : vector<16xf32>
          %min3A_735 = arith.minimumf %max3A_726, %max3A_730 : vector<16xf32>
          %max3A_736 = arith.maximumf %max3A_726, %max3A_730 : vector<16xf32>
          %min3A_737 = arith.minimumf %get3A_630, %get3A_650 : vector<16xf32>
          %max3A_738 = arith.maximumf %get3A_630, %get3A_650 : vector<16xf32>
          %min3A_739 = arith.minimumf %get3A_640, %get3A_660 : vector<16xf32>
          %max3A_740 = arith.maximumf %get3A_640, %get3A_660 : vector<16xf32>
          %min3A_741 = arith.minimumf %get3A_670, %get3A_690 : vector<16xf32>
          %max3A_742 = arith.maximumf %get3A_670, %get3A_690 : vector<16xf32>
          %min3A_743 = arith.minimumf %get3A_680, %get3A_700 : vector<16xf32>
          %max3A_744 = arith.maximumf %get3A_680, %get3A_700 : vector<16xf32>
          %min3A_745 = arith.minimumf %min3A_737, %min3A_741 : vector<16xf32>
          %max3A_746 = arith.maximumf %min3A_737, %min3A_741 : vector<16xf32>
          %min3A_747 = arith.minimumf %min3A_739, %min3A_743 : vector<16xf32>
          %max3A_748 = arith.maximumf %min3A_739, %min3A_743 : vector<16xf32>
          %min3A_749 = arith.minimumf %max3A_738, %max3A_742 : vector<16xf32>
          %max3A_750 = arith.maximumf %max3A_738, %max3A_742 : vector<16xf32>
          %min3A_751 = arith.minimumf %max3A_740, %max3A_744 : vector<16xf32>
          %max3A_752 = arith.maximumf %max3A_740, %max3A_744 : vector<16xf32>
          %min3A_753 = arith.minimumf %min3A_745, %min3A_747 : vector<16xf32>
          %max3A_754 = arith.maximumf %min3A_745, %min3A_747 : vector<16xf32>
          %min3A_755 = arith.minimumf %min3A_749, %min3A_751 : vector<16xf32>
          %max3A_756 = arith.maximumf %min3A_749, %min3A_751 : vector<16xf32>
          %min3A_757 = arith.minimumf %max3A_746, %max3A_748 : vector<16xf32>
          %max3A_758 = arith.maximumf %max3A_746, %max3A_748 : vector<16xf32>
          %min3A_759 = arith.minimumf %max3A_750, %max3A_752 : vector<16xf32>
          %max3A_760 = arith.maximumf %max3A_750, %max3A_752 : vector<16xf32>
          %min3A_761 = arith.minimumf %min3A_755, %min3A_757 : vector<16xf32>
          %max3A_762 = arith.maximumf %min3A_755, %min3A_757 : vector<16xf32>
          %min3A_763 = arith.minimumf %max3A_756, %max3A_758 : vector<16xf32>
          %max3A_764 = arith.maximumf %max3A_756, %max3A_758 : vector<16xf32>
          %min3A_765 = arith.minimumf %max3A_754, %max3A_762 : vector<16xf32>
          %max3A_766 = arith.maximumf %max3A_754, %max3A_762 : vector<16xf32>
          %min3A_767 = arith.minimumf %min3A_763, %min3A_759 : vector<16xf32>
          %max3A_768 = arith.maximumf %min3A_763, %min3A_759 : vector<16xf32>
          %min3A_769 = arith.minimumf %min3A_765, %min3A_761 : vector<16xf32>
          %max3A_770 = arith.maximumf %min3A_765, %min3A_761 : vector<16xf32>
          %min3A_771 = arith.minimumf %min3A_767, %max3A_766 : vector<16xf32>
          %max3A_772 = arith.maximumf %min3A_767, %max3A_766 : vector<16xf32>
          %min3A_773 = arith.minimumf %max3A_764, %max3A_768 : vector<16xf32>
          %max3A_774 = arith.maximumf %max3A_764, %max3A_768 : vector<16xf32>
          %max3A_775 = arith.maximumf %min3A_715, %max3A_760 : vector<16xf32>
          %max3A_776 = arith.maximumf %min3A_731, %max3A_774 : vector<16xf32>
          %max3A_777 = arith.maximumf %max3A_732, %min3A_773 : vector<16xf32>
          %max3A_778 = arith.maximumf %min3A_733, %max3A_772 : vector<16xf32>
          %max3A_779 = arith.maximumf %max3A_734, %min3A_771 : vector<16xf32>
          %max3A_780 = arith.maximumf %min3A_735, %max3A_770 : vector<16xf32>
          %max3A_781 = arith.maximumf %max3A_736, %min3A_769 : vector<16xf32>
          %max3A_782 = arith.maximumf %max3A_722, %min3A_753 : vector<16xf32>
          %min3A_783 = arith.minimumf %max3A_775, %max3A_779 : vector<16xf32>
          %max3A_784 = arith.maximumf %max3A_775, %max3A_779 : vector<16xf32>
          %min3A_785 = arith.minimumf %max3A_776, %max3A_780 : vector<16xf32>
          %max3A_786 = arith.maximumf %max3A_776, %max3A_780 : vector<16xf32>
          %min3A_787 = arith.minimumf %max3A_777, %max3A_781 : vector<16xf32>
          %max3A_788 = arith.maximumf %max3A_777, %max3A_781 : vector<16xf32>
          %min3A_789 = arith.minimumf %max3A_778, %max3A_782 : vector<16xf32>
          %max3A_790 = arith.maximumf %max3A_778, %max3A_782 : vector<16xf32>
          %min3A_791 = arith.minimumf %min3A_783, %min3A_787 : vector<16xf32>
          %max3A_792 = arith.maximumf %min3A_783, %min3A_787 : vector<16xf32>
          %min3A_793 = arith.minimumf %min3A_785, %min3A_789 : vector<16xf32>
          %max3A_794 = arith.maximumf %min3A_785, %min3A_789 : vector<16xf32>
          %min3A_795 = arith.minimumf %max3A_784, %max3A_788 : vector<16xf32>
          %max3A_796 = arith.maximumf %max3A_784, %max3A_788 : vector<16xf32>
          %min3A_797 = arith.minimumf %max3A_786, %max3A_790 : vector<16xf32>
          %max3A_798 = arith.maximumf %max3A_786, %max3A_790 : vector<16xf32>
          %min3A_799 = arith.minimumf %min3A_791, %min3A_793 : vector<16xf32>
          %max3A_800 = arith.maximumf %min3A_791, %min3A_793 : vector<16xf32>
          %min3A_801 = arith.minimumf %max3A_792, %max3A_794 : vector<16xf32>
          %max3A_802 = arith.maximumf %max3A_792, %max3A_794 : vector<16xf32>
          %min3A_803 = arith.minimumf %min3A_795, %min3A_797 : vector<16xf32>
          %max3A_804 = arith.maximumf %min3A_795, %min3A_797 : vector<16xf32>
          %min3A_805 = arith.minimumf %max3A_796, %max3A_798 : vector<16xf32>
          %max3A_806 = arith.maximumf %max3A_796, %max3A_798 : vector<16xf32>
          %max3A_807 = arith.maximumf %scan3A_533, %max3A_806 : vector<16xf32>
          %max3A_808 = arith.maximumf %scan3A_534, %min3A_805 : vector<16xf32>
          %max3A_809 = arith.maximumf %scan3A_535, %max3A_804 : vector<16xf32>
          %max3A_810 = arith.maximumf %scan3A_536, %min3A_803 : vector<16xf32>
          %max3A_811 = arith.maximumf %scan3A_537, %max3A_802 : vector<16xf32>
          %max3A_812 = arith.maximumf %scan3A_538, %min3A_801 : vector<16xf32>
          %max3A_813 = arith.maximumf %scan3A_539, %max3A_800 : vector<16xf32>
          %max3A_814 = arith.maximumf %scan3A_540, %min3A_799 : vector<16xf32>
          %min3A_815 = arith.minimumf %max3A_807, %max3A_811 : vector<16xf32>
          %max3A_816 = arith.maximumf %max3A_807, %max3A_811 : vector<16xf32>
          %min3A_817 = arith.minimumf %max3A_808, %max3A_812 : vector<16xf32>
          %max3A_818 = arith.maximumf %max3A_808, %max3A_812 : vector<16xf32>
          %min3A_819 = arith.minimumf %max3A_809, %max3A_813 : vector<16xf32>
          %max3A_820 = arith.maximumf %max3A_809, %max3A_813 : vector<16xf32>
          %min3A_821 = arith.minimumf %max3A_810, %max3A_814 : vector<16xf32>
          %max3A_822 = arith.maximumf %max3A_810, %max3A_814 : vector<16xf32>
          %min3A_823 = arith.minimumf %min3A_815, %min3A_819 : vector<16xf32>
          %max3A_824 = arith.maximumf %min3A_815, %min3A_819 : vector<16xf32>
          %min3A_825 = arith.minimumf %min3A_817, %min3A_821 : vector<16xf32>
          %max3A_826 = arith.maximumf %min3A_817, %min3A_821 : vector<16xf32>
          %min3A_827 = arith.minimumf %max3A_816, %max3A_820 : vector<16xf32>
          %max3A_828 = arith.maximumf %max3A_816, %max3A_820 : vector<16xf32>
          %min3A_829 = arith.minimumf %max3A_818, %max3A_822 : vector<16xf32>
          %max3A_830 = arith.maximumf %max3A_818, %max3A_822 : vector<16xf32>
          %min3A_831 = arith.minimumf %min3A_823, %min3A_825 : vector<16xf32>
          %max3A_832 = arith.maximumf %min3A_823, %min3A_825 : vector<16xf32>
          %min3A_833 = arith.minimumf %max3A_824, %max3A_826 : vector<16xf32>
          %max3A_834 = arith.maximumf %max3A_824, %max3A_826 : vector<16xf32>
          %min3A_835 = arith.minimumf %min3A_827, %min3A_829 : vector<16xf32>
          %max3A_836 = arith.maximumf %min3A_827, %min3A_829 : vector<16xf32>
          %min3A_837 = arith.minimumf %max3A_828, %max3A_830 : vector<16xf32>
          %max3A_838 = arith.maximumf %max3A_828, %max3A_830 : vector<16xf32>
          scf.yield %min3A_831, %max3A_832, %min3A_833, %max3A_834, %min3A_835, %max3A_836, %min3A_837, %max3A_838 : vector<16xf32>, vector<16xf32>, vector<16xf32>, vector<16xf32>, vector<16xf32>, vector<16xf32>, vector<16xf32>, vector<16xf32>
        }
        %scan3A_475 = arith.constant 16 : i32
        %swap3A = arith.constant 0 : i32
        %swap3A_476 = arith.index_cast %scan3A_420 : i32 to index
        %swap3A_477 = arith.index_cast %swap3A : i32 to index
        %swap3A_478 = arith.constant 0 : index
        %swap3A_479 = tpu.vector_load %arg8[%swap3A_476, %swap3A_477, %swap3A_478] {strides = array<i32>} : memref<8x8x16xf32, #tpu.memory_space<vmem>>, vector<1x1x16xf32>,
        %swap3A_480 = vector.shape_cast %swap3A_479 : vector<1x1x16xf32> to vector<16xf32>
        %swap3A_481 = vector.shape_cast %scan3A_474#0 : vector<16xf32> to vector<1x1x16xf32>
        tpu.vector_store %arg8[%swap3A_476, %swap3A_477, %swap3A_478], %swap3A_481 {strides = array<i32>} : memref<8x8x16xf32, #tpu.memory_space<vmem>>, vector<1x1x16xf32>,
        %swap3A_482 = arith.constant 1 : i32
        %swap3A_483 = arith.index_cast %scan3A_420 : i32 to index
        %swap3A_484 = arith.index_cast %swap3A_482 : i32 to index
        %swap3A_485 = arith.constant 0 : index
        %swap3A_486 = tpu.vector_load %arg8[%swap3A_483, %swap3A_484, %swap3A_485] {strides = array<i32>} : memref<8x8x16xf32, #tpu.memory_space<vmem>>, vector<1x1x16xf32>,
        %swap3A_487 = vector.shape_cast %swap3A_486 : vector<1x1x16xf32> to vector<16xf32>
        %swap3A_488 = vector.shape_cast %scan3A_474#1 : vector<16xf32> to vector<1x1x16xf32>
        tpu.vector_store %arg8[%swap3A_483, %swap3A_484, %swap3A_485], %swap3A_488 {strides = array<i32>} : memref<8x8x16xf32, #tpu.memory_space<vmem>>, vector<1x1x16xf32>,
        %swap3A_489 = arith.constant 2 : i32
        %swap3A_490 = arith.index_cast %scan3A_420 : i32 to index
        %swap3A_491 = arith.index_cast %swap3A_489 : i32 to index
        %swap3A_492 = arith.constant 0 : index
        %swap3A_493 = tpu.vector_load %arg8[%swap3A_490, %swap3A_491, %swap3A_492] {strides = array<i32>} : memref<8x8x16xf32, #tpu.memory_space<vmem>>, vector<1x1x16xf32>,
        %swap3A_494 = vector.shape_cast %swap3A_493 : vector<1x1x16xf32> to vector<16xf32>
        %swap3A_495 = vector.shape_cast %scan3A_474#2 : vector<16xf32> to vector<1x1x16xf32>
        tpu.vector_store %arg8[%swap3A_490, %swap3A_491, %swap3A_492], %swap3A_495 {strides = array<i32>} : memref<8x8x16xf32, #tpu.memory_space<vmem>>, vector<1x1x16xf32>,
        %swap3A_496 = arith.constant 3 : i32
        %swap3A_497 = arith.index_cast %scan3A_420 : i32 to index
        %swap3A_498 = arith.index_cast %swap3A_496 : i32 to index
        %swap3A_499 = arith.constant 0 : index
        %swap3A_500 = tpu.vector_load %arg8[%swap3A_497, %swap3A_498, %swap3A_499] {strides = array<i32>} : memref<8x8x16xf32, #tpu.memory_space<vmem>>, vector<1x1x16xf32>,
        %swap3A_501 = vector.shape_cast %swap3A_500 : vector<1x1x16xf32> to vector<16xf32>
        %swap3A_502 = vector.shape_cast %scan3A_474#3 : vector<16xf32> to vector<1x1x16xf32>
        tpu.vector_store %arg8[%swap3A_497, %swap3A_498, %swap3A_499], %swap3A_502 {strides = array<i32>} : memref<8x8x16xf32, #tpu.memory_space<vmem>>, vector<1x1x16xf32>,
        %swap3A_503 = arith.constant 4 : i32
        %swap3A_504 = arith.index_cast %scan3A_420 : i32 to index
        %swap3A_505 = arith.index_cast %swap3A_503 : i32 to index
        %swap3A_506 = arith.constant 0 : index
        %swap3A_507 = tpu.vector_load %arg8[%swap3A_504, %swap3A_505, %swap3A_506] {strides = array<i32>} : memref<8x8x16xf32, #tpu.memory_space<vmem>>, vector<1x1x16xf32>,
        %swap3A_508 = vector.shape_cast %swap3A_507 : vector<1x1x16xf32> to vector<16xf32>
        %swap3A_509 = vector.shape_cast %scan3A_474#4 : vector<16xf32> to vector<1x1x16xf32>
        tpu.vector_store %arg8[%swap3A_504, %swap3A_505, %swap3A_506], %swap3A_509 {strides = array<i32>} : memref<8x8x16xf32, #tpu.memory_space<vmem>>, vector<1x1x16xf32>,
        %swap3A_510 = arith.constant 5 : i32
        %swap3A_511 = arith.index_cast %scan3A_420 : i32 to index
        %swap3A_512 = arith.index_cast %swap3A_510 : i32 to index
        %swap3A_513 = arith.constant 0 : index
        %swap3A_514 = tpu.vector_load %arg8[%swap3A_511, %swap3A_512, %swap3A_513] {strides = array<i32>} : memref<8x8x16xf32, #tpu.memory_space<vmem>>, vector<1x1x16xf32>,
        %swap3A_515 = vector.shape_cast %swap3A_514 : vector<1x1x16xf32> to vector<16xf32>
        %swap3A_516 = vector.shape_cast %scan3A_474#5 : vector<16xf32> to vector<1x1x16xf32>
        tpu.vector_store %arg8[%swap3A_511, %swap3A_512, %swap3A_513], %swap3A_516 {strides = array<i32>} : memref<8x8x16xf32, #tpu.memory_space<vmem>>, vector<1x1x16xf32>,
        %swap3A_517 = arith.constant 6 : i32
        %swap3A_518 = arith.index_cast %scan3A_420 : i32 to index
        %swap3A_519 = arith.index_cast %swap3A_517 : i32 to index
        %swap3A_520 = arith.constant 0 : index
        %swap3A_521 = tpu.vector_load %arg8[%swap3A_518, %swap3A_519, %swap3A_520] {strides = array<i32>} : memref<8x8x16xf32, #tpu.memory_space<vmem>>, vector<1x1x16xf32>,
        %swap3A_522 = vector.shape_cast %swap3A_521 : vector<1x1x16xf32> to vector<16xf32>
        %swap3A_523 = vector.shape_cast %scan3A_474#6 : vector<16xf32> to vector<1x1x16xf32>
        tpu.vector_store %arg8[%swap3A_518, %swap3A_519, %swap3A_520], %swap3A_523 {strides = array<i32>} : memref<8x8x16xf32, #tpu.memory_space<vmem>>, vector<1x1x16xf32>,
        %swap3A_524 = arith.constant 7 : i32
        %swap3A_525 = arith.index_cast %scan3A_420 : i32 to index
        %swap3A_526 = arith.index_cast %swap3A_524 : i32 to index
        %swap3A_527 = arith.constant 0 : index
        %swap3A_528 = tpu.vector_load %arg8[%swap3A_525, %swap3A_526, %swap3A_527] {strides = array<i32>} : memref<8x8x16xf32, #tpu.memory_space<vmem>>, vector<1x1x16xf32>,
        %swap3A_529 = vector.shape_cast %swap3A_528 : vector<1x1x16xf32> to vector<16xf32>
        %swap3A_530 = vector.shape_cast %scan3A_474#7 : vector<16xf32> to vector<1x1x16xf32>
        tpu.vector_store %arg8[%swap3A_525, %swap3A_526, %swap3A_527], %swap3A_530 {strides = array<i32>} : memref<8x8x16xf32, #tpu.memory_space<vmem>>, vector<1x1x16xf32>,
        %scan3A_531 = arith.constant 0 : i32
        scf.yield %scan3A_531 : i32
      }
      %scan3A_205 = arith.constant 8 : i32
      %mul3A_206 = arith.constant 2 : i32
      %mul3A_207 = arith.muli %mul3A_206, %scan3A_89 : i32
      %add3A_208 = arith.constant 1 : i32
      %add3A_209 = arith.addi %mul3A_207, %add3A_208 : i32
      %add3A_210 = arith.constant 1 : i32
      %add3A_211 = arith.addi %add3A_209, %add3A_210 : i32
      %lt3A_212 = arith.constant 2 : i32
      %lt3A_213 = arith.cmpi slt, %add3A_211, %lt3A_212 : i32
      %add3A_214 = arith.constant 16 : i32
      %add3A_215 = arith.addi %add3A_81, %add3A_214 : i32
      %lt3A_216 = arith.constant 80 : i32
      %lt3A_217 = arith.cmpi slt, %add3A_215, %lt3A_216 : i32
      %or3A_218 = arith.ori %lt3A_213, %lt3A_217 : i1
      %convert_element_type3A_219 = arith.extui %or3A_218 : i1 to i32
      %cond3A_220 = arith.constant 0 : i32
      %cond3A_221 = arith.cmpi ne, %convert_element_type3A_219, %cond3A_220 : i32
      scf.if %cond3A_221 {
        %lt3A_420 = arith.constant 2 : i32
        %lt3A_421 = arith.cmpi slt, %add3A_211, %lt3A_420 : i32
        %add3A_422 = arith.constant 16 : i32
        %add3A_423 = arith.addi %add3A_81, %add3A_422 : i32
        %select_n3A_424 = arith.select %lt3A_421, %add3A_81, %add3A_423 : i32
        %rem3A_425 = arith.constant 2 : i32
        %rem3A_426 = arith.remsi %add3A_211, %rem3A_425 : i32
        %mul3A_427 = arith.constant 10 : i32
        %mul3A_428 = arith.muli %arg0, %mul3A_427 : i32
        %jit3A_429 = arith.constant 8 : i32
        %div3A_430 = arith.divsi %select_n3A_424, %jit3A_429 : i32
        %sign3A_431 = arith.constant 0 : i32
        %sign3A_432 = arith.cmpi sgt, %select_n3A_424, %sign3A_431 : i32
        %sign3A_433 = arith.extui %sign3A_432 : i1 to i32
        %sign3A_434 = arith.constant 0 : i32
        %sign3A_435 = arith.cmpi slt, %select_n3A_424, %sign3A_434 : i32
        %sign3A_436 = arith.extui %sign3A_435 : i1 to i32
        %sign3A_437 = arith.subi %sign3A_433, %sign3A_436 : i32
        %sign3A_438 = arith.constant 0 : i32
        %sign3A_439 = arith.cmpi sgt, %jit3A_429, %sign3A_438 : i32
        %sign3A_440 = arith.extui %sign3A_439 : i1 to i32
        %sign3A_441 = arith.constant 0 : i32
        %sign3A_442 = arith.cmpi slt, %jit3A_429, %sign3A_441 : i32
        %sign3A_443 = arith.extui %sign3A_442 : i1 to i32
        %sign3A_444 = arith.subi %sign3A_440, %sign3A_443 : i32
        %ne3A_445 = arith.cmpi ne, %sign3A_437, %sign3A_444 : i32
        %rem3A_446 = arith.remsi %select_n3A_424, %jit3A_429 : i32
        %ne3A_447 = arith.constant 0 : i32
        %ne3A_448 = arith.cmpi ne, %rem3A_446, %ne3A_447 : i32
        %and3A_449 = arith.andi %ne3A_445, %ne3A_448 : i1
        %sub3A_450 = arith.constant 1 : i32
        %sub3A_451 = arith.subi %div3A_430, %sub3A_450 : i32
        %select_n3A_452 = arith.select %and3A_449, %sub3A_451, %div3A_430 : i32
        %add3A_453 = arith.addi %mul3A_428, %select_n3A_452 : i32
        %add3A_454 = arith.constant 28 : i32
        %add3A_455 = arith.addi %add3A_454, %add3A_453 : i32
        %jit3A_456 = arith.constant 6 : i32
        %div3A_457 = arith.divsi %add3A_455, %jit3A_456 : i32
        %sign3A_458 = arith.constant 0 : i32
        %sign3A_459 = arith.cmpi sgt, %add3A_455, %sign3A_458 : i32
        %sign3A_460 = arith.extui %sign3A_459 : i1 to i32
        %sign3A_461 = arith.constant 0 : i32
        %sign3A_462 = arith.cmpi slt, %add3A_455, %sign3A_461 : i32
        %sign3A_463 = arith.extui %sign3A_462 : i1 to i32
        %sign3A_464 = arith.subi %sign3A_460, %sign3A_463 : i32
        %sign3A_465 = arith.constant 0 : i32
        %sign3A_466 = arith.cmpi sgt, %jit3A_456, %sign3A_465 : i32
        %sign3A_467 = arith.extui %sign3A_466 : i1 to i32
        %sign3A_468 = arith.constant 0 : i32
        %sign3A_469 = arith.cmpi slt, %jit3A_456, %sign3A_468 : i32
        %sign3A_470 = arith.extui %sign3A_469 : i1 to i32
        %sign3A_471 = arith.subi %sign3A_467, %sign3A_470 : i32
        %ne3A_472 = arith.cmpi ne, %sign3A_464, %sign3A_471 : i32
        %rem3A_473 = arith.remsi %add3A_455, %jit3A_456 : i32
        %ne3A_474 = arith.constant 0 : i32
        %ne3A_475 = arith.cmpi ne, %rem3A_473, %ne3A_474 : i32
        %and3A_476 = arith.andi %ne3A_472, %ne3A_475 : i1
        %sub3A_477 = arith.constant 1 : i32
        %sub3A_478 = arith.subi %div3A_457, %sub3A_477 : i32
        %select_n3A_479 = arith.select %and3A_476, %sub3A_478, %div3A_457 : i32
        %jit3A_480 = arith.constant 6 : i32
        %eq3A_481 = arith.constant 0 : i32
        %eq3A_482 = arith.cmpi eq, %jit3A_480, %eq3A_481 : i32
        %jit3A_483 = arith.constant 1 : i32
        %select_n3A_484 = arith.select %eq3A_482, %jit3A_483, %jit3A_480 : i32
        %rem3A_485 = arith.remsi %add3A_455, %select_n3A_484 : i32
        %ne3A_486 = arith.constant 0 : i32
        %ne3A_487 = arith.cmpi ne, %rem3A_485, %ne3A_486 : i32
        %lt3A_488 = arith.constant 0 : i32
        %lt3A_489 = arith.cmpi slt, %rem3A_485, %lt3A_488 : i32
        %lt3A_490 = arith.constant 0 : i32
        %lt3A_491 = arith.cmpi slt, %select_n3A_484, %lt3A_490 : i32
        %ne3A_492 = arith.xori %lt3A_489, %lt3A_491 : i1
        %and3A_493 = arith.andi %ne3A_492, %ne3A_487 : i1
        %add3A_494 = arith.addi %rem3A_485, %select_n3A_484 : i32
        %select_n3A_495 = arith.select %and3A_493, %add3A_494, %rem3A_485 : i32
        %jit3A_496 = arith.constant 8 : i32
        %eq3A_497 = arith.constant 0 : i32
        %eq3A_498 = arith.cmpi eq, %jit3A_496, %eq3A_497 : i32
        %jit3A_499 = arith.constant 1 : i32
        %select_n3A_500 = arith.select %eq3A_498, %jit3A_499, %jit3A_496 : i32
        %rem3A_501 = arith.remsi %select_n3A_424, %select_n3A_500 : i32
        %ne3A_502 = arith.constant 0 : i32
        %ne3A_503 = arith.cmpi ne, %rem3A_501, %ne3A_502 : i32
        %lt3A_504 = arith.constant 0 : i32
        %lt3A_505 = arith.cmpi slt, %rem3A_501, %lt3A_504 : i32
        %lt3A_506 = arith.constant 0 : i32
        %lt3A_507 = arith.cmpi slt, %select_n3A_500, %lt3A_506 : i32
        %ne3A_508 = arith.xori %lt3A_505, %lt3A_507 : i1
        %and3A_509 = arith.andi %ne3A_508, %ne3A_503 : i1
        %add3A_510 = arith.addi %rem3A_501, %select_n3A_500 : i32
        %select_n3A_511 = arith.select %and3A_509, %add3A_510, %rem3A_501 : i32
        %mul3A_512 = arith.constant 512 : i32
        %mul3A_513 = arith.muli %select_n3A_511, %mul3A_512 : i32
        %mul3A_514 = arith.constant 256 : i32
        %mul3A_515 = arith.muli %rem3A_426, %mul3A_514 : i32
        %add3A_516 = arith.addi %mul3A_513, %mul3A_515 : i32
        %mul3A_517 = arith.constant 128 : i32
        %mul3A_518 = arith.muli %select_n3A_495, %mul3A_517 : i32
        %dma_start3A = tpu.memref_slice %arg2[%select_n3A_479, %add3A_516, %mul3A_518] : memref<8x4096x768xf32, #tpu.memory_space<hbm>> -> memref<1x256x128xf32, #tpu.memory_space<hbm>>
        %dma_start3A_519 = tpu.memref_squeeze %dma_start3A : memref<1x256x128xf32, #tpu.memory_space<hbm>> -> memref<256x128xf32, #tpu.memory_space<hbm>>
        %dma_start3A_520 = tpu.memref_slice %arg2[%select_n3A_479, %add3A_516, %mul3A_518] : memref<8x4096x768xf32, #tpu.memory_space<hbm>> -> memref<1x256x128xf32, #tpu.memory_space<hbm>>
        %dma_start3A_521 = tpu.memref_squeeze %dma_start3A_520 : memref<1x256x128xf32, #tpu.memory_space<hbm>> -> memref<256x128xf32, #tpu.memory_space<hbm>>
        tpu.enqueue_dma source(%dma_start3A_521 : memref<256x128xf32, #tpu.memory_space<hbm>>) target(%arg6 : memref<256x128xf32, #tpu.memory_space<vmem>>) target_semaphore(%arg11 : memref<!tpu.dma_semaphore, #tpu.memory_space<semaphore_mem>>)
      } else {
      }
      %mul3A_222 = arith.constant 10 : i32
      %mul3A_223 = arith.muli %arg0, %mul3A_222 : i32
      %jit3A_224 = arith.constant 8 : i32
      %div3A_225 = arith.divsi %add3A_81, %jit3A_224 : i32
      %sign3A_226 = arith.constant 0 : i32
      %sign3A_227 = arith.cmpi sgt, %add3A_81, %sign3A_226 : i32
      %sign3A_228 = arith.extui %sign3A_227 : i1 to i32
      %sign3A_229 = arith.constant 0 : i32
      %sign3A_230 = arith.cmpi slt, %add3A_81, %sign3A_229 : i32
      %sign3A_231 = arith.extui %sign3A_230 : i1 to i32
      %sign3A_232 = arith.subi %sign3A_228, %sign3A_231 : i32
      %sign3A_233 = arith.constant 0 : i32
      %sign3A_234 = arith.cmpi sgt, %jit3A_224, %sign3A_233 : i32
      %sign3A_235 = arith.extui %sign3A_234 : i1 to i32
      %sign3A_236 = arith.constant 0 : i32
      %sign3A_237 = arith.cmpi slt, %jit3A_224, %sign3A_236 : i32
      %sign3A_238 = arith.extui %sign3A_237 : i1 to i32
      %sign3A_239 = arith.subi %sign3A_235, %sign3A_238 : i32
      %ne3A_240 = arith.cmpi ne, %sign3A_232, %sign3A_239 : i32
      %rem3A_241 = arith.remsi %add3A_81, %jit3A_224 : i32
      %ne3A_242 = arith.constant 0 : i32
      %ne3A_243 = arith.cmpi ne, %rem3A_241, %ne3A_242 : i32
      %and3A_244 = arith.andi %ne3A_240, %ne3A_243 : i1
      %sub3A_245 = arith.constant 1 : i32
      %sub3A_246 = arith.subi %div3A_225, %sub3A_245 : i32
      %select_n3A_247 = arith.select %and3A_244, %sub3A_246, %div3A_225 : i32
      %add3A_248 = arith.addi %mul3A_223, %select_n3A_247 : i32
      %add3A_249 = arith.constant 28 : i32
      %add3A_250 = arith.addi %add3A_249, %add3A_248 : i32
      %jit3A_251 = arith.constant 6 : i32
      %div3A_252 = arith.divsi %add3A_250, %jit3A_251 : i32
      %sign3A_253 = arith.constant 0 : i32
      %sign3A_254 = arith.cmpi sgt, %add3A_250, %sign3A_253 : i32
      %sign3A_255 = arith.extui %sign3A_254 : i1 to i32
      %sign3A_256 = arith.constant 0 : i32
      %sign3A_257 = arith.cmpi slt, %add3A_250, %sign3A_256 : i32
      %sign3A_258 = arith.extui %sign3A_257 : i1 to i32
      %sign3A_259 = arith.subi %sign3A_255, %sign3A_258 : i32
      %sign3A_260 = arith.constant 0 : i32
      %sign3A_261 = arith.cmpi sgt, %jit3A_251, %sign3A_260 : i32
      %sign3A_262 = arith.extui %sign3A_261 : i1 to i32
      %sign3A_263 = arith.constant 0 : i32
      %sign3A_264 = arith.cmpi slt, %jit3A_251, %sign3A_263 : i32
      %sign3A_265 = arith.extui %sign3A_264 : i1 to i32
      %sign3A_266 = arith.subi %sign3A_262, %sign3A_265 : i32
      %ne3A_267 = arith.cmpi ne, %sign3A_259, %sign3A_266 : i32
      %rem3A_268 = arith.remsi %add3A_250, %jit3A_251 : i32
      %ne3A_269 = arith.constant 0 : i32
      %ne3A_270 = arith.cmpi ne, %rem3A_268, %ne3A_269 : i32
      %and3A_271 = arith.andi %ne3A_267, %ne3A_270 : i1
      %sub3A_272 = arith.constant 1 : i32
      %sub3A_273 = arith.subi %div3A_252, %sub3A_272 : i32
      %select_n3A_274 = arith.select %and3A_271, %sub3A_273, %div3A_252 : i32
      %jit3A_275 = arith.constant 6 : i32
      %eq3A_276 = arith.constant 0 : i32
      %eq3A_277 = arith.cmpi eq, %jit3A_275, %eq3A_276 : i32
      %jit3A_278 = arith.constant 1 : i32
      %select_n3A_279 = arith.select %eq3A_277, %jit3A_278, %jit3A_275 : i32
      %rem3A_280 = arith.remsi %add3A_250, %select_n3A_279 : i32
      %ne3A_281 = arith.constant 0 : i32
      %ne3A_282 = arith.cmpi ne, %rem3A_280, %ne3A_281 : i32
      %lt3A_283 = arith.constant 0 : i32
      %lt3A_284 = arith.cmpi slt, %rem3A_280, %lt3A_283 : i32
      %lt3A_285 = arith.constant 0 : i32
      %lt3A_286 = arith.cmpi slt, %select_n3A_279, %lt3A_285 : i32
      %ne3A_287 = arith.xori %lt3A_284, %lt3A_286 : i1
      %and3A_288 = arith.andi %ne3A_287, %ne3A_282 : i1
      %add3A_289 = arith.addi %rem3A_280, %select_n3A_279 : i32
      %select_n3A_290 = arith.select %and3A_288, %add3A_289, %rem3A_280 : i32
      %jit3A_291 = arith.constant 8 : i32
      %eq3A_292 = arith.constant 0 : i32
      %eq3A_293 = arith.cmpi eq, %jit3A_291, %eq3A_292 : i32
      %jit3A_294 = arith.constant 1 : i32
      %select_n3A_295 = arith.select %eq3A_293, %jit3A_294, %jit3A_291 : i32
      %rem3A_296 = arith.remsi %add3A_81, %select_n3A_295 : i32
      %ne3A_297 = arith.constant 0 : i32
      %ne3A_298 = arith.cmpi ne, %rem3A_296, %ne3A_297 : i32
      %lt3A_299 = arith.constant 0 : i32
      %lt3A_300 = arith.cmpi slt, %rem3A_296, %lt3A_299 : i32
      %lt3A_301 = arith.constant 0 : i32
      %lt3A_302 = arith.cmpi slt, %select_n3A_295, %lt3A_301 : i32
      %ne3A_303 = arith.xori %lt3A_300, %lt3A_302 : i1
      %and3A_304 = arith.andi %ne3A_303, %ne3A_298 : i1
      %add3A_305 = arith.addi %rem3A_296, %select_n3A_295 : i32
      %select_n3A_306 = arith.select %and3A_304, %add3A_305, %rem3A_296 : i32
      %mul3A_307 = arith.constant 512 : i32
      %mul3A_308 = arith.muli %select_n3A_306, %mul3A_307 : i32
      %mul3A_309 = arith.constant 256 : i32
      %mul3A_310 = arith.muli %add3A_209, %mul3A_309 : i32
      %add3A_311 = arith.addi %mul3A_308, %mul3A_310 : i32
      %mul3A_312 = arith.constant 128 : i32
      %mul3A_313 = arith.muli %select_n3A_290, %mul3A_312 : i32
      %dma_wait3A_314 = tpu.memref_slice %arg2[%select_n3A_274, %add3A_311, %mul3A_313] : memref<8x4096x768xf32, #tpu.memory_space<hbm>> -> memref<1x256x128xf32, #tpu.memory_space<hbm>>
      %dma_wait3A_315 = tpu.memref_squeeze %dma_wait3A_314 : memref<1x256x128xf32, #tpu.memory_space<hbm>> -> memref<256x128xf32, #tpu.memory_space<hbm>>
      %dma_wait3A_316 = tpu.memref_slice %arg2[%select_n3A_274, %add3A_311, %mul3A_313] : memref<8x4096x768xf32, #tpu.memory_space<hbm>> -> memref<1x256x128xf32, #tpu.memory_space<hbm>>
      %dma_wait3A_317 = tpu.memref_squeeze %dma_wait3A_316 : memref<1x256x128xf32, #tpu.memory_space<hbm>> -> memref<256x128xf32, #tpu.memory_space<hbm>>
      tpu.wait_dma2 semaphore(%arg12 : memref<!tpu.dma_semaphore, #tpu.memory_space<semaphore_mem>>) src(%dma_wait3A_317 : memref<256x128xf32, #tpu.memory_space<hbm>>) dst(%arg7 : memref<256x128xf32, #tpu.memory_space<vmem>>)
      %scan3A_318 = arith.constant 0 : i32
      %scan3A_319 = arith.constant 0 : i32
      %scan3A_320 = arith.constant 8 : i32
      %scan3A_321 = arith.addi %scan3A_319, %scan3A_320 : i32
      %scan3A_322 = arith.constant 1 : i32
      %scan3A_323 = scf.for %scan3A_420 = %scan3A_319 to %scan3A_321 step %scan3A_322 iter_args(%scan3A_421 = %scan3A_318) -> (i32)  : i32 {
        %get3A_422 = arith.constant 0 : i32
        %get3A_423 = arith.index_cast %scan3A_420 : i32 to index
        %get3A_424 = arith.index_cast %get3A_422 : i32 to index
        %get3A_425 = arith.constant 0 : index
        %get3A_426 = tpu.vector_load %arg8[%get3A_423, %get3A_424, %get3A_425] {strides = array<i32>} : memref<8x8x16xf32, #tpu.memory_space<vmem>>, vector<1x1x16xf32>,
        %get3A_427 = vector.shape_cast %get3A_426 : vector<1x1x16xf32> to vector<16xf32>
        %get3A_428 = arith.constant 1 : i32
        %get3A_429 = arith.index_cast %scan3A_420 : i32 to index
        %get3A_430 = arith.index_cast %get3A_428 : i32 to index
        %get3A_431 = arith.constant 0 : index
        %get3A_432 = tpu.vector_load %arg8[%get3A_429, %get3A_430, %get3A_431] {strides = array<i32>} : memref<8x8x16xf32, #tpu.memory_space<vmem>>, vector<1x1x16xf32>,
        %get3A_433 = vector.shape_cast %get3A_432 : vector<1x1x16xf32> to vector<16xf32>
        %get3A_434 = arith.constant 2 : i32
        %get3A_435 = arith.index_cast %scan3A_420 : i32 to index
        %get3A_436 = arith.index_cast %get3A_434 : i32 to index
        %get3A_437 = arith.constant 0 : index
        %get3A_438 = tpu.vector_load %arg8[%get3A_435, %get3A_436, %get3A_437] {strides = array<i32>} : memref<8x8x16xf32, #tpu.memory_space<vmem>>, vector<1x1x16xf32>,
        %get3A_439 = vector.shape_cast %get3A_438 : vector<1x1x16xf32> to vector<16xf32>
        %get3A_440 = arith.constant 3 : i32
        %get3A_441 = arith.index_cast %scan3A_420 : i32 to index
        %get3A_442 = arith.index_cast %get3A_440 : i32 to index
        %get3A_443 = arith.constant 0 : index
        %get3A_444 = tpu.vector_load %arg8[%get3A_441, %get3A_442, %get3A_443] {strides = array<i32>} : memref<8x8x16xf32, #tpu.memory_space<vmem>>, vector<1x1x16xf32>,
        %get3A_445 = vector.shape_cast %get3A_444 : vector<1x1x16xf32> to vector<16xf32>
        %get3A_446 = arith.constant 4 : i32
        %get3A_447 = arith.index_cast %scan3A_420 : i32 to index
        %get3A_448 = arith.index_cast %get3A_446 : i32 to index
        %get3A_449 = arith.constant 0 : index
        %get3A_450 = tpu.vector_load %arg8[%get3A_447, %get3A_448, %get3A_449] {strides = array<i32>} : memref<8x8x16xf32, #tpu.memory_space<vmem>>, vector<1x1x16xf32>,
        %get3A_451 = vector.shape_cast %get3A_450 : vector<1x1x16xf32> to vector<16xf32>
        %get3A_452 = arith.constant 5 : i32
        %get3A_453 = arith.index_cast %scan3A_420 : i32 to index
        %get3A_454 = arith.index_cast %get3A_452 : i32 to index
        %get3A_455 = arith.constant 0 : index
        %get3A_456 = tpu.vector_load %arg8[%get3A_453, %get3A_454, %get3A_455] {strides = array<i32>} : memref<8x8x16xf32, #tpu.memory_space<vmem>>, vector<1x1x16xf32>,
        %get3A_457 = vector.shape_cast %get3A_456 : vector<1x1x16xf32> to vector<16xf32>
        %get3A_458 = arith.constant 6 : i32
        %get3A_459 = arith.index_cast %scan3A_420 : i32 to index
        %get3A_460 = arith.index_cast %get3A_458 : i32 to index
        %get3A_461 = arith.constant 0 : index
        %get3A_462 = tpu.vector_load %arg8[%get3A_459, %get3A_460, %get3A_461] {strides = array<i32>} : memref<8x8x16xf32, #tpu.memory_space<vmem>>, vector<1x1x16xf32>,
        %get3A_463 = vector.shape_cast %get3A_462 : vector<1x1x16xf32> to vector<16xf32>
        %get3A_464 = arith.constant 7 : i32
        %get3A_465 = arith.index_cast %scan3A_420 : i32 to index
        %get3A_466 = arith.index_cast %get3A_464 : i32 to index
        %get3A_467 = arith.constant 0 : index
        %get3A_468 = tpu.vector_load %arg8[%get3A_465, %get3A_466, %get3A_467] {strides = array<i32>} : memref<8x8x16xf32, #tpu.memory_space<vmem>>, vector<1x1x16xf32>,
        %get3A_469 = vector.shape_cast %get3A_468 : vector<1x1x16xf32> to vector<16xf32>
        %scan3A_470 = arith.constant 0 : i32
        %scan3A_471 = arith.constant 16 : i32
        %scan3A_472 = arith.addi %scan3A_470, %scan3A_471 : i32
        %scan3A_473 = arith.constant 1 : i32
        %scan3A_474:8 = scf.for %scan3A_532 = %scan3A_470 to %scan3A_472 step %scan3A_473 iter_args(%scan3A_533 = %get3A_427, %scan3A_534 = %get3A_433, %scan3A_535 = %get3A_439, %scan3A_536 = %get3A_445, %scan3A_537 = %get3A_451, %scan3A_538 = %get3A_457, %scan3A_539 = %get3A_463, %scan3A_540 = %get3A_469) -> (vector<16xf32>, vector<16xf32>, vector<16xf32>, vector<16xf32>, vector<16xf32>, vector<16xf32>, vector<16xf32>, vector<16xf32>)  : i32 {
          %mul3A_541 = arith.constant 16 : i32
          %mul3A_542 = arith.muli %scan3A_532, %mul3A_541 : i32
          %add3A_543 = arith.constant 0 : i32
          %add3A_544 = arith.addi %mul3A_542, %add3A_543 : i32
          %mul3A_545 = arith.constant 16 : i32
          %mul3A_546 = arith.muli %scan3A_420, %mul3A_545 : i32
          %get3A_547 = arith.index_cast %add3A_544 : i32 to index
          %get3A_548 = arith.index_cast %mul3A_546 : i32 to index
          %get3A_549 = tpu.vector_load %arg7[%get3A_547, %get3A_548] {strides = array<i32>} : memref<256x128xf32, #tpu.memory_space<vmem>>, vector<1x16xf32>,
          %get3A_550 = vector.shape_cast %get3A_549 : vector<1x16xf32> to vector<16xf32>
          %mul3A_551 = arith.constant 16 : i32
          %mul3A_552 = arith.muli %scan3A_532, %mul3A_551 : i32
          %add3A_553 = arith.constant 1 : i32
          %add3A_554 = arith.addi %mul3A_552, %add3A_553 : i32
          %mul3A_555 = arith.constant 16 : i32
          %mul3A_556 = arith.muli %scan3A_420, %mul3A_555 : i32
          %get3A_557 = arith.index_cast %add3A_554 : i32 to index
          %get3A_558 = arith.index_cast %mul3A_556 : i32 to index
          %get3A_559 = tpu.vector_load %arg7[%get3A_557, %get3A_558] {strides = array<i32>} : memref<256x128xf32, #tpu.memory_space<vmem>>, vector<1x16xf32>,
          %get3A_560 = vector.shape_cast %get3A_559 : vector<1x16xf32> to vector<16xf32>
          %mul3A_561 = arith.constant 16 : i32
          %mul3A_562 = arith.muli %scan3A_532, %mul3A_561 : i32
          %add3A_563 = arith.constant 2 : i32
          %add3A_564 = arith.addi %mul3A_562, %add3A_563 : i32
          %mul3A_565 = arith.constant 16 : i32
          %mul3A_566 = arith.muli %scan3A_420, %mul3A_565 : i32
          %get3A_567 = arith.index_cast %add3A_564 : i32 to index
          %get3A_568 = arith.index_cast %mul3A_566 : i32 to index
          %get3A_569 = tpu.vector_load %arg7[%get3A_567, %get3A_568] {strides = array<i32>} : memref<256x128xf32, #tpu.memory_space<vmem>>, vector<1x16xf32>,
          %get3A_570 = vector.shape_cast %get3A_569 : vector<1x16xf32> to vector<16xf32>
          %mul3A_571 = arith.constant 16 : i32
          %mul3A_572 = arith.muli %scan3A_532, %mul3A_571 : i32
          %add3A_573 = arith.constant 3 : i32
          %add3A_574 = arith.addi %mul3A_572, %add3A_573 : i32
          %mul3A_575 = arith.constant 16 : i32
          %mul3A_576 = arith.muli %scan3A_420, %mul3A_575 : i32
          %get3A_577 = arith.index_cast %add3A_574 : i32 to index
          %get3A_578 = arith.index_cast %mul3A_576 : i32 to index
          %get3A_579 = tpu.vector_load %arg7[%get3A_577, %get3A_578] {strides = array<i32>} : memref<256x128xf32, #tpu.memory_space<vmem>>, vector<1x16xf32>,
          %get3A_580 = vector.shape_cast %get3A_579 : vector<1x16xf32> to vector<16xf32>
          %mul3A_581 = arith.constant 16 : i32
          %mul3A_582 = arith.muli %scan3A_532, %mul3A_581 : i32
          %add3A_583 = arith.constant 4 : i32
          %add3A_584 = arith.addi %mul3A_582, %add3A_583 : i32
          %mul3A_585 = arith.constant 16 : i32
          %mul3A_586 = arith.muli %scan3A_420, %mul3A_585 : i32
          %get3A_587 = arith.index_cast %add3A_584 : i32 to index
          %get3A_588 = arith.index_cast %mul3A_586 : i32 to index
          %get3A_589 = tpu.vector_load %arg7[%get3A_587, %get3A_588] {strides = array<i32>} : memref<256x128xf32, #tpu.memory_space<vmem>>, vector<1x16xf32>,
          %get3A_590 = vector.shape_cast %get3A_589 : vector<1x16xf32> to vector<16xf32>
          %mul3A_591 = arith.constant 16 : i32
          %mul3A_592 = arith.muli %scan3A_532, %mul3A_591 : i32
          %add3A_593 = arith.constant 5 : i32
          %add3A_594 = arith.addi %mul3A_592, %add3A_593 : i32
          %mul3A_595 = arith.constant 16 : i32
          %mul3A_596 = arith.muli %scan3A_420, %mul3A_595 : i32
          %get3A_597 = arith.index_cast %add3A_594 : i32 to index
          %get3A_598 = arith.index_cast %mul3A_596 : i32 to index
          %get3A_599 = tpu.vector_load %arg7[%get3A_597, %get3A_598] {strides = array<i32>} : memref<256x128xf32, #tpu.memory_space<vmem>>, vector<1x16xf32>,
          %get3A_600 = vector.shape_cast %get3A_599 : vector<1x16xf32> to vector<16xf32>
          %mul3A_601 = arith.constant 16 : i32
          %mul3A_602 = arith.muli %scan3A_532, %mul3A_601 : i32
          %add3A_603 = arith.constant 6 : i32
          %add3A_604 = arith.addi %mul3A_602, %add3A_603 : i32
          %mul3A_605 = arith.constant 16 : i32
          %mul3A_606 = arith.muli %scan3A_420, %mul3A_605 : i32
          %get3A_607 = arith.index_cast %add3A_604 : i32 to index
          %get3A_608 = arith.index_cast %mul3A_606 : i32 to index
          %get3A_609 = tpu.vector_load %arg7[%get3A_607, %get3A_608] {strides = array<i32>} : memref<256x128xf32, #tpu.memory_space<vmem>>, vector<1x16xf32>,
          %get3A_610 = vector.shape_cast %get3A_609 : vector<1x16xf32> to vector<16xf32>
          %mul3A_611 = arith.constant 16 : i32
          %mul3A_612 = arith.muli %scan3A_532, %mul3A_611 : i32
          %add3A_613 = arith.constant 7 : i32
          %add3A_614 = arith.addi %mul3A_612, %add3A_613 : i32
          %mul3A_615 = arith.constant 16 : i32
          %mul3A_616 = arith.muli %scan3A_420, %mul3A_615 : i32
          %get3A_617 = arith.index_cast %add3A_614 : i32 to index
          %get3A_618 = arith.index_cast %mul3A_616 : i32 to index
          %get3A_619 = tpu.vector_load %arg7[%get3A_617, %get3A_618] {strides = array<i32>} : memref<256x128xf32, #tpu.memory_space<vmem>>, vector<1x16xf32>,
          %get3A_620 = vector.shape_cast %get3A_619 : vector<1x16xf32> to vector<16xf32>
          %mul3A_621 = arith.constant 16 : i32
          %mul3A_622 = arith.muli %scan3A_532, %mul3A_621 : i32
          %add3A_623 = arith.constant 8 : i32
          %add3A_624 = arith.addi %mul3A_622, %add3A_623 : i32
          %mul3A_625 = arith.constant 16 : i32
          %mul3A_626 = arith.muli %scan3A_420, %mul3A_625 : i32
          %get3A_627 = arith.index_cast %add3A_624 : i32 to index
          %get3A_628 = arith.index_cast %mul3A_626 : i32 to index
          %get3A_629 = tpu.vector_load %arg7[%get3A_627, %get3A_628] {strides = array<i32>} : memref<256x128xf32, #tpu.memory_space<vmem>>, vector<1x16xf32>,
          %get3A_630 = vector.shape_cast %get3A_629 : vector<1x16xf32> to vector<16xf32>
          %mul3A_631 = arith.constant 16 : i32
          %mul3A_632 = arith.muli %scan3A_532, %mul3A_631 : i32
          %add3A_633 = arith.constant 9 : i32
          %add3A_634 = arith.addi %mul3A_632, %add3A_633 : i32
          %mul3A_635 = arith.constant 16 : i32
          %mul3A_636 = arith.muli %scan3A_420, %mul3A_635 : i32
          %get3A_637 = arith.index_cast %add3A_634 : i32 to index
          %get3A_638 = arith.index_cast %mul3A_636 : i32 to index
          %get3A_639 = tpu.vector_load %arg7[%get3A_637, %get3A_638] {strides = array<i32>} : memref<256x128xf32, #tpu.memory_space<vmem>>, vector<1x16xf32>,
          %get3A_640 = vector.shape_cast %get3A_639 : vector<1x16xf32> to vector<16xf32>
          %mul3A_641 = arith.constant 16 : i32
          %mul3A_642 = arith.muli %scan3A_532, %mul3A_641 : i32
          %add3A_643 = arith.constant 10 : i32
          %add3A_644 = arith.addi %mul3A_642, %add3A_643 : i32
          %mul3A_645 = arith.constant 16 : i32
          %mul3A_646 = arith.muli %scan3A_420, %mul3A_645 : i32
          %get3A_647 = arith.index_cast %add3A_644 : i32 to index
          %get3A_648 = arith.index_cast %mul3A_646 : i32 to index
          %get3A_649 = tpu.vector_load %arg7[%get3A_647, %get3A_648] {strides = array<i32>} : memref<256x128xf32, #tpu.memory_space<vmem>>, vector<1x16xf32>,
          %get3A_650 = vector.shape_cast %get3A_649 : vector<1x16xf32> to vector<16xf32>
          %mul3A_651 = arith.constant 16 : i32
          %mul3A_652 = arith.muli %scan3A_532, %mul3A_651 : i32
          %add3A_653 = arith.constant 11 : i32
          %add3A_654 = arith.addi %mul3A_652, %add3A_653 : i32
          %mul3A_655 = arith.constant 16 : i32
          %mul3A_656 = arith.muli %scan3A_420, %mul3A_655 : i32
          %get3A_657 = arith.index_cast %add3A_654 : i32 to index
          %get3A_658 = arith.index_cast %mul3A_656 : i32 to index
          %get3A_659 = tpu.vector_load %arg7[%get3A_657, %get3A_658] {strides = array<i32>} : memref<256x128xf32, #tpu.memory_space<vmem>>, vector<1x16xf32>,
          %get3A_660 = vector.shape_cast %get3A_659 : vector<1x16xf32> to vector<16xf32>
          %mul3A_661 = arith.constant 16 : i32
          %mul3A_662 = arith.muli %scan3A_532, %mul3A_661 : i32
          %add3A_663 = arith.constant 12 : i32
          %add3A_664 = arith.addi %mul3A_662, %add3A_663 : i32
          %mul3A_665 = arith.constant 16 : i32
          %mul3A_666 = arith.muli %scan3A_420, %mul3A_665 : i32
          %get3A_667 = arith.index_cast %add3A_664 : i32 to index
          %get3A_668 = arith.index_cast %mul3A_666 : i32 to index
          %get3A_669 = tpu.vector_load %arg7[%get3A_667, %get3A_668] {strides = array<i32>} : memref<256x128xf32, #tpu.memory_space<vmem>>, vector<1x16xf32>,
          %get3A_670 = vector.shape_cast %get3A_669 : vector<1x16xf32> to vector<16xf32>
          %mul3A_671 = arith.constant 16 : i32
          %mul3A_672 = arith.muli %scan3A_532, %mul3A_671 : i32
          %add3A_673 = arith.constant 13 : i32
          %add3A_674 = arith.addi %mul3A_672, %add3A_673 : i32
          %mul3A_675 = arith.constant 16 : i32
          %mul3A_676 = arith.muli %scan3A_420, %mul3A_675 : i32
          %get3A_677 = arith.index_cast %add3A_674 : i32 to index
          %get3A_678 = arith.index_cast %mul3A_676 : i32 to index
          %get3A_679 = tpu.vector_load %arg7[%get3A_677, %get3A_678] {strides = array<i32>} : memref<256x128xf32, #tpu.memory_space<vmem>>, vector<1x16xf32>,
          %get3A_680 = vector.shape_cast %get3A_679 : vector<1x16xf32> to vector<16xf32>
          %mul3A_681 = arith.constant 16 : i32
          %mul3A_682 = arith.muli %scan3A_532, %mul3A_681 : i32
          %add3A_683 = arith.constant 14 : i32
          %add3A_684 = arith.addi %mul3A_682, %add3A_683 : i32
          %mul3A_685 = arith.constant 16 : i32
          %mul3A_686 = arith.muli %scan3A_420, %mul3A_685 : i32
          %get3A_687 = arith.index_cast %add3A_684 : i32 to index
          %get3A_688 = arith.index_cast %mul3A_686 : i32 to index
          %get3A_689 = tpu.vector_load %arg7[%get3A_687, %get3A_688] {strides = array<i32>} : memref<256x128xf32, #tpu.memory_space<vmem>>, vector<1x16xf32>,
          %get3A_690 = vector.shape_cast %get3A_689 : vector<1x16xf32> to vector<16xf32>
          %mul3A_691 = arith.constant 16 : i32
          %mul3A_692 = arith.muli %scan3A_532, %mul3A_691 : i32
          %add3A_693 = arith.constant 15 : i32
          %add3A_694 = arith.addi %mul3A_692, %add3A_693 : i32
          %mul3A_695 = arith.constant 16 : i32
          %mul3A_696 = arith.muli %scan3A_420, %mul3A_695 : i32
          %get3A_697 = arith.index_cast %add3A_694 : i32 to index
          %get3A_698 = arith.index_cast %mul3A_696 : i32 to index
          %get3A_699 = tpu.vector_load %arg7[%get3A_697, %get3A_698] {strides = array<i32>} : memref<256x128xf32, #tpu.memory_space<vmem>>, vector<1x16xf32>,
          %get3A_700 = vector.shape_cast %get3A_699 : vector<1x16xf32> to vector<16xf32>
          %min3A = arith.minimumf %get3A_550, %get3A_570 : vector<16xf32>
          %max3A = arith.maximumf %get3A_550, %get3A_570 : vector<16xf32>
          %min3A_701 = arith.minimumf %get3A_560, %get3A_580 : vector<16xf32>
          %max3A_702 = arith.maximumf %get3A_560, %get3A_580 : vector<16xf32>
          %min3A_703 = arith.minimumf %get3A_590, %get3A_610 : vector<16xf32>
          %max3A_704 = arith.maximumf %get3A_590, %get3A_610 : vector<16xf32>
          %min3A_705 = arith.minimumf %get3A_600, %get3A_620 : vector<16xf32>
          %max3A_706 = arith.maximumf %get3A_600, %get3A_620 : vector<16xf32>
          %min3A_707 = arith.minimumf %min3A, %min3A_703 : vector<16xf32>
          %max3A_708 = arith.maximumf %min3A, %min3A_703 : vector<16xf32>
          %min3A_709 = arith.minimumf %min3A_701, %min3A_705 : vector<16xf32>
          %max3A_710 = arith.maximumf %min3A_701, %min3A_705 : vector<16xf32>
          %min3A_711 = arith.minimumf %max3A, %max3A_704 : vector<16xf32>
          %max3A_712 = arith.maximumf %max3A, %max3A_704 : vector<16xf32>
          %min3A_713 = arith.minimumf %max3A_702, %max3A_706 : vector<16xf32>
          %max3A_714 = arith.maximumf %max3A_702, %max3A_706 : vector<16xf32>
          %min3A_715 = arith.minimumf %min3A_707, %min3A_709 : vector<16xf32>
          %max3A_716 = arith.maximumf %min3A_707, %min3A_709 : vector<16xf32>
          %min3A_717 = arith.minimumf %min3A_711, %min3A_713 : vector<16xf32>
          %max3A_718 = arith.maximumf %min3A_711, %min3A_713 : vector<16xf32>
          %min3A_719 = arith.minimumf %max3A_708, %max3A_710 : vector<16xf32>
          %max3A_720 = arith.maximumf %max3A_708, %max3A_710 : vector<16xf32>
          %min3A_721 = arith.minimumf %max3A_712, %max3A_714 : vector<16xf32>
          %max3A_722 = arith.maximumf %max3A_712, %max3A_714 : vector<16xf32>
          %min3A_723 = arith.minimumf %min3A_717, %min3A_719 : vector<16xf32>
          %max3A_724 = arith.maximumf %min3A_717, %min3A_719 : vector<16xf32>
          %min3A_725 = arith.minimumf %max3A_718, %max3A_720 : vector<16xf32>
          %max3A_726 = arith.maximumf %max3A_718, %max3A_720 : vector<16xf32>
          %min3A_727 = arith.minimumf %max3A_716, %max3A_724 : vector<16xf32>
          %max3A_728 = arith.maximumf %max3A_716, %max3A_724 : vector<16xf32>
          %min3A_729 = arith.minimumf %min3A_725, %min3A_721 : vector<16xf32>
          %max3A_730 = arith.maximumf %min3A_725, %min3A_721 : vector<16xf32>
          %min3A_731 = arith.minimumf %min3A_727, %min3A_723 : vector<16xf32>
          %max3A_732 = arith.maximumf %min3A_727, %min3A_723 : vector<16xf32>
          %min3A_733 = arith.minimumf %min3A_729, %max3A_728 : vector<16xf32>
          %max3A_734 = arith.maximumf %min3A_729, %max3A_728 : vector<16xf32>
          %min3A_735 = arith.minimumf %max3A_726, %max3A_730 : vector<16xf32>
          %max3A_736 = arith.maximumf %max3A_726, %max3A_730 : vector<16xf32>
          %min3A_737 = arith.minimumf %get3A_630, %get3A_650 : vector<16xf32>
          %max3A_738 = arith.maximumf %get3A_630, %get3A_650 : vector<16xf32>
          %min3A_739 = arith.minimumf %get3A_640, %get3A_660 : vector<16xf32>
          %max3A_740 = arith.maximumf %get3A_640, %get3A_660 : vector<16xf32>
          %min3A_741 = arith.minimumf %get3A_670, %get3A_690 : vector<16xf32>
          %max3A_742 = arith.maximumf %get3A_670, %get3A_690 : vector<16xf32>
          %min3A_743 = arith.minimumf %get3A_680, %get3A_700 : vector<16xf32>
          %max3A_744 = arith.maximumf %get3A_680, %get3A_700 : vector<16xf32>
          %min3A_745 = arith.minimumf %min3A_737, %min3A_741 : vector<16xf32>
          %max3A_746 = arith.maximumf %min3A_737, %min3A_741 : vector<16xf32>
          %min3A_747 = arith.minimumf %min3A_739, %min3A_743 : vector<16xf32>
          %max3A_748 = arith.maximumf %min3A_739, %min3A_743 : vector<16xf32>
          %min3A_749 = arith.minimumf %max3A_738, %max3A_742 : vector<16xf32>
          %max3A_750 = arith.maximumf %max3A_738, %max3A_742 : vector<16xf32>
          %min3A_751 = arith.minimumf %max3A_740, %max3A_744 : vector<16xf32>
          %max3A_752 = arith.maximumf %max3A_740, %max3A_744 : vector<16xf32>
          %min3A_753 = arith.minimumf %min3A_745, %min3A_747 : vector<16xf32>
          %max3A_754 = arith.maximumf %min3A_745, %min3A_747 : vector<16xf32>
          %min3A_755 = arith.minimumf %min3A_749, %min3A_751 : vector<16xf32>
          %max3A_756 = arith.maximumf %min3A_749, %min3A_751 : vector<16xf32>
          %min3A_757 = arith.minimumf %max3A_746, %max3A_748 : vector<16xf32>
          %max3A_758 = arith.maximumf %max3A_746, %max3A_748 : vector<16xf32>
          %min3A_759 = arith.minimumf %max3A_750, %max3A_752 : vector<16xf32>
          %max3A_760 = arith.maximumf %max3A_750, %max3A_752 : vector<16xf32>
          %min3A_761 = arith.minimumf %min3A_755, %min3A_757 : vector<16xf32>
          %max3A_762 = arith.maximumf %min3A_755, %min3A_757 : vector<16xf32>
          %min3A_763 = arith.minimumf %max3A_756, %max3A_758 : vector<16xf32>
          %max3A_764 = arith.maximumf %max3A_756, %max3A_758 : vector<16xf32>
          %min3A_765 = arith.minimumf %max3A_754, %max3A_762 : vector<16xf32>
          %max3A_766 = arith.maximumf %max3A_754, %max3A_762 : vector<16xf32>
          %min3A_767 = arith.minimumf %min3A_763, %min3A_759 : vector<16xf32>
          %max3A_768 = arith.maximumf %min3A_763, %min3A_759 : vector<16xf32>
          %min3A_769 = arith.minimumf %min3A_765, %min3A_761 : vector<16xf32>
          %max3A_770 = arith.maximumf %min3A_765, %min3A_761 : vector<16xf32>
          %min3A_771 = arith.minimumf %min3A_767, %max3A_766 : vector<16xf32>
          %max3A_772 = arith.maximumf %min3A_767, %max3A_766 : vector<16xf32>
          %min3A_773 = arith.minimumf %max3A_764, %max3A_768 : vector<16xf32>
          %max3A_774 = arith.maximumf %max3A_764, %max3A_768 : vector<16xf32>
          %max3A_775 = arith.maximumf %min3A_715, %max3A_760 : vector<16xf32>
          %max3A_776 = arith.maximumf %min3A_731, %max3A_774 : vector<16xf32>
          %max3A_777 = arith.maximumf %max3A_732, %min3A_773 : vector<16xf32>
          %max3A_778 = arith.maximumf %min3A_733, %max3A_772 : vector<16xf32>
          %max3A_779 = arith.maximumf %max3A_734, %min3A_771 : vector<16xf32>
          %max3A_780 = arith.maximumf %min3A_735, %max3A_770 : vector<16xf32>
          %max3A_781 = arith.maximumf %max3A_736, %min3A_769 : vector<16xf32>
          %max3A_782 = arith.maximumf %max3A_722, %min3A_753 : vector<16xf32>
          %min3A_783 = arith.minimumf %max3A_775, %max3A_779 : vector<16xf32>
          %max3A_784 = arith.maximumf %max3A_775, %max3A_779 : vector<16xf32>
          %min3A_785 = arith.minimumf %max3A_776, %max3A_780 : vector<16xf32>
          %max3A_786 = arith.maximumf %max3A_776, %max3A_780 : vector<16xf32>
          %min3A_787 = arith.minimumf %max3A_777, %max3A_781 : vector<16xf32>
          %max3A_788 = arith.maximumf %max3A_777, %max3A_781 : vector<16xf32>
          %min3A_789 = arith.minimumf %max3A_778, %max3A_782 : vector<16xf32>
          %max3A_790 = arith.maximumf %max3A_778, %max3A_782 : vector<16xf32>
          %min3A_791 = arith.minimumf %min3A_783, %min3A_787 : vector<16xf32>
          %max3A_792 = arith.maximumf %min3A_783, %min3A_787 : vector<16xf32>
          %min3A_793 = arith.minimumf %min3A_785, %min3A_789 : vector<16xf32>
          %max3A_794 = arith.maximumf %min3A_785, %min3A_789 : vector<16xf32>
          %min3A_795 = arith.minimumf %max3A_784, %max3A_788 : vector<16xf32>
          %max3A_796 = arith.maximumf %max3A_784, %max3A_788 : vector<16xf32>
          %min3A_797 = arith.minimumf %max3A_786, %max3A_790 : vector<16xf32>
          %max3A_798 = arith.maximumf %max3A_786, %max3A_790 : vector<16xf32>
          %min3A_799 = arith.minimumf %min3A_791, %min3A_793 : vector<16xf32>
          %max3A_800 = arith.maximumf %min3A_791, %min3A_793 : vector<16xf32>
          %min3A_801 = arith.minimumf %max3A_792, %max3A_794 : vector<16xf32>
          %max3A_802 = arith.maximumf %max3A_792, %max3A_794 : vector<16xf32>
          %min3A_803 = arith.minimumf %min3A_795, %min3A_797 : vector<16xf32>
          %max3A_804 = arith.maximumf %min3A_795, %min3A_797 : vector<16xf32>
          %min3A_805 = arith.minimumf %max3A_796, %max3A_798 : vector<16xf32>
          %max3A_806 = arith.maximumf %max3A_796, %max3A_798 : vector<16xf32>
          %max3A_807 = arith.maximumf %scan3A_533, %max3A_806 : vector<16xf32>
          %max3A_808 = arith.maximumf %scan3A_534, %min3A_805 : vector<16xf32>
          %max3A_809 = arith.maximumf %scan3A_535, %max3A_804 : vector<16xf32>
          %max3A_810 = arith.maximumf %scan3A_536, %min3A_803 : vector<16xf32>
          %max3A_811 = arith.maximumf %scan3A_537, %max3A_802 : vector<16xf32>
          %max3A_812 = arith.maximumf %scan3A_538, %min3A_801 : vector<16xf32>
          %max3A_813 = arith.maximumf %scan3A_539, %max3A_800 : vector<16xf32>
          %max3A_814 = arith.maximumf %scan3A_540, %min3A_799 : vector<16xf32>
          %min3A_815 = arith.minimumf %max3A_807, %max3A_811 : vector<16xf32>
          %max3A_816 = arith.maximumf %max3A_807, %max3A_811 : vector<16xf32>
          %min3A_817 = arith.minimumf %max3A_808, %max3A_812 : vector<16xf32>
          %max3A_818 = arith.maximumf %max3A_808, %max3A_812 : vector<16xf32>
          %min3A_819 = arith.minimumf %max3A_809, %max3A_813 : vector<16xf32>
          %max3A_820 = arith.maximumf %max3A_809, %max3A_813 : vector<16xf32>
          %min3A_821 = arith.minimumf %max3A_810, %max3A_814 : vector<16xf32>
          %max3A_822 = arith.maximumf %max3A_810, %max3A_814 : vector<16xf32>
          %min3A_823 = arith.minimumf %min3A_815, %min3A_819 : vector<16xf32>
          %max3A_824 = arith.maximumf %min3A_815, %min3A_819 : vector<16xf32>
          %min3A_825 = arith.minimumf %min3A_817, %min3A_821 : vector<16xf32>
          %max3A_826 = arith.maximumf %min3A_817, %min3A_821 : vector<16xf32>
          %min3A_827 = arith.minimumf %max3A_816, %max3A_820 : vector<16xf32>
          %max3A_828 = arith.maximumf %max3A_816, %max3A_820 : vector<16xf32>
          %min3A_829 = arith.minimumf %max3A_818, %max3A_822 : vector<16xf32>
          %max3A_830 = arith.maximumf %max3A_818, %max3A_822 : vector<16xf32>
          %min3A_831 = arith.minimumf %min3A_823, %min3A_825 : vector<16xf32>
          %max3A_832 = arith.maximumf %min3A_823, %min3A_825 : vector<16xf32>
          %min3A_833 = arith.minimumf %max3A_824, %max3A_826 : vector<16xf32>
          %max3A_834 = arith.maximumf %max3A_824, %max3A_826 : vector<16xf32>
          %min3A_835 = arith.minimumf %min3A_827, %min3A_829 : vector<16xf32>
          %max3A_836 = arith.maximumf %min3A_827, %min3A_829 : vector<16xf32>
          %min3A_837 = arith.minimumf %max3A_828, %max3A_830 : vector<16xf32>
          %max3A_838 = arith.maximumf %max3A_828, %max3A_830 : vector<16xf32>
          scf.yield %min3A_831, %max3A_832, %min3A_833, %max3A_834, %min3A_835, %max3A_836, %min3A_837, %max3A_838 : vector<16xf32>, vector<16xf32>, vector<16xf32>, vector<16xf32>, vector<16xf32>, vector<16xf32>, vector<16xf32>, vector<16xf32>
        }
        %scan3A_475 = arith.constant 16 : i32
        %swap3A = arith.constant 0 : i32
        %swap3A_476 = arith.index_cast %scan3A_420 : i32 to index
        %swap3A_477 = arith.index_cast %swap3A : i32 to index
        %swap3A_478 = arith.constant 0 : index
        %swap3A_479 = tpu.vector_load %arg8[%swap3A_476, %swap3A_477, %swap3A_478] {strides = array<i32>} : memref<8x8x16xf32, #tpu.memory_space<vmem>>, vector<1x1x16xf32>,
        %swap3A_480 = vector.shape_cast %swap3A_479 : vector<1x1x16xf32> to vector<16xf32>
        %swap3A_481 = vector.shape_cast %scan3A_474#0 : vector<16xf32> to vector<1x1x16xf32>
        tpu.vector_store %arg8[%swap3A_476, %swap3A_477, %swap3A_478], %swap3A_481 {strides = array<i32>} : memref<8x8x16xf32, #tpu.memory_space<vmem>>, vector<1x1x16xf32>,
        %swap3A_482 = arith.constant 1 : i32
        %swap3A_483 = arith.index_cast %scan3A_420 : i32 to index
        %swap3A_484 = arith.index_cast %swap3A_482 : i32 to index
        %swap3A_485 = arith.constant 0 : index
        %swap3A_486 = tpu.vector_load %arg8[%swap3A_483, %swap3A_484, %swap3A_485] {strides = array<i32>} : memref<8x8x16xf32, #tpu.memory_space<vmem>>, vector<1x1x16xf32>,
        %swap3A_487 = vector.shape_cast %swap3A_486 : vector<1x1x16xf32> to vector<16xf32>
        %swap3A_488 = vector.shape_cast %scan3A_474#1 : vector<16xf32> to vector<1x1x16xf32>
        tpu.vector_store %arg8[%swap3A_483, %swap3A_484, %swap3A_485], %swap3A_488 {strides = array<i32>} : memref<8x8x16xf32, #tpu.memory_space<vmem>>, vector<1x1x16xf32>,
        %swap3A_489 = arith.constant 2 : i32
        %swap3A_490 = arith.index_cast %scan3A_420 : i32 to index
        %swap3A_491 = arith.index_cast %swap3A_489 : i32 to index
        %swap3A_492 = arith.constant 0 : index
        %swap3A_493 = tpu.vector_load %arg8[%swap3A_490, %swap3A_491, %swap3A_492] {strides = array<i32>} : memref<8x8x16xf32, #tpu.memory_space<vmem>>, vector<1x1x16xf32>,
        %swap3A_494 = vector.shape_cast %swap3A_493 : vector<1x1x16xf32> to vector<16xf32>
        %swap3A_495 = vector.shape_cast %scan3A_474#2 : vector<16xf32> to vector<1x1x16xf32>
        tpu.vector_store %arg8[%swap3A_490, %swap3A_491, %swap3A_492], %swap3A_495 {strides = array<i32>} : memref<8x8x16xf32, #tpu.memory_space<vmem>>, vector<1x1x16xf32>,
        %swap3A_496 = arith.constant 3 : i32
        %swap3A_497 = arith.index_cast %scan3A_420 : i32 to index
        %swap3A_498 = arith.index_cast %swap3A_496 : i32 to index
        %swap3A_499 = arith.constant 0 : index
        %swap3A_500 = tpu.vector_load %arg8[%swap3A_497, %swap3A_498, %swap3A_499] {strides = array<i32>} : memref<8x8x16xf32, #tpu.memory_space<vmem>>, vector<1x1x16xf32>,
        %swap3A_501 = vector.shape_cast %swap3A_500 : vector<1x1x16xf32> to vector<16xf32>
        %swap3A_502 = vector.shape_cast %scan3A_474#3 : vector<16xf32> to vector<1x1x16xf32>
        tpu.vector_store %arg8[%swap3A_497, %swap3A_498, %swap3A_499], %swap3A_502 {strides = array<i32>} : memref<8x8x16xf32, #tpu.memory_space<vmem>>, vector<1x1x16xf32>,
        %swap3A_503 = arith.constant 4 : i32
        %swap3A_504 = arith.index_cast %scan3A_420 : i32 to index
        %swap3A_505 = arith.index_cast %swap3A_503 : i32 to index
        %swap3A_506 = arith.constant 0 : index
        %swap3A_507 = tpu.vector_load %arg8[%swap3A_504, %swap3A_505, %swap3A_506] {strides = array<i32>} : memref<8x8x16xf32, #tpu.memory_space<vmem>>, vector<1x1x16xf32>,
        %swap3A_508 = vector.shape_cast %swap3A_507 : vector<1x1x16xf32> to vector<16xf32>
        %swap3A_509 = vector.shape_cast %scan3A_474#4 : vector<16xf32> to vector<1x1x16xf32>
        tpu.vector_store %arg8[%swap3A_504, %swap3A_505, %swap3A_506], %swap3A_509 {strides = array<i32>} : memref<8x8x16xf32, #tpu.memory_space<vmem>>, vector<1x1x16xf32>,
        %swap3A_510 = arith.constant 5 : i32
        %swap3A_511 = arith.index_cast %scan3A_420 : i32 to index
        %swap3A_512 = arith.index_cast %swap3A_510 : i32 to index
        %swap3A_513 = arith.constant 0 : index
        %swap3A_514 = tpu.vector_load %arg8[%swap3A_511, %swap3A_512, %swap3A_513] {strides = array<i32>} : memref<8x8x16xf32, #tpu.memory_space<vmem>>, vector<1x1x16xf32>,
        %swap3A_515 = vector.shape_cast %swap3A_514 : vector<1x1x16xf32> to vector<16xf32>
        %swap3A_516 = vector.shape_cast %scan3A_474#5 : vector<16xf32> to vector<1x1x16xf32>
        tpu.vector_store %arg8[%swap3A_511, %swap3A_512, %swap3A_513], %swap3A_516 {strides = array<i32>} : memref<8x8x16xf32, #tpu.memory_space<vmem>>, vector<1x1x16xf32>,
        %swap3A_517 = arith.constant 6 : i32
        %swap3A_518 = arith.index_cast %scan3A_420 : i32 to index
        %swap3A_519 = arith.index_cast %swap3A_517 : i32 to index
        %swap3A_520 = arith.constant 0 : index
        %swap3A_521 = tpu.vector_load %arg8[%swap3A_518, %swap3A_519, %swap3A_520] {strides = array<i32>} : memref<8x8x16xf32, #tpu.memory_space<vmem>>, vector<1x1x16xf32>,
        %swap3A_522 = vector.shape_cast %swap3A_521 : vector<1x1x16xf32> to vector<16xf32>
        %swap3A_523 = vector.shape_cast %scan3A_474#6 : vector<16xf32> to vector<1x1x16xf32>
        tpu.vector_store %arg8[%swap3A_518, %swap3A_519, %swap3A_520], %swap3A_523 {strides = array<i32>} : memref<8x8x16xf32, #tpu.memory_space<vmem>>, vector<1x1x16xf32>,
        %swap3A_524 = arith.constant 7 : i32
        %swap3A_525 = arith.index_cast %scan3A_420 : i32 to index
        %swap3A_526 = arith.index_cast %swap3A_524 : i32 to index
        %swap3A_527 = arith.constant 0 : index
        %swap3A_528 = tpu.vector_load %arg8[%swap3A_525, %swap3A_526, %swap3A_527] {strides = array<i32>} : memref<8x8x16xf32, #tpu.memory_space<vmem>>, vector<1x1x16xf32>,
        %swap3A_529 = vector.shape_cast %swap3A_528 : vector<1x1x16xf32> to vector<16xf32>
        %swap3A_530 = vector.shape_cast %scan3A_474#7 : vector<16xf32> to vector<1x1x16xf32>
        tpu.vector_store %arg8[%swap3A_525, %swap3A_526, %swap3A_527], %swap3A_530 {strides = array<i32>} : memref<8x8x16xf32, #tpu.memory_space<vmem>>, vector<1x1x16xf32>,
        %scan3A_531 = arith.constant 0 : i32
        scf.yield %scan3A_531 : i32
      }
      %scan3A_324 = arith.constant 8 : i32
      %scan3A_325 = arith.constant 0 : i32
      %scan3A_326 = arith.constant 1 : i32
      %mul3A_327 = arith.constant 10 : i32
      %mul3A_328 = arith.muli %arg0, %mul3A_327 : i32
      %jit3A_329 = arith.constant 8 : i32
      %div3A_330 = arith.divsi %add3A_81, %jit3A_329 : i32
      %sign3A_331 = arith.constant 0 : i32
      %sign3A_332 = arith.cmpi sgt, %add3A_81, %sign3A_331 : i32
      %sign3A_333 = arith.extui %sign3A_332 : i1 to i32
      %sign3A_334 = arith.constant 0 : i32
      %sign3A_335 = arith.cmpi slt, %add3A_81, %sign3A_334 : i32
      %sign3A_336 = arith.extui %sign3A_335 : i1 to i32
      %sign3A_337 = arith.subi %sign3A_333, %sign3A_336 : i32
      %sign3A_338 = arith.constant 0 : i32
      %sign3A_339 = arith.cmpi sgt, %jit3A_329, %sign3A_338 : i32
      %sign3A_340 = arith.extui %sign3A_339 : i1 to i32
      %sign3A_341 = arith.constant 0 : i32
      %sign3A_342 = arith.cmpi slt, %jit3A_329, %sign3A_341 : i32
      %sign3A_343 = arith.extui %sign3A_342 : i1 to i32
      %sign3A_344 = arith.subi %sign3A_340, %sign3A_343 : i32
      %ne3A_345 = arith.cmpi ne, %sign3A_337, %sign3A_344 : i32
      %rem3A_346 = arith.remsi %add3A_81, %jit3A_329 : i32
      %ne3A_347 = arith.constant 0 : i32
      %ne3A_348 = arith.cmpi ne, %rem3A_346, %ne3A_347 : i32
      %and3A_349 = arith.andi %ne3A_345, %ne3A_348 : i1
      %sub3A_350 = arith.constant 1 : i32
      %sub3A_351 = arith.subi %div3A_330, %sub3A_350 : i32
      %select_n3A_352 = arith.select %and3A_349, %sub3A_351, %div3A_330 : i32
      %add3A_353 = arith.addi %mul3A_328, %select_n3A_352 : i32
      %add3A_354 = arith.constant 28 : i32
      %add3A_355 = arith.addi %add3A_354, %add3A_353 : i32
      %jit3A_356 = arith.constant 6 : i32
      %div3A_357 = arith.divsi %add3A_355, %jit3A_356 : i32
      %sign3A_358 = arith.constant 0 : i32
      %sign3A_359 = arith.cmpi sgt, %add3A_355, %sign3A_358 : i32
      %sign3A_360 = arith.extui %sign3A_359 : i1 to i32
      %sign3A_361 = arith.constant 0 : i32
      %sign3A_362 = arith.cmpi slt, %add3A_355, %sign3A_361 : i32
      %sign3A_363 = arith.extui %sign3A_362 : i1 to i32
      %sign3A_364 = arith.subi %sign3A_360, %sign3A_363 : i32
      %sign3A_365 = arith.constant 0 : i32
      %sign3A_366 = arith.cmpi sgt, %jit3A_356, %sign3A_365 : i32
      %sign3A_367 = arith.extui %sign3A_366 : i1 to i32
      %sign3A_368 = arith.constant 0 : i32
      %sign3A_369 = arith.cmpi slt, %jit3A_356, %sign3A_368 : i32
      %sign3A_370 = arith.extui %sign3A_369 : i1 to i32
      %sign3A_371 = arith.subi %sign3A_367, %sign3A_370 : i32
      %ne3A_372 = arith.cmpi ne, %sign3A_364, %sign3A_371 : i32
      %rem3A_373 = arith.remsi %add3A_355, %jit3A_356 : i32
      %ne3A_374 = arith.constant 0 : i32
      %ne3A_375 = arith.cmpi ne, %rem3A_373, %ne3A_374 : i32
      %and3A_376 = arith.andi %ne3A_372, %ne3A_375 : i1
      %sub3A_377 = arith.constant 1 : i32
      %sub3A_378 = arith.subi %div3A_357, %sub3A_377 : i32
      %select_n3A_379 = arith.select %and3A_376, %sub3A_378, %div3A_357 : i32
      %jit3A_380 = arith.constant 6 : i32
      %eq3A_381 = arith.constant 0 : i32
      %eq3A_382 = arith.cmpi eq, %jit3A_380, %eq3A_381 : i32
      %jit3A_383 = arith.constant 1 : i32
      %select_n3A_384 = arith.select %eq3A_382, %jit3A_383, %jit3A_380 : i32
      %rem3A_385 = arith.remsi %add3A_355, %select_n3A_384 : i32
      %ne3A_386 = arith.constant 0 : i32
      %ne3A_387 = arith.cmpi ne, %rem3A_385, %ne3A_386 : i32
      %lt3A_388 = arith.constant 0 : i32
      %lt3A_389 = arith.cmpi slt, %rem3A_385, %lt3A_388 : i32
      %lt3A_390 = arith.constant 0 : i32
      %lt3A_391 = arith.cmpi slt, %select_n3A_384, %lt3A_390 : i32
      %ne3A_392 = arith.xori %lt3A_389, %lt3A_391 : i1
      %and3A_393 = arith.andi %ne3A_392, %ne3A_387 : i1
      %add3A_394 = arith.addi %rem3A_385, %select_n3A_384 : i32
      %select_n3A_395 = arith.select %and3A_393, %add3A_394, %rem3A_385 : i32
      %jit3A_396 = arith.constant 8 : i32
      %eq3A_397 = arith.constant 0 : i32
      %eq3A_398 = arith.cmpi eq, %jit3A_396, %eq3A_397 : i32
      %jit3A_399 = arith.constant 1 : i32
      %select_n3A_400 = arith.select %eq3A_398, %jit3A_399, %jit3A_396 : i32
      %rem3A_401 = arith.remsi %add3A_81, %select_n3A_400 : i32
      %ne3A_402 = arith.constant 0 : i32
      %ne3A_403 = arith.cmpi ne, %rem3A_401, %ne3A_402 : i32
      %lt3A_404 = arith.constant 0 : i32
      %lt3A_405 = arith.cmpi slt, %rem3A_401, %lt3A_404 : i32
      %lt3A_406 = arith.constant 0 : i32
      %lt3A_407 = arith.cmpi slt, %select_n3A_400, %lt3A_406 : i32
      %ne3A_408 = arith.xori %lt3A_405, %lt3A_407 : i1
      %and3A_409 = arith.andi %ne3A_408, %ne3A_403 : i1
      %add3A_410 = arith.addi %rem3A_401, %select_n3A_400 : i32
      %select_n3A_411 = arith.select %and3A_409, %add3A_410, %rem3A_401 : i32
      %scan3A_412 = arith.constant 0 : i32
      %scan3A_413 = arith.constant 0 : i32
      %scan3A_414 = arith.constant 8 : i32
      %scan3A_415 = arith.addi %scan3A_413, %scan3A_414 : i32
      %scan3A_416 = arith.constant 1 : i32
      %scan3A_417 = scf.for %scan3A_420 = %scan3A_413 to %scan3A_415 step %scan3A_416 iter_args(%scan3A_421 = %scan3A_412) -> (i32)  : i32 {
        %get3A_422 = arith.constant 0 : i32
        %get3A_423 = arith.index_cast %scan3A_420 : i32 to index
        %get3A_424 = arith.index_cast %get3A_422 : i32 to index
        %get3A_425 = arith.constant 0 : index
        %get3A_426 = tpu.vector_load %arg8[%get3A_423, %get3A_424, %get3A_425] {strides = array<i32>} : memref<8x8x16xf32, #tpu.memory_space<vmem>>, vector<1x1x16xf32>,
        %get3A_427 = vector.shape_cast %get3A_426 : vector<1x1x16xf32> to vector<16xf32>
        %mul3A_428 = arith.constant 16 : i32
        %mul3A_429 = arith.muli %scan3A_420, %mul3A_428 : i32
        %swap3A = arith.constant 0 : i32
        %swap3A_430 = arith.index_cast %swap3A : i32 to index
        %swap3A_431 = arith.index_cast %mul3A_429 : i32 to index
        %swap3A_432 = tpu.vector_load %arg9[%swap3A_430, %swap3A_431] {strides = array<i32>} : memref<8x128xf32, #tpu.memory_space<vmem>>, vector<1x16xf32>,
        %swap3A_433 = vector.shape_cast %swap3A_432 : vector<1x16xf32> to vector<16xf32>
        %swap3A_434 = vector.shape_cast %get3A_427 : vector<16xf32> to vector<1x16xf32>
        tpu.vector_store %arg9[%swap3A_430, %swap3A_431], %swap3A_434 {strides = array<i32>} : memref<8x128xf32, #tpu.memory_space<vmem>>, vector<1x16xf32>,
        %get3A_435 = arith.constant 1 : i32
        %get3A_436 = arith.index_cast %scan3A_420 : i32 to index
        %get3A_437 = arith.index_cast %get3A_435 : i32 to index
        %get3A_438 = arith.constant 0 : index
        %get3A_439 = tpu.vector_load %arg8[%get3A_436, %get3A_437, %get3A_438] {strides = array<i32>} : memref<8x8x16xf32, #tpu.memory_space<vmem>>, vector<1x1x16xf32>,
        %get3A_440 = vector.shape_cast %get3A_439 : vector<1x1x16xf32> to vector<16xf32>
        %mul3A_441 = arith.constant 16 : i32
        %mul3A_442 = arith.muli %scan3A_420, %mul3A_441 : i32
        %swap3A_443 = arith.constant 1 : i32
        %swap3A_444 = arith.index_cast %swap3A_443 : i32 to index
        %swap3A_445 = arith.index_cast %mul3A_442 : i32 to index
        %swap3A_446 = tpu.vector_load %arg9[%swap3A_444, %swap3A_445] {strides = array<i32>} : memref<8x128xf32, #tpu.memory_space<vmem>>, vector<1x16xf32>,
        %swap3A_447 = vector.shape_cast %swap3A_446 : vector<1x16xf32> to vector<16xf32>
        %swap3A_448 = vector.shape_cast %get3A_440 : vector<16xf32> to vector<1x16xf32>
        tpu.vector_store %arg9[%swap3A_444, %swap3A_445], %swap3A_448 {strides = array<i32>} : memref<8x128xf32, #tpu.memory_space<vmem>>, vector<1x16xf32>,
        %get3A_449 = arith.constant 2 : i32
        %get3A_450 = arith.index_cast %scan3A_420 : i32 to index
        %get3A_451 = arith.index_cast %get3A_449 : i32 to index
        %get3A_452 = arith.constant 0 : index
        %get3A_453 = tpu.vector_load %arg8[%get3A_450, %get3A_451, %get3A_452] {strides = array<i32>} : memref<8x8x16xf32, #tpu.memory_space<vmem>>, vector<1x1x16xf32>,
        %get3A_454 = vector.shape_cast %get3A_453 : vector<1x1x16xf32> to vector<16xf32>
        %mul3A_455 = arith.constant 16 : i32
        %mul3A_456 = arith.muli %scan3A_420, %mul3A_455 : i32
        %swap3A_457 = arith.constant 2 : i32
        %swap3A_458 = arith.index_cast %swap3A_457 : i32 to index
        %swap3A_459 = arith.index_cast %mul3A_456 : i32 to index
        %swap3A_460 = tpu.vector_load %arg9[%swap3A_458, %swap3A_459] {strides = array<i32>} : memref<8x128xf32, #tpu.memory_space<vmem>>, vector<1x16xf32>,
        %swap3A_461 = vector.shape_cast %swap3A_460 : vector<1x16xf32> to vector<16xf32>
        %swap3A_462 = vector.shape_cast %get3A_454 : vector<16xf32> to vector<1x16xf32>
        tpu.vector_store %arg9[%swap3A_458, %swap3A_459], %swap3A_462 {strides = array<i32>} : memref<8x128xf32, #tpu.memory_space<vmem>>, vector<1x16xf32>,
        %get3A_463 = arith.constant 3 : i32
        %get3A_464 = arith.index_cast %scan3A_420 : i32 to index
        %get3A_465 = arith.index_cast %get3A_463 : i32 to index
        %get3A_466 = arith.constant 0 : index
        %get3A_467 = tpu.vector_load %arg8[%get3A_464, %get3A_465, %get3A_466] {strides = array<i32>} : memref<8x8x16xf32, #tpu.memory_space<vmem>>, vector<1x1x16xf32>,
        %get3A_468 = vector.shape_cast %get3A_467 : vector<1x1x16xf32> to vector<16xf32>
        %mul3A_469 = arith.constant 16 : i32
        %mul3A_470 = arith.muli %scan3A_420, %mul3A_469 : i32
        %swap3A_471 = arith.constant 3 : i32
        %swap3A_472 = arith.index_cast %swap3A_471 : i32 to index
        %swap3A_473 = arith.index_cast %mul3A_470 : i32 to index
        %swap3A_474 = tpu.vector_load %arg9[%swap3A_472, %swap3A_473] {strides = array<i32>} : memref<8x128xf32, #tpu.memory_space<vmem>>, vector<1x16xf32>,
        %swap3A_475 = vector.shape_cast %swap3A_474 : vector<1x16xf32> to vector<16xf32>
        %swap3A_476 = vector.shape_cast %get3A_468 : vector<16xf32> to vector<1x16xf32>
        tpu.vector_store %arg9[%swap3A_472, %swap3A_473], %swap3A_476 {strides = array<i32>} : memref<8x128xf32, #tpu.memory_space<vmem>>, vector<1x16xf32>,
        %get3A_477 = arith.constant 4 : i32
        %get3A_478 = arith.index_cast %scan3A_420 : i32 to index
        %get3A_479 = arith.index_cast %get3A_477 : i32 to index
        %get3A_480 = arith.constant 0 : index
        %get3A_481 = tpu.vector_load %arg8[%get3A_478, %get3A_479, %get3A_480] {strides = array<i32>} : memref<8x8x16xf32, #tpu.memory_space<vmem>>, vector<1x1x16xf32>,
        %get3A_482 = vector.shape_cast %get3A_481 : vector<1x1x16xf32> to vector<16xf32>
        %mul3A_483 = arith.constant 16 : i32
        %mul3A_484 = arith.muli %scan3A_420, %mul3A_483 : i32
        %swap3A_485 = arith.constant 4 : i32
        %swap3A_486 = arith.index_cast %swap3A_485 : i32 to index
        %swap3A_487 = arith.index_cast %mul3A_484 : i32 to index
        %swap3A_488 = tpu.vector_load %arg9[%swap3A_486, %swap3A_487] {strides = array<i32>} : memref<8x128xf32, #tpu.memory_space<vmem>>, vector<1x16xf32>,
        %swap3A_489 = vector.shape_cast %swap3A_488 : vector<1x16xf32> to vector<16xf32>
        %swap3A_490 = vector.shape_cast %get3A_482 : vector<16xf32> to vector<1x16xf32>
        tpu.vector_store %arg9[%swap3A_486, %swap3A_487], %swap3A_490 {strides = array<i32>} : memref<8x128xf32, #tpu.memory_space<vmem>>, vector<1x16xf32>,
        %get3A_491 = arith.constant 5 : i32
        %get3A_492 = arith.index_cast %scan3A_420 : i32 to index
        %get3A_493 = arith.index_cast %get3A_491 : i32 to index
        %get3A_494 = arith.constant 0 : index
        %get3A_495 = tpu.vector_load %arg8[%get3A_492, %get3A_493, %get3A_494] {strides = array<i32>} : memref<8x8x16xf32, #tpu.memory_space<vmem>>, vector<1x1x16xf32>,
        %get3A_496 = vector.shape_cast %get3A_495 : vector<1x1x16xf32> to vector<16xf32>
        %mul3A_497 = arith.constant 16 : i32
        %mul3A_498 = arith.muli %scan3A_420, %mul3A_497 : i32
        %swap3A_499 = arith.constant 5 : i32
        %swap3A_500 = arith.index_cast %swap3A_499 : i32 to index
        %swap3A_501 = arith.index_cast %mul3A_498 : i32 to index
        %swap3A_502 = tpu.vector_load %arg9[%swap3A_500, %swap3A_501] {strides = array<i32>} : memref<8x128xf32, #tpu.memory_space<vmem>>, vector<1x16xf32>,
        %swap3A_503 = vector.shape_cast %swap3A_502 : vector<1x16xf32> to vector<16xf32>
        %swap3A_504 = vector.shape_cast %get3A_496 : vector<16xf32> to vector<1x16xf32>
        tpu.vector_store %arg9[%swap3A_500, %swap3A_501], %swap3A_504 {strides = array<i32>} : memref<8x128xf32, #tpu.memory_space<vmem>>, vector<1x16xf32>,
        %get3A_505 = arith.constant 6 : i32
        %get3A_506 = arith.index_cast %scan3A_420 : i32 to index
        %get3A_507 = arith.index_cast %get3A_505 : i32 to index
        %get3A_508 = arith.constant 0 : index
        %get3A_509 = tpu.vector_load %arg8[%get3A_506, %get3A_507, %get3A_508] {strides = array<i32>} : memref<8x8x16xf32, #tpu.memory_space<vmem>>, vector<1x1x16xf32>,
        %get3A_510 = vector.shape_cast %get3A_509 : vector<1x1x16xf32> to vector<16xf32>
        %mul3A_511 = arith.constant 16 : i32
        %mul3A_512 = arith.muli %scan3A_420, %mul3A_511 : i32
        %swap3A_513 = arith.constant 6 : i32
        %swap3A_514 = arith.index_cast %swap3A_513 : i32 to index
        %swap3A_515 = arith.index_cast %mul3A_512 : i32 to index
        %swap3A_516 = tpu.vector_load %arg9[%swap3A_514, %swap3A_515] {strides = array<i32>} : memref<8x128xf32, #tpu.memory_space<vmem>>, vector<1x16xf32>,
        %swap3A_517 = vector.shape_cast %swap3A_516 : vector<1x16xf32> to vector<16xf32>
        %swap3A_518 = vector.shape_cast %get3A_510 : vector<16xf32> to vector<1x16xf32>
        tpu.vector_store %arg9[%swap3A_514, %swap3A_515], %swap3A_518 {strides = array<i32>} : memref<8x128xf32, #tpu.memory_space<vmem>>, vector<1x16xf32>,
        %get3A_519 = arith.constant 7 : i32
        %get3A_520 = arith.index_cast %scan3A_420 : i32 to index
        %get3A_521 = arith.index_cast %get3A_519 : i32 to index
        %get3A_522 = arith.constant 0 : index
        %get3A_523 = tpu.vector_load %arg8[%get3A_520, %get3A_521, %get3A_522] {strides = array<i32>} : memref<8x8x16xf32, #tpu.memory_space<vmem>>, vector<1x1x16xf32>,
        %get3A_524 = vector.shape_cast %get3A_523 : vector<1x1x16xf32> to vector<16xf32>
        %mul3A_525 = arith.constant 16 : i32
        %mul3A_526 = arith.muli %scan3A_420, %mul3A_525 : i32
        %swap3A_527 = arith.constant 7 : i32
        %swap3A_528 = arith.index_cast %swap3A_527 : i32 to index
        %swap3A_529 = arith.index_cast %mul3A_526 : i32 to index
        %swap3A_530 = tpu.vector_load %arg9[%swap3A_528, %swap3A_529] {strides = array<i32>} : memref<8x128xf32, #tpu.memory_space<vmem>>, vector<1x16xf32>,
        %swap3A_531 = vector.shape_cast %swap3A_530 : vector<1x16xf32> to vector<16xf32>
        %swap3A_532 = vector.shape_cast %get3A_524 : vector<16xf32> to vector<1x16xf32>
        tpu.vector_store %arg9[%swap3A_528, %swap3A_529], %swap3A_532 {strides = array<i32>} : memref<8x128xf32, #tpu.memory_space<vmem>>, vector<1x16xf32>,
        %scan3A_533 = arith.constant 0 : i32
        scf.yield %scan3A_533 : i32
      }
      %scan3A_418 = arith.constant 8 : i32
      "tpu.region"() ({
        %run_scoped3A = tpu.sem_alloc : memref<!tpu.dma_semaphore, #tpu.memory_space<semaphore_mem>>
        %dma_start3A = arith.constant 0 : i32
        %dma_start3A_420 = arith.constant 0 : i32
        %dma_start3A_421 = tpu.memref_slice %arg4[%add3A_353, %select_n3A_411, %dma_start3A, %dma_start3A_420] : memref<20x8x8x128xf32, #tpu.memory_space<hbm>> -> memref<1x1x8x128xf32, #tpu.memory_space<hbm>>
        %dma_start3A_422 = tpu.memref_squeeze %dma_start3A_421 : memref<1x1x8x128xf32, #tpu.memory_space<hbm>> -> memref<8x128xf32, #tpu.memory_space<hbm>>
        %dma_start3A_423 = arith.constant 0 : i32
        %dma_start3A_424 = arith.constant 0 : i32
        %dma_start3A_425 = tpu.memref_slice %arg4[%add3A_353, %select_n3A_411, %dma_start3A_423, %dma_start3A_424] : memref<20x8x8x128xf32, #tpu.memory_space<hbm>> -> memref<1x1x8x128xf32, #tpu.memory_space<hbm>>
        %dma_start3A_426 = tpu.memref_squeeze %dma_start3A_425 : memref<1x1x8x128xf32, #tpu.memory_space<hbm>> -> memref<8x128xf32, #tpu.memory_space<hbm>>
        tpu.enqueue_dma source(%arg9 : memref<8x128xf32, #tpu.memory_space<vmem>>) target(%dma_start3A_426 : memref<8x128xf32, #tpu.memory_space<hbm>>) target_semaphore(%run_scoped3A : memref<!tpu.dma_semaphore, #tpu.memory_space<semaphore_mem>>)
        %dma_wait3A_427 = arith.constant 0 : i32
        %dma_wait3A_428 = arith.constant 0 : i32
        %dma_wait3A_429 = tpu.memref_slice %arg4[%add3A_353, %select_n3A_411, %dma_wait3A_427, %dma_wait3A_428] : memref<20x8x8x128xf32, #tpu.memory_space<hbm>> -> memref<1x1x8x128xf32, #tpu.memory_space<hbm>>
        %dma_wait3A_430 = tpu.memref_squeeze %dma_wait3A_429 : memref<1x1x8x128xf32, #tpu.memory_space<hbm>> -> memref<8x128xf32, #tpu.memory_space<hbm>>
        %dma_wait3A_431 = arith.constant 0 : i32
        %dma_wait3A_432 = arith.constant 0 : i32
        %dma_wait3A_433 = tpu.memref_slice %arg4[%add3A_353, %select_n3A_411, %dma_wait3A_431, %dma_wait3A_432] : memref<20x8x8x128xf32, #tpu.memory_space<hbm>> -> memref<1x1x8x128xf32, #tpu.memory_space<hbm>>
        %dma_wait3A_434 = tpu.memref_squeeze %dma_wait3A_433 : memref<1x1x8x128xf32, #tpu.memory_space<hbm>> -> memref<8x128xf32, #tpu.memory_space<hbm>>
        tpu.wait_dma2 semaphore(%run_scoped3A : memref<!tpu.dma_semaphore, #tpu.memory_space<semaphore_mem>>) src(%arg9 : memref<8x128xf32, #tpu.memory_space<vmem>>) dst(%dma_wait3A_434 : memref<8x128xf32, #tpu.memory_space<hbm>>)
        tpu.yield
      }) : () -> ()
      %while3A_419 = arith.constant 0 : i32
      scf.yield %while3A_419 : i32
    }
    %while3A_34 = arith.constant 1 : i32
    %while3A_35 = scf.for %while3A_78 = %while3A_31 to %while3A_27 step %while3A_34 iter_args(%while3A_79 = %while3A_33) -> (i32)  : i32 {
      %mul3A = arith.constant 16 : i32
      %mul3A_80 = arith.muli %while3A_78, %mul3A : i32
      %add3A_81 = arith.addi %arg1, %mul3A_80 : i32
      %scan3A = arith.constant 0 : i32
      %scan3A_82 = arith.constant 0 : i32
      %scan3A_83 = arith.constant 8 : i32
      %scan3A_84 = arith.addi %scan3A_82, %scan3A_83 : i32
      %scan3A_85 = arith.constant 1 : i32
      %scan3A_86 = scf.for %scan3A_420 = %scan3A_82 to %scan3A_84 step %scan3A_85 iter_args(%scan3A_421 = %scan3A) -> (i32)  : i32 {
        %broadcast_in_dim3A = vector.broadcast %squeeze3A : f32 to vector<16xf32>
        %swap3A = arith.constant 0 : i32
        %swap3A_422 = arith.index_cast %scan3A_420 : i32 to index
        %swap3A_423 = arith.index_cast %swap3A : i32 to index
        %swap3A_424 = arith.constant 0 : index
        %swap3A_425 = tpu.vector_load %arg8[%swap3A_422, %swap3A_423, %swap3A_424] {strides = array<i32>} : memref<8x8x16xf32, #tpu.memory_space<vmem>>, vector<1x1x16xf32>,
        %swap3A_426 = vector.shape_cast %swap3A_425 : vector<1x1x16xf32> to vector<16xf32>
        %swap3A_427 = vector.shape_cast %broadcast_in_dim3A : vector<16xf32> to vector<1x1x16xf32>
        tpu.vector_store %arg8[%swap3A_422, %swap3A_423, %swap3A_424], %swap3A_427 {strides = array<i32>} : memref<8x8x16xf32, #tpu.memory_space<vmem>>, vector<1x1x16xf32>,
        %broadcast_in_dim3A_428 = vector.broadcast %squeeze3A : f32 to vector<16xf32>
        %swap3A_429 = arith.constant 1 : i32
        %swap3A_430 = arith.index_cast %scan3A_420 : i32 to index
        %swap3A_431 = arith.index_cast %swap3A_429 : i32 to index
        %swap3A_432 = arith.constant 0 : index
        %swap3A_433 = tpu.vector_load %arg8[%swap3A_430, %swap3A_431, %swap3A_432] {strides = array<i32>} : memref<8x8x16xf32, #tpu.memory_space<vmem>>, vector<1x1x16xf32>,
        %swap3A_434 = vector.shape_cast %swap3A_433 : vector<1x1x16xf32> to vector<16xf32>
        %swap3A_435 = vector.shape_cast %broadcast_in_dim3A_428 : vector<16xf32> to vector<1x1x16xf32>
        tpu.vector_store %arg8[%swap3A_430, %swap3A_431, %swap3A_432], %swap3A_435 {strides = array<i32>} : memref<8x8x16xf32, #tpu.memory_space<vmem>>, vector<1x1x16xf32>,
        %broadcast_in_dim3A_436 = vector.broadcast %squeeze3A : f32 to vector<16xf32>
        %swap3A_437 = arith.constant 2 : i32
        %swap3A_438 = arith.index_cast %scan3A_420 : i32 to index
        %swap3A_439 = arith.index_cast %swap3A_437 : i32 to index
        %swap3A_440 = arith.constant 0 : index
        %swap3A_441 = tpu.vector_load %arg8[%swap3A_438, %swap3A_439, %swap3A_440] {strides = array<i32>} : memref<8x8x16xf32, #tpu.memory_space<vmem>>, vector<1x1x16xf32>,
        %swap3A_442 = vector.shape_cast %swap3A_441 : vector<1x1x16xf32> to vector<16xf32>
        %swap3A_443 = vector.shape_cast %broadcast_in_dim3A_436 : vector<16xf32> to vector<1x1x16xf32>
        tpu.vector_store %arg8[%swap3A_438, %swap3A_439, %swap3A_440], %swap3A_443 {strides = array<i32>} : memref<8x8x16xf32, #tpu.memory_space<vmem>>, vector<1x1x16xf32>,
        %broadcast_in_dim3A_444 = vector.broadcast %squeeze3A : f32 to vector<16xf32>
        %swap3A_445 = arith.constant 3 : i32
        %swap3A_446 = arith.index_cast %scan3A_420 : i32 to index
        %swap3A_447 = arith.index_cast %swap3A_445 : i32 to index
        %swap3A_448 = arith.constant 0 : index
        %swap3A_449 = tpu.vector_load %arg8[%swap3A_446, %swap3A_447, %swap3A_448] {strides = array<i32>} : memref<8x8x16xf32, #tpu.memory_space<vmem>>, vector<1x1x16xf32>,
        %swap3A_450 = vector.shape_cast %swap3A_449 : vector<1x1x16xf32> to vector<16xf32>
        %swap3A_451 = vector.shape_cast %broadcast_in_dim3A_444 : vector<16xf32> to vector<1x1x16xf32>
        tpu.vector_store %arg8[%swap3A_446, %swap3A_447, %swap3A_448], %swap3A_451 {strides = array<i32>} : memref<8x8x16xf32, #tpu.memory_space<vmem>>, vector<1x1x16xf32>,
        %broadcast_in_dim3A_452 = vector.broadcast %squeeze3A : f32 to vector<16xf32>
        %swap3A_453 = arith.constant 4 : i32
        %swap3A_454 = arith.index_cast %scan3A_420 : i32 to index
        %swap3A_455 = arith.index_cast %swap3A_453 : i32 to index
        %swap3A_456 = arith.constant 0 : index
        %swap3A_457 = tpu.vector_load %arg8[%swap3A_454, %swap3A_455, %swap3A_456] {strides = array<i32>} : memref<8x8x16xf32, #tpu.memory_space<vmem>>, vector<1x1x16xf32>,
        %swap3A_458 = vector.shape_cast %swap3A_457 : vector<1x1x16xf32> to vector<16xf32>
        %swap3A_459 = vector.shape_cast %broadcast_in_dim3A_452 : vector<16xf32> to vector<1x1x16xf32>
        tpu.vector_store %arg8[%swap3A_454, %swap3A_455, %swap3A_456], %swap3A_459 {strides = array<i32>} : memref<8x8x16xf32, #tpu.memory_space<vmem>>, vector<1x1x16xf32>,
        %broadcast_in_dim3A_460 = vector.broadcast %squeeze3A : f32 to vector<16xf32>
        %swap3A_461 = arith.constant 5 : i32
        %swap3A_462 = arith.index_cast %scan3A_420 : i32 to index
        %swap3A_463 = arith.index_cast %swap3A_461 : i32 to index
        %swap3A_464 = arith.constant 0 : index
        %swap3A_465 = tpu.vector_load %arg8[%swap3A_462, %swap3A_463, %swap3A_464] {strides = array<i32>} : memref<8x8x16xf32, #tpu.memory_space<vmem>>, vector<1x1x16xf32>,
        %swap3A_466 = vector.shape_cast %swap3A_465 : vector<1x1x16xf32> to vector<16xf32>
        %swap3A_467 = vector.shape_cast %broadcast_in_dim3A_460 : vector<16xf32> to vector<1x1x16xf32>
        tpu.vector_store %arg8[%swap3A_462, %swap3A_463, %swap3A_464], %swap3A_467 {strides = array<i32>} : memref<8x8x16xf32, #tpu.memory_space<vmem>>, vector<1x1x16xf32>,
        %broadcast_in_dim3A_468 = vector.broadcast %squeeze3A : f32 to vector<16xf32>
        %swap3A_469 = arith.constant 6 : i32
        %swap3A_470 = arith.index_cast %scan3A_420 : i32 to index
        %swap3A_471 = arith.index_cast %swap3A_469 : i32 to index
        %swap3A_472 = arith.constant 0 : index
        %swap3A_473 = tpu.vector_load %arg8[%swap3A_470, %swap3A_471, %swap3A_472] {strides = array<i32>} : memref<8x8x16xf32, #tpu.memory_space<vmem>>, vector<1x1x16xf32>,
        %swap3A_474 = vector.shape_cast %swap3A_473 : vector<1x1x16xf32> to vector<16xf32>
        %swap3A_475 = vector.shape_cast %broadcast_in_dim3A_468 : vector<16xf32> to vector<1x1x16xf32>
        tpu.vector_store %arg8[%swap3A_470, %swap3A_471, %swap3A_472], %swap3A_475 {strides = array<i32>} : memref<8x8x16xf32, #tpu.memory_space<vmem>>, vector<1x1x16xf32>,
        %broadcast_in_dim3A_476 = vector.broadcast %squeeze3A : f32 to vector<16xf32>
        %swap3A_477 = arith.constant 7 : i32
        %swap3A_478 = arith.index_cast %scan3A_420 : i32 to index
        %swap3A_479 = arith.index_cast %swap3A_477 : i32 to index
        %swap3A_480 = arith.constant 0 : index
        %swap3A_481 = tpu.vector_load %arg8[%swap3A_478, %swap3A_479, %swap3A_480] {strides = array<i32>} : memref<8x8x16xf32, #tpu.memory_space<vmem>>, vector<1x1x16xf32>,
        %swap3A_482 = vector.shape_cast %swap3A_481 : vector<1x1x16xf32> to vector<16xf32>
        %swap3A_483 = vector.shape_cast %broadcast_in_dim3A_476 : vector<16xf32> to vector<1x1x16xf32>
        tpu.vector_store %arg8[%swap3A_478, %swap3A_479, %swap3A_480], %swap3A_483 {strides = array<i32>} : memref<8x8x16xf32, #tpu.memory_space<vmem>>, vector<1x1x16xf32>,
        %scan3A_484 = arith.constant 0 : i32
        scf.yield %scan3A_484 : i32
      }
      %scan3A_87 = arith.constant 8 : i32
      %scan3A_88 = arith.constant 0 : i32
      %scan3A_89 = arith.constant 0 : i32
      %mul3A_90 = arith.constant 2 : i32
      %mul3A_91 = arith.muli %mul3A_90, %scan3A_89 : i32
      %add3A_92 = arith.constant 0 : i32
      %add3A_93 = arith.addi %mul3A_91, %add3A_92 : i32
      %add3A_94 = arith.constant 1 : i32
      %add3A_95 = arith.addi %add3A_93, %add3A_94 : i32
      %lt3A_96 = arith.constant 2 : i32
      %lt3A_97 = arith.cmpi slt, %add3A_95, %lt3A_96 : i32
      %add3A_98 = arith.constant 16 : i32
      %add3A_99 = arith.addi %add3A_81, %add3A_98 : i32
      %lt3A_100 = arith.constant 80 : i32
      %lt3A_101 = arith.cmpi slt, %add3A_99, %lt3A_100 : i32
      %or3A = arith.ori %lt3A_97, %lt3A_101 : i1
      %convert_element_type3A_102 = arith.extui %or3A : i1 to i32
      %cond3A_103 = arith.constant 0 : i32
      %cond3A_104 = arith.cmpi ne, %convert_element_type3A_102, %cond3A_103 : i32
      scf.if %cond3A_104 {
        %lt3A_420 = arith.constant 2 : i32
        %lt3A_421 = arith.cmpi slt, %add3A_95, %lt3A_420 : i32
        %add3A_422 = arith.constant 16 : i32
        %add3A_423 = arith.addi %add3A_81, %add3A_422 : i32
        %select_n3A_424 = arith.select %lt3A_421, %add3A_81, %add3A_423 : i32
        %rem3A_425 = arith.constant 2 : i32
        %rem3A_426 = arith.remsi %add3A_95, %rem3A_425 : i32
        %mul3A_427 = arith.constant 10 : i32
        %mul3A_428 = arith.muli %arg0, %mul3A_427 : i32
        %jit3A_429 = arith.constant 8 : i32
        %div3A_430 = arith.divsi %select_n3A_424, %jit3A_429 : i32
        %sign3A_431 = arith.constant 0 : i32
        %sign3A_432 = arith.cmpi sgt, %select_n3A_424, %sign3A_431 : i32
        %sign3A_433 = arith.extui %sign3A_432 : i1 to i32
        %sign3A_434 = arith.constant 0 : i32
        %sign3A_435 = arith.cmpi slt, %select_n3A_424, %sign3A_434 : i32
        %sign3A_436 = arith.extui %sign3A_435 : i1 to i32
        %sign3A_437 = arith.subi %sign3A_433, %sign3A_436 : i32
        %sign3A_438 = arith.constant 0 : i32
        %sign3A_439 = arith.cmpi sgt, %jit3A_429, %sign3A_438 : i32
        %sign3A_440 = arith.extui %sign3A_439 : i1 to i32
        %sign3A_441 = arith.constant 0 : i32
        %sign3A_442 = arith.cmpi slt, %jit3A_429, %sign3A_441 : i32
        %sign3A_443 = arith.extui %sign3A_442 : i1 to i32
        %sign3A_444 = arith.subi %sign3A_440, %sign3A_443 : i32
        %ne3A_445 = arith.cmpi ne, %sign3A_437, %sign3A_444 : i32
        %rem3A_446 = arith.remsi %select_n3A_424, %jit3A_429 : i32
        %ne3A_447 = arith.constant 0 : i32
        %ne3A_448 = arith.cmpi ne, %rem3A_446, %ne3A_447 : i32
        %and3A_449 = arith.andi %ne3A_445, %ne3A_448 : i1
        %sub3A_450 = arith.constant 1 : i32
        %sub3A_451 = arith.subi %div3A_430, %sub3A_450 : i32
        %select_n3A_452 = arith.select %and3A_449, %sub3A_451, %div3A_430 : i32
        %add3A_453 = arith.addi %mul3A_428, %select_n3A_452 : i32
        %add3A_454 = arith.constant 28 : i32
        %add3A_455 = arith.addi %add3A_454, %add3A_453 : i32
        %jit3A_456 = arith.constant 6 : i32
        %div3A_457 = arith.divsi %add3A_455, %jit3A_456 : i32
        %sign3A_458 = arith.constant 0 : i32
        %sign3A_459 = arith.cmpi sgt, %add3A_455, %sign3A_458 : i32
        %sign3A_460 = arith.extui %sign3A_459 : i1 to i32
        %sign3A_461 = arith.constant 0 : i32
        %sign3A_462 = arith.cmpi slt, %add3A_455, %sign3A_461 : i32
        %sign3A_463 = arith.extui %sign3A_462 : i1 to i32
        %sign3A_464 = arith.subi %sign3A_460, %sign3A_463 : i32
        %sign3A_465 = arith.constant 0 : i32
        %sign3A_466 = arith.cmpi sgt, %jit3A_456, %sign3A_465 : i32
        %sign3A_467 = arith.extui %sign3A_466 : i1 to i32
        %sign3A_468 = arith.constant 0 : i32
        %sign3A_469 = arith.cmpi slt, %jit3A_456, %sign3A_468 : i32
        %sign3A_470 = arith.extui %sign3A_469 : i1 to i32
        %sign3A_471 = arith.subi %sign3A_467, %sign3A_470 : i32
        %ne3A_472 = arith.cmpi ne, %sign3A_464, %sign3A_471 : i32
        %rem3A_473 = arith.remsi %add3A_455, %jit3A_456 : i32
        %ne3A_474 = arith.constant 0 : i32
        %ne3A_475 = arith.cmpi ne, %rem3A_473, %ne3A_474 : i32
        %and3A_476 = arith.andi %ne3A_472, %ne3A_475 : i1
        %sub3A_477 = arith.constant 1 : i32
        %sub3A_478 = arith.subi %div3A_457, %sub3A_477 : i32
        %select_n3A_479 = arith.select %and3A_476, %sub3A_478, %div3A_457 : i32
        %jit3A_480 = arith.constant 6 : i32
        %eq3A_481 = arith.constant 0 : i32
        %eq3A_482 = arith.cmpi eq, %jit3A_480, %eq3A_481 : i32
        %jit3A_483 = arith.constant 1 : i32
        %select_n3A_484 = arith.select %eq3A_482, %jit3A_483, %jit3A_480 : i32
        %rem3A_485 = arith.remsi %add3A_455, %select_n3A_484 : i32
        %ne3A_486 = arith.constant 0 : i32
        %ne3A_487 = arith.cmpi ne, %rem3A_485, %ne3A_486 : i32
        %lt3A_488 = arith.constant 0 : i32
        %lt3A_489 = arith.cmpi slt, %rem3A_485, %lt3A_488 : i32
        %lt3A_490 = arith.constant 0 : i32
        %lt3A_491 = arith.cmpi slt, %select_n3A_484, %lt3A_490 : i32
        %ne3A_492 = arith.xori %lt3A_489, %lt3A_491 : i1
        %and3A_493 = arith.andi %ne3A_492, %ne3A_487 : i1
        %add3A_494 = arith.addi %rem3A_485, %select_n3A_484 : i32
        %select_n3A_495 = arith.select %and3A_493, %add3A_494, %rem3A_485 : i32
        %jit3A_496 = arith.constant 8 : i32
        %eq3A_497 = arith.constant 0 : i32
        %eq3A_498 = arith.cmpi eq, %jit3A_496, %eq3A_497 : i32
        %jit3A_499 = arith.constant 1 : i32
        %select_n3A_500 = arith.select %eq3A_498, %jit3A_499, %jit3A_496 : i32
        %rem3A_501 = arith.remsi %select_n3A_424, %select_n3A_500 : i32
        %ne3A_502 = arith.constant 0 : i32
        %ne3A_503 = arith.cmpi ne, %rem3A_501, %ne3A_502 : i32
        %lt3A_504 = arith.constant 0 : i32
        %lt3A_505 = arith.cmpi slt, %rem3A_501, %lt3A_504 : i32
        %lt3A_506 = arith.constant 0 : i32
        %lt3A_507 = arith.cmpi slt, %select_n3A_500, %lt3A_506 : i32
        %ne3A_508 = arith.xori %lt3A_505, %lt3A_507 : i1
        %and3A_509 = arith.andi %ne3A_508, %ne3A_503 : i1
        %add3A_510 = arith.addi %rem3A_501, %select_n3A_500 : i32
        %select_n3A_511 = arith.select %and3A_509, %add3A_510, %rem3A_501 : i32
        %mul3A_512 = arith.constant 512 : i32
        %mul3A_513 = arith.muli %select_n3A_511, %mul3A_512 : i32
        %mul3A_514 = arith.constant 256 : i32
        %mul3A_515 = arith.muli %rem3A_426, %mul3A_514 : i32
        %add3A_516 = arith.addi %mul3A_513, %mul3A_515 : i32
        %mul3A_517 = arith.constant 128 : i32
        %mul3A_518 = arith.muli %select_n3A_495, %mul3A_517 : i32
        %dma_start3A = tpu.memref_slice %arg2[%select_n3A_479, %add3A_516, %mul3A_518] : memref<8x4096x768xf32, #tpu.memory_space<hbm>> -> memref<1x256x128xf32, #tpu.memory_space<hbm>>
        %dma_start3A_519 = tpu.memref_squeeze %dma_start3A : memref<1x256x128xf32, #tpu.memory_space<hbm>> -> memref<256x128xf32, #tpu.memory_space<hbm>>
        %dma_start3A_520 = tpu.memref_slice %arg2[%select_n3A_479, %add3A_516, %mul3A_518] : memref<8x4096x768xf32, #tpu.memory_space<hbm>> -> memref<1x256x128xf32, #tpu.memory_space<hbm>>
        %dma_start3A_521 = tpu.memref_squeeze %dma_start3A_520 : memref<1x256x128xf32, #tpu.memory_space<hbm>> -> memref<256x128xf32, #tpu.memory_space<hbm>>
        tpu.enqueue_dma source(%dma_start3A_521 : memref<256x128xf32, #tpu.memory_space<hbm>>) target(%arg7 : memref<256x128xf32, #tpu.memory_space<vmem>>) target_semaphore(%arg12 : memref<!tpu.dma_semaphore, #tpu.memory_space<semaphore_mem>>)
      } else {
      }
      %mul3A_105 = arith.constant 10 : i32
      %mul3A_106 = arith.muli %arg0, %mul3A_105 : i32
      %jit3A_107 = arith.constant 8 : i32
      %div3A_108 = arith.divsi %add3A_81, %jit3A_107 : i32
      %sign3A_109 = arith.constant 0 : i32
      %sign3A_110 = arith.cmpi sgt, %add3A_81, %sign3A_109 : i32
      %sign3A_111 = arith.extui %sign3A_110 : i1 to i32
      %sign3A_112 = arith.constant 0 : i32
      %sign3A_113 = arith.cmpi slt, %add3A_81, %sign3A_112 : i32
      %sign3A_114 = arith.extui %sign3A_113 : i1 to i32
      %sign3A_115 = arith.subi %sign3A_111, %sign3A_114 : i32
      %sign3A_116 = arith.constant 0 : i32
      %sign3A_117 = arith.cmpi sgt, %jit3A_107, %sign3A_116 : i32
      %sign3A_118 = arith.extui %sign3A_117 : i1 to i32
      %sign3A_119 = arith.constant 0 : i32
      %sign3A_120 = arith.cmpi slt, %jit3A_107, %sign3A_119 : i32
      %sign3A_121 = arith.extui %sign3A_120 : i1 to i32
      %sign3A_122 = arith.subi %sign3A_118, %sign3A_121 : i32
      %ne3A_123 = arith.cmpi ne, %sign3A_115, %sign3A_122 : i32
      %rem3A_124 = arith.remsi %add3A_81, %jit3A_107 : i32
      %ne3A_125 = arith.constant 0 : i32
      %ne3A_126 = arith.cmpi ne, %rem3A_124, %ne3A_125 : i32
      %and3A_127 = arith.andi %ne3A_123, %ne3A_126 : i1
      %sub3A_128 = arith.constant 1 : i32
      %sub3A_129 = arith.subi %div3A_108, %sub3A_128 : i32
      %select_n3A_130 = arith.select %and3A_127, %sub3A_129, %div3A_108 : i32
      %add3A_131 = arith.addi %mul3A_106, %select_n3A_130 : i32
      %add3A_132 = arith.constant 28 : i32
      %add3A_133 = arith.addi %add3A_132, %add3A_131 : i32
      %jit3A_134 = arith.constant 6 : i32
      %div3A_135 = arith.divsi %add3A_133, %jit3A_134 : i32
      %sign3A_136 = arith.constant 0 : i32
      %sign3A_137 = arith.cmpi sgt, %add3A_133, %sign3A_136 : i32
      %sign3A_138 = arith.extui %sign3A_137 : i1 to i32
      %sign3A_139 = arith.constant 0 : i32
      %sign3A_140 = arith.cmpi slt, %add3A_133, %sign3A_139 : i32
      %sign3A_141 = arith.extui %sign3A_140 : i1 to i32
      %sign3A_142 = arith.subi %sign3A_138, %sign3A_141 : i32
      %sign3A_143 = arith.constant 0 : i32
      %sign3A_144 = arith.cmpi sgt, %jit3A_134, %sign3A_143 : i32
      %sign3A_145 = arith.extui %sign3A_144 : i1 to i32
      %sign3A_146 = arith.constant 0 : i32
      %sign3A_147 = arith.cmpi slt, %jit3A_134, %sign3A_146 : i32
      %sign3A_148 = arith.extui %sign3A_147 : i1 to i32
      %sign3A_149 = arith.subi %sign3A_145, %sign3A_148 : i32
      %ne3A_150 = arith.cmpi ne, %sign3A_142, %sign3A_149 : i32
      %rem3A_151 = arith.remsi %add3A_133, %jit3A_134 : i32
      %ne3A_152 = arith.constant 0 : i32
      %ne3A_153 = arith.cmpi ne, %rem3A_151, %ne3A_152 : i32
      %and3A_154 = arith.andi %ne3A_150, %ne3A_153 : i1
      %sub3A_155 = arith.constant 1 : i32
      %sub3A_156 = arith.subi %div3A_135, %sub3A_155 : i32
      %select_n3A_157 = arith.select %and3A_154, %sub3A_156, %div3A_135 : i32
      %jit3A_158 = arith.constant 6 : i32
      %eq3A = arith.constant 0 : i32
      %eq3A_159 = arith.cmpi eq, %jit3A_158, %eq3A : i32
      %jit3A_160 = arith.constant 1 : i32
      %select_n3A_161 = arith.select %eq3A_159, %jit3A_160, %jit3A_158 : i32
      %rem3A_162 = arith.remsi %add3A_133, %select_n3A_161 : i32
      %ne3A_163 = arith.constant 0 : i32
      %ne3A_164 = arith.cmpi ne, %rem3A_162, %ne3A_163 : i32
      %lt3A_165 = arith.constant 0 : i32
      %lt3A_166 = arith.cmpi slt, %rem3A_162, %lt3A_165 : i32
      %lt3A_167 = arith.constant 0 : i32
      %lt3A_168 = arith.cmpi slt, %select_n3A_161, %lt3A_167 : i32
      %ne3A_169 = arith.xori %lt3A_166, %lt3A_168 : i1
      %and3A_170 = arith.andi %ne3A_169, %ne3A_164 : i1
      %add3A_171 = arith.addi %rem3A_162, %select_n3A_161 : i32
      %select_n3A_172 = arith.select %and3A_170, %add3A_171, %rem3A_162 : i32
      %jit3A_173 = arith.constant 8 : i32
      %eq3A_174 = arith.constant 0 : i32
      %eq3A_175 = arith.cmpi eq, %jit3A_173, %eq3A_174 : i32
      %jit3A_176 = arith.constant 1 : i32
      %select_n3A_177 = arith.select %eq3A_175, %jit3A_176, %jit3A_173 : i32
      %rem3A_178 = arith.remsi %add3A_81, %select_n3A_177 : i32
      %ne3A_179 = arith.constant 0 : i32
      %ne3A_180 = arith.cmpi ne, %rem3A_178, %ne3A_179 : i32
      %lt3A_181 = arith.constant 0 : i32
      %lt3A_182 = arith.cmpi slt, %rem3A_178, %lt3A_181 : i32
      %lt3A_183 = arith.constant 0 : i32
      %lt3A_184 = arith.cmpi slt, %select_n3A_177, %lt3A_183 : i32
      %ne3A_185 = arith.xori %lt3A_182, %lt3A_184 : i1
      %and3A_186 = arith.andi %ne3A_185, %ne3A_180 : i1
      %add3A_187 = arith.addi %rem3A_178, %select_n3A_177 : i32
      %select_n3A_188 = arith.select %and3A_186, %add3A_187, %rem3A_178 : i32
      %mul3A_189 = arith.constant 512 : i32
      %mul3A_190 = arith.muli %select_n3A_188, %mul3A_189 : i32
      %mul3A_191 = arith.constant 256 : i32
      %mul3A_192 = arith.muli %add3A_93, %mul3A_191 : i32
      %add3A_193 = arith.addi %mul3A_190, %mul3A_192 : i32
      %mul3A_194 = arith.constant 128 : i32
      %mul3A_195 = arith.muli %select_n3A_172, %mul3A_194 : i32
      %dma_wait3A = tpu.memref_slice %arg2[%select_n3A_157, %add3A_193, %mul3A_195] : memref<8x4096x768xf32, #tpu.memory_space<hbm>> -> memref<1x256x128xf32, #tpu.memory_space<hbm>>
      %dma_wait3A_196 = tpu.memref_squeeze %dma_wait3A : memref<1x256x128xf32, #tpu.memory_space<hbm>> -> memref<256x128xf32, #tpu.memory_space<hbm>>
      %dma_wait3A_197 = tpu.memref_slice %arg2[%select_n3A_157, %add3A_193, %mul3A_195] : memref<8x4096x768xf32, #tpu.memory_space<hbm>> -> memref<1x256x128xf32, #tpu.memory_space<hbm>>
      %dma_wait3A_198 = tpu.memref_squeeze %dma_wait3A_197 : memref<1x256x128xf32, #tpu.memory_space<hbm>> -> memref<256x128xf32, #tpu.memory_space<hbm>>
      tpu.wait_dma2 semaphore(%arg11 : memref<!tpu.dma_semaphore, #tpu.memory_space<semaphore_mem>>) src(%dma_wait3A_198 : memref<256x128xf32, #tpu.memory_space<hbm>>) dst(%arg6 : memref<256x128xf32, #tpu.memory_space<vmem>>)
      %scan3A_199 = arith.constant 0 : i32
      %scan3A_200 = arith.constant 0 : i32
      %scan3A_201 = arith.constant 8 : i32
      %scan3A_202 = arith.addi %scan3A_200, %scan3A_201 : i32
      %scan3A_203 = arith.constant 1 : i32
      %scan3A_204 = scf.for %scan3A_420 = %scan3A_200 to %scan3A_202 step %scan3A_203 iter_args(%scan3A_421 = %scan3A_199) -> (i32)  : i32 {
        %get3A_422 = arith.constant 0 : i32
        %get3A_423 = arith.index_cast %scan3A_420 : i32 to index
        %get3A_424 = arith.index_cast %get3A_422 : i32 to index
        %get3A_425 = arith.constant 0 : index
        %get3A_426 = tpu.vector_load %arg8[%get3A_423, %get3A_424, %get3A_425] {strides = array<i32>} : memref<8x8x16xf32, #tpu.memory_space<vmem>>, vector<1x1x16xf32>,
        %get3A_427 = vector.shape_cast %get3A_426 : vector<1x1x16xf32> to vector<16xf32>
        %get3A_428 = arith.constant 1 : i32
        %get3A_429 = arith.index_cast %scan3A_420 : i32 to index
        %get3A_430 = arith.index_cast %get3A_428 : i32 to index
        %get3A_431 = arith.constant 0 : index
        %get3A_432 = tpu.vector_load %arg8[%get3A_429, %get3A_430, %get3A_431] {strides = array<i32>} : memref<8x8x16xf32, #tpu.memory_space<vmem>>, vector<1x1x16xf32>,
        %get3A_433 = vector.shape_cast %get3A_432 : vector<1x1x16xf32> to vector<16xf32>
        %get3A_434 = arith.constant 2 : i32
        %get3A_435 = arith.index_cast %scan3A_420 : i32 to index
        %get3A_436 = arith.index_cast %get3A_434 : i32 to index
        %get3A_437 = arith.constant 0 : index
        %get3A_438 = tpu.vector_load %arg8[%get3A_435, %get3A_436, %get3A_437] {strides = array<i32>} : memref<8x8x16xf32, #tpu.memory_space<vmem>>, vector<1x1x16xf32>,
        %get3A_439 = vector.shape_cast %get3A_438 : vector<1x1x16xf32> to vector<16xf32>
        %get3A_440 = arith.constant 3 : i32
        %get3A_441 = arith.index_cast %scan3A_420 : i32 to index
        %get3A_442 = arith.index_cast %get3A_440 : i32 to index
        %get3A_443 = arith.constant 0 : index
        %get3A_444 = tpu.vector_load %arg8[%get3A_441, %get3A_442, %get3A_443] {strides = array<i32>} : memref<8x8x16xf32, #tpu.memory_space<vmem>>, vector<1x1x16xf32>,
        %get3A_445 = vector.shape_cast %get3A_444 : vector<1x1x16xf32> to vector<16xf32>
        %get3A_446 = arith.constant 4 : i32
        %get3A_447 = arith.index_cast %scan3A_420 : i32 to index
        %get3A_448 = arith.index_cast %get3A_446 : i32 to index
        %get3A_449 = arith.constant 0 : index
        %get3A_450 = tpu.vector_load %arg8[%get3A_447, %get3A_448, %get3A_449] {strides = array<i32>} : memref<8x8x16xf32, #tpu.memory_space<vmem>>, vector<1x1x16xf32>,
        %get3A_451 = vector.shape_cast %get3A_450 : vector<1x1x16xf32> to vector<16xf32>
        %get3A_452 = arith.constant 5 : i32
        %get3A_453 = arith.index_cast %scan3A_420 : i32 to index
        %get3A_454 = arith.index_cast %get3A_452 : i32 to index
        %get3A_455 = arith.constant 0 : index
        %get3A_456 = tpu.vector_load %arg8[%get3A_453, %get3A_454, %get3A_455] {strides = array<i32>} : memref<8x8x16xf32, #tpu.memory_space<vmem>>, vector<1x1x16xf32>,
        %get3A_457 = vector.shape_cast %get3A_456 : vector<1x1x16xf32> to vector<16xf32>
        %get3A_458 = arith.constant 6 : i32
        %get3A_459 = arith.index_cast %scan3A_420 : i32 to index
        %get3A_460 = arith.index_cast %get3A_458 : i32 to index
        %get3A_461 = arith.constant 0 : index
        %get3A_462 = tpu.vector_load %arg8[%get3A_459, %get3A_460, %get3A_461] {strides = array<i32>} : memref<8x8x16xf32, #tpu.memory_space<vmem>>, vector<1x1x16xf32>,
        %get3A_463 = vector.shape_cast %get3A_462 : vector<1x1x16xf32> to vector<16xf32>
        %get3A_464 = arith.constant 7 : i32
        %get3A_465 = arith.index_cast %scan3A_420 : i32 to index
        %get3A_466 = arith.index_cast %get3A_464 : i32 to index
        %get3A_467 = arith.constant 0 : index
        %get3A_468 = tpu.vector_load %arg8[%get3A_465, %get3A_466, %get3A_467] {strides = array<i32>} : memref<8x8x16xf32, #tpu.memory_space<vmem>>, vector<1x1x16xf32>,
        %get3A_469 = vector.shape_cast %get3A_468 : vector<1x1x16xf32> to vector<16xf32>
        %scan3A_470 = arith.constant 0 : i32
        %scan3A_471 = arith.constant 16 : i32
        %scan3A_472 = arith.addi %scan3A_470, %scan3A_471 : i32
        %scan3A_473 = arith.constant 1 : i32
        %scan3A_474:8 = scf.for %scan3A_532 = %scan3A_470 to %scan3A_472 step %scan3A_473 iter_args(%scan3A_533 = %get3A_427, %scan3A_534 = %get3A_433, %scan3A_535 = %get3A_439, %scan3A_536 = %get3A_445, %scan3A_537 = %get3A_451, %scan3A_538 = %get3A_457, %scan3A_539 = %get3A_463, %scan3A_540 = %get3A_469) -> (vector<16xf32>, vector<16xf32>, vector<16xf32>, vector<16xf32>, vector<16xf32>, vector<16xf32>, vector<16xf32>, vector<16xf32>)  : i32 {
          %mul3A_541 = arith.constant 16 : i32
          %mul3A_542 = arith.muli %scan3A_532, %mul3A_541 : i32
          %add3A_543 = arith.constant 0 : i32
          %add3A_544 = arith.addi %mul3A_542, %add3A_543 : i32
          %mul3A_545 = arith.constant 16 : i32
          %mul3A_546 = arith.muli %scan3A_420, %mul3A_545 : i32
          %get3A_547 = arith.index_cast %add3A_544 : i32 to index
          %get3A_548 = arith.index_cast %mul3A_546 : i32 to index
          %get3A_549 = tpu.vector_load %arg6[%get3A_547, %get3A_548] {strides = array<i32>} : memref<256x128xf32, #tpu.memory_space<vmem>>, vector<1x16xf32>,
          %get3A_550 = vector.shape_cast %get3A_549 : vector<1x16xf32> to vector<16xf32>
          %mul3A_551 = arith.constant 16 : i32
          %mul3A_552 = arith.muli %scan3A_532, %mul3A_551 : i32
          %add3A_553 = arith.constant 1 : i32
          %add3A_554 = arith.addi %mul3A_552, %add3A_553 : i32
          %mul3A_555 = arith.constant 16 : i32
          %mul3A_556 = arith.muli %scan3A_420, %mul3A_555 : i32
          %get3A_557 = arith.index_cast %add3A_554 : i32 to index
          %get3A_558 = arith.index_cast %mul3A_556 : i32 to index
          %get3A_559 = tpu.vector_load %arg6[%get3A_557, %get3A_558] {strides = array<i32>} : memref<256x128xf32, #tpu.memory_space<vmem>>, vector<1x16xf32>,
          %get3A_560 = vector.shape_cast %get3A_559 : vector<1x16xf32> to vector<16xf32>
          %mul3A_561 = arith.constant 16 : i32
          %mul3A_562 = arith.muli %scan3A_532, %mul3A_561 : i32
          %add3A_563 = arith.constant 2 : i32
          %add3A_564 = arith.addi %mul3A_562, %add3A_563 : i32
          %mul3A_565 = arith.constant 16 : i32
          %mul3A_566 = arith.muli %scan3A_420, %mul3A_565 : i32
          %get3A_567 = arith.index_cast %add3A_564 : i32 to index
          %get3A_568 = arith.index_cast %mul3A_566 : i32 to index
          %get3A_569 = tpu.vector_load %arg6[%get3A_567, %get3A_568] {strides = array<i32>} : memref<256x128xf32, #tpu.memory_space<vmem>>, vector<1x16xf32>,
          %get3A_570 = vector.shape_cast %get3A_569 : vector<1x16xf32> to vector<16xf32>
          %mul3A_571 = arith.constant 16 : i32
          %mul3A_572 = arith.muli %scan3A_532, %mul3A_571 : i32
          %add3A_573 = arith.constant 3 : i32
          %add3A_574 = arith.addi %mul3A_572, %add3A_573 : i32
          %mul3A_575 = arith.constant 16 : i32
          %mul3A_576 = arith.muli %scan3A_420, %mul3A_575 : i32
          %get3A_577 = arith.index_cast %add3A_574 : i32 to index
          %get3A_578 = arith.index_cast %mul3A_576 : i32 to index
          %get3A_579 = tpu.vector_load %arg6[%get3A_577, %get3A_578] {strides = array<i32>} : memref<256x128xf32, #tpu.memory_space<vmem>>, vector<1x16xf32>,
          %get3A_580 = vector.shape_cast %get3A_579 : vector<1x16xf32> to vector<16xf32>
          %mul3A_581 = arith.constant 16 : i32
          %mul3A_582 = arith.muli %scan3A_532, %mul3A_581 : i32
          %add3A_583 = arith.constant 4 : i32
          %add3A_584 = arith.addi %mul3A_582, %add3A_583 : i32
          %mul3A_585 = arith.constant 16 : i32
          %mul3A_586 = arith.muli %scan3A_420, %mul3A_585 : i32
          %get3A_587 = arith.index_cast %add3A_584 : i32 to index
          %get3A_588 = arith.index_cast %mul3A_586 : i32 to index
          %get3A_589 = tpu.vector_load %arg6[%get3A_587, %get3A_588] {strides = array<i32>} : memref<256x128xf32, #tpu.memory_space<vmem>>, vector<1x16xf32>,
          %get3A_590 = vector.shape_cast %get3A_589 : vector<1x16xf32> to vector<16xf32>
          %mul3A_591 = arith.constant 16 : i32
          %mul3A_592 = arith.muli %scan3A_532, %mul3A_591 : i32
          %add3A_593 = arith.constant 5 : i32
          %add3A_594 = arith.addi %mul3A_592, %add3A_593 : i32
          %mul3A_595 = arith.constant 16 : i32
          %mul3A_596 = arith.muli %scan3A_420, %mul3A_595 : i32
          %get3A_597 = arith.index_cast %add3A_594 : i32 to index
          %get3A_598 = arith.index_cast %mul3A_596 : i32 to index
          %get3A_599 = tpu.vector_load %arg6[%get3A_597, %get3A_598] {strides = array<i32>} : memref<256x128xf32, #tpu.memory_space<vmem>>, vector<1x16xf32>,
          %get3A_600 = vector.shape_cast %get3A_599 : vector<1x16xf32> to vector<16xf32>
          %mul3A_601 = arith.constant 16 : i32
          %mul3A_602 = arith.muli %scan3A_532, %mul3A_601 : i32
          %add3A_603 = arith.constant 6 : i32
          %add3A_604 = arith.addi %mul3A_602, %add3A_603 : i32
          %mul3A_605 = arith.constant 16 : i32
          %mul3A_606 = arith.muli %scan3A_420, %mul3A_605 : i32
          %get3A_607 = arith.index_cast %add3A_604 : i32 to index
          %get3A_608 = arith.index_cast %mul3A_606 : i32 to index
          %get3A_609 = tpu.vector_load %arg6[%get3A_607, %get3A_608] {strides = array<i32>} : memref<256x128xf32, #tpu.memory_space<vmem>>, vector<1x16xf32>,
          %get3A_610 = vector.shape_cast %get3A_609 : vector<1x16xf32> to vector<16xf32>
          %mul3A_611 = arith.constant 16 : i32
          %mul3A_612 = arith.muli %scan3A_532, %mul3A_611 : i32
          %add3A_613 = arith.constant 7 : i32
          %add3A_614 = arith.addi %mul3A_612, %add3A_613 : i32
          %mul3A_615 = arith.constant 16 : i32
          %mul3A_616 = arith.muli %scan3A_420, %mul3A_615 : i32
          %get3A_617 = arith.index_cast %add3A_614 : i32 to index
          %get3A_618 = arith.index_cast %mul3A_616 : i32 to index
          %get3A_619 = tpu.vector_load %arg6[%get3A_617, %get3A_618] {strides = array<i32>} : memref<256x128xf32, #tpu.memory_space<vmem>>, vector<1x16xf32>,
          %get3A_620 = vector.shape_cast %get3A_619 : vector<1x16xf32> to vector<16xf32>
          %mul3A_621 = arith.constant 16 : i32
          %mul3A_622 = arith.muli %scan3A_532, %mul3A_621 : i32
          %add3A_623 = arith.constant 8 : i32
          %add3A_624 = arith.addi %mul3A_622, %add3A_623 : i32
          %mul3A_625 = arith.constant 16 : i32
          %mul3A_626 = arith.muli %scan3A_420, %mul3A_625 : i32
          %get3A_627 = arith.index_cast %add3A_624 : i32 to index
          %get3A_628 = arith.index_cast %mul3A_626 : i32 to index
          %get3A_629 = tpu.vector_load %arg6[%get3A_627, %get3A_628] {strides = array<i32>} : memref<256x128xf32, #tpu.memory_space<vmem>>, vector<1x16xf32>,
          %get3A_630 = vector.shape_cast %get3A_629 : vector<1x16xf32> to vector<16xf32>
          %mul3A_631 = arith.constant 16 : i32
          %mul3A_632 = arith.muli %scan3A_532, %mul3A_631 : i32
          %add3A_633 = arith.constant 9 : i32
          %add3A_634 = arith.addi %mul3A_632, %add3A_633 : i32
          %mul3A_635 = arith.constant 16 : i32
          %mul3A_636 = arith.muli %scan3A_420, %mul3A_635 : i32
          %get3A_637 = arith.index_cast %add3A_634 : i32 to index
          %get3A_638 = arith.index_cast %mul3A_636 : i32 to index
          %get3A_639 = tpu.vector_load %arg6[%get3A_637, %get3A_638] {strides = array<i32>} : memref<256x128xf32, #tpu.memory_space<vmem>>, vector<1x16xf32>,
          %get3A_640 = vector.shape_cast %get3A_639 : vector<1x16xf32> to vector<16xf32>
          %mul3A_641 = arith.constant 16 : i32
          %mul3A_642 = arith.muli %scan3A_532, %mul3A_641 : i32
          %add3A_643 = arith.constant 10 : i32
          %add3A_644 = arith.addi %mul3A_642, %add3A_643 : i32
          %mul3A_645 = arith.constant 16 : i32
          %mul3A_646 = arith.muli %scan3A_420, %mul3A_645 : i32
          %get3A_647 = arith.index_cast %add3A_644 : i32 to index
          %get3A_648 = arith.index_cast %mul3A_646 : i32 to index
          %get3A_649 = tpu.vector_load %arg6[%get3A_647, %get3A_648] {strides = array<i32>} : memref<256x128xf32, #tpu.memory_space<vmem>>, vector<1x16xf32>,
          %get3A_650 = vector.shape_cast %get3A_649 : vector<1x16xf32> to vector<16xf32>
          %mul3A_651 = arith.constant 16 : i32
          %mul3A_652 = arith.muli %scan3A_532, %mul3A_651 : i32
          %add3A_653 = arith.constant 11 : i32
          %add3A_654 = arith.addi %mul3A_652, %add3A_653 : i32
          %mul3A_655 = arith.constant 16 : i32
          %mul3A_656 = arith.muli %scan3A_420, %mul3A_655 : i32
          %get3A_657 = arith.index_cast %add3A_654 : i32 to index
          %get3A_658 = arith.index_cast %mul3A_656 : i32 to index
          %get3A_659 = tpu.vector_load %arg6[%get3A_657, %get3A_658] {strides = array<i32>} : memref<256x128xf32, #tpu.memory_space<vmem>>, vector<1x16xf32>,
          %get3A_660 = vector.shape_cast %get3A_659 : vector<1x16xf32> to vector<16xf32>
          %mul3A_661 = arith.constant 16 : i32
          %mul3A_662 = arith.muli %scan3A_532, %mul3A_661 : i32
          %add3A_663 = arith.constant 12 : i32
          %add3A_664 = arith.addi %mul3A_662, %add3A_663 : i32
          %mul3A_665 = arith.constant 16 : i32
          %mul3A_666 = arith.muli %scan3A_420, %mul3A_665 : i32
          %get3A_667 = arith.index_cast %add3A_664 : i32 to index
          %get3A_668 = arith.index_cast %mul3A_666 : i32 to index
          %get3A_669 = tpu.vector_load %arg6[%get3A_667, %get3A_668] {strides = array<i32>} : memref<256x128xf32, #tpu.memory_space<vmem>>, vector<1x16xf32>,
          %get3A_670 = vector.shape_cast %get3A_669 : vector<1x16xf32> to vector<16xf32>
          %mul3A_671 = arith.constant 16 : i32
          %mul3A_672 = arith.muli %scan3A_532, %mul3A_671 : i32
          %add3A_673 = arith.constant 13 : i32
          %add3A_674 = arith.addi %mul3A_672, %add3A_673 : i32
          %mul3A_675 = arith.constant 16 : i32
          %mul3A_676 = arith.muli %scan3A_420, %mul3A_675 : i32
          %get3A_677 = arith.index_cast %add3A_674 : i32 to index
          %get3A_678 = arith.index_cast %mul3A_676 : i32 to index
          %get3A_679 = tpu.vector_load %arg6[%get3A_677, %get3A_678] {strides = array<i32>} : memref<256x128xf32, #tpu.memory_space<vmem>>, vector<1x16xf32>,
          %get3A_680 = vector.shape_cast %get3A_679 : vector<1x16xf32> to vector<16xf32>
          %mul3A_681 = arith.constant 16 : i32
          %mul3A_682 = arith.muli %scan3A_532, %mul3A_681 : i32
          %add3A_683 = arith.constant 14 : i32
          %add3A_684 = arith.addi %mul3A_682, %add3A_683 : i32
          %mul3A_685 = arith.constant 16 : i32
          %mul3A_686 = arith.muli %scan3A_420, %mul3A_685 : i32
          %get3A_687 = arith.index_cast %add3A_684 : i32 to index
          %get3A_688 = arith.index_cast %mul3A_686 : i32 to index
          %get3A_689 = tpu.vector_load %arg6[%get3A_687, %get3A_688] {strides = array<i32>} : memref<256x128xf32, #tpu.memory_space<vmem>>, vector<1x16xf32>,
          %get3A_690 = vector.shape_cast %get3A_689 : vector<1x16xf32> to vector<16xf32>
          %mul3A_691 = arith.constant 16 : i32
          %mul3A_692 = arith.muli %scan3A_532, %mul3A_691 : i32
          %add3A_693 = arith.constant 15 : i32
          %add3A_694 = arith.addi %mul3A_692, %add3A_693 : i32
          %mul3A_695 = arith.constant 16 : i32
          %mul3A_696 = arith.muli %scan3A_420, %mul3A_695 : i32
          %get3A_697 = arith.index_cast %add3A_694 : i32 to index
          %get3A_698 = arith.index_cast %mul3A_696 : i32 to index
          %get3A_699 = tpu.vector_load %arg6[%get3A_697, %get3A_698] {strides = array<i32>} : memref<256x128xf32, #tpu.memory_space<vmem>>, vector<1x16xf32>,
          %get3A_700 = vector.shape_cast %get3A_699 : vector<1x16xf32> to vector<16xf32>
          %min3A = arith.minimumf %get3A_550, %get3A_570 : vector<16xf32>
          %max3A = arith.maximumf %get3A_550, %get3A_570 : vector<16xf32>
          %min3A_701 = arith.minimumf %get3A_560, %get3A_580 : vector<16xf32>
          %max3A_702 = arith.maximumf %get3A_560, %get3A_580 : vector<16xf32>
          %min3A_703 = arith.minimumf %get3A_590, %get3A_610 : vector<16xf32>
          %max3A_704 = arith.maximumf %get3A_590, %get3A_610 : vector<16xf32>
          %min3A_705 = arith.minimumf %get3A_600, %get3A_620 : vector<16xf32>
          %max3A_706 = arith.maximumf %get3A_600, %get3A_620 : vector<16xf32>
          %min3A_707 = arith.minimumf %min3A, %min3A_703 : vector<16xf32>
          %max3A_708 = arith.maximumf %min3A, %min3A_703 : vector<16xf32>
          %min3A_709 = arith.minimumf %min3A_701, %min3A_705 : vector<16xf32>
          %max3A_710 = arith.maximumf %min3A_701, %min3A_705 : vector<16xf32>
          %min3A_711 = arith.minimumf %max3A, %max3A_704 : vector<16xf32>
          %max3A_712 = arith.maximumf %max3A, %max3A_704 : vector<16xf32>
          %min3A_713 = arith.minimumf %max3A_702, %max3A_706 : vector<16xf32>
          %max3A_714 = arith.maximumf %max3A_702, %max3A_706 : vector<16xf32>
          %min3A_715 = arith.minimumf %min3A_707, %min3A_709 : vector<16xf32>
          %max3A_716 = arith.maximumf %min3A_707, %min3A_709 : vector<16xf32>
          %min3A_717 = arith.minimumf %min3A_711, %min3A_713 : vector<16xf32>
          %max3A_718 = arith.maximumf %min3A_711, %min3A_713 : vector<16xf32>
          %min3A_719 = arith.minimumf %max3A_708, %max3A_710 : vector<16xf32>
          %max3A_720 = arith.maximumf %max3A_708, %max3A_710 : vector<16xf32>
          %min3A_721 = arith.minimumf %max3A_712, %max3A_714 : vector<16xf32>
          %max3A_722 = arith.maximumf %max3A_712, %max3A_714 : vector<16xf32>
          %min3A_723 = arith.minimumf %min3A_717, %min3A_719 : vector<16xf32>
          %max3A_724 = arith.maximumf %min3A_717, %min3A_719 : vector<16xf32>
          %min3A_725 = arith.minimumf %max3A_718, %max3A_720 : vector<16xf32>
          %max3A_726 = arith.maximumf %max3A_718, %max3A_720 : vector<16xf32>
          %min3A_727 = arith.minimumf %max3A_716, %max3A_724 : vector<16xf32>
          %max3A_728 = arith.maximumf %max3A_716, %max3A_724 : vector<16xf32>
          %min3A_729 = arith.minimumf %min3A_725, %min3A_721 : vector<16xf32>
          %max3A_730 = arith.maximumf %min3A_725, %min3A_721 : vector<16xf32>
          %min3A_731 = arith.minimumf %min3A_727, %min3A_723 : vector<16xf32>
          %max3A_732 = arith.maximumf %min3A_727, %min3A_723 : vector<16xf32>
          %min3A_733 = arith.minimumf %min3A_729, %max3A_728 : vector<16xf32>
          %max3A_734 = arith.maximumf %min3A_729, %max3A_728 : vector<16xf32>
          %min3A_735 = arith.minimumf %max3A_726, %max3A_730 : vector<16xf32>
          %max3A_736 = arith.maximumf %max3A_726, %max3A_730 : vector<16xf32>
          %min3A_737 = arith.minimumf %get3A_630, %get3A_650 : vector<16xf32>
          %max3A_738 = arith.maximumf %get3A_630, %get3A_650 : vector<16xf32>
          %min3A_739 = arith.minimumf %get3A_640, %get3A_660 : vector<16xf32>
          %max3A_740 = arith.maximumf %get3A_640, %get3A_660 : vector<16xf32>
          %min3A_741 = arith.minimumf %get3A_670, %get3A_690 : vector<16xf32>
          %max3A_742 = arith.maximumf %get3A_670, %get3A_690 : vector<16xf32>
          %min3A_743 = arith.minimumf %get3A_680, %get3A_700 : vector<16xf32>
          %max3A_744 = arith.maximumf %get3A_680, %get3A_700 : vector<16xf32>
          %min3A_745 = arith.minimumf %min3A_737, %min3A_741 : vector<16xf32>
          %max3A_746 = arith.maximumf %min3A_737, %min3A_741 : vector<16xf32>
          %min3A_747 = arith.minimumf %min3A_739, %min3A_743 : vector<16xf32>
          %max3A_748 = arith.maximumf %min3A_739, %min3A_743 : vector<16xf32>
          %min3A_749 = arith.minimumf %max3A_738, %max3A_742 : vector<16xf32>
          %max3A_750 = arith.maximumf %max3A_738, %max3A_742 : vector<16xf32>
          %min3A_751 = arith.minimumf %max3A_740, %max3A_744 : vector<16xf32>
          %max3A_752 = arith.maximumf %max3A_740, %max3A_744 : vector<16xf32>
          %min3A_753 = arith.minimumf %min3A_745, %min3A_747 : vector<16xf32>
          %max3A_754 = arith.maximumf %min3A_745, %min3A_747 : vector<16xf32>
          %min3A_755 = arith.minimumf %min3A_749, %min3A_751 : vector<16xf32>
          %max3A_756 = arith.maximumf %min3A_749, %min3A_751 : vector<16xf32>
          %min3A_757 = arith.minimumf %max3A_746, %max3A_748 : vector<16xf32>
          %max3A_758 = arith.maximumf %max3A_746, %max3A_748 : vector<16xf32>
          %min3A_759 = arith.minimumf %max3A_750, %max3A_752 : vector<16xf32>
          %max3A_760 = arith.maximumf %max3A_750, %max3A_752 : vector<16xf32>
          %min3A_761 = arith.minimumf %min3A_755, %min3A_757 : vector<16xf32>
          %max3A_762 = arith.maximumf %min3A_755, %min3A_757 : vector<16xf32>
          %min3A_763 = arith.minimumf %max3A_756, %max3A_758 : vector<16xf32>
          %max3A_764 = arith.maximumf %max3A_756, %max3A_758 : vector<16xf32>
          %min3A_765 = arith.minimumf %max3A_754, %max3A_762 : vector<16xf32>
          %max3A_766 = arith.maximumf %max3A_754, %max3A_762 : vector<16xf32>
          %min3A_767 = arith.minimumf %min3A_763, %min3A_759 : vector<16xf32>
          %max3A_768 = arith.maximumf %min3A_763, %min3A_759 : vector<16xf32>
          %min3A_769 = arith.minimumf %min3A_765, %min3A_761 : vector<16xf32>
          %max3A_770 = arith.maximumf %min3A_765, %min3A_761 : vector<16xf32>
          %min3A_771 = arith.minimumf %min3A_767, %max3A_766 : vector<16xf32>
          %max3A_772 = arith.maximumf %min3A_767, %max3A_766 : vector<16xf32>
          %min3A_773 = arith.minimumf %max3A_764, %max3A_768 : vector<16xf32>
          %max3A_774 = arith.maximumf %max3A_764, %max3A_768 : vector<16xf32>
          %max3A_775 = arith.maximumf %min3A_715, %max3A_760 : vector<16xf32>
          %max3A_776 = arith.maximumf %min3A_731, %max3A_774 : vector<16xf32>
          %max3A_777 = arith.maximumf %max3A_732, %min3A_773 : vector<16xf32>
          %max3A_778 = arith.maximumf %min3A_733, %max3A_772 : vector<16xf32>
          %max3A_779 = arith.maximumf %max3A_734, %min3A_771 : vector<16xf32>
          %max3A_780 = arith.maximumf %min3A_735, %max3A_770 : vector<16xf32>
          %max3A_781 = arith.maximumf %max3A_736, %min3A_769 : vector<16xf32>
          %max3A_782 = arith.maximumf %max3A_722, %min3A_753 : vector<16xf32>
          %min3A_783 = arith.minimumf %max3A_775, %max3A_779 : vector<16xf32>
          %max3A_784 = arith.maximumf %max3A_775, %max3A_779 : vector<16xf32>
          %min3A_785 = arith.minimumf %max3A_776, %max3A_780 : vector<16xf32>
          %max3A_786 = arith.maximumf %max3A_776, %max3A_780 : vector<16xf32>
          %min3A_787 = arith.minimumf %max3A_777, %max3A_781 : vector<16xf32>
          %max3A_788 = arith.maximumf %max3A_777, %max3A_781 : vector<16xf32>
          %min3A_789 = arith.minimumf %max3A_778, %max3A_782 : vector<16xf32>
          %max3A_790 = arith.maximumf %max3A_778, %max3A_782 : vector<16xf32>
          %min3A_791 = arith.minimumf %min3A_783, %min3A_787 : vector<16xf32>
          %max3A_792 = arith.maximumf %min3A_783, %min3A_787 : vector<16xf32>
          %min3A_793 = arith.minimumf %min3A_785, %min3A_789 : vector<16xf32>
          %max3A_794 = arith.maximumf %min3A_785, %min3A_789 : vector<16xf32>
          %min3A_795 = arith.minimumf %max3A_784, %max3A_788 : vector<16xf32>
          %max3A_796 = arith.maximumf %max3A_784, %max3A_788 : vector<16xf32>
          %min3A_797 = arith.minimumf %max3A_786, %max3A_790 : vector<16xf32>
          %max3A_798 = arith.maximumf %max3A_786, %max3A_790 : vector<16xf32>
          %min3A_799 = arith.minimumf %min3A_791, %min3A_793 : vector<16xf32>
          %max3A_800 = arith.maximumf %min3A_791, %min3A_793 : vector<16xf32>
          %min3A_801 = arith.minimumf %max3A_792, %max3A_794 : vector<16xf32>
          %max3A_802 = arith.maximumf %max3A_792, %max3A_794 : vector<16xf32>
          %min3A_803 = arith.minimumf %min3A_795, %min3A_797 : vector<16xf32>
          %max3A_804 = arith.maximumf %min3A_795, %min3A_797 : vector<16xf32>
          %min3A_805 = arith.minimumf %max3A_796, %max3A_798 : vector<16xf32>
          %max3A_806 = arith.maximumf %max3A_796, %max3A_798 : vector<16xf32>
          %max3A_807 = arith.maximumf %scan3A_533, %max3A_806 : vector<16xf32>
          %max3A_808 = arith.maximumf %scan3A_534, %min3A_805 : vector<16xf32>
          %max3A_809 = arith.maximumf %scan3A_535, %max3A_804 : vector<16xf32>
          %max3A_810 = arith.maximumf %scan3A_536, %min3A_803 : vector<16xf32>
          %max3A_811 = arith.maximumf %scan3A_537, %max3A_802 : vector<16xf32>
          %max3A_812 = arith.maximumf %scan3A_538, %min3A_801 : vector<16xf32>
          %max3A_813 = arith.maximumf %scan3A_539, %max3A_800 : vector<16xf32>
          %max3A_814 = arith.maximumf %scan3A_540, %min3A_799 : vector<16xf32>
          %min3A_815 = arith.minimumf %max3A_807, %max3A_811 : vector<16xf32>
          %max3A_816 = arith.maximumf %max3A_807, %max3A_811 : vector<16xf32>
          %min3A_817 = arith.minimumf %max3A_808, %max3A_812 : vector<16xf32>
          %max3A_818 = arith.maximumf %max3A_808, %max3A_812 : vector<16xf32>
          %min3A_819 = arith.minimumf %max3A_809, %max3A_813 : vector<16xf32>
          %max3A_820 = arith.maximumf %max3A_809, %max3A_813 : vector<16xf32>
          %min3A_821 = arith.minimumf %max3A_810, %max3A_814 : vector<16xf32>
          %max3A_822 = arith.maximumf %max3A_810, %max3A_814 : vector<16xf32>
          %min3A_823 = arith.minimumf %min3A_815, %min3A_819 : vector<16xf32>
          %max3A_824 = arith.maximumf %min3A_815, %min3A_819 : vector<16xf32>
          %min3A_825 = arith.minimumf %min3A_817, %min3A_821 : vector<16xf32>
          %max3A_826 = arith.maximumf %min3A_817, %min3A_821 : vector<16xf32>
          %min3A_827 = arith.minimumf %max3A_816, %max3A_820 : vector<16xf32>
          %max3A_828 = arith.maximumf %max3A_816, %max3A_820 : vector<16xf32>
          %min3A_829 = arith.minimumf %max3A_818, %max3A_822 : vector<16xf32>
          %max3A_830 = arith.maximumf %max3A_818, %max3A_822 : vector<16xf32>
          %min3A_831 = arith.minimumf %min3A_823, %min3A_825 : vector<16xf32>
          %max3A_832 = arith.maximumf %min3A_823, %min3A_825 : vector<16xf32>
          %min3A_833 = arith.minimumf %max3A_824, %max3A_826 : vector<16xf32>
          %max3A_834 = arith.maximumf %max3A_824, %max3A_826 : vector<16xf32>
          %min3A_835 = arith.minimumf %min3A_827, %min3A_829 : vector<16xf32>
          %max3A_836 = arith.maximumf %min3A_827, %min3A_829 : vector<16xf32>
          %min3A_837 = arith.minimumf %max3A_828, %max3A_830 : vector<16xf32>
          %max3A_838 = arith.maximumf %max3A_828, %max3A_830 : vector<16xf32>
          scf.yield %min3A_831, %max3A_832, %min3A_833, %max3A_834, %min3A_835, %max3A_836, %min3A_837, %max3A_838 : vector<16xf32>, vector<16xf32>, vector<16xf32>, vector<16xf32>, vector<16xf32>, vector<16xf32>, vector<16xf32>, vector<16xf32>
        }
        %scan3A_475 = arith.constant 16 : i32
        %swap3A = arith.constant 0 : i32
        %swap3A_476 = arith.index_cast %scan3A_420 : i32 to index
        %swap3A_477 = arith.index_cast %swap3A : i32 to index
        %swap3A_478 = arith.constant 0 : index
        %swap3A_479 = tpu.vector_load %arg8[%swap3A_476, %swap3A_477, %swap3A_478] {strides = array<i32>} : memref<8x8x16xf32, #tpu.memory_space<vmem>>, vector<1x1x16xf32>,
        %swap3A_480 = vector.shape_cast %swap3A_479 : vector<1x1x16xf32> to vector<16xf32>
        %swap3A_481 = vector.shape_cast %scan3A_474#0 : vector<16xf32> to vector<1x1x16xf32>
        tpu.vector_store %arg8[%swap3A_476, %swap3A_477, %swap3A_478], %swap3A_481 {strides = array<i32>} : memref<8x8x16xf32, #tpu.memory_space<vmem>>, vector<1x1x16xf32>,
        %swap3A_482 = arith.constant 1 : i32
        %swap3A_483 = arith.index_cast %scan3A_420 : i32 to index
        %swap3A_484 = arith.index_cast %swap3A_482 : i32 to index
        %swap3A_485 = arith.constant 0 : index
        %swap3A_486 = tpu.vector_load %arg8[%swap3A_483, %swap3A_484, %swap3A_485] {strides = array<i32>} : memref<8x8x16xf32, #tpu.memory_space<vmem>>, vector<1x1x16xf32>,
        %swap3A_487 = vector.shape_cast %swap3A_486 : vector<1x1x16xf32> to vector<16xf32>
        %swap3A_488 = vector.shape_cast %scan3A_474#1 : vector<16xf32> to vector<1x1x16xf32>
        tpu.vector_store %arg8[%swap3A_483, %swap3A_484, %swap3A_485], %swap3A_488 {strides = array<i32>} : memref<8x8x16xf32, #tpu.memory_space<vmem>>, vector<1x1x16xf32>,
        %swap3A_489 = arith.constant 2 : i32
        %swap3A_490 = arith.index_cast %scan3A_420 : i32 to index
        %swap3A_491 = arith.index_cast %swap3A_489 : i32 to index
        %swap3A_492 = arith.constant 0 : index
        %swap3A_493 = tpu.vector_load %arg8[%swap3A_490, %swap3A_491, %swap3A_492] {strides = array<i32>} : memref<8x8x16xf32, #tpu.memory_space<vmem>>, vector<1x1x16xf32>,
        %swap3A_494 = vector.shape_cast %swap3A_493 : vector<1x1x16xf32> to vector<16xf32>
        %swap3A_495 = vector.shape_cast %scan3A_474#2 : vector<16xf32> to vector<1x1x16xf32>
        tpu.vector_store %arg8[%swap3A_490, %swap3A_491, %swap3A_492], %swap3A_495 {strides = array<i32>} : memref<8x8x16xf32, #tpu.memory_space<vmem>>, vector<1x1x16xf32>,
        %swap3A_496 = arith.constant 3 : i32
        %swap3A_497 = arith.index_cast %scan3A_420 : i32 to index
        %swap3A_498 = arith.index_cast %swap3A_496 : i32 to index
        %swap3A_499 = arith.constant 0 : index
        %swap3A_500 = tpu.vector_load %arg8[%swap3A_497, %swap3A_498, %swap3A_499] {strides = array<i32>} : memref<8x8x16xf32, #tpu.memory_space<vmem>>, vector<1x1x16xf32>,
        %swap3A_501 = vector.shape_cast %swap3A_500 : vector<1x1x16xf32> to vector<16xf32>
        %swap3A_502 = vector.shape_cast %scan3A_474#3 : vector<16xf32> to vector<1x1x16xf32>
        tpu.vector_store %arg8[%swap3A_497, %swap3A_498, %swap3A_499], %swap3A_502 {strides = array<i32>} : memref<8x8x16xf32, #tpu.memory_space<vmem>>, vector<1x1x16xf32>,
        %swap3A_503 = arith.constant 4 : i32
        %swap3A_504 = arith.index_cast %scan3A_420 : i32 to index
        %swap3A_505 = arith.index_cast %swap3A_503 : i32 to index
        %swap3A_506 = arith.constant 0 : index
        %swap3A_507 = tpu.vector_load %arg8[%swap3A_504, %swap3A_505, %swap3A_506] {strides = array<i32>} : memref<8x8x16xf32, #tpu.memory_space<vmem>>, vector<1x1x16xf32>,
        %swap3A_508 = vector.shape_cast %swap3A_507 : vector<1x1x16xf32> to vector<16xf32>
        %swap3A_509 = vector.shape_cast %scan3A_474#4 : vector<16xf32> to vector<1x1x16xf32>
        tpu.vector_store %arg8[%swap3A_504, %swap3A_505, %swap3A_506], %swap3A_509 {strides = array<i32>} : memref<8x8x16xf32, #tpu.memory_space<vmem>>, vector<1x1x16xf32>,
        %swap3A_510 = arith.constant 5 : i32
        %swap3A_511 = arith.index_cast %scan3A_420 : i32 to index
        %swap3A_512 = arith.index_cast %swap3A_510 : i32 to index
        %swap3A_513 = arith.constant 0 : index
        %swap3A_514 = tpu.vector_load %arg8[%swap3A_511, %swap3A_512, %swap3A_513] {strides = array<i32>} : memref<8x8x16xf32, #tpu.memory_space<vmem>>, vector<1x1x16xf32>,
        %swap3A_515 = vector.shape_cast %swap3A_514 : vector<1x1x16xf32> to vector<16xf32>
        %swap3A_516 = vector.shape_cast %scan3A_474#5 : vector<16xf32> to vector<1x1x16xf32>
        tpu.vector_store %arg8[%swap3A_511, %swap3A_512, %swap3A_513], %swap3A_516 {strides = array<i32>} : memref<8x8x16xf32, #tpu.memory_space<vmem>>, vector<1x1x16xf32>,
        %swap3A_517 = arith.constant 6 : i32
        %swap3A_518 = arith.index_cast %scan3A_420 : i32 to index
        %swap3A_519 = arith.index_cast %swap3A_517 : i32 to index
        %swap3A_520 = arith.constant 0 : index
        %swap3A_521 = tpu.vector_load %arg8[%swap3A_518, %swap3A_519, %swap3A_520] {strides = array<i32>} : memref<8x8x16xf32, #tpu.memory_space<vmem>>, vector<1x1x16xf32>,
        %swap3A_522 = vector.shape_cast %swap3A_521 : vector<1x1x16xf32> to vector<16xf32>
        %swap3A_523 = vector.shape_cast %scan3A_474#6 : vector<16xf32> to vector<1x1x16xf32>
        tpu.vector_store %arg8[%swap3A_518, %swap3A_519, %swap3A_520], %swap3A_523 {strides = array<i32>} : memref<8x8x16xf32, #tpu.memory_space<vmem>>, vector<1x1x16xf32>,
        %swap3A_524 = arith.constant 7 : i32
        %swap3A_525 = arith.index_cast %scan3A_420 : i32 to index
        %swap3A_526 = arith.index_cast %swap3A_524 : i32 to index
        %swap3A_527 = arith.constant 0 : index
        %swap3A_528 = tpu.vector_load %arg8[%swap3A_525, %swap3A_526, %swap3A_527] {strides = array<i32>} : memref<8x8x16xf32, #tpu.memory_space<vmem>>, vector<1x1x16xf32>,
        %swap3A_529 = vector.shape_cast %swap3A_528 : vector<1x1x16xf32> to vector<16xf32>
        %swap3A_530 = vector.shape_cast %scan3A_474#7 : vector<16xf32> to vector<1x1x16xf32>
        tpu.vector_store %arg8[%swap3A_525, %swap3A_526, %swap3A_527], %swap3A_530 {strides = array<i32>} : memref<8x8x16xf32, #tpu.memory_space<vmem>>, vector<1x1x16xf32>,
        %scan3A_531 = arith.constant 0 : i32
        scf.yield %scan3A_531 : i32
      }
      %scan3A_205 = arith.constant 8 : i32
      %mul3A_206 = arith.constant 2 : i32
      %mul3A_207 = arith.muli %mul3A_206, %scan3A_89 : i32
      %add3A_208 = arith.constant 1 : i32
      %add3A_209 = arith.addi %mul3A_207, %add3A_208 : i32
      %add3A_210 = arith.constant 1 : i32
      %add3A_211 = arith.addi %add3A_209, %add3A_210 : i32
      %lt3A_212 = arith.constant 2 : i32
      %lt3A_213 = arith.cmpi slt, %add3A_211, %lt3A_212 : i32
      %add3A_214 = arith.constant 16 : i32
      %add3A_215 = arith.addi %add3A_81, %add3A_214 : i32
      %lt3A_216 = arith.constant 80 : i32
      %lt3A_217 = arith.cmpi slt, %add3A_215, %lt3A_216 : i32
      %or3A_218 = arith.ori %lt3A_213, %lt3A_217 : i1
      %convert_element_type3A_219 = arith.extui %or3A_218 : i1 to i32
      %cond3A_220 = arith.constant 0 : i32
      %cond3A_221 = arith.cmpi ne, %convert_element_type3A_219, %cond3A_220 : i32
      scf.if %cond3A_221 {
        %lt3A_420 = arith.constant 2 : i32
        %lt3A_421 = arith.cmpi slt, %add3A_211, %lt3A_420 : i32
        %add3A_422 = arith.constant 16 : i32
        %add3A_423 = arith.addi %add3A_81, %add3A_422 : i32
        %select_n3A_424 = arith.select %lt3A_421, %add3A_81, %add3A_423 : i32
        %rem3A_425 = arith.constant 2 : i32
        %rem3A_426 = arith.remsi %add3A_211, %rem3A_425 : i32
        %mul3A_427 = arith.constant 10 : i32
        %mul3A_428 = arith.muli %arg0, %mul3A_427 : i32
        %jit3A_429 = arith.constant 8 : i32
        %div3A_430 = arith.divsi %select_n3A_424, %jit3A_429 : i32
        %sign3A_431 = arith.constant 0 : i32
        %sign3A_432 = arith.cmpi sgt, %select_n3A_424, %sign3A_431 : i32
        %sign3A_433 = arith.extui %sign3A_432 : i1 to i32
        %sign3A_434 = arith.constant 0 : i32
        %sign3A_435 = arith.cmpi slt, %select_n3A_424, %sign3A_434 : i32
        %sign3A_436 = arith.extui %sign3A_435 : i1 to i32
        %sign3A_437 = arith.subi %sign3A_433, %sign3A_436 : i32
        %sign3A_438 = arith.constant 0 : i32
        %sign3A_439 = arith.cmpi sgt, %jit3A_429, %sign3A_438 : i32
        %sign3A_440 = arith.extui %sign3A_439 : i1 to i32
        %sign3A_441 = arith.constant 0 : i32
        %sign3A_442 = arith.cmpi slt, %jit3A_429, %sign3A_441 : i32
        %sign3A_443 = arith.extui %sign3A_442 : i1 to i32
        %sign3A_444 = arith.subi %sign3A_440, %sign3A_443 : i32
        %ne3A_445 = arith.cmpi ne, %sign3A_437, %sign3A_444 : i32
        %rem3A_446 = arith.remsi %select_n3A_424, %jit3A_429 : i32
        %ne3A_447 = arith.constant 0 : i32
        %ne3A_448 = arith.cmpi ne, %rem3A_446, %ne3A_447 : i32
        %and3A_449 = arith.andi %ne3A_445, %ne3A_448 : i1
        %sub3A_450 = arith.constant 1 : i32
        %sub3A_451 = arith.subi %div3A_430, %sub3A_450 : i32
        %select_n3A_452 = arith.select %and3A_449, %sub3A_451, %div3A_430 : i32
        %add3A_453 = arith.addi %mul3A_428, %select_n3A_452 : i32
        %add3A_454 = arith.constant 28 : i32
        %add3A_455 = arith.addi %add3A_454, %add3A_453 : i32
        %jit3A_456 = arith.constant 6 : i32
        %div3A_457 = arith.divsi %add3A_455, %jit3A_456 : i32
        %sign3A_458 = arith.constant 0 : i32
        %sign3A_459 = arith.cmpi sgt, %add3A_455, %sign3A_458 : i32
        %sign3A_460 = arith.extui %sign3A_459 : i1 to i32
        %sign3A_461 = arith.constant 0 : i32
        %sign3A_462 = arith.cmpi slt, %add3A_455, %sign3A_461 : i32
        %sign3A_463 = arith.extui %sign3A_462 : i1 to i32
        %sign3A_464 = arith.subi %sign3A_460, %sign3A_463 : i32
        %sign3A_465 = arith.constant 0 : i32
        %sign3A_466 = arith.cmpi sgt, %jit3A_456, %sign3A_465 : i32
        %sign3A_467 = arith.extui %sign3A_466 : i1 to i32
        %sign3A_468 = arith.constant 0 : i32
        %sign3A_469 = arith.cmpi slt, %jit3A_456, %sign3A_468 : i32
        %sign3A_470 = arith.extui %sign3A_469 : i1 to i32
        %sign3A_471 = arith.subi %sign3A_467, %sign3A_470 : i32
        %ne3A_472 = arith.cmpi ne, %sign3A_464, %sign3A_471 : i32
        %rem3A_473 = arith.remsi %add3A_455, %jit3A_456 : i32
        %ne3A_474 = arith.constant 0 : i32
        %ne3A_475 = arith.cmpi ne, %rem3A_473, %ne3A_474 : i32
        %and3A_476 = arith.andi %ne3A_472, %ne3A_475 : i1
        %sub3A_477 = arith.constant 1 : i32
        %sub3A_478 = arith.subi %div3A_457, %sub3A_477 : i32
        %select_n3A_479 = arith.select %and3A_476, %sub3A_478, %div3A_457 : i32
        %jit3A_480 = arith.constant 6 : i32
        %eq3A_481 = arith.constant 0 : i32
        %eq3A_482 = arith.cmpi eq, %jit3A_480, %eq3A_481 : i32
        %jit3A_483 = arith.constant 1 : i32
        %select_n3A_484 = arith.select %eq3A_482, %jit3A_483, %jit3A_480 : i32
        %rem3A_485 = arith.remsi %add3A_455, %select_n3A_484 : i32
        %ne3A_486 = arith.constant 0 : i32
        %ne3A_487 = arith.cmpi ne, %rem3A_485, %ne3A_486 : i32
        %lt3A_488 = arith.constant 0 : i32
        %lt3A_489 = arith.cmpi slt, %rem3A_485, %lt3A_488 : i32
        %lt3A_490 = arith.constant 0 : i32
        %lt3A_491 = arith.cmpi slt, %select_n3A_484, %lt3A_490 : i32
        %ne3A_492 = arith.xori %lt3A_489, %lt3A_491 : i1
        %and3A_493 = arith.andi %ne3A_492, %ne3A_487 : i1
        %add3A_494 = arith.addi %rem3A_485, %select_n3A_484 : i32
        %select_n3A_495 = arith.select %and3A_493, %add3A_494, %rem3A_485 : i32
        %jit3A_496 = arith.constant 8 : i32
        %eq3A_497 = arith.constant 0 : i32
        %eq3A_498 = arith.cmpi eq, %jit3A_496, %eq3A_497 : i32
        %jit3A_499 = arith.constant 1 : i32
        %select_n3A_500 = arith.select %eq3A_498, %jit3A_499, %jit3A_496 : i32
        %rem3A_501 = arith.remsi %select_n3A_424, %select_n3A_500 : i32
        %ne3A_502 = arith.constant 0 : i32
        %ne3A_503 = arith.cmpi ne, %rem3A_501, %ne3A_502 : i32
        %lt3A_504 = arith.constant 0 : i32
        %lt3A_505 = arith.cmpi slt, %rem3A_501, %lt3A_504 : i32
        %lt3A_506 = arith.constant 0 : i32
        %lt3A_507 = arith.cmpi slt, %select_n3A_500, %lt3A_506 : i32
        %ne3A_508 = arith.xori %lt3A_505, %lt3A_507 : i1
        %and3A_509 = arith.andi %ne3A_508, %ne3A_503 : i1
        %add3A_510 = arith.addi %rem3A_501, %select_n3A_500 : i32
        %select_n3A_511 = arith.select %and3A_509, %add3A_510, %rem3A_501 : i32
        %mul3A_512 = arith.constant 512 : i32
        %mul3A_513 = arith.muli %select_n3A_511, %mul3A_512 : i32
        %mul3A_514 = arith.constant 256 : i32
        %mul3A_515 = arith.muli %rem3A_426, %mul3A_514 : i32
        %add3A_516 = arith.addi %mul3A_513, %mul3A_515 : i32
        %mul3A_517 = arith.constant 128 : i32
        %mul3A_518 = arith.muli %select_n3A_495, %mul3A_517 : i32
        %dma_start3A = tpu.memref_slice %arg2[%select_n3A_479, %add3A_516, %mul3A_518] : memref<8x4096x768xf32, #tpu.memory_space<hbm>> -> memref<1x256x128xf32, #tpu.memory_space<hbm>>
        %dma_start3A_519 = tpu.memref_squeeze %dma_start3A : memref<1x256x128xf32, #tpu.memory_space<hbm>> -> memref<256x128xf32, #tpu.memory_space<hbm>>
        %dma_start3A_520 = tpu.memref_slice %arg2[%select_n3A_479, %add3A_516, %mul3A_518] : memref<8x4096x768xf32, #tpu.memory_space<hbm>> -> memref<1x256x128xf32, #tpu.memory_space<hbm>>
        %dma_start3A_521 = tpu.memref_squeeze %dma_start3A_520 : memref<1x256x128xf32, #tpu.memory_space<hbm>> -> memref<256x128xf32, #tpu.memory_space<hbm>>
        tpu.enqueue_dma source(%dma_start3A_521 : memref<256x128xf32, #tpu.memory_space<hbm>>) target(%arg6 : memref<256x128xf32, #tpu.memory_space<vmem>>) target_semaphore(%arg11 : memref<!tpu.dma_semaphore, #tpu.memory_space<semaphore_mem>>)
      } else {
      }
      %mul3A_222 = arith.constant 10 : i32
      %mul3A_223 = arith.muli %arg0, %mul3A_222 : i32
      %jit3A_224 = arith.constant 8 : i32
      %div3A_225 = arith.divsi %add3A_81, %jit3A_224 : i32
      %sign3A_226 = arith.constant 0 : i32
      %sign3A_227 = arith.cmpi sgt, %add3A_81, %sign3A_226 : i32
      %sign3A_228 = arith.extui %sign3A_227 : i1 to i32
      %sign3A_229 = arith.constant 0 : i32
      %sign3A_230 = arith.cmpi slt, %add3A_81, %sign3A_229 : i32
      %sign3A_231 = arith.extui %sign3A_230 : i1 to i32
      %sign3A_232 = arith.subi %sign3A_228, %sign3A_231 : i32
      %sign3A_233 = arith.constant 0 : i32
      %sign3A_234 = arith.cmpi sgt, %jit3A_224, %sign3A_233 : i32
      %sign3A_235 = arith.extui %sign3A_234 : i1 to i32
      %sign3A_236 = arith.constant 0 : i32
      %sign3A_237 = arith.cmpi slt, %jit3A_224, %sign3A_236 : i32
      %sign3A_238 = arith.extui %sign3A_237 : i1 to i32
      %sign3A_239 = arith.subi %sign3A_235, %sign3A_238 : i32
      %ne3A_240 = arith.cmpi ne, %sign3A_232, %sign3A_239 : i32
      %rem3A_241 = arith.remsi %add3A_81, %jit3A_224 : i32
      %ne3A_242 = arith.constant 0 : i32
      %ne3A_243 = arith.cmpi ne, %rem3A_241, %ne3A_242 : i32
      %and3A_244 = arith.andi %ne3A_240, %ne3A_243 : i1
      %sub3A_245 = arith.constant 1 : i32
      %sub3A_246 = arith.subi %div3A_225, %sub3A_245 : i32
      %select_n3A_247 = arith.select %and3A_244, %sub3A_246, %div3A_225 : i32
      %add3A_248 = arith.addi %mul3A_223, %select_n3A_247 : i32
      %add3A_249 = arith.constant 28 : i32
      %add3A_250 = arith.addi %add3A_249, %add3A_248 : i32
      %jit3A_251 = arith.constant 6 : i32
      %div3A_252 = arith.divsi %add3A_250, %jit3A_251 : i32
      %sign3A_253 = arith.constant 0 : i32
      %sign3A_254 = arith.cmpi sgt, %add3A_250, %sign3A_253 : i32
      %sign3A_255 = arith.extui %sign3A_254 : i1 to i32
      %sign3A_256 = arith.constant 0 : i32
      %sign3A_257 = arith.cmpi slt, %add3A_250, %sign3A_256 : i32
      %sign3A_258 = arith.extui %sign3A_257 : i1 to i32
      %sign3A_259 = arith.subi %sign3A_255, %sign3A_258 : i32
      %sign3A_260 = arith.constant 0 : i32
      %sign3A_261 = arith.cmpi sgt, %jit3A_251, %sign3A_260 : i32
      %sign3A_262 = arith.extui %sign3A_261 : i1 to i32
      %sign3A_263 = arith.constant 0 : i32
      %sign3A_264 = arith.cmpi slt, %jit3A_251, %sign3A_263 : i32
      %sign3A_265 = arith.extui %sign3A_264 : i1 to i32
      %sign3A_266 = arith.subi %sign3A_262, %sign3A_265 : i32
      %ne3A_267 = arith.cmpi ne, %sign3A_259, %sign3A_266 : i32
      %rem3A_268 = arith.remsi %add3A_250, %jit3A_251 : i32
      %ne3A_269 = arith.constant 0 : i32
      %ne3A_270 = arith.cmpi ne, %rem3A_268, %ne3A_269 : i32
      %and3A_271 = arith.andi %ne3A_267, %ne3A_270 : i1
      %sub3A_272 = arith.constant 1 : i32
      %sub3A_273 = arith.subi %div3A_252, %sub3A_272 : i32
      %select_n3A_274 = arith.select %and3A_271, %sub3A_273, %div3A_252 : i32
      %jit3A_275 = arith.constant 6 : i32
      %eq3A_276 = arith.constant 0 : i32
      %eq3A_277 = arith.cmpi eq, %jit3A_275, %eq3A_276 : i32
      %jit3A_278 = arith.constant 1 : i32
      %select_n3A_279 = arith.select %eq3A_277, %jit3A_278, %jit3A_275 : i32
      %rem3A_280 = arith.remsi %add3A_250, %select_n3A_279 : i32
      %ne3A_281 = arith.constant 0 : i32
      %ne3A_282 = arith.cmpi ne, %rem3A_280, %ne3A_281 : i32
      %lt3A_283 = arith.constant 0 : i32
      %lt3A_284 = arith.cmpi slt, %rem3A_280, %lt3A_283 : i32
      %lt3A_285 = arith.constant 0 : i32
      %lt3A_286 = arith.cmpi slt, %select_n3A_279, %lt3A_285 : i32
      %ne3A_287 = arith.xori %lt3A_284, %lt3A_286 : i1
      %and3A_288 = arith.andi %ne3A_287, %ne3A_282 : i1
      %add3A_289 = arith.addi %rem3A_280, %select_n3A_279 : i32
      %select_n3A_290 = arith.select %and3A_288, %add3A_289, %rem3A_280 : i32
      %jit3A_291 = arith.constant 8 : i32
      %eq3A_292 = arith.constant 0 : i32
      %eq3A_293 = arith.cmpi eq, %jit3A_291, %eq3A_292 : i32
      %jit3A_294 = arith.constant 1 : i32
      %select_n3A_295 = arith.select %eq3A_293, %jit3A_294, %jit3A_291 : i32
      %rem3A_296 = arith.remsi %add3A_81, %select_n3A_295 : i32
      %ne3A_297 = arith.constant 0 : i32
      %ne3A_298 = arith.cmpi ne, %rem3A_296, %ne3A_297 : i32
      %lt3A_299 = arith.constant 0 : i32
      %lt3A_300 = arith.cmpi slt, %rem3A_296, %lt3A_299 : i32
      %lt3A_301 = arith.constant 0 : i32
      %lt3A_302 = arith.cmpi slt, %select_n3A_295, %lt3A_301 : i32
      %ne3A_303 = arith.xori %lt3A_300, %lt3A_302 : i1
      %and3A_304 = arith.andi %ne3A_303, %ne3A_298 : i1
      %add3A_305 = arith.addi %rem3A_296, %select_n3A_295 : i32
      %select_n3A_306 = arith.select %and3A_304, %add3A_305, %rem3A_296 : i32
      %mul3A_307 = arith.constant 512 : i32
      %mul3A_308 = arith.muli %select_n3A_306, %mul3A_307 : i32
      %mul3A_309 = arith.constant 256 : i32
      %mul3A_310 = arith.muli %add3A_209, %mul3A_309 : i32
      %add3A_311 = arith.addi %mul3A_308, %mul3A_310 : i32
      %mul3A_312 = arith.constant 128 : i32
      %mul3A_313 = arith.muli %select_n3A_290, %mul3A_312 : i32
      %dma_wait3A_314 = tpu.memref_slice %arg2[%select_n3A_274, %add3A_311, %mul3A_313] : memref<8x4096x768xf32, #tpu.memory_space<hbm>> -> memref<1x256x128xf32, #tpu.memory_space<hbm>>
      %dma_wait3A_315 = tpu.memref_squeeze %dma_wait3A_314 : memref<1x256x128xf32, #tpu.memory_space<hbm>> -> memref<256x128xf32, #tpu.memory_space<hbm>>
      %dma_wait3A_316 = tpu.memref_slice %arg2[%select_n3A_274, %add3A_311, %mul3A_313] : memref<8x4096x768xf32, #tpu.memory_space<hbm>> -> memref<1x256x128xf32, #tpu.memory_space<hbm>>
      %dma_wait3A_317 = tpu.memref_squeeze %dma_wait3A_316 : memref<1x256x128xf32, #tpu.memory_space<hbm>> -> memref<256x128xf32, #tpu.memory_space<hbm>>
      tpu.wait_dma2 semaphore(%arg12 : memref<!tpu.dma_semaphore, #tpu.memory_space<semaphore_mem>>) src(%dma_wait3A_317 : memref<256x128xf32, #tpu.memory_space<hbm>>) dst(%arg7 : memref<256x128xf32, #tpu.memory_space<vmem>>)
      %scan3A_318 = arith.constant 0 : i32
      %scan3A_319 = arith.constant 0 : i32
      %scan3A_320 = arith.constant 8 : i32
      %scan3A_321 = arith.addi %scan3A_319, %scan3A_320 : i32
      %scan3A_322 = arith.constant 1 : i32
      %scan3A_323 = scf.for %scan3A_420 = %scan3A_319 to %scan3A_321 step %scan3A_322 iter_args(%scan3A_421 = %scan3A_318) -> (i32)  : i32 {
        %get3A_422 = arith.constant 0 : i32
        %get3A_423 = arith.index_cast %scan3A_420 : i32 to index
        %get3A_424 = arith.index_cast %get3A_422 : i32 to index
        %get3A_425 = arith.constant 0 : index
        %get3A_426 = tpu.vector_load %arg8[%get3A_423, %get3A_424, %get3A_425] {strides = array<i32>} : memref<8x8x16xf32, #tpu.memory_space<vmem>>, vector<1x1x16xf32>,
        %get3A_427 = vector.shape_cast %get3A_426 : vector<1x1x16xf32> to vector<16xf32>
        %get3A_428 = arith.constant 1 : i32
        %get3A_429 = arith.index_cast %scan3A_420 : i32 to index
        %get3A_430 = arith.index_cast %get3A_428 : i32 to index
        %get3A_431 = arith.constant 0 : index
        %get3A_432 = tpu.vector_load %arg8[%get3A_429, %get3A_430, %get3A_431] {strides = array<i32>} : memref<8x8x16xf32, #tpu.memory_space<vmem>>, vector<1x1x16xf32>,
        %get3A_433 = vector.shape_cast %get3A_432 : vector<1x1x16xf32> to vector<16xf32>
        %get3A_434 = arith.constant 2 : i32
        %get3A_435 = arith.index_cast %scan3A_420 : i32 to index
        %get3A_436 = arith.index_cast %get3A_434 : i32 to index
        %get3A_437 = arith.constant 0 : index
        %get3A_438 = tpu.vector_load %arg8[%get3A_435, %get3A_436, %get3A_437] {strides = array<i32>} : memref<8x8x16xf32, #tpu.memory_space<vmem>>, vector<1x1x16xf32>,
        %get3A_439 = vector.shape_cast %get3A_438 : vector<1x1x16xf32> to vector<16xf32>
        %get3A_440 = arith.constant 3 : i32
        %get3A_441 = arith.index_cast %scan3A_420 : i32 to index
        %get3A_442 = arith.index_cast %get3A_440 : i32 to index
        %get3A_443 = arith.constant 0 : index
        %get3A_444 = tpu.vector_load %arg8[%get3A_441, %get3A_442, %get3A_443] {strides = array<i32>} : memref<8x8x16xf32, #tpu.memory_space<vmem>>, vector<1x1x16xf32>,
        %get3A_445 = vector.shape_cast %get3A_444 : vector<1x1x16xf32> to vector<16xf32>
        %get3A_446 = arith.constant 4 : i32
        %get3A_447 = arith.index_cast %scan3A_420 : i32 to index
        %get3A_448 = arith.index_cast %get3A_446 : i32 to index
        %get3A_449 = arith.constant 0 : index
        %get3A_450 = tpu.vector_load %arg8[%get3A_447, %get3A_448, %get3A_449] {strides = array<i32>} : memref<8x8x16xf32, #tpu.memory_space<vmem>>, vector<1x1x16xf32>,
        %get3A_451 = vector.shape_cast %get3A_450 : vector<1x1x16xf32> to vector<16xf32>
        %get3A_452 = arith.constant 5 : i32
        %get3A_453 = arith.index_cast %scan3A_420 : i32 to index
        %get3A_454 = arith.index_cast %get3A_452 : i32 to index
        %get3A_455 = arith.constant 0 : index
        %get3A_456 = tpu.vector_load %arg8[%get3A_453, %get3A_454, %get3A_455] {strides = array<i32>} : memref<8x8x16xf32, #tpu.memory_space<vmem>>, vector<1x1x16xf32>,
        %get3A_457 = vector.shape_cast %get3A_456 : vector<1x1x16xf32> to vector<16xf32>
        %get3A_458 = arith.constant 6 : i32
        %get3A_459 = arith.index_cast %scan3A_420 : i32 to index
        %get3A_460 = arith.index_cast %get3A_458 : i32 to index
        %get3A_461 = arith.constant 0 : index
        %get3A_462 = tpu.vector_load %arg8[%get3A_459, %get3A_460, %get3A_461] {strides = array<i32>} : memref<8x8x16xf32, #tpu.memory_space<vmem>>, vector<1x1x16xf32>,
        %get3A_463 = vector.shape_cast %get3A_462 : vector<1x1x16xf32> to vector<16xf32>
        %get3A_464 = arith.constant 7 : i32
        %get3A_465 = arith.index_cast %scan3A_420 : i32 to index
        %get3A_466 = arith.index_cast %get3A_464 : i32 to index
        %get3A_467 = arith.constant 0 : index
        %get3A_468 = tpu.vector_load %arg8[%get3A_465, %get3A_466, %get3A_467] {strides = array<i32>} : memref<8x8x16xf32, #tpu.memory_space<vmem>>, vector<1x1x16xf32>,
        %get3A_469 = vector.shape_cast %get3A_468 : vector<1x1x16xf32> to vector<16xf32>
        %scan3A_470 = arith.constant 0 : i32
        %scan3A_471 = arith.constant 16 : i32
        %scan3A_472 = arith.addi %scan3A_470, %scan3A_471 : i32
        %scan3A_473 = arith.constant 1 : i32
        %scan3A_474:8 = scf.for %scan3A_532 = %scan3A_470 to %scan3A_472 step %scan3A_473 iter_args(%scan3A_533 = %get3A_427, %scan3A_534 = %get3A_433, %scan3A_535 = %get3A_439, %scan3A_536 = %get3A_445, %scan3A_537 = %get3A_451, %scan3A_538 = %get3A_457, %scan3A_539 = %get3A_463, %scan3A_540 = %get3A_469) -> (vector<16xf32>, vector<16xf32>, vector<16xf32>, vector<16xf32>, vector<16xf32>, vector<16xf32>, vector<16xf32>, vector<16xf32>)  : i32 {
          %mul3A_541 = arith.constant 16 : i32
          %mul3A_542 = arith.muli %scan3A_532, %mul3A_541 : i32
          %add3A_543 = arith.constant 0 : i32
          %add3A_544 = arith.addi %mul3A_542, %add3A_543 : i32
          %mul3A_545 = arith.constant 16 : i32
          %mul3A_546 = arith.muli %scan3A_420, %mul3A_545 : i32
          %get3A_547 = arith.index_cast %add3A_544 : i32 to index
          %get3A_548 = arith.index_cast %mul3A_546 : i32 to index
          %get3A_549 = tpu.vector_load %arg7[%get3A_547, %get3A_548] {strides = array<i32>} : memref<256x128xf32, #tpu.memory_space<vmem>>, vector<1x16xf32>,
          %get3A_550 = vector.shape_cast %get3A_549 : vector<1x16xf32> to vector<16xf32>
          %mul3A_551 = arith.constant 16 : i32
          %mul3A_552 = arith.muli %scan3A_532, %mul3A_551 : i32
          %add3A_553 = arith.constant 1 : i32
          %add3A_554 = arith.addi %mul3A_552, %add3A_553 : i32
          %mul3A_555 = arith.constant 16 : i32
          %mul3A_556 = arith.muli %scan3A_420, %mul3A_555 : i32
          %get3A_557 = arith.index_cast %add3A_554 : i32 to index
          %get3A_558 = arith.index_cast %mul3A_556 : i32 to index
          %get3A_559 = tpu.vector_load %arg7[%get3A_557, %get3A_558] {strides = array<i32>} : memref<256x128xf32, #tpu.memory_space<vmem>>, vector<1x16xf32>,
          %get3A_560 = vector.shape_cast %get3A_559 : vector<1x16xf32> to vector<16xf32>
          %mul3A_561 = arith.constant 16 : i32
          %mul3A_562 = arith.muli %scan3A_532, %mul3A_561 : i32
          %add3A_563 = arith.constant 2 : i32
          %add3A_564 = arith.addi %mul3A_562, %add3A_563 : i32
          %mul3A_565 = arith.constant 16 : i32
          %mul3A_566 = arith.muli %scan3A_420, %mul3A_565 : i32
          %get3A_567 = arith.index_cast %add3A_564 : i32 to index
          %get3A_568 = arith.index_cast %mul3A_566 : i32 to index
          %get3A_569 = tpu.vector_load %arg7[%get3A_567, %get3A_568] {strides = array<i32>} : memref<256x128xf32, #tpu.memory_space<vmem>>, vector<1x16xf32>,
          %get3A_570 = vector.shape_cast %get3A_569 : vector<1x16xf32> to vector<16xf32>
          %mul3A_571 = arith.constant 16 : i32
          %mul3A_572 = arith.muli %scan3A_532, %mul3A_571 : i32
          %add3A_573 = arith.constant 3 : i32
          %add3A_574 = arith.addi %mul3A_572, %add3A_573 : i32
          %mul3A_575 = arith.constant 16 : i32
          %mul3A_576 = arith.muli %scan3A_420, %mul3A_575 : i32
          %get3A_577 = arith.index_cast %add3A_574 : i32 to index
          %get3A_578 = arith.index_cast %mul3A_576 : i32 to index
          %get3A_579 = tpu.vector_load %arg7[%get3A_577, %get3A_578] {strides = array<i32>} : memref<256x128xf32, #tpu.memory_space<vmem>>, vector<1x16xf32>,
          %get3A_580 = vector.shape_cast %get3A_579 : vector<1x16xf32> to vector<16xf32>
          %mul3A_581 = arith.constant 16 : i32
          %mul3A_582 = arith.muli %scan3A_532, %mul3A_581 : i32
          %add3A_583 = arith.constant 4 : i32
          %add3A_584 = arith.addi %mul3A_582, %add3A_583 : i32
          %mul3A_585 = arith.constant 16 : i32
          %mul3A_586 = arith.muli %scan3A_420, %mul3A_585 : i32
          %get3A_587 = arith.index_cast %add3A_584 : i32 to index
          %get3A_588 = arith.index_cast %mul3A_586 : i32 to index
          %get3A_589 = tpu.vector_load %arg7[%get3A_587, %get3A_588] {strides = array<i32>} : memref<256x128xf32, #tpu.memory_space<vmem>>, vector<1x16xf32>,
          %get3A_590 = vector.shape_cast %get3A_589 : vector<1x16xf32> to vector<16xf32>
          %mul3A_591 = arith.constant 16 : i32
          %mul3A_592 = arith.muli %scan3A_532, %mul3A_591 : i32
          %add3A_593 = arith.constant 5 : i32
          %add3A_594 = arith.addi %mul3A_592, %add3A_593 : i32
          %mul3A_595 = arith.constant 16 : i32
          %mul3A_596 = arith.muli %scan3A_420, %mul3A_595 : i32
          %get3A_597 = arith.index_cast %add3A_594 : i32 to index
          %get3A_598 = arith.index_cast %mul3A_596 : i32 to index
          %get3A_599 = tpu.vector_load %arg7[%get3A_597, %get3A_598] {strides = array<i32>} : memref<256x128xf32, #tpu.memory_space<vmem>>, vector<1x16xf32>,
          %get3A_600 = vector.shape_cast %get3A_599 : vector<1x16xf32> to vector<16xf32>
          %mul3A_601 = arith.constant 16 : i32
          %mul3A_602 = arith.muli %scan3A_532, %mul3A_601 : i32
          %add3A_603 = arith.constant 6 : i32
          %add3A_604 = arith.addi %mul3A_602, %add3A_603 : i32
          %mul3A_605 = arith.constant 16 : i32
          %mul3A_606 = arith.muli %scan3A_420, %mul3A_605 : i32
          %get3A_607 = arith.index_cast %add3A_604 : i32 to index
          %get3A_608 = arith.index_cast %mul3A_606 : i32 to index
          %get3A_609 = tpu.vector_load %arg7[%get3A_607, %get3A_608] {strides = array<i32>} : memref<256x128xf32, #tpu.memory_space<vmem>>, vector<1x16xf32>,
          %get3A_610 = vector.shape_cast %get3A_609 : vector<1x16xf32> to vector<16xf32>
          %mul3A_611 = arith.constant 16 : i32
          %mul3A_612 = arith.muli %scan3A_532, %mul3A_611 : i32
          %add3A_613 = arith.constant 7 : i32
          %add3A_614 = arith.addi %mul3A_612, %add3A_613 : i32
          %mul3A_615 = arith.constant 16 : i32
          %mul3A_616 = arith.muli %scan3A_420, %mul3A_615 : i32
          %get3A_617 = arith.index_cast %add3A_614 : i32 to index
          %get3A_618 = arith.index_cast %mul3A_616 : i32 to index
          %get3A_619 = tpu.vector_load %arg7[%get3A_617, %get3A_618] {strides = array<i32>} : memref<256x128xf32, #tpu.memory_space<vmem>>, vector<1x16xf32>,
          %get3A_620 = vector.shape_cast %get3A_619 : vector<1x16xf32> to vector<16xf32>
          %mul3A_621 = arith.constant 16 : i32
          %mul3A_622 = arith.muli %scan3A_532, %mul3A_621 : i32
          %add3A_623 = arith.constant 8 : i32
          %add3A_624 = arith.addi %mul3A_622, %add3A_623 : i32
          %mul3A_625 = arith.constant 16 : i32
          %mul3A_626 = arith.muli %scan3A_420, %mul3A_625 : i32
          %get3A_627 = arith.index_cast %add3A_624 : i32 to index
          %get3A_628 = arith.index_cast %mul3A_626 : i32 to index
          %get3A_629 = tpu.vector_load %arg7[%get3A_627, %get3A_628] {strides = array<i32>} : memref<256x128xf32, #tpu.memory_space<vmem>>, vector<1x16xf32>,
          %get3A_630 = vector.shape_cast %get3A_629 : vector<1x16xf32> to vector<16xf32>
          %mul3A_631 = arith.constant 16 : i32
          %mul3A_632 = arith.muli %scan3A_532, %mul3A_631 : i32
          %add3A_633 = arith.constant 9 : i32
          %add3A_634 = arith.addi %mul3A_632, %add3A_633 : i32
          %mul3A_635 = arith.constant 16 : i32
          %mul3A_636 = arith.muli %scan3A_420, %mul3A_635 : i32
          %get3A_637 = arith.index_cast %add3A_634 : i32 to index
          %get3A_638 = arith.index_cast %mul3A_636 : i32 to index
          %get3A_639 = tpu.vector_load %arg7[%get3A_637, %get3A_638] {strides = array<i32>} : memref<256x128xf32, #tpu.memory_space<vmem>>, vector<1x16xf32>,
          %get3A_640 = vector.shape_cast %get3A_639 : vector<1x16xf32> to vector<16xf32>
          %mul3A_641 = arith.constant 16 : i32
          %mul3A_642 = arith.muli %scan3A_532, %mul3A_641 : i32
          %add3A_643 = arith.constant 10 : i32
          %add3A_644 = arith.addi %mul3A_642, %add3A_643 : i32
          %mul3A_645 = arith.constant 16 : i32
          %mul3A_646 = arith.muli %scan3A_420, %mul3A_645 : i32
          %get3A_647 = arith.index_cast %add3A_644 : i32 to index
          %get3A_648 = arith.index_cast %mul3A_646 : i32 to index
          %get3A_649 = tpu.vector_load %arg7[%get3A_647, %get3A_648] {strides = array<i32>} : memref<256x128xf32, #tpu.memory_space<vmem>>, vector<1x16xf32>,
          %get3A_650 = vector.shape_cast %get3A_649 : vector<1x16xf32> to vector<16xf32>
          %mul3A_651 = arith.constant 16 : i32
          %mul3A_652 = arith.muli %scan3A_532, %mul3A_651 : i32
          %add3A_653 = arith.constant 11 : i32
          %add3A_654 = arith.addi %mul3A_652, %add3A_653 : i32
          %mul3A_655 = arith.constant 16 : i32
          %mul3A_656 = arith.muli %scan3A_420, %mul3A_655 : i32
          %get3A_657 = arith.index_cast %add3A_654 : i32 to index
          %get3A_658 = arith.index_cast %mul3A_656 : i32 to index
          %get3A_659 = tpu.vector_load %arg7[%get3A_657, %get3A_658] {strides = array<i32>} : memref<256x128xf32, #tpu.memory_space<vmem>>, vector<1x16xf32>,
          %get3A_660 = vector.shape_cast %get3A_659 : vector<1x16xf32> to vector<16xf32>
          %mul3A_661 = arith.constant 16 : i32
          %mul3A_662 = arith.muli %scan3A_532, %mul3A_661 : i32
          %add3A_663 = arith.constant 12 : i32
          %add3A_664 = arith.addi %mul3A_662, %add3A_663 : i32
          %mul3A_665 = arith.constant 16 : i32
          %mul3A_666 = arith.muli %scan3A_420, %mul3A_665 : i32
          %get3A_667 = arith.index_cast %add3A_664 : i32 to index
          %get3A_668 = arith.index_cast %mul3A_666 : i32 to index
          %get3A_669 = tpu.vector_load %arg7[%get3A_667, %get3A_668] {strides = array<i32>} : memref<256x128xf32, #tpu.memory_space<vmem>>, vector<1x16xf32>,
          %get3A_670 = vector.shape_cast %get3A_669 : vector<1x16xf32> to vector<16xf32>
          %mul3A_671 = arith.constant 16 : i32
          %mul3A_672 = arith.muli %scan3A_532, %mul3A_671 : i32
          %add3A_673 = arith.constant 13 : i32
          %add3A_674 = arith.addi %mul3A_672, %add3A_673 : i32
          %mul3A_675 = arith.constant 16 : i32
          %mul3A_676 = arith.muli %scan3A_420, %mul3A_675 : i32
          %get3A_677 = arith.index_cast %add3A_674 : i32 to index
          %get3A_678 = arith.index_cast %mul3A_676 : i32 to index
          %get3A_679 = tpu.vector_load %arg7[%get3A_677, %get3A_678] {strides = array<i32>} : memref<256x128xf32, #tpu.memory_space<vmem>>, vector<1x16xf32>,
          %get3A_680 = vector.shape_cast %get3A_679 : vector<1x16xf32> to vector<16xf32>
          %mul3A_681 = arith.constant 16 : i32
          %mul3A_682 = arith.muli %scan3A_532, %mul3A_681 : i32
          %add3A_683 = arith.constant 14 : i32
          %add3A_684 = arith.addi %mul3A_682, %add3A_683 : i32
          %mul3A_685 = arith.constant 16 : i32
          %mul3A_686 = arith.muli %scan3A_420, %mul3A_685 : i32
          %get3A_687 = arith.index_cast %add3A_684 : i32 to index
          %get3A_688 = arith.index_cast %mul3A_686 : i32 to index
          %get3A_689 = tpu.vector_load %arg7[%get3A_687, %get3A_688] {strides = array<i32>} : memref<256x128xf32, #tpu.memory_space<vmem>>, vector<1x16xf32>,
          %get3A_690 = vector.shape_cast %get3A_689 : vector<1x16xf32> to vector<16xf32>
          %mul3A_691 = arith.constant 16 : i32
          %mul3A_692 = arith.muli %scan3A_532, %mul3A_691 : i32
          %add3A_693 = arith.constant 15 : i32
          %add3A_694 = arith.addi %mul3A_692, %add3A_693 : i32
          %mul3A_695 = arith.constant 16 : i32
          %mul3A_696 = arith.muli %scan3A_420, %mul3A_695 : i32
          %get3A_697 = arith.index_cast %add3A_694 : i32 to index
          %get3A_698 = arith.index_cast %mul3A_696 : i32 to index
          %get3A_699 = tpu.vector_load %arg7[%get3A_697, %get3A_698] {strides = array<i32>} : memref<256x128xf32, #tpu.memory_space<vmem>>, vector<1x16xf32>,
          %get3A_700 = vector.shape_cast %get3A_699 : vector<1x16xf32> to vector<16xf32>
          %min3A = arith.minimumf %get3A_550, %get3A_570 : vector<16xf32>
          %max3A = arith.maximumf %get3A_550, %get3A_570 : vector<16xf32>
          %min3A_701 = arith.minimumf %get3A_560, %get3A_580 : vector<16xf32>
          %max3A_702 = arith.maximumf %get3A_560, %get3A_580 : vector<16xf32>
          %min3A_703 = arith.minimumf %get3A_590, %get3A_610 : vector<16xf32>
          %max3A_704 = arith.maximumf %get3A_590, %get3A_610 : vector<16xf32>
          %min3A_705 = arith.minimumf %get3A_600, %get3A_620 : vector<16xf32>
          %max3A_706 = arith.maximumf %get3A_600, %get3A_620 : vector<16xf32>
          %min3A_707 = arith.minimumf %min3A, %min3A_703 : vector<16xf32>
          %max3A_708 = arith.maximumf %min3A, %min3A_703 : vector<16xf32>
          %min3A_709 = arith.minimumf %min3A_701, %min3A_705 : vector<16xf32>
          %max3A_710 = arith.maximumf %min3A_701, %min3A_705 : vector<16xf32>
          %min3A_711 = arith.minimumf %max3A, %max3A_704 : vector<16xf32>
          %max3A_712 = arith.maximumf %max3A, %max3A_704 : vector<16xf32>
          %min3A_713 = arith.minimumf %max3A_702, %max3A_706 : vector<16xf32>
          %max3A_714 = arith.maximumf %max3A_702, %max3A_706 : vector<16xf32>
          %min3A_715 = arith.minimumf %min3A_707, %min3A_709 : vector<16xf32>
          %max3A_716 = arith.maximumf %min3A_707, %min3A_709 : vector<16xf32>
          %min3A_717 = arith.minimumf %min3A_711, %min3A_713 : vector<16xf32>
          %max3A_718 = arith.maximumf %min3A_711, %min3A_713 : vector<16xf32>
          %min3A_719 = arith.minimumf %max3A_708, %max3A_710 : vector<16xf32>
          %max3A_720 = arith.maximumf %max3A_708, %max3A_710 : vector<16xf32>
          %min3A_721 = arith.minimumf %max3A_712, %max3A_714 : vector<16xf32>
          %max3A_722 = arith.maximumf %max3A_712, %max3A_714 : vector<16xf32>
          %min3A_723 = arith.minimumf %min3A_717, %min3A_719 : vector<16xf32>
          %max3A_724 = arith.maximumf %min3A_717, %min3A_719 : vector<16xf32>
          %min3A_725 = arith.minimumf %max3A_718, %max3A_720 : vector<16xf32>
          %max3A_726 = arith.maximumf %max3A_718, %max3A_720 : vector<16xf32>
          %min3A_727 = arith.minimumf %max3A_716, %max3A_724 : vector<16xf32>
          %max3A_728 = arith.maximumf %max3A_716, %max3A_724 : vector<16xf32>
          %min3A_729 = arith.minimumf %min3A_725, %min3A_721 : vector<16xf32>
          %max3A_730 = arith.maximumf %min3A_725, %min3A_721 : vector<16xf32>
          %min3A_731 = arith.minimumf %min3A_727, %min3A_723 : vector<16xf32>
          %max3A_732 = arith.maximumf %min3A_727, %min3A_723 : vector<16xf32>
          %min3A_733 = arith.minimumf %min3A_729, %max3A_728 : vector<16xf32>
          %max3A_734 = arith.maximumf %min3A_729, %max3A_728 : vector<16xf32>
          %min3A_735 = arith.minimumf %max3A_726, %max3A_730 : vector<16xf32>
          %max3A_736 = arith.maximumf %max3A_726, %max3A_730 : vector<16xf32>
          %min3A_737 = arith.minimumf %get3A_630, %get3A_650 : vector<16xf32>
          %max3A_738 = arith.maximumf %get3A_630, %get3A_650 : vector<16xf32>
          %min3A_739 = arith.minimumf %get3A_640, %get3A_660 : vector<16xf32>
          %max3A_740 = arith.maximumf %get3A_640, %get3A_660 : vector<16xf32>
          %min3A_741 = arith.minimumf %get3A_670, %get3A_690 : vector<16xf32>
          %max3A_742 = arith.maximumf %get3A_670, %get3A_690 : vector<16xf32>
          %min3A_743 = arith.minimumf %get3A_680, %get3A_700 : vector<16xf32>
          %max3A_744 = arith.maximumf %get3A_680, %get3A_700 : vector<16xf32>
          %min3A_745 = arith.minimumf %min3A_737, %min3A_741 : vector<16xf32>
          %max3A_746 = arith.maximumf %min3A_737, %min3A_741 : vector<16xf32>
          %min3A_747 = arith.minimumf %min3A_739, %min3A_743 : vector<16xf32>
          %max3A_748 = arith.maximumf %min3A_739, %min3A_743 : vector<16xf32>
          %min3A_749 = arith.minimumf %max3A_738, %max3A_742 : vector<16xf32>
          %max3A_750 = arith.maximumf %max3A_738, %max3A_742 : vector<16xf32>
          %min3A_751 = arith.minimumf %max3A_740, %max3A_744 : vector<16xf32>
          %max3A_752 = arith.maximumf %max3A_740, %max3A_744 : vector<16xf32>
          %min3A_753 = arith.minimumf %min3A_745, %min3A_747 : vector<16xf32>
          %max3A_754 = arith.maximumf %min3A_745, %min3A_747 : vector<16xf32>
          %min3A_755 = arith.minimumf %min3A_749, %min3A_751 : vector<16xf32>
          %max3A_756 = arith.maximumf %min3A_749, %min3A_751 : vector<16xf32>
          %min3A_757 = arith.minimumf %max3A_746, %max3A_748 : vector<16xf32>
          %max3A_758 = arith.maximumf %max3A_746, %max3A_748 : vector<16xf32>
          %min3A_759 = arith.minimumf %max3A_750, %max3A_752 : vector<16xf32>
          %max3A_760 = arith.maximumf %max3A_750, %max3A_752 : vector<16xf32>
          %min3A_761 = arith.minimumf %min3A_755, %min3A_757 : vector<16xf32>
          %max3A_762 = arith.maximumf %min3A_755, %min3A_757 : vector<16xf32>
          %min3A_763 = arith.minimumf %max3A_756, %max3A_758 : vector<16xf32>
          %max3A_764 = arith.maximumf %max3A_756, %max3A_758 : vector<16xf32>
          %min3A_765 = arith.minimumf %max3A_754, %max3A_762 : vector<16xf32>
          %max3A_766 = arith.maximumf %max3A_754, %max3A_762 : vector<16xf32>
          %min3A_767 = arith.minimumf %min3A_763, %min3A_759 : vector<16xf32>
          %max3A_768 = arith.maximumf %min3A_763, %min3A_759 : vector<16xf32>
          %min3A_769 = arith.minimumf %min3A_765, %min3A_761 : vector<16xf32>
          %max3A_770 = arith.maximumf %min3A_765, %min3A_761 : vector<16xf32>
          %min3A_771 = arith.minimumf %min3A_767, %max3A_766 : vector<16xf32>
          %max3A_772 = arith.maximumf %min3A_767, %max3A_766 : vector<16xf32>
          %min3A_773 = arith.minimumf %max3A_764, %max3A_768 : vector<16xf32>
          %max3A_774 = arith.maximumf %max3A_764, %max3A_768 : vector<16xf32>
          %max3A_775 = arith.maximumf %min3A_715, %max3A_760 : vector<16xf32>
          %max3A_776 = arith.maximumf %min3A_731, %max3A_774 : vector<16xf32>
          %max3A_777 = arith.maximumf %max3A_732, %min3A_773 : vector<16xf32>
          %max3A_778 = arith.maximumf %min3A_733, %max3A_772 : vector<16xf32>
          %max3A_779 = arith.maximumf %max3A_734, %min3A_771 : vector<16xf32>
          %max3A_780 = arith.maximumf %min3A_735, %max3A_770 : vector<16xf32>
          %max3A_781 = arith.maximumf %max3A_736, %min3A_769 : vector<16xf32>
          %max3A_782 = arith.maximumf %max3A_722, %min3A_753 : vector<16xf32>
          %min3A_783 = arith.minimumf %max3A_775, %max3A_779 : vector<16xf32>
          %max3A_784 = arith.maximumf %max3A_775, %max3A_779 : vector<16xf32>
          %min3A_785 = arith.minimumf %max3A_776, %max3A_780 : vector<16xf32>
          %max3A_786 = arith.maximumf %max3A_776, %max3A_780 : vector<16xf32>
          %min3A_787 = arith.minimumf %max3A_777, %max3A_781 : vector<16xf32>
          %max3A_788 = arith.maximumf %max3A_777, %max3A_781 : vector<16xf32>
          %min3A_789 = arith.minimumf %max3A_778, %max3A_782 : vector<16xf32>
          %max3A_790 = arith.maximumf %max3A_778, %max3A_782 : vector<16xf32>
          %min3A_791 = arith.minimumf %min3A_783, %min3A_787 : vector<16xf32>
          %max3A_792 = arith.maximumf %min3A_783, %min3A_787 : vector<16xf32>
          %min3A_793 = arith.minimumf %min3A_785, %min3A_789 : vector<16xf32>
          %max3A_794 = arith.maximumf %min3A_785, %min3A_789 : vector<16xf32>
          %min3A_795 = arith.minimumf %max3A_784, %max3A_788 : vector<16xf32>
          %max3A_796 = arith.maximumf %max3A_784, %max3A_788 : vector<16xf32>
          %min3A_797 = arith.minimumf %max3A_786, %max3A_790 : vector<16xf32>
          %max3A_798 = arith.maximumf %max3A_786, %max3A_790 : vector<16xf32>
          %min3A_799 = arith.minimumf %min3A_791, %min3A_793 : vector<16xf32>
          %max3A_800 = arith.maximumf %min3A_791, %min3A_793 : vector<16xf32>
          %min3A_801 = arith.minimumf %max3A_792, %max3A_794 : vector<16xf32>
          %max3A_802 = arith.maximumf %max3A_792, %max3A_794 : vector<16xf32>
          %min3A_803 = arith.minimumf %min3A_795, %min3A_797 : vector<16xf32>
          %max3A_804 = arith.maximumf %min3A_795, %min3A_797 : vector<16xf32>
          %min3A_805 = arith.minimumf %max3A_796, %max3A_798 : vector<16xf32>
          %max3A_806 = arith.maximumf %max3A_796, %max3A_798 : vector<16xf32>
          %max3A_807 = arith.maximumf %scan3A_533, %max3A_806 : vector<16xf32>
          %max3A_808 = arith.maximumf %scan3A_534, %min3A_805 : vector<16xf32>
          %max3A_809 = arith.maximumf %scan3A_535, %max3A_804 : vector<16xf32>
          %max3A_810 = arith.maximumf %scan3A_536, %min3A_803 : vector<16xf32>
          %max3A_811 = arith.maximumf %scan3A_537, %max3A_802 : vector<16xf32>
          %max3A_812 = arith.maximumf %scan3A_538, %min3A_801 : vector<16xf32>
          %max3A_813 = arith.maximumf %scan3A_539, %max3A_800 : vector<16xf32>
          %max3A_814 = arith.maximumf %scan3A_540, %min3A_799 : vector<16xf32>
          %min3A_815 = arith.minimumf %max3A_807, %max3A_811 : vector<16xf32>
          %max3A_816 = arith.maximumf %max3A_807, %max3A_811 : vector<16xf32>
          %min3A_817 = arith.minimumf %max3A_808, %max3A_812 : vector<16xf32>
          %max3A_818 = arith.maximumf %max3A_808, %max3A_812 : vector<16xf32>
          %min3A_819 = arith.minimumf %max3A_809, %max3A_813 : vector<16xf32>
          %max3A_820 = arith.maximumf %max3A_809, %max3A_813 : vector<16xf32>
          %min3A_821 = arith.minimumf %max3A_810, %max3A_814 : vector<16xf32>
          %max3A_822 = arith.maximumf %max3A_810, %max3A_814 : vector<16xf32>
          %min3A_823 = arith.minimumf %min3A_815, %min3A_819 : vector<16xf32>
          %max3A_824 = arith.maximumf %min3A_815, %min3A_819 : vector<16xf32>
          %min3A_825 = arith.minimumf %min3A_817, %min3A_821 : vector<16xf32>
          %max3A_826 = arith.maximumf %min3A_817, %min3A_821 : vector<16xf32>
          %min3A_827 = arith.minimumf %max3A_816, %max3A_820 : vector<16xf32>
          %max3A_828 = arith.maximumf %max3A_816, %max3A_820 : vector<16xf32>
          %min3A_829 = arith.minimumf %max3A_818, %max3A_822 : vector<16xf32>
          %max3A_830 = arith.maximumf %max3A_818, %max3A_822 : vector<16xf32>
          %min3A_831 = arith.minimumf %min3A_823, %min3A_825 : vector<16xf32>
          %max3A_832 = arith.maximumf %min3A_823, %min3A_825 : vector<16xf32>
          %min3A_833 = arith.minimumf %max3A_824, %max3A_826 : vector<16xf32>
          %max3A_834 = arith.maximumf %max3A_824, %max3A_826 : vector<16xf32>
          %min3A_835 = arith.minimumf %min3A_827, %min3A_829 : vector<16xf32>
          %max3A_836 = arith.maximumf %min3A_827, %min3A_829 : vector<16xf32>
          %min3A_837 = arith.minimumf %max3A_828, %max3A_830 : vector<16xf32>
          %max3A_838 = arith.maximumf %max3A_828, %max3A_830 : vector<16xf32>
          scf.yield %min3A_831, %max3A_832, %min3A_833, %max3A_834, %min3A_835, %max3A_836, %min3A_837, %max3A_838 : vector<16xf32>, vector<16xf32>, vector<16xf32>, vector<16xf32>, vector<16xf32>, vector<16xf32>, vector<16xf32>, vector<16xf32>
        }
        %scan3A_475 = arith.constant 16 : i32
        %swap3A = arith.constant 0 : i32
        %swap3A_476 = arith.index_cast %scan3A_420 : i32 to index
        %swap3A_477 = arith.index_cast %swap3A : i32 to index
        %swap3A_478 = arith.constant 0 : index
        %swap3A_479 = tpu.vector_load %arg8[%swap3A_476, %swap3A_477, %swap3A_478] {strides = array<i32>} : memref<8x8x16xf32, #tpu.memory_space<vmem>>, vector<1x1x16xf32>,
        %swap3A_480 = vector.shape_cast %swap3A_479 : vector<1x1x16xf32> to vector<16xf32>
        %swap3A_481 = vector.shape_cast %scan3A_474#0 : vector<16xf32> to vector<1x1x16xf32>
        tpu.vector_store %arg8[%swap3A_476, %swap3A_477, %swap3A_478], %swap3A_481 {strides = array<i32>} : memref<8x8x16xf32, #tpu.memory_space<vmem>>, vector<1x1x16xf32>,
        %swap3A_482 = arith.constant 1 : i32
        %swap3A_483 = arith.index_cast %scan3A_420 : i32 to index
        %swap3A_484 = arith.index_cast %swap3A_482 : i32 to index
        %swap3A_485 = arith.constant 0 : index
        %swap3A_486 = tpu.vector_load %arg8[%swap3A_483, %swap3A_484, %swap3A_485] {strides = array<i32>} : memref<8x8x16xf32, #tpu.memory_space<vmem>>, vector<1x1x16xf32>,
        %swap3A_487 = vector.shape_cast %swap3A_486 : vector<1x1x16xf32> to vector<16xf32>
        %swap3A_488 = vector.shape_cast %scan3A_474#1 : vector<16xf32> to vector<1x1x16xf32>
        tpu.vector_store %arg8[%swap3A_483, %swap3A_484, %swap3A_485], %swap3A_488 {strides = array<i32>} : memref<8x8x16xf32, #tpu.memory_space<vmem>>, vector<1x1x16xf32>,
        %swap3A_489 = arith.constant 2 : i32
        %swap3A_490 = arith.index_cast %scan3A_420 : i32 to index
        %swap3A_491 = arith.index_cast %swap3A_489 : i32 to index
        %swap3A_492 = arith.constant 0 : index
        %swap3A_493 = tpu.vector_load %arg8[%swap3A_490, %swap3A_491, %swap3A_492] {strides = array<i32>} : memref<8x8x16xf32, #tpu.memory_space<vmem>>, vector<1x1x16xf32>,
        %swap3A_494 = vector.shape_cast %swap3A_493 : vector<1x1x16xf32> to vector<16xf32>
        %swap3A_495 = vector.shape_cast %scan3A_474#2 : vector<16xf32> to vector<1x1x16xf32>
        tpu.vector_store %arg8[%swap3A_490, %swap3A_491, %swap3A_492], %swap3A_495 {strides = array<i32>} : memref<8x8x16xf32, #tpu.memory_space<vmem>>, vector<1x1x16xf32>,
        %swap3A_496 = arith.constant 3 : i32
        %swap3A_497 = arith.index_cast %scan3A_420 : i32 to index
        %swap3A_498 = arith.index_cast %swap3A_496 : i32 to index
        %swap3A_499 = arith.constant 0 : index
        %swap3A_500 = tpu.vector_load %arg8[%swap3A_497, %swap3A_498, %swap3A_499] {strides = array<i32>} : memref<8x8x16xf32, #tpu.memory_space<vmem>>, vector<1x1x16xf32>,
        %swap3A_501 = vector.shape_cast %swap3A_500 : vector<1x1x16xf32> to vector<16xf32>
        %swap3A_502 = vector.shape_cast %scan3A_474#3 : vector<16xf32> to vector<1x1x16xf32>
        tpu.vector_store %arg8[%swap3A_497, %swap3A_498, %swap3A_499], %swap3A_502 {strides = array<i32>} : memref<8x8x16xf32, #tpu.memory_space<vmem>>, vector<1x1x16xf32>,
        %swap3A_503 = arith.constant 4 : i32
        %swap3A_504 = arith.index_cast %scan3A_420 : i32 to index
        %swap3A_505 = arith.index_cast %swap3A_503 : i32 to index
        %swap3A_506 = arith.constant 0 : index
        %swap3A_507 = tpu.vector_load %arg8[%swap3A_504, %swap3A_505, %swap3A_506] {strides = array<i32>} : memref<8x8x16xf32, #tpu.memory_space<vmem>>, vector<1x1x16xf32>,
        %swap3A_508 = vector.shape_cast %swap3A_507 : vector<1x1x16xf32> to vector<16xf32>
        %swap3A_509 = vector.shape_cast %scan3A_474#4 : vector<16xf32> to vector<1x1x16xf32>
        tpu.vector_store %arg8[%swap3A_504, %swap3A_505, %swap3A_506], %swap3A_509 {strides = array<i32>} : memref<8x8x16xf32, #tpu.memory_space<vmem>>, vector<1x1x16xf32>,
        %swap3A_510 = arith.constant 5 : i32
        %swap3A_511 = arith.index_cast %scan3A_420 : i32 to index
        %swap3A_512 = arith.index_cast %swap3A_510 : i32 to index
        %swap3A_513 = arith.constant 0 : index
        %swap3A_514 = tpu.vector_load %arg8[%swap3A_511, %swap3A_512, %swap3A_513] {strides = array<i32>} : memref<8x8x16xf32, #tpu.memory_space<vmem>>, vector<1x1x16xf32>,
        %swap3A_515 = vector.shape_cast %swap3A_514 : vector<1x1x16xf32> to vector<16xf32>
        %swap3A_516 = vector.shape_cast %scan3A_474#5 : vector<16xf32> to vector<1x1x16xf32>
        tpu.vector_store %arg8[%swap3A_511, %swap3A_512, %swap3A_513], %swap3A_516 {strides = array<i32>} : memref<8x8x16xf32, #tpu.memory_space<vmem>>, vector<1x1x16xf32>,
        %swap3A_517 = arith.constant 6 : i32
        %swap3A_518 = arith.index_cast %scan3A_420 : i32 to index
        %swap3A_519 = arith.index_cast %swap3A_517 : i32 to index
        %swap3A_520 = arith.constant 0 : index
        %swap3A_521 = tpu.vector_load %arg8[%swap3A_518, %swap3A_519, %swap3A_520] {strides = array<i32>} : memref<8x8x16xf32, #tpu.memory_space<vmem>>, vector<1x1x16xf32>,
        %swap3A_522 = vector.shape_cast %swap3A_521 : vector<1x1x16xf32> to vector<16xf32>
        %swap3A_523 = vector.shape_cast %scan3A_474#6 : vector<16xf32> to vector<1x1x16xf32>
        tpu.vector_store %arg8[%swap3A_518, %swap3A_519, %swap3A_520], %swap3A_523 {strides = array<i32>} : memref<8x8x16xf32, #tpu.memory_space<vmem>>, vector<1x1x16xf32>,
        %swap3A_524 = arith.constant 7 : i32
        %swap3A_525 = arith.index_cast %scan3A_420 : i32 to index
        %swap3A_526 = arith.index_cast %swap3A_524 : i32 to index
        %swap3A_527 = arith.constant 0 : index
        %swap3A_528 = tpu.vector_load %arg8[%swap3A_525, %swap3A_526, %swap3A_527] {strides = array<i32>} : memref<8x8x16xf32, #tpu.memory_space<vmem>>, vector<1x1x16xf32>,
        %swap3A_529 = vector.shape_cast %swap3A_528 : vector<1x1x16xf32> to vector<16xf32>
        %swap3A_530 = vector.shape_cast %scan3A_474#7 : vector<16xf32> to vector<1x1x16xf32>
        tpu.vector_store %arg8[%swap3A_525, %swap3A_526, %swap3A_527], %swap3A_530 {strides = array<i32>} : memref<8x8x16xf32, #tpu.memory_space<vmem>>, vector<1x1x16xf32>,
        %scan3A_531 = arith.constant 0 : i32
        scf.yield %scan3A_531 : i32
      }
      %scan3A_324 = arith.constant 8 : i32
      %scan3A_325 = arith.constant 0 : i32
      %scan3A_326 = arith.constant 1 : i32
      %mul3A_327 = arith.constant 10 : i32
      %mul3A_328 = arith.muli %arg0, %mul3A_327 : i32
      %jit3A_329 = arith.constant 8 : i32
      %div3A_330 = arith.divsi %add3A_81, %jit3A_329 : i32
      %sign3A_331 = arith.constant 0 : i32
      %sign3A_332 = arith.cmpi sgt, %add3A_81, %sign3A_331 : i32
      %sign3A_333 = arith.extui %sign3A_332 : i1 to i32
      %sign3A_334 = arith.constant 0 : i32
      %sign3A_335 = arith.cmpi slt, %add3A_81, %sign3A_334 : i32
      %sign3A_336 = arith.extui %sign3A_335 : i1 to i32
      %sign3A_337 = arith.subi %sign3A_333, %sign3A_336 : i32
      %sign3A_338 = arith.constant 0 : i32
      %sign3A_339 = arith.cmpi sgt, %jit3A_329, %sign3A_338 : i32
      %sign3A_340 = arith.extui %sign3A_339 : i1 to i32
      %sign3A_341 = arith.constant 0 : i32
      %sign3A_342 = arith.cmpi slt, %jit3A_329, %sign3A_341 : i32
      %sign3A_343 = arith.extui %sign3A_342 : i1 to i32
      %sign3A_344 = arith.subi %sign3A_340, %sign3A_343 : i32
      %ne3A_345 = arith.cmpi ne, %sign3A_337, %sign3A_344 : i32
      %rem3A_346 = arith.remsi %add3A_81, %jit3A_329 : i32
      %ne3A_347 = arith.constant 0 : i32
      %ne3A_348 = arith.cmpi ne, %rem3A_346, %ne3A_347 : i32
      %and3A_349 = arith.andi %ne3A_345, %ne3A_348 : i1
      %sub3A_350 = arith.constant 1 : i32
      %sub3A_351 = arith.subi %div3A_330, %sub3A_350 : i32
      %select_n3A_352 = arith.select %and3A_349, %sub3A_351, %div3A_330 : i32
      %add3A_353 = arith.addi %mul3A_328, %select_n3A_352 : i32
      %add3A_354 = arith.constant 28 : i32
      %add3A_355 = arith.addi %add3A_354, %add3A_353 : i32
      %jit3A_356 = arith.constant 6 : i32
      %div3A_357 = arith.divsi %add3A_355, %jit3A_356 : i32
      %sign3A_358 = arith.constant 0 : i32
      %sign3A_359 = arith.cmpi sgt, %add3A_355, %sign3A_358 : i32
      %sign3A_360 = arith.extui %sign3A_359 : i1 to i32
      %sign3A_361 = arith.constant 0 : i32
      %sign3A_362 = arith.cmpi slt, %add3A_355, %sign3A_361 : i32
      %sign3A_363 = arith.extui %sign3A_362 : i1 to i32
      %sign3A_364 = arith.subi %sign3A_360, %sign3A_363 : i32
      %sign3A_365 = arith.constant 0 : i32
      %sign3A_366 = arith.cmpi sgt, %jit3A_356, %sign3A_365 : i32
      %sign3A_367 = arith.extui %sign3A_366 : i1 to i32
      %sign3A_368 = arith.constant 0 : i32
      %sign3A_369 = arith.cmpi slt, %jit3A_356, %sign3A_368 : i32
      %sign3A_370 = arith.extui %sign3A_369 : i1 to i32
      %sign3A_371 = arith.subi %sign3A_367, %sign3A_370 : i32
      %ne3A_372 = arith.cmpi ne, %sign3A_364, %sign3A_371 : i32
      %rem3A_373 = arith.remsi %add3A_355, %jit3A_356 : i32
      %ne3A_374 = arith.constant 0 : i32
      %ne3A_375 = arith.cmpi ne, %rem3A_373, %ne3A_374 : i32
      %and3A_376 = arith.andi %ne3A_372, %ne3A_375 : i1
      %sub3A_377 = arith.constant 1 : i32
      %sub3A_378 = arith.subi %div3A_357, %sub3A_377 : i32
      %select_n3A_379 = arith.select %and3A_376, %sub3A_378, %div3A_357 : i32
      %jit3A_380 = arith.constant 6 : i32
      %eq3A_381 = arith.constant 0 : i32
      %eq3A_382 = arith.cmpi eq, %jit3A_380, %eq3A_381 : i32
      %jit3A_383 = arith.constant 1 : i32
      %select_n3A_384 = arith.select %eq3A_382, %jit3A_383, %jit3A_380 : i32
      %rem3A_385 = arith.remsi %add3A_355, %select_n3A_384 : i32
      %ne3A_386 = arith.constant 0 : i32
      %ne3A_387 = arith.cmpi ne, %rem3A_385, %ne3A_386 : i32
      %lt3A_388 = arith.constant 0 : i32
      %lt3A_389 = arith.cmpi slt, %rem3A_385, %lt3A_388 : i32
      %lt3A_390 = arith.constant 0 : i32
      %lt3A_391 = arith.cmpi slt, %select_n3A_384, %lt3A_390 : i32
      %ne3A_392 = arith.xori %lt3A_389, %lt3A_391 : i1
      %and3A_393 = arith.andi %ne3A_392, %ne3A_387 : i1
      %add3A_394 = arith.addi %rem3A_385, %select_n3A_384 : i32
      %select_n3A_395 = arith.select %and3A_393, %add3A_394, %rem3A_385 : i32
      %jit3A_396 = arith.constant 8 : i32
      %eq3A_397 = arith.constant 0 : i32
      %eq3A_398 = arith.cmpi eq, %jit3A_396, %eq3A_397 : i32
      %jit3A_399 = arith.constant 1 : i32
      %select_n3A_400 = arith.select %eq3A_398, %jit3A_399, %jit3A_396 : i32
      %rem3A_401 = arith.remsi %add3A_81, %select_n3A_400 : i32
      %ne3A_402 = arith.constant 0 : i32
      %ne3A_403 = arith.cmpi ne, %rem3A_401, %ne3A_402 : i32
      %lt3A_404 = arith.constant 0 : i32
      %lt3A_405 = arith.cmpi slt, %rem3A_401, %lt3A_404 : i32
      %lt3A_406 = arith.constant 0 : i32
      %lt3A_407 = arith.cmpi slt, %select_n3A_400, %lt3A_406 : i32
      %ne3A_408 = arith.xori %lt3A_405, %lt3A_407 : i1
      %and3A_409 = arith.andi %ne3A_408, %ne3A_403 : i1
      %add3A_410 = arith.addi %rem3A_401, %select_n3A_400 : i32
      %select_n3A_411 = arith.select %and3A_409, %add3A_410, %rem3A_401 : i32
      %scan3A_412 = arith.constant 0 : i32
      %scan3A_413 = arith.constant 0 : i32
      %scan3A_414 = arith.constant 8 : i32
      %scan3A_415 = arith.addi %scan3A_413, %scan3A_414 : i32
      %scan3A_416 = arith.constant 1 : i32
      %scan3A_417 = scf.for %scan3A_420 = %scan3A_413 to %scan3A_415 step %scan3A_416 iter_args(%scan3A_421 = %scan3A_412) -> (i32)  : i32 {
        %get3A_422 = arith.constant 0 : i32
        %get3A_423 = arith.index_cast %scan3A_420 : i32 to index
        %get3A_424 = arith.index_cast %get3A_422 : i32 to index
        %get3A_425 = arith.constant 0 : index
        %get3A_426 = tpu.vector_load %arg8[%get3A_423, %get3A_424, %get3A_425] {strides = array<i32>} : memref<8x8x16xf32, #tpu.memory_space<vmem>>, vector<1x1x16xf32>,
        %get3A_427 = vector.shape_cast %get3A_426 : vector<1x1x16xf32> to vector<16xf32>
        %mul3A_428 = arith.constant 16 : i32
        %mul3A_429 = arith.muli %scan3A_420, %mul3A_428 : i32
        %swap3A = arith.constant 0 : i32
        %swap3A_430 = arith.index_cast %swap3A : i32 to index
        %swap3A_431 = arith.index_cast %mul3A_429 : i32 to index
        %swap3A_432 = tpu.vector_load %arg9[%swap3A_430, %swap3A_431] {strides = array<i32>} : memref<8x128xf32, #tpu.memory_space<vmem>>, vector<1x16xf32>,
        %swap3A_433 = vector.shape_cast %swap3A_432 : vector<1x16xf32> to vector<16xf32>
        %swap3A_434 = vector.shape_cast %get3A_427 : vector<16xf32> to vector<1x16xf32>
        tpu.vector_store %arg9[%swap3A_430, %swap3A_431], %swap3A_434 {strides = array<i32>} : memref<8x128xf32, #tpu.memory_space<vmem>>, vector<1x16xf32>,
        %get3A_435 = arith.constant 1 : i32
        %get3A_436 = arith.index_cast %scan3A_420 : i32 to index
        %get3A_437 = arith.index_cast %get3A_435 : i32 to index
        %get3A_438 = arith.constant 0 : index
        %get3A_439 = tpu.vector_load %arg8[%get3A_436, %get3A_437, %get3A_438] {strides = array<i32>} : memref<8x8x16xf32, #tpu.memory_space<vmem>>, vector<1x1x16xf32>,
        %get3A_440 = vector.shape_cast %get3A_439 : vector<1x1x16xf32> to vector<16xf32>
        %mul3A_441 = arith.constant 16 : i32
        %mul3A_442 = arith.muli %scan3A_420, %mul3A_441 : i32
        %swap3A_443 = arith.constant 1 : i32
        %swap3A_444 = arith.index_cast %swap3A_443 : i32 to index
        %swap3A_445 = arith.index_cast %mul3A_442 : i32 to index
        %swap3A_446 = tpu.vector_load %arg9[%swap3A_444, %swap3A_445] {strides = array<i32>} : memref<8x128xf32, #tpu.memory_space<vmem>>, vector<1x16xf32>,
        %swap3A_447 = vector.shape_cast %swap3A_446 : vector<1x16xf32> to vector<16xf32>
        %swap3A_448 = vector.shape_cast %get3A_440 : vector<16xf32> to vector<1x16xf32>
        tpu.vector_store %arg9[%swap3A_444, %swap3A_445], %swap3A_448 {strides = array<i32>} : memref<8x128xf32, #tpu.memory_space<vmem>>, vector<1x16xf32>,
        %get3A_449 = arith.constant 2 : i32
        %get3A_450 = arith.index_cast %scan3A_420 : i32 to index
        %get3A_451 = arith.index_cast %get3A_449 : i32 to index
        %get3A_452 = arith.constant 0 : index
        %get3A_453 = tpu.vector_load %arg8[%get3A_450, %get3A_451, %get3A_452] {strides = array<i32>} : memref<8x8x16xf32, #tpu.memory_space<vmem>>, vector<1x1x16xf32>,
        %get3A_454 = vector.shape_cast %get3A_453 : vector<1x1x16xf32> to vector<16xf32>
        %mul3A_455 = arith.constant 16 : i32
        %mul3A_456 = arith.muli %scan3A_420, %mul3A_455 : i32
        %swap3A_457 = arith.constant 2 : i32
        %swap3A_458 = arith.index_cast %swap3A_457 : i32 to index
        %swap3A_459 = arith.index_cast %mul3A_456 : i32 to index
        %swap3A_460 = tpu.vector_load %arg9[%swap3A_458, %swap3A_459] {strides = array<i32>} : memref<8x128xf32, #tpu.memory_space<vmem>>, vector<1x16xf32>,
        %swap3A_461 = vector.shape_cast %swap3A_460 : vector<1x16xf32> to vector<16xf32>
        %swap3A_462 = vector.shape_cast %get3A_454 : vector<16xf32> to vector<1x16xf32>
        tpu.vector_store %arg9[%swap3A_458, %swap3A_459], %swap3A_462 {strides = array<i32>} : memref<8x128xf32, #tpu.memory_space<vmem>>, vector<1x16xf32>,
        %get3A_463 = arith.constant 3 : i32
        %get3A_464 = arith.index_cast %scan3A_420 : i32 to index
        %get3A_465 = arith.index_cast %get3A_463 : i32 to index
        %get3A_466 = arith.constant 0 : index
        %get3A_467 = tpu.vector_load %arg8[%get3A_464, %get3A_465, %get3A_466] {strides = array<i32>} : memref<8x8x16xf32, #tpu.memory_space<vmem>>, vector<1x1x16xf32>,
        %get3A_468 = vector.shape_cast %get3A_467 : vector<1x1x16xf32> to vector<16xf32>
        %mul3A_469 = arith.constant 16 : i32
        %mul3A_470 = arith.muli %scan3A_420, %mul3A_469 : i32
        %swap3A_471 = arith.constant 3 : i32
        %swap3A_472 = arith.index_cast %swap3A_471 : i32 to index
        %swap3A_473 = arith.index_cast %mul3A_470 : i32 to index
        %swap3A_474 = tpu.vector_load %arg9[%swap3A_472, %swap3A_473] {strides = array<i32>} : memref<8x128xf32, #tpu.memory_space<vmem>>, vector<1x16xf32>,
        %swap3A_475 = vector.shape_cast %swap3A_474 : vector<1x16xf32> to vector<16xf32>
        %swap3A_476 = vector.shape_cast %get3A_468 : vector<16xf32> to vector<1x16xf32>
        tpu.vector_store %arg9[%swap3A_472, %swap3A_473], %swap3A_476 {strides = array<i32>} : memref<8x128xf32, #tpu.memory_space<vmem>>, vector<1x16xf32>,
        %get3A_477 = arith.constant 4 : i32
        %get3A_478 = arith.index_cast %scan3A_420 : i32 to index
        %get3A_479 = arith.index_cast %get3A_477 : i32 to index
        %get3A_480 = arith.constant 0 : index
        %get3A_481 = tpu.vector_load %arg8[%get3A_478, %get3A_479, %get3A_480] {strides = array<i32>} : memref<8x8x16xf32, #tpu.memory_space<vmem>>, vector<1x1x16xf32>,
        %get3A_482 = vector.shape_cast %get3A_481 : vector<1x1x16xf32> to vector<16xf32>
        %mul3A_483 = arith.constant 16 : i32
        %mul3A_484 = arith.muli %scan3A_420, %mul3A_483 : i32
        %swap3A_485 = arith.constant 4 : i32
        %swap3A_486 = arith.index_cast %swap3A_485 : i32 to index
        %swap3A_487 = arith.index_cast %mul3A_484 : i32 to index
        %swap3A_488 = tpu.vector_load %arg9[%swap3A_486, %swap3A_487] {strides = array<i32>} : memref<8x128xf32, #tpu.memory_space<vmem>>, vector<1x16xf32>,
        %swap3A_489 = vector.shape_cast %swap3A_488 : vector<1x16xf32> to vector<16xf32>
        %swap3A_490 = vector.shape_cast %get3A_482 : vector<16xf32> to vector<1x16xf32>
        tpu.vector_store %arg9[%swap3A_486, %swap3A_487], %swap3A_490 {strides = array<i32>} : memref<8x128xf32, #tpu.memory_space<vmem>>, vector<1x16xf32>,
        %get3A_491 = arith.constant 5 : i32
        %get3A_492 = arith.index_cast %scan3A_420 : i32 to index
        %get3A_493 = arith.index_cast %get3A_491 : i32 to index
        %get3A_494 = arith.constant 0 : index
        %get3A_495 = tpu.vector_load %arg8[%get3A_492, %get3A_493, %get3A_494] {strides = array<i32>} : memref<8x8x16xf32, #tpu.memory_space<vmem>>, vector<1x1x16xf32>,
        %get3A_496 = vector.shape_cast %get3A_495 : vector<1x1x16xf32> to vector<16xf32>
        %mul3A_497 = arith.constant 16 : i32
        %mul3A_498 = arith.muli %scan3A_420, %mul3A_497 : i32
        %swap3A_499 = arith.constant 5 : i32
        %swap3A_500 = arith.index_cast %swap3A_499 : i32 to index
        %swap3A_501 = arith.index_cast %mul3A_498 : i32 to index
        %swap3A_502 = tpu.vector_load %arg9[%swap3A_500, %swap3A_501] {strides = array<i32>} : memref<8x128xf32, #tpu.memory_space<vmem>>, vector<1x16xf32>,
        %swap3A_503 = vector.shape_cast %swap3A_502 : vector<1x16xf32> to vector<16xf32>
        %swap3A_504 = vector.shape_cast %get3A_496 : vector<16xf32> to vector<1x16xf32>
        tpu.vector_store %arg9[%swap3A_500, %swap3A_501], %swap3A_504 {strides = array<i32>} : memref<8x128xf32, #tpu.memory_space<vmem>>, vector<1x16xf32>,
        %get3A_505 = arith.constant 6 : i32
        %get3A_506 = arith.index_cast %scan3A_420 : i32 to index
        %get3A_507 = arith.index_cast %get3A_505 : i32 to index
        %get3A_508 = arith.constant 0 : index
        %get3A_509 = tpu.vector_load %arg8[%get3A_506, %get3A_507, %get3A_508] {strides = array<i32>} : memref<8x8x16xf32, #tpu.memory_space<vmem>>, vector<1x1x16xf32>,
        %get3A_510 = vector.shape_cast %get3A_509 : vector<1x1x16xf32> to vector<16xf32>
        %mul3A_511 = arith.constant 16 : i32
        %mul3A_512 = arith.muli %scan3A_420, %mul3A_511 : i32
        %swap3A_513 = arith.constant 6 : i32
        %swap3A_514 = arith.index_cast %swap3A_513 : i32 to index
        %swap3A_515 = arith.index_cast %mul3A_512 : i32 to index
        %swap3A_516 = tpu.vector_load %arg9[%swap3A_514, %swap3A_515] {strides = array<i32>} : memref<8x128xf32, #tpu.memory_space<vmem>>, vector<1x16xf32>,
        %swap3A_517 = vector.shape_cast %swap3A_516 : vector<1x16xf32> to vector<16xf32>
        %swap3A_518 = vector.shape_cast %get3A_510 : vector<16xf32> to vector<1x16xf32>
        tpu.vector_store %arg9[%swap3A_514, %swap3A_515], %swap3A_518 {strides = array<i32>} : memref<8x128xf32, #tpu.memory_space<vmem>>, vector<1x16xf32>,
        %get3A_519 = arith.constant 7 : i32
        %get3A_520 = arith.index_cast %scan3A_420 : i32 to index
        %get3A_521 = arith.index_cast %get3A_519 : i32 to index
        %get3A_522 = arith.constant 0 : index
        %get3A_523 = tpu.vector_load %arg8[%get3A_520, %get3A_521, %get3A_522] {strides = array<i32>} : memref<8x8x16xf32, #tpu.memory_space<vmem>>, vector<1x1x16xf32>,
        %get3A_524 = vector.shape_cast %get3A_523 : vector<1x1x16xf32> to vector<16xf32>
        %mul3A_525 = arith.constant 16 : i32
        %mul3A_526 = arith.muli %scan3A_420, %mul3A_525 : i32
        %swap3A_527 = arith.constant 7 : i32
        %swap3A_528 = arith.index_cast %swap3A_527 : i32 to index
        %swap3A_529 = arith.index_cast %mul3A_526 : i32 to index
        %swap3A_530 = tpu.vector_load %arg9[%swap3A_528, %swap3A_529] {strides = array<i32>} : memref<8x128xf32, #tpu.memory_space<vmem>>, vector<1x16xf32>,
        %swap3A_531 = vector.shape_cast %swap3A_530 : vector<1x16xf32> to vector<16xf32>
        %swap3A_532 = vector.shape_cast %get3A_524 : vector<16xf32> to vector<1x16xf32>
        tpu.vector_store %arg9[%swap3A_528, %swap3A_529], %swap3A_532 {strides = array<i32>} : memref<8x128xf32, #tpu.memory_space<vmem>>, vector<1x16xf32>,
        %scan3A_533 = arith.constant 0 : i32
        scf.yield %scan3A_533 : i32
      }
      %scan3A_418 = arith.constant 8 : i32
      "tpu.region"() ({
        %run_scoped3A = tpu.sem_alloc : memref<!tpu.dma_semaphore, #tpu.memory_space<semaphore_mem>>
        %dma_start3A = arith.constant 0 : i32
        %dma_start3A_420 = arith.constant 0 : i32
        %dma_start3A_421 = tpu.memref_slice %arg4[%add3A_353, %select_n3A_411, %dma_start3A, %dma_start3A_420] : memref<20x8x8x128xf32, #tpu.memory_space<hbm>> -> memref<1x1x8x128xf32, #tpu.memory_space<hbm>>
        %dma_start3A_422 = tpu.memref_squeeze %dma_start3A_421 : memref<1x1x8x128xf32, #tpu.memory_space<hbm>> -> memref<8x128xf32, #tpu.memory_space<hbm>>
        %dma_start3A_423 = arith.constant 0 : i32
        %dma_start3A_424 = arith.constant 0 : i32
        %dma_start3A_425 = tpu.memref_slice %arg4[%add3A_353, %select_n3A_411, %dma_start3A_423, %dma_start3A_424] : memref<20x8x8x128xf32, #tpu.memory_space<hbm>> -> memref<1x1x8x128xf32, #tpu.memory_space<hbm>>
        %dma_start3A_426 = tpu.memref_squeeze %dma_start3A_425 : memref<1x1x8x128xf32, #tpu.memory_space<hbm>> -> memref<8x128xf32, #tpu.memory_space<hbm>>
        tpu.enqueue_dma source(%arg9 : memref<8x128xf32, #tpu.memory_space<vmem>>) target(%dma_start3A_426 : memref<8x128xf32, #tpu.memory_space<hbm>>) target_semaphore(%run_scoped3A : memref<!tpu.dma_semaphore, #tpu.memory_space<semaphore_mem>>)
        %dma_wait3A_427 = arith.constant 0 : i32
        %dma_wait3A_428 = arith.constant 0 : i32
        %dma_wait3A_429 = tpu.memref_slice %arg4[%add3A_353, %select_n3A_411, %dma_wait3A_427, %dma_wait3A_428] : memref<20x8x8x128xf32, #tpu.memory_space<hbm>> -> memref<1x1x8x128xf32, #tpu.memory_space<hbm>>
        %dma_wait3A_430 = tpu.memref_squeeze %dma_wait3A_429 : memref<1x1x8x128xf32, #tpu.memory_space<hbm>> -> memref<8x128xf32, #tpu.memory_space<hbm>>
        %dma_wait3A_431 = arith.constant 0 : i32
        %dma_wait3A_432 = arith.constant 0 : i32
        %dma_wait3A_433 = tpu.memref_slice %arg4[%add3A_353, %select_n3A_411, %dma_wait3A_431, %dma_wait3A_432] : memref<20x8x8x128xf32, #tpu.memory_space<hbm>> -> memref<1x1x8x128xf32, #tpu.memory_space<hbm>>
        %dma_wait3A_434 = tpu.memref_squeeze %dma_wait3A_433 : memref<1x1x8x128xf32, #tpu.memory_space<hbm>> -> memref<8x128xf32, #tpu.memory_space<hbm>>
        tpu.wait_dma2 semaphore(%run_scoped3A : memref<!tpu.dma_semaphore, #tpu.memory_space<semaphore_mem>>) src(%arg9 : memref<8x128xf32, #tpu.memory_space<vmem>>) dst(%dma_wait3A_434 : memref<8x128xf32, #tpu.memory_space<hbm>>)
        tpu.yield
      }) : () -> ()
      %while3A_419 = arith.constant 0 : i32
      scf.yield %while3A_419 : i32
    }
    %barrier3A = arith.constant 0 : index
    tpu.barrier barrier_id(%barrier3A)
    %sub3A_36 = arith.constant 10 : i32
    %sub3A_37 = arith.subi %sub3A_36, %arg1 : i32
    %add3A_38 = arith.constant 16 : i32
    %add3A_39 = arith.addi %sub3A_37, %add3A_38 : i32
    %sub3A_40 = arith.constant 1 : i32
    %sub3A_41 = arith.subi %add3A_39, %sub3A_40 : i32
    %jit3A_42 = arith.constant 16 : i32
    %div3A_43 = arith.divsi %sub3A_41, %jit3A_42 : i32
    %sign3A_44 = arith.constant 0 : i32
    %sign3A_45 = arith.cmpi sgt, %sub3A_41, %sign3A_44 : i32
    %sign3A_46 = arith.extui %sign3A_45 : i1 to i32
    %sign3A_47 = arith.constant 0 : i32
    %sign3A_48 = arith.cmpi slt, %sub3A_41, %sign3A_47 : i32
    %sign3A_49 = arith.extui %sign3A_48 : i1 to i32
    %sign3A_50 = arith.subi %sign3A_46, %sign3A_49 : i32
    %sign3A_51 = arith.constant 0 : i32
    %sign3A_52 = arith.cmpi sgt, %jit3A_42, %sign3A_51 : i32
    %sign3A_53 = arith.extui %sign3A_52 : i1 to i32
    %sign3A_54 = arith.constant 0 : i32
    %sign3A_55 = arith.cmpi slt, %jit3A_42, %sign3A_54 : i32
    %sign3A_56 = arith.extui %sign3A_55 : i1 to i32
    %sign3A_57 = arith.subi %sign3A_53, %sign3A_56 : i32
    %ne3A_58 = arith.cmpi ne, %sign3A_50, %sign3A_57 : i32
    %rem3A_59 = arith.remsi %sub3A_41, %jit3A_42 : i32
    %ne3A_60 = arith.constant 0 : i32
    %ne3A_61 = arith.cmpi ne, %rem3A_59, %ne3A_60 : i32
    %and3A_62 = arith.andi %ne3A_58, %ne3A_61 : i1
    %sub3A_63 = arith.constant 1 : i32
    %sub3A_64 = arith.subi %div3A_43, %sub3A_63 : i32
    %select_n3A_65 = arith.select %and3A_62, %sub3A_64, %div3A_43 : i32
    %while3A_66 = arith.constant 0 : i32
    %while3A_67 = arith.constant 0 : i32
    %while3A_68 = arith.subi %select_n3A_65, %while3A_66 : i32
    %while3A_69 = arith.addi %while3A_66, %while3A_68 : i32
    %while3A_70 = arith.constant 1 : i32
    %while3A_71 = arith.divsi %while3A_68, %while3A_70 : i32
    %while3A_72 = arith.muli %while3A_71, %while3A_70 : i32
    %while3A_73 = arith.addi %while3A_66, %while3A_72 : i32
    %while3A_74 = arith.constant 1 : i32
    %while3A_75 = scf.for %while3A_78 = %while3A_66 to %while3A_73 step %while3A_74 iter_args(%while3A_79 = %while3A_67) -> (i32)  : i32 {
      %mul3A = arith.constant 10 : i32
      %mul3A_80 = arith.muli %arg0, %mul3A : i32
      %add3A_81 = arith.addi %mul3A_80, %arg1 : i32
      %mul3A_82 = arith.constant 16 : i32
      %mul3A_83 = arith.muli %while3A_78, %mul3A_82 : i32
      %add3A_84 = arith.addi %add3A_81, %mul3A_83 : i32
      "tpu.region"() ({
        %run_scoped3A = tpu.sem_alloc : memref<!tpu.dma_semaphore, #tpu.memory_space<semaphore_mem>>
        %dma_start3A = arith.constant 0 : i32
        %dma_start3A_92 = arith.constant 0 : i32
        %dma_start3A_93 = arith.constant 0 : i32
        %dma_start3A_94 = tpu.memref_slice %arg4[%add3A_84, %dma_start3A, %dma_start3A_92, %dma_start3A_93] : memref<20x8x8x128xf32, #tpu.memory_space<hbm>> -> memref<1x8x8x128xf32, #tpu.memory_space<hbm>>
        %dma_start3A_95 = tpu.memref_squeeze %dma_start3A_94 : memref<1x8x8x128xf32, #tpu.memory_space<hbm>> -> memref<8x8x128xf32, #tpu.memory_space<hbm>>
        %dma_start3A_96 = arith.constant 0 : i32
        %dma_start3A_97 = arith.constant 0 : i32
        %dma_start3A_98 = arith.constant 0 : i32
        %dma_start3A_99 = tpu.memref_slice %arg4[%add3A_84, %dma_start3A_96, %dma_start3A_97, %dma_start3A_98] : memref<20x8x8x128xf32, #tpu.memory_space<hbm>> -> memref<1x8x8x128xf32, #tpu.memory_space<hbm>>
        %dma_start3A_100 = tpu.memref_squeeze %dma_start3A_99 : memref<1x8x8x128xf32, #tpu.memory_space<hbm>> -> memref<8x8x128xf32, #tpu.memory_space<hbm>>
        tpu.enqueue_dma source(%dma_start3A_100 : memref<8x8x128xf32, #tpu.memory_space<hbm>>) target(%arg10 : memref<8x8x128xf32, #tpu.memory_space<vmem>>) target_semaphore(%run_scoped3A : memref<!tpu.dma_semaphore, #tpu.memory_space<semaphore_mem>>)
        %dma_wait3A = arith.constant 0 : i32
        %dma_wait3A_101 = arith.constant 0 : i32
        %dma_wait3A_102 = arith.constant 0 : i32
        %dma_wait3A_103 = tpu.memref_slice %arg4[%add3A_84, %dma_wait3A, %dma_wait3A_101, %dma_wait3A_102] : memref<20x8x8x128xf32, #tpu.memory_space<hbm>> -> memref<1x8x8x128xf32, #tpu.memory_space<hbm>>
        %dma_wait3A_104 = tpu.memref_squeeze %dma_wait3A_103 : memref<1x8x8x128xf32, #tpu.memory_space<hbm>> -> memref<8x8x128xf32, #tpu.memory_space<hbm>>
        %dma_wait3A_105 = arith.constant 0 : i32
        %dma_wait3A_106 = arith.constant 0 : i32
        %dma_wait3A_107 = arith.constant 0 : i32
        %dma_wait3A_108 = tpu.memref_slice %arg4[%add3A_84, %dma_wait3A_105, %dma_wait3A_106, %dma_wait3A_107] : memref<20x8x8x128xf32, #tpu.memory_space<hbm>> -> memref<1x8x8x128xf32, #tpu.memory_space<hbm>>
        %dma_wait3A_109 = tpu.memref_squeeze %dma_wait3A_108 : memref<1x8x8x128xf32, #tpu.memory_space<hbm>> -> memref<8x8x128xf32, #tpu.memory_space<hbm>>
        tpu.wait_dma2 semaphore(%run_scoped3A : memref<!tpu.dma_semaphore, #tpu.memory_space<semaphore_mem>>) src(%dma_wait3A_109 : memref<8x8x128xf32, #tpu.memory_space<hbm>>) dst(%arg10 : memref<8x8x128xf32, #tpu.memory_space<vmem>>)
        tpu.yield
      }) : () -> ()
      %scan3A = arith.constant 0 : i32
      %scan3A_85 = arith.constant 0 : i32
      %scan3A_86 = arith.constant 8 : i32
      %scan3A_87 = arith.addi %scan3A_85, %scan3A_86 : i32
      %scan3A_88 = arith.constant 1 : i32
      %scan3A_89 = scf.for %scan3A_92 = %scan3A_85 to %scan3A_87 step %scan3A_88 iter_args(%scan3A_93 = %scan3A) -> (i32)  : i32 {
        %mul3A_94 = arith.constant 16 : i32
        %mul3A_95 = arith.muli %scan3A_92, %mul3A_94 : i32
        %get3A_96 = arith.constant 0 : i32
        %get3A_97 = arith.constant 0 : i32
        %get3A_98 = arith.index_cast %get3A_96 : i32 to index
        %get3A_99 = arith.index_cast %get3A_97 : i32 to index
        %get3A_100 = arith.index_cast %mul3A_95 : i32 to index
        %get3A_101 = tpu.vector_load %arg10[%get3A_98, %get3A_99, %get3A_100] {strides = array<i32>} : memref<8x8x128xf32, #tpu.memory_space<vmem>>, vector<1x1x16xf32>,
        %get3A_102 = vector.shape_cast %get3A_101 : vector<1x1x16xf32> to vector<16xf32>
        %mul3A_103 = arith.constant 16 : i32
        %mul3A_104 = arith.muli %scan3A_92, %mul3A_103 : i32
        %get3A_105 = arith.constant 0 : i32
        %get3A_106 = arith.constant 1 : i32
        %get3A_107 = arith.index_cast %get3A_105 : i32 to index
        %get3A_108 = arith.index_cast %get3A_106 : i32 to index
        %get3A_109 = arith.index_cast %mul3A_104 : i32 to index
        %get3A_110 = tpu.vector_load %arg10[%get3A_107, %get3A_108, %get3A_109] {strides = array<i32>} : memref<8x8x128xf32, #tpu.memory_space<vmem>>, vector<1x1x16xf32>,
        %get3A_111 = vector.shape_cast %get3A_110 : vector<1x1x16xf32> to vector<16xf32>
        %mul3A_112 = arith.constant 16 : i32
        %mul3A_113 = arith.muli %scan3A_92, %mul3A_112 : i32
        %get3A_114 = arith.constant 0 : i32
        %get3A_115 = arith.constant 2 : i32
        %get3A_116 = arith.index_cast %get3A_114 : i32 to index
        %get3A_117 = arith.index_cast %get3A_115 : i32 to index
        %get3A_118 = arith.index_cast %mul3A_113 : i32 to index
        %get3A_119 = tpu.vector_load %arg10[%get3A_116, %get3A_117, %get3A_118] {strides = array<i32>} : memref<8x8x128xf32, #tpu.memory_space<vmem>>, vector<1x1x16xf32>,
        %get3A_120 = vector.shape_cast %get3A_119 : vector<1x1x16xf32> to vector<16xf32>
        %mul3A_121 = arith.constant 16 : i32
        %mul3A_122 = arith.muli %scan3A_92, %mul3A_121 : i32
        %get3A_123 = arith.constant 0 : i32
        %get3A_124 = arith.constant 3 : i32
        %get3A_125 = arith.index_cast %get3A_123 : i32 to index
        %get3A_126 = arith.index_cast %get3A_124 : i32 to index
        %get3A_127 = arith.index_cast %mul3A_122 : i32 to index
        %get3A_128 = tpu.vector_load %arg10[%get3A_125, %get3A_126, %get3A_127] {strides = array<i32>} : memref<8x8x128xf32, #tpu.memory_space<vmem>>, vector<1x1x16xf32>,
        %get3A_129 = vector.shape_cast %get3A_128 : vector<1x1x16xf32> to vector<16xf32>
        %mul3A_130 = arith.constant 16 : i32
        %mul3A_131 = arith.muli %scan3A_92, %mul3A_130 : i32
        %get3A_132 = arith.constant 0 : i32
        %get3A_133 = arith.constant 4 : i32
        %get3A_134 = arith.index_cast %get3A_132 : i32 to index
        %get3A_135 = arith.index_cast %get3A_133 : i32 to index
        %get3A_136 = arith.index_cast %mul3A_131 : i32 to index
        %get3A_137 = tpu.vector_load %arg10[%get3A_134, %get3A_135, %get3A_136] {strides = array<i32>} : memref<8x8x128xf32, #tpu.memory_space<vmem>>, vector<1x1x16xf32>,
        %get3A_138 = vector.shape_cast %get3A_137 : vector<1x1x16xf32> to vector<16xf32>
        %mul3A_139 = arith.constant 16 : i32
        %mul3A_140 = arith.muli %scan3A_92, %mul3A_139 : i32
        %get3A_141 = arith.constant 0 : i32
        %get3A_142 = arith.constant 5 : i32
        %get3A_143 = arith.index_cast %get3A_141 : i32 to index
        %get3A_144 = arith.index_cast %get3A_142 : i32 to index
        %get3A_145 = arith.index_cast %mul3A_140 : i32 to index
        %get3A_146 = tpu.vector_load %arg10[%get3A_143, %get3A_144, %get3A_145] {strides = array<i32>} : memref<8x8x128xf32, #tpu.memory_space<vmem>>, vector<1x1x16xf32>,
        %get3A_147 = vector.shape_cast %get3A_146 : vector<1x1x16xf32> to vector<16xf32>
        %mul3A_148 = arith.constant 16 : i32
        %mul3A_149 = arith.muli %scan3A_92, %mul3A_148 : i32
        %get3A_150 = arith.constant 0 : i32
        %get3A_151 = arith.constant 6 : i32
        %get3A_152 = arith.index_cast %get3A_150 : i32 to index
        %get3A_153 = arith.index_cast %get3A_151 : i32 to index
        %get3A_154 = arith.index_cast %mul3A_149 : i32 to index
        %get3A_155 = tpu.vector_load %arg10[%get3A_152, %get3A_153, %get3A_154] {strides = array<i32>} : memref<8x8x128xf32, #tpu.memory_space<vmem>>, vector<1x1x16xf32>,
        %get3A_156 = vector.shape_cast %get3A_155 : vector<1x1x16xf32> to vector<16xf32>
        %mul3A_157 = arith.constant 16 : i32
        %mul3A_158 = arith.muli %scan3A_92, %mul3A_157 : i32
        %get3A_159 = arith.constant 0 : i32
        %get3A_160 = arith.constant 7 : i32
        %get3A_161 = arith.index_cast %get3A_159 : i32 to index
        %get3A_162 = arith.index_cast %get3A_160 : i32 to index
        %get3A_163 = arith.index_cast %mul3A_158 : i32 to index
        %get3A_164 = tpu.vector_load %arg10[%get3A_161, %get3A_162, %get3A_163] {strides = array<i32>} : memref<8x8x128xf32, #tpu.memory_space<vmem>>, vector<1x1x16xf32>,
        %get3A_165 = vector.shape_cast %get3A_164 : vector<1x1x16xf32> to vector<16xf32>
        %mul3A_166 = arith.constant 16 : i32
        %mul3A_167 = arith.muli %scan3A_92, %mul3A_166 : i32
        %get3A_168 = arith.constant 1 : i32
        %get3A_169 = arith.constant 0 : i32
        %get3A_170 = arith.index_cast %get3A_168 : i32 to index
        %get3A_171 = arith.index_cast %get3A_169 : i32 to index
        %get3A_172 = arith.index_cast %mul3A_167 : i32 to index
        %get3A_173 = tpu.vector_load %arg10[%get3A_170, %get3A_171, %get3A_172] {strides = array<i32>} : memref<8x8x128xf32, #tpu.memory_space<vmem>>, vector<1x1x16xf32>,
        %get3A_174 = vector.shape_cast %get3A_173 : vector<1x1x16xf32> to vector<16xf32>
        %mul3A_175 = arith.constant 16 : i32
        %mul3A_176 = arith.muli %scan3A_92, %mul3A_175 : i32
        %get3A_177 = arith.constant 1 : i32
        %get3A_178 = arith.constant 1 : i32
        %get3A_179 = arith.index_cast %get3A_177 : i32 to index
        %get3A_180 = arith.index_cast %get3A_178 : i32 to index
        %get3A_181 = arith.index_cast %mul3A_176 : i32 to index
        %get3A_182 = tpu.vector_load %arg10[%get3A_179, %get3A_180, %get3A_181] {strides = array<i32>} : memref<8x8x128xf32, #tpu.memory_space<vmem>>, vector<1x1x16xf32>,
        %get3A_183 = vector.shape_cast %get3A_182 : vector<1x1x16xf32> to vector<16xf32>
        %mul3A_184 = arith.constant 16 : i32
        %mul3A_185 = arith.muli %scan3A_92, %mul3A_184 : i32
        %get3A_186 = arith.constant 1 : i32
        %get3A_187 = arith.constant 2 : i32
        %get3A_188 = arith.index_cast %get3A_186 : i32 to index
        %get3A_189 = arith.index_cast %get3A_187 : i32 to index
        %get3A_190 = arith.index_cast %mul3A_185 : i32 to index
        %get3A_191 = tpu.vector_load %arg10[%get3A_188, %get3A_189, %get3A_190] {strides = array<i32>} : memref<8x8x128xf32, #tpu.memory_space<vmem>>, vector<1x1x16xf32>,
        %get3A_192 = vector.shape_cast %get3A_191 : vector<1x1x16xf32> to vector<16xf32>
        %mul3A_193 = arith.constant 16 : i32
        %mul3A_194 = arith.muli %scan3A_92, %mul3A_193 : i32
        %get3A_195 = arith.constant 1 : i32
        %get3A_196 = arith.constant 3 : i32
        %get3A_197 = arith.index_cast %get3A_195 : i32 to index
        %get3A_198 = arith.index_cast %get3A_196 : i32 to index
        %get3A_199 = arith.index_cast %mul3A_194 : i32 to index
        %get3A_200 = tpu.vector_load %arg10[%get3A_197, %get3A_198, %get3A_199] {strides = array<i32>} : memref<8x8x128xf32, #tpu.memory_space<vmem>>, vector<1x1x16xf32>,
        %get3A_201 = vector.shape_cast %get3A_200 : vector<1x1x16xf32> to vector<16xf32>
        %mul3A_202 = arith.constant 16 : i32
        %mul3A_203 = arith.muli %scan3A_92, %mul3A_202 : i32
        %get3A_204 = arith.constant 1 : i32
        %get3A_205 = arith.constant 4 : i32
        %get3A_206 = arith.index_cast %get3A_204 : i32 to index
        %get3A_207 = arith.index_cast %get3A_205 : i32 to index
        %get3A_208 = arith.index_cast %mul3A_203 : i32 to index
        %get3A_209 = tpu.vector_load %arg10[%get3A_206, %get3A_207, %get3A_208] {strides = array<i32>} : memref<8x8x128xf32, #tpu.memory_space<vmem>>, vector<1x1x16xf32>,
        %get3A_210 = vector.shape_cast %get3A_209 : vector<1x1x16xf32> to vector<16xf32>
        %mul3A_211 = arith.constant 16 : i32
        %mul3A_212 = arith.muli %scan3A_92, %mul3A_211 : i32
        %get3A_213 = arith.constant 1 : i32
        %get3A_214 = arith.constant 5 : i32
        %get3A_215 = arith.index_cast %get3A_213 : i32 to index
        %get3A_216 = arith.index_cast %get3A_214 : i32 to index
        %get3A_217 = arith.index_cast %mul3A_212 : i32 to index
        %get3A_218 = tpu.vector_load %arg10[%get3A_215, %get3A_216, %get3A_217] {strides = array<i32>} : memref<8x8x128xf32, #tpu.memory_space<vmem>>, vector<1x1x16xf32>,
        %get3A_219 = vector.shape_cast %get3A_218 : vector<1x1x16xf32> to vector<16xf32>
        %mul3A_220 = arith.constant 16 : i32
        %mul3A_221 = arith.muli %scan3A_92, %mul3A_220 : i32
        %get3A_222 = arith.constant 1 : i32
        %get3A_223 = arith.constant 6 : i32
        %get3A_224 = arith.index_cast %get3A_222 : i32 to index
        %get3A_225 = arith.index_cast %get3A_223 : i32 to index
        %get3A_226 = arith.index_cast %mul3A_221 : i32 to index
        %get3A_227 = tpu.vector_load %arg10[%get3A_224, %get3A_225, %get3A_226] {strides = array<i32>} : memref<8x8x128xf32, #tpu.memory_space<vmem>>, vector<1x1x16xf32>,
        %get3A_228 = vector.shape_cast %get3A_227 : vector<1x1x16xf32> to vector<16xf32>
        %mul3A_229 = arith.constant 16 : i32
        %mul3A_230 = arith.muli %scan3A_92, %mul3A_229 : i32
        %get3A_231 = arith.constant 1 : i32
        %get3A_232 = arith.constant 7 : i32
        %get3A_233 = arith.index_cast %get3A_231 : i32 to index
        %get3A_234 = arith.index_cast %get3A_232 : i32 to index
        %get3A_235 = arith.index_cast %mul3A_230 : i32 to index
        %get3A_236 = tpu.vector_load %arg10[%get3A_233, %get3A_234, %get3A_235] {strides = array<i32>} : memref<8x8x128xf32, #tpu.memory_space<vmem>>, vector<1x1x16xf32>,
        %get3A_237 = vector.shape_cast %get3A_236 : vector<1x1x16xf32> to vector<16xf32>
        %mul3A_238 = arith.constant 16 : i32
        %mul3A_239 = arith.muli %scan3A_92, %mul3A_238 : i32
        %get3A_240 = arith.constant 2 : i32
        %get3A_241 = arith.constant 0 : i32
        %get3A_242 = arith.index_cast %get3A_240 : i32 to index
        %get3A_243 = arith.index_cast %get3A_241 : i32 to index
        %get3A_244 = arith.index_cast %mul3A_239 : i32 to index
        %get3A_245 = tpu.vector_load %arg10[%get3A_242, %get3A_243, %get3A_244] {strides = array<i32>} : memref<8x8x128xf32, #tpu.memory_space<vmem>>, vector<1x1x16xf32>,
        %get3A_246 = vector.shape_cast %get3A_245 : vector<1x1x16xf32> to vector<16xf32>
        %mul3A_247 = arith.constant 16 : i32
        %mul3A_248 = arith.muli %scan3A_92, %mul3A_247 : i32
        %get3A_249 = arith.constant 2 : i32
        %get3A_250 = arith.constant 1 : i32
        %get3A_251 = arith.index_cast %get3A_249 : i32 to index
        %get3A_252 = arith.index_cast %get3A_250 : i32 to index
        %get3A_253 = arith.index_cast %mul3A_248 : i32 to index
        %get3A_254 = tpu.vector_load %arg10[%get3A_251, %get3A_252, %get3A_253] {strides = array<i32>} : memref<8x8x128xf32, #tpu.memory_space<vmem>>, vector<1x1x16xf32>,
        %get3A_255 = vector.shape_cast %get3A_254 : vector<1x1x16xf32> to vector<16xf32>
        %mul3A_256 = arith.constant 16 : i32
        %mul3A_257 = arith.muli %scan3A_92, %mul3A_256 : i32
        %get3A_258 = arith.constant 2 : i32
        %get3A_259 = arith.constant 2 : i32
        %get3A_260 = arith.index_cast %get3A_258 : i32 to index
        %get3A_261 = arith.index_cast %get3A_259 : i32 to index
        %get3A_262 = arith.index_cast %mul3A_257 : i32 to index
        %get3A_263 = tpu.vector_load %arg10[%get3A_260, %get3A_261, %get3A_262] {strides = array<i32>} : memref<8x8x128xf32, #tpu.memory_space<vmem>>, vector<1x1x16xf32>,
        %get3A_264 = vector.shape_cast %get3A_263 : vector<1x1x16xf32> to vector<16xf32>
        %mul3A_265 = arith.constant 16 : i32
        %mul3A_266 = arith.muli %scan3A_92, %mul3A_265 : i32
        %get3A_267 = arith.constant 2 : i32
        %get3A_268 = arith.constant 3 : i32
        %get3A_269 = arith.index_cast %get3A_267 : i32 to index
        %get3A_270 = arith.index_cast %get3A_268 : i32 to index
        %get3A_271 = arith.index_cast %mul3A_266 : i32 to index
        %get3A_272 = tpu.vector_load %arg10[%get3A_269, %get3A_270, %get3A_271] {strides = array<i32>} : memref<8x8x128xf32, #tpu.memory_space<vmem>>, vector<1x1x16xf32>,
        %get3A_273 = vector.shape_cast %get3A_272 : vector<1x1x16xf32> to vector<16xf32>
        %mul3A_274 = arith.constant 16 : i32
        %mul3A_275 = arith.muli %scan3A_92, %mul3A_274 : i32
        %get3A_276 = arith.constant 2 : i32
        %get3A_277 = arith.constant 4 : i32
        %get3A_278 = arith.index_cast %get3A_276 : i32 to index
        %get3A_279 = arith.index_cast %get3A_277 : i32 to index
        %get3A_280 = arith.index_cast %mul3A_275 : i32 to index
        %get3A_281 = tpu.vector_load %arg10[%get3A_278, %get3A_279, %get3A_280] {strides = array<i32>} : memref<8x8x128xf32, #tpu.memory_space<vmem>>, vector<1x1x16xf32>,
        %get3A_282 = vector.shape_cast %get3A_281 : vector<1x1x16xf32> to vector<16xf32>
        %mul3A_283 = arith.constant 16 : i32
        %mul3A_284 = arith.muli %scan3A_92, %mul3A_283 : i32
        %get3A_285 = arith.constant 2 : i32
        %get3A_286 = arith.constant 5 : i32
        %get3A_287 = arith.index_cast %get3A_285 : i32 to index
        %get3A_288 = arith.index_cast %get3A_286 : i32 to index
        %get3A_289 = arith.index_cast %mul3A_284 : i32 to index
        %get3A_290 = tpu.vector_load %arg10[%get3A_287, %get3A_288, %get3A_289] {strides = array<i32>} : memref<8x8x128xf32, #tpu.memory_space<vmem>>, vector<1x1x16xf32>,
        %get3A_291 = vector.shape_cast %get3A_290 : vector<1x1x16xf32> to vector<16xf32>
        %mul3A_292 = arith.constant 16 : i32
        %mul3A_293 = arith.muli %scan3A_92, %mul3A_292 : i32
        %get3A_294 = arith.constant 2 : i32
        %get3A_295 = arith.constant 6 : i32
        %get3A_296 = arith.index_cast %get3A_294 : i32 to index
        %get3A_297 = arith.index_cast %get3A_295 : i32 to index
        %get3A_298 = arith.index_cast %mul3A_293 : i32 to index
        %get3A_299 = tpu.vector_load %arg10[%get3A_296, %get3A_297, %get3A_298] {strides = array<i32>} : memref<8x8x128xf32, #tpu.memory_space<vmem>>, vector<1x1x16xf32>,
        %get3A_300 = vector.shape_cast %get3A_299 : vector<1x1x16xf32> to vector<16xf32>
        %mul3A_301 = arith.constant 16 : i32
        %mul3A_302 = arith.muli %scan3A_92, %mul3A_301 : i32
        %get3A_303 = arith.constant 2 : i32
        %get3A_304 = arith.constant 7 : i32
        %get3A_305 = arith.index_cast %get3A_303 : i32 to index
        %get3A_306 = arith.index_cast %get3A_304 : i32 to index
        %get3A_307 = arith.index_cast %mul3A_302 : i32 to index
        %get3A_308 = tpu.vector_load %arg10[%get3A_305, %get3A_306, %get3A_307] {strides = array<i32>} : memref<8x8x128xf32, #tpu.memory_space<vmem>>, vector<1x1x16xf32>,
        %get3A_309 = vector.shape_cast %get3A_308 : vector<1x1x16xf32> to vector<16xf32>
        %mul3A_310 = arith.constant 16 : i32
        %mul3A_311 = arith.muli %scan3A_92, %mul3A_310 : i32
        %get3A_312 = arith.constant 3 : i32
        %get3A_313 = arith.constant 0 : i32
        %get3A_314 = arith.index_cast %get3A_312 : i32 to index
        %get3A_315 = arith.index_cast %get3A_313 : i32 to index
        %get3A_316 = arith.index_cast %mul3A_311 : i32 to index
        %get3A_317 = tpu.vector_load %arg10[%get3A_314, %get3A_315, %get3A_316] {strides = array<i32>} : memref<8x8x128xf32, #tpu.memory_space<vmem>>, vector<1x1x16xf32>,
        %get3A_318 = vector.shape_cast %get3A_317 : vector<1x1x16xf32> to vector<16xf32>
        %mul3A_319 = arith.constant 16 : i32
        %mul3A_320 = arith.muli %scan3A_92, %mul3A_319 : i32
        %get3A_321 = arith.constant 3 : i32
        %get3A_322 = arith.constant 1 : i32
        %get3A_323 = arith.index_cast %get3A_321 : i32 to index
        %get3A_324 = arith.index_cast %get3A_322 : i32 to index
        %get3A_325 = arith.index_cast %mul3A_320 : i32 to index
        %get3A_326 = tpu.vector_load %arg10[%get3A_323, %get3A_324, %get3A_325] {strides = array<i32>} : memref<8x8x128xf32, #tpu.memory_space<vmem>>, vector<1x1x16xf32>,
        %get3A_327 = vector.shape_cast %get3A_326 : vector<1x1x16xf32> to vector<16xf32>
        %mul3A_328 = arith.constant 16 : i32
        %mul3A_329 = arith.muli %scan3A_92, %mul3A_328 : i32
        %get3A_330 = arith.constant 3 : i32
        %get3A_331 = arith.constant 2 : i32
        %get3A_332 = arith.index_cast %get3A_330 : i32 to index
        %get3A_333 = arith.index_cast %get3A_331 : i32 to index
        %get3A_334 = arith.index_cast %mul3A_329 : i32 to index
        %get3A_335 = tpu.vector_load %arg10[%get3A_332, %get3A_333, %get3A_334] {strides = array<i32>} : memref<8x8x128xf32, #tpu.memory_space<vmem>>, vector<1x1x16xf32>,
        %get3A_336 = vector.shape_cast %get3A_335 : vector<1x1x16xf32> to vector<16xf32>
        %mul3A_337 = arith.constant 16 : i32
        %mul3A_338 = arith.muli %scan3A_92, %mul3A_337 : i32
        %get3A_339 = arith.constant 3 : i32
        %get3A_340 = arith.constant 3 : i32
        %get3A_341 = arith.index_cast %get3A_339 : i32 to index
        %get3A_342 = arith.index_cast %get3A_340 : i32 to index
        %get3A_343 = arith.index_cast %mul3A_338 : i32 to index
        %get3A_344 = tpu.vector_load %arg10[%get3A_341, %get3A_342, %get3A_343] {strides = array<i32>} : memref<8x8x128xf32, #tpu.memory_space<vmem>>, vector<1x1x16xf32>,
        %get3A_345 = vector.shape_cast %get3A_344 : vector<1x1x16xf32> to vector<16xf32>
        %mul3A_346 = arith.constant 16 : i32
        %mul3A_347 = arith.muli %scan3A_92, %mul3A_346 : i32
        %get3A_348 = arith.constant 3 : i32
        %get3A_349 = arith.constant 4 : i32
        %get3A_350 = arith.index_cast %get3A_348 : i32 to index
        %get3A_351 = arith.index_cast %get3A_349 : i32 to index
        %get3A_352 = arith.index_cast %mul3A_347 : i32 to index
        %get3A_353 = tpu.vector_load %arg10[%get3A_350, %get3A_351, %get3A_352] {strides = array<i32>} : memref<8x8x128xf32, #tpu.memory_space<vmem>>, vector<1x1x16xf32>,
        %get3A_354 = vector.shape_cast %get3A_353 : vector<1x1x16xf32> to vector<16xf32>
        %mul3A_355 = arith.constant 16 : i32
        %mul3A_356 = arith.muli %scan3A_92, %mul3A_355 : i32
        %get3A_357 = arith.constant 3 : i32
        %get3A_358 = arith.constant 5 : i32
        %get3A_359 = arith.index_cast %get3A_357 : i32 to index
        %get3A_360 = arith.index_cast %get3A_358 : i32 to index
        %get3A_361 = arith.index_cast %mul3A_356 : i32 to index
        %get3A_362 = tpu.vector_load %arg10[%get3A_359, %get3A_360, %get3A_361] {strides = array<i32>} : memref<8x8x128xf32, #tpu.memory_space<vmem>>, vector<1x1x16xf32>,
        %get3A_363 = vector.shape_cast %get3A_362 : vector<1x1x16xf32> to vector<16xf32>
        %mul3A_364 = arith.constant 16 : i32
        %mul3A_365 = arith.muli %scan3A_92, %mul3A_364 : i32
        %get3A_366 = arith.constant 3 : i32
        %get3A_367 = arith.constant 6 : i32
        %get3A_368 = arith.index_cast %get3A_366 : i32 to index
        %get3A_369 = arith.index_cast %get3A_367 : i32 to index
        %get3A_370 = arith.index_cast %mul3A_365 : i32 to index
        %get3A_371 = tpu.vector_load %arg10[%get3A_368, %get3A_369, %get3A_370] {strides = array<i32>} : memref<8x8x128xf32, #tpu.memory_space<vmem>>, vector<1x1x16xf32>,
        %get3A_372 = vector.shape_cast %get3A_371 : vector<1x1x16xf32> to vector<16xf32>
        %mul3A_373 = arith.constant 16 : i32
        %mul3A_374 = arith.muli %scan3A_92, %mul3A_373 : i32
        %get3A_375 = arith.constant 3 : i32
        %get3A_376 = arith.constant 7 : i32
        %get3A_377 = arith.index_cast %get3A_375 : i32 to index
        %get3A_378 = arith.index_cast %get3A_376 : i32 to index
        %get3A_379 = arith.index_cast %mul3A_374 : i32 to index
        %get3A_380 = tpu.vector_load %arg10[%get3A_377, %get3A_378, %get3A_379] {strides = array<i32>} : memref<8x8x128xf32, #tpu.memory_space<vmem>>, vector<1x1x16xf32>,
        %get3A_381 = vector.shape_cast %get3A_380 : vector<1x1x16xf32> to vector<16xf32>
        %mul3A_382 = arith.constant 16 : i32
        %mul3A_383 = arith.muli %scan3A_92, %mul3A_382 : i32
        %get3A_384 = arith.constant 4 : i32
        %get3A_385 = arith.constant 0 : i32
        %get3A_386 = arith.index_cast %get3A_384 : i32 to index
        %get3A_387 = arith.index_cast %get3A_385 : i32 to index
        %get3A_388 = arith.index_cast %mul3A_383 : i32 to index
        %get3A_389 = tpu.vector_load %arg10[%get3A_386, %get3A_387, %get3A_388] {strides = array<i32>} : memref<8x8x128xf32, #tpu.memory_space<vmem>>, vector<1x1x16xf32>,
        %get3A_390 = vector.shape_cast %get3A_389 : vector<1x1x16xf32> to vector<16xf32>
        %mul3A_391 = arith.constant 16 : i32
        %mul3A_392 = arith.muli %scan3A_92, %mul3A_391 : i32
        %get3A_393 = arith.constant 4 : i32
        %get3A_394 = arith.constant 1 : i32
        %get3A_395 = arith.index_cast %get3A_393 : i32 to index
        %get3A_396 = arith.index_cast %get3A_394 : i32 to index
        %get3A_397 = arith.index_cast %mul3A_392 : i32 to index
        %get3A_398 = tpu.vector_load %arg10[%get3A_395, %get3A_396, %get3A_397] {strides = array<i32>} : memref<8x8x128xf32, #tpu.memory_space<vmem>>, vector<1x1x16xf32>,
        %get3A_399 = vector.shape_cast %get3A_398 : vector<1x1x16xf32> to vector<16xf32>
        %mul3A_400 = arith.constant 16 : i32
        %mul3A_401 = arith.muli %scan3A_92, %mul3A_400 : i32
        %get3A_402 = arith.constant 4 : i32
        %get3A_403 = arith.constant 2 : i32
        %get3A_404 = arith.index_cast %get3A_402 : i32 to index
        %get3A_405 = arith.index_cast %get3A_403 : i32 to index
        %get3A_406 = arith.index_cast %mul3A_401 : i32 to index
        %get3A_407 = tpu.vector_load %arg10[%get3A_404, %get3A_405, %get3A_406] {strides = array<i32>} : memref<8x8x128xf32, #tpu.memory_space<vmem>>, vector<1x1x16xf32>,
        %get3A_408 = vector.shape_cast %get3A_407 : vector<1x1x16xf32> to vector<16xf32>
        %mul3A_409 = arith.constant 16 : i32
        %mul3A_410 = arith.muli %scan3A_92, %mul3A_409 : i32
        %get3A_411 = arith.constant 4 : i32
        %get3A_412 = arith.constant 3 : i32
        %get3A_413 = arith.index_cast %get3A_411 : i32 to index
        %get3A_414 = arith.index_cast %get3A_412 : i32 to index
        %get3A_415 = arith.index_cast %mul3A_410 : i32 to index
        %get3A_416 = tpu.vector_load %arg10[%get3A_413, %get3A_414, %get3A_415] {strides = array<i32>} : memref<8x8x128xf32, #tpu.memory_space<vmem>>, vector<1x1x16xf32>,
        %get3A_417 = vector.shape_cast %get3A_416 : vector<1x1x16xf32> to vector<16xf32>
        %mul3A_418 = arith.constant 16 : i32
        %mul3A_419 = arith.muli %scan3A_92, %mul3A_418 : i32
        %get3A_420 = arith.constant 4 : i32
        %get3A_421 = arith.constant 4 : i32
        %get3A_422 = arith.index_cast %get3A_420 : i32 to index
        %get3A_423 = arith.index_cast %get3A_421 : i32 to index
        %get3A_424 = arith.index_cast %mul3A_419 : i32 to index
        %get3A_425 = tpu.vector_load %arg10[%get3A_422, %get3A_423, %get3A_424] {strides = array<i32>} : memref<8x8x128xf32, #tpu.memory_space<vmem>>, vector<1x1x16xf32>,
        %get3A_426 = vector.shape_cast %get3A_425 : vector<1x1x16xf32> to vector<16xf32>
        %mul3A_427 = arith.constant 16 : i32
        %mul3A_428 = arith.muli %scan3A_92, %mul3A_427 : i32
        %get3A_429 = arith.constant 4 : i32
        %get3A_430 = arith.constant 5 : i32
        %get3A_431 = arith.index_cast %get3A_429 : i32 to index
        %get3A_432 = arith.index_cast %get3A_430 : i32 to index
        %get3A_433 = arith.index_cast %mul3A_428 : i32 to index
        %get3A_434 = tpu.vector_load %arg10[%get3A_431, %get3A_432, %get3A_433] {strides = array<i32>} : memref<8x8x128xf32, #tpu.memory_space<vmem>>, vector<1x1x16xf32>,
        %get3A_435 = vector.shape_cast %get3A_434 : vector<1x1x16xf32> to vector<16xf32>
        %mul3A_436 = arith.constant 16 : i32
        %mul3A_437 = arith.muli %scan3A_92, %mul3A_436 : i32
        %get3A_438 = arith.constant 4 : i32
        %get3A_439 = arith.constant 6 : i32
        %get3A_440 = arith.index_cast %get3A_438 : i32 to index
        %get3A_441 = arith.index_cast %get3A_439 : i32 to index
        %get3A_442 = arith.index_cast %mul3A_437 : i32 to index
        %get3A_443 = tpu.vector_load %arg10[%get3A_440, %get3A_441, %get3A_442] {strides = array<i32>} : memref<8x8x128xf32, #tpu.memory_space<vmem>>, vector<1x1x16xf32>,
        %get3A_444 = vector.shape_cast %get3A_443 : vector<1x1x16xf32> to vector<16xf32>
        %mul3A_445 = arith.constant 16 : i32
        %mul3A_446 = arith.muli %scan3A_92, %mul3A_445 : i32
        %get3A_447 = arith.constant 4 : i32
        %get3A_448 = arith.constant 7 : i32
        %get3A_449 = arith.index_cast %get3A_447 : i32 to index
        %get3A_450 = arith.index_cast %get3A_448 : i32 to index
        %get3A_451 = arith.index_cast %mul3A_446 : i32 to index
        %get3A_452 = tpu.vector_load %arg10[%get3A_449, %get3A_450, %get3A_451] {strides = array<i32>} : memref<8x8x128xf32, #tpu.memory_space<vmem>>, vector<1x1x16xf32>,
        %get3A_453 = vector.shape_cast %get3A_452 : vector<1x1x16xf32> to vector<16xf32>
        %mul3A_454 = arith.constant 16 : i32
        %mul3A_455 = arith.muli %scan3A_92, %mul3A_454 : i32
        %get3A_456 = arith.constant 5 : i32
        %get3A_457 = arith.constant 0 : i32
        %get3A_458 = arith.index_cast %get3A_456 : i32 to index
        %get3A_459 = arith.index_cast %get3A_457 : i32 to index
        %get3A_460 = arith.index_cast %mul3A_455 : i32 to index
        %get3A_461 = tpu.vector_load %arg10[%get3A_458, %get3A_459, %get3A_460] {strides = array<i32>} : memref<8x8x128xf32, #tpu.memory_space<vmem>>, vector<1x1x16xf32>,
        %get3A_462 = vector.shape_cast %get3A_461 : vector<1x1x16xf32> to vector<16xf32>
        %mul3A_463 = arith.constant 16 : i32
        %mul3A_464 = arith.muli %scan3A_92, %mul3A_463 : i32
        %get3A_465 = arith.constant 5 : i32
        %get3A_466 = arith.constant 1 : i32
        %get3A_467 = arith.index_cast %get3A_465 : i32 to index
        %get3A_468 = arith.index_cast %get3A_466 : i32 to index
        %get3A_469 = arith.index_cast %mul3A_464 : i32 to index
        %get3A_470 = tpu.vector_load %arg10[%get3A_467, %get3A_468, %get3A_469] {strides = array<i32>} : memref<8x8x128xf32, #tpu.memory_space<vmem>>, vector<1x1x16xf32>,
        %get3A_471 = vector.shape_cast %get3A_470 : vector<1x1x16xf32> to vector<16xf32>
        %mul3A_472 = arith.constant 16 : i32
        %mul3A_473 = arith.muli %scan3A_92, %mul3A_472 : i32
        %get3A_474 = arith.constant 5 : i32
        %get3A_475 = arith.constant 2 : i32
        %get3A_476 = arith.index_cast %get3A_474 : i32 to index
        %get3A_477 = arith.index_cast %get3A_475 : i32 to index
        %get3A_478 = arith.index_cast %mul3A_473 : i32 to index
        %get3A_479 = tpu.vector_load %arg10[%get3A_476, %get3A_477, %get3A_478] {strides = array<i32>} : memref<8x8x128xf32, #tpu.memory_space<vmem>>, vector<1x1x16xf32>,
        %get3A_480 = vector.shape_cast %get3A_479 : vector<1x1x16xf32> to vector<16xf32>
        %mul3A_481 = arith.constant 16 : i32
        %mul3A_482 = arith.muli %scan3A_92, %mul3A_481 : i32
        %get3A_483 = arith.constant 5 : i32
        %get3A_484 = arith.constant 3 : i32
        %get3A_485 = arith.index_cast %get3A_483 : i32 to index
        %get3A_486 = arith.index_cast %get3A_484 : i32 to index
        %get3A_487 = arith.index_cast %mul3A_482 : i32 to index
        %get3A_488 = tpu.vector_load %arg10[%get3A_485, %get3A_486, %get3A_487] {strides = array<i32>} : memref<8x8x128xf32, #tpu.memory_space<vmem>>, vector<1x1x16xf32>,
        %get3A_489 = vector.shape_cast %get3A_488 : vector<1x1x16xf32> to vector<16xf32>
        %mul3A_490 = arith.constant 16 : i32
        %mul3A_491 = arith.muli %scan3A_92, %mul3A_490 : i32
        %get3A_492 = arith.constant 5 : i32
        %get3A_493 = arith.constant 4 : i32
        %get3A_494 = arith.index_cast %get3A_492 : i32 to index
        %get3A_495 = arith.index_cast %get3A_493 : i32 to index
        %get3A_496 = arith.index_cast %mul3A_491 : i32 to index
        %get3A_497 = tpu.vector_load %arg10[%get3A_494, %get3A_495, %get3A_496] {strides = array<i32>} : memref<8x8x128xf32, #tpu.memory_space<vmem>>, vector<1x1x16xf32>,
        %get3A_498 = vector.shape_cast %get3A_497 : vector<1x1x16xf32> to vector<16xf32>
        %mul3A_499 = arith.constant 16 : i32
        %mul3A_500 = arith.muli %scan3A_92, %mul3A_499 : i32
        %get3A_501 = arith.constant 5 : i32
        %get3A_502 = arith.constant 5 : i32
        %get3A_503 = arith.index_cast %get3A_501 : i32 to index
        %get3A_504 = arith.index_cast %get3A_502 : i32 to index
        %get3A_505 = arith.index_cast %mul3A_500 : i32 to index
        %get3A_506 = tpu.vector_load %arg10[%get3A_503, %get3A_504, %get3A_505] {strides = array<i32>} : memref<8x8x128xf32, #tpu.memory_space<vmem>>, vector<1x1x16xf32>,
        %get3A_507 = vector.shape_cast %get3A_506 : vector<1x1x16xf32> to vector<16xf32>
        %mul3A_508 = arith.constant 16 : i32
        %mul3A_509 = arith.muli %scan3A_92, %mul3A_508 : i32
        %get3A_510 = arith.constant 5 : i32
        %get3A_511 = arith.constant 6 : i32
        %get3A_512 = arith.index_cast %get3A_510 : i32 to index
        %get3A_513 = arith.index_cast %get3A_511 : i32 to index
        %get3A_514 = arith.index_cast %mul3A_509 : i32 to index
        %get3A_515 = tpu.vector_load %arg10[%get3A_512, %get3A_513, %get3A_514] {strides = array<i32>} : memref<8x8x128xf32, #tpu.memory_space<vmem>>, vector<1x1x16xf32>,
        %get3A_516 = vector.shape_cast %get3A_515 : vector<1x1x16xf32> to vector<16xf32>
        %mul3A_517 = arith.constant 16 : i32
        %mul3A_518 = arith.muli %scan3A_92, %mul3A_517 : i32
        %get3A_519 = arith.constant 5 : i32
        %get3A_520 = arith.constant 7 : i32
        %get3A_521 = arith.index_cast %get3A_519 : i32 to index
        %get3A_522 = arith.index_cast %get3A_520 : i32 to index
        %get3A_523 = arith.index_cast %mul3A_518 : i32 to index
        %get3A_524 = tpu.vector_load %arg10[%get3A_521, %get3A_522, %get3A_523] {strides = array<i32>} : memref<8x8x128xf32, #tpu.memory_space<vmem>>, vector<1x1x16xf32>,
        %get3A_525 = vector.shape_cast %get3A_524 : vector<1x1x16xf32> to vector<16xf32>
        %mul3A_526 = arith.constant 16 : i32
        %mul3A_527 = arith.muli %scan3A_92, %mul3A_526 : i32
        %get3A_528 = arith.constant 6 : i32
        %get3A_529 = arith.constant 0 : i32
        %get3A_530 = arith.index_cast %get3A_528 : i32 to index
        %get3A_531 = arith.index_cast %get3A_529 : i32 to index
        %get3A_532 = arith.index_cast %mul3A_527 : i32 to index
        %get3A_533 = tpu.vector_load %arg10[%get3A_530, %get3A_531, %get3A_532] {strides = array<i32>} : memref<8x8x128xf32, #tpu.memory_space<vmem>>, vector<1x1x16xf32>,
        %get3A_534 = vector.shape_cast %get3A_533 : vector<1x1x16xf32> to vector<16xf32>
        %mul3A_535 = arith.constant 16 : i32
        %mul3A_536 = arith.muli %scan3A_92, %mul3A_535 : i32
        %get3A_537 = arith.constant 6 : i32
        %get3A_538 = arith.constant 1 : i32
        %get3A_539 = arith.index_cast %get3A_537 : i32 to index
        %get3A_540 = arith.index_cast %get3A_538 : i32 to index
        %get3A_541 = arith.index_cast %mul3A_536 : i32 to index
        %get3A_542 = tpu.vector_load %arg10[%get3A_539, %get3A_540, %get3A_541] {strides = array<i32>} : memref<8x8x128xf32, #tpu.memory_space<vmem>>, vector<1x1x16xf32>,
        %get3A_543 = vector.shape_cast %get3A_542 : vector<1x1x16xf32> to vector<16xf32>
        %mul3A_544 = arith.constant 16 : i32
        %mul3A_545 = arith.muli %scan3A_92, %mul3A_544 : i32
        %get3A_546 = arith.constant 6 : i32
        %get3A_547 = arith.constant 2 : i32
        %get3A_548 = arith.index_cast %get3A_546 : i32 to index
        %get3A_549 = arith.index_cast %get3A_547 : i32 to index
        %get3A_550 = arith.index_cast %mul3A_545 : i32 to index
        %get3A_551 = tpu.vector_load %arg10[%get3A_548, %get3A_549, %get3A_550] {strides = array<i32>} : memref<8x8x128xf32, #tpu.memory_space<vmem>>, vector<1x1x16xf32>,
        %get3A_552 = vector.shape_cast %get3A_551 : vector<1x1x16xf32> to vector<16xf32>
        %mul3A_553 = arith.constant 16 : i32
        %mul3A_554 = arith.muli %scan3A_92, %mul3A_553 : i32
        %get3A_555 = arith.constant 6 : i32
        %get3A_556 = arith.constant 3 : i32
        %get3A_557 = arith.index_cast %get3A_555 : i32 to index
        %get3A_558 = arith.index_cast %get3A_556 : i32 to index
        %get3A_559 = arith.index_cast %mul3A_554 : i32 to index
        %get3A_560 = tpu.vector_load %arg10[%get3A_557, %get3A_558, %get3A_559] {strides = array<i32>} : memref<8x8x128xf32, #tpu.memory_space<vmem>>, vector<1x1x16xf32>,
        %get3A_561 = vector.shape_cast %get3A_560 : vector<1x1x16xf32> to vector<16xf32>
        %mul3A_562 = arith.constant 16 : i32
        %mul3A_563 = arith.muli %scan3A_92, %mul3A_562 : i32
        %get3A_564 = arith.constant 6 : i32
        %get3A_565 = arith.constant 4 : i32
        %get3A_566 = arith.index_cast %get3A_564 : i32 to index
        %get3A_567 = arith.index_cast %get3A_565 : i32 to index
        %get3A_568 = arith.index_cast %mul3A_563 : i32 to index
        %get3A_569 = tpu.vector_load %arg10[%get3A_566, %get3A_567, %get3A_568] {strides = array<i32>} : memref<8x8x128xf32, #tpu.memory_space<vmem>>, vector<1x1x16xf32>,
        %get3A_570 = vector.shape_cast %get3A_569 : vector<1x1x16xf32> to vector<16xf32>
        %mul3A_571 = arith.constant 16 : i32
        %mul3A_572 = arith.muli %scan3A_92, %mul3A_571 : i32
        %get3A_573 = arith.constant 6 : i32
        %get3A_574 = arith.constant 5 : i32
        %get3A_575 = arith.index_cast %get3A_573 : i32 to index
        %get3A_576 = arith.index_cast %get3A_574 : i32 to index
        %get3A_577 = arith.index_cast %mul3A_572 : i32 to index
        %get3A_578 = tpu.vector_load %arg10[%get3A_575, %get3A_576, %get3A_577] {strides = array<i32>} : memref<8x8x128xf32, #tpu.memory_space<vmem>>, vector<1x1x16xf32>,
        %get3A_579 = vector.shape_cast %get3A_578 : vector<1x1x16xf32> to vector<16xf32>
        %mul3A_580 = arith.constant 16 : i32
        %mul3A_581 = arith.muli %scan3A_92, %mul3A_580 : i32
        %get3A_582 = arith.constant 6 : i32
        %get3A_583 = arith.constant 6 : i32
        %get3A_584 = arith.index_cast %get3A_582 : i32 to index
        %get3A_585 = arith.index_cast %get3A_583 : i32 to index
        %get3A_586 = arith.index_cast %mul3A_581 : i32 to index
        %get3A_587 = tpu.vector_load %arg10[%get3A_584, %get3A_585, %get3A_586] {strides = array<i32>} : memref<8x8x128xf32, #tpu.memory_space<vmem>>, vector<1x1x16xf32>,
        %get3A_588 = vector.shape_cast %get3A_587 : vector<1x1x16xf32> to vector<16xf32>
        %mul3A_589 = arith.constant 16 : i32
        %mul3A_590 = arith.muli %scan3A_92, %mul3A_589 : i32
        %get3A_591 = arith.constant 6 : i32
        %get3A_592 = arith.constant 7 : i32
        %get3A_593 = arith.index_cast %get3A_591 : i32 to index
        %get3A_594 = arith.index_cast %get3A_592 : i32 to index
        %get3A_595 = arith.index_cast %mul3A_590 : i32 to index
        %get3A_596 = tpu.vector_load %arg10[%get3A_593, %get3A_594, %get3A_595] {strides = array<i32>} : memref<8x8x128xf32, #tpu.memory_space<vmem>>, vector<1x1x16xf32>,
        %get3A_597 = vector.shape_cast %get3A_596 : vector<1x1x16xf32> to vector<16xf32>
        %mul3A_598 = arith.constant 16 : i32
        %mul3A_599 = arith.muli %scan3A_92, %mul3A_598 : i32
        %get3A_600 = arith.constant 7 : i32
        %get3A_601 = arith.constant 0 : i32
        %get3A_602 = arith.index_cast %get3A_600 : i32 to index
        %get3A_603 = arith.index_cast %get3A_601 : i32 to index
        %get3A_604 = arith.index_cast %mul3A_599 : i32 to index
        %get3A_605 = tpu.vector_load %arg10[%get3A_602, %get3A_603, %get3A_604] {strides = array<i32>} : memref<8x8x128xf32, #tpu.memory_space<vmem>>, vector<1x1x16xf32>,
        %get3A_606 = vector.shape_cast %get3A_605 : vector<1x1x16xf32> to vector<16xf32>
        %mul3A_607 = arith.constant 16 : i32
        %mul3A_608 = arith.muli %scan3A_92, %mul3A_607 : i32
        %get3A_609 = arith.constant 7 : i32
        %get3A_610 = arith.constant 1 : i32
        %get3A_611 = arith.index_cast %get3A_609 : i32 to index
        %get3A_612 = arith.index_cast %get3A_610 : i32 to index
        %get3A_613 = arith.index_cast %mul3A_608 : i32 to index
        %get3A_614 = tpu.vector_load %arg10[%get3A_611, %get3A_612, %get3A_613] {strides = array<i32>} : memref<8x8x128xf32, #tpu.memory_space<vmem>>, vector<1x1x16xf32>,
        %get3A_615 = vector.shape_cast %get3A_614 : vector<1x1x16xf32> to vector<16xf32>
        %mul3A_616 = arith.constant 16 : i32
        %mul3A_617 = arith.muli %scan3A_92, %mul3A_616 : i32
        %get3A_618 = arith.constant 7 : i32
        %get3A_619 = arith.constant 2 : i32
        %get3A_620 = arith.index_cast %get3A_618 : i32 to index
        %get3A_621 = arith.index_cast %get3A_619 : i32 to index
        %get3A_622 = arith.index_cast %mul3A_617 : i32 to index
        %get3A_623 = tpu.vector_load %arg10[%get3A_620, %get3A_621, %get3A_622] {strides = array<i32>} : memref<8x8x128xf32, #tpu.memory_space<vmem>>, vector<1x1x16xf32>,
        %get3A_624 = vector.shape_cast %get3A_623 : vector<1x1x16xf32> to vector<16xf32>
        %mul3A_625 = arith.constant 16 : i32
        %mul3A_626 = arith.muli %scan3A_92, %mul3A_625 : i32
        %get3A_627 = arith.constant 7 : i32
        %get3A_628 = arith.constant 3 : i32
        %get3A_629 = arith.index_cast %get3A_627 : i32 to index
        %get3A_630 = arith.index_cast %get3A_628 : i32 to index
        %get3A_631 = arith.index_cast %mul3A_626 : i32 to index
        %get3A_632 = tpu.vector_load %arg10[%get3A_629, %get3A_630, %get3A_631] {strides = array<i32>} : memref<8x8x128xf32, #tpu.memory_space<vmem>>, vector<1x1x16xf32>,
        %get3A_633 = vector.shape_cast %get3A_632 : vector<1x1x16xf32> to vector<16xf32>
        %mul3A_634 = arith.constant 16 : i32
        %mul3A_635 = arith.muli %scan3A_92, %mul3A_634 : i32
        %get3A_636 = arith.constant 7 : i32
        %get3A_637 = arith.constant 4 : i32
        %get3A_638 = arith.index_cast %get3A_636 : i32 to index
        %get3A_639 = arith.index_cast %get3A_637 : i32 to index
        %get3A_640 = arith.index_cast %mul3A_635 : i32 to index
        %get3A_641 = tpu.vector_load %arg10[%get3A_638, %get3A_639, %get3A_640] {strides = array<i32>} : memref<8x8x128xf32, #tpu.memory_space<vmem>>, vector<1x1x16xf32>,
        %get3A_642 = vector.shape_cast %get3A_641 : vector<1x1x16xf32> to vector<16xf32>
        %mul3A_643 = arith.constant 16 : i32
        %mul3A_644 = arith.muli %scan3A_92, %mul3A_643 : i32
        %get3A_645 = arith.constant 7 : i32
        %get3A_646 = arith.constant 5 : i32
        %get3A_647 = arith.index_cast %get3A_645 : i32 to index
        %get3A_648 = arith.index_cast %get3A_646 : i32 to index
        %get3A_649 = arith.index_cast %mul3A_644 : i32 to index
        %get3A_650 = tpu.vector_load %arg10[%get3A_647, %get3A_648, %get3A_649] {strides = array<i32>} : memref<8x8x128xf32, #tpu.memory_space<vmem>>, vector<1x1x16xf32>,
        %get3A_651 = vector.shape_cast %get3A_650 : vector<1x1x16xf32> to vector<16xf32>
        %mul3A_652 = arith.constant 16 : i32
        %mul3A_653 = arith.muli %scan3A_92, %mul3A_652 : i32
        %get3A_654 = arith.constant 7 : i32
        %get3A_655 = arith.constant 6 : i32
        %get3A_656 = arith.index_cast %get3A_654 : i32 to index
        %get3A_657 = arith.index_cast %get3A_655 : i32 to index
        %get3A_658 = arith.index_cast %mul3A_653 : i32 to index
        %get3A_659 = tpu.vector_load %arg10[%get3A_656, %get3A_657, %get3A_658] {strides = array<i32>} : memref<8x8x128xf32, #tpu.memory_space<vmem>>, vector<1x1x16xf32>,
        %get3A_660 = vector.shape_cast %get3A_659 : vector<1x1x16xf32> to vector<16xf32>
        %mul3A_661 = arith.constant 16 : i32
        %mul3A_662 = arith.muli %scan3A_92, %mul3A_661 : i32
        %get3A_663 = arith.constant 7 : i32
        %get3A_664 = arith.constant 7 : i32
        %get3A_665 = arith.index_cast %get3A_663 : i32 to index
        %get3A_666 = arith.index_cast %get3A_664 : i32 to index
        %get3A_667 = arith.index_cast %mul3A_662 : i32 to index
        %get3A_668 = tpu.vector_load %arg10[%get3A_665, %get3A_666, %get3A_667] {strides = array<i32>} : memref<8x8x128xf32, #tpu.memory_space<vmem>>, vector<1x1x16xf32>,
        %get3A_669 = vector.shape_cast %get3A_668 : vector<1x1x16xf32> to vector<16xf32>
        %max3A = arith.maximumf %get3A_102, %get3A_237 : vector<16xf32>
        %max3A_670 = arith.maximumf %get3A_111, %get3A_228 : vector<16xf32>
        %max3A_671 = arith.maximumf %get3A_120, %get3A_219 : vector<16xf32>
        %max3A_672 = arith.maximumf %get3A_129, %get3A_210 : vector<16xf32>
        %max3A_673 = arith.maximumf %get3A_138, %get3A_201 : vector<16xf32>
        %max3A_674 = arith.maximumf %get3A_147, %get3A_192 : vector<16xf32>
        %max3A_675 = arith.maximumf %get3A_156, %get3A_183 : vector<16xf32>
        %max3A_676 = arith.maximumf %get3A_165, %get3A_174 : vector<16xf32>
        %min3A = arith.minimumf %max3A, %max3A_673 : vector<16xf32>
        %max3A_677 = arith.maximumf %max3A, %max3A_673 : vector<16xf32>
        %min3A_678 = arith.minimumf %max3A_670, %max3A_674 : vector<16xf32>
        %max3A_679 = arith.maximumf %max3A_670, %max3A_674 : vector<16xf32>
        %min3A_680 = arith.minimumf %max3A_671, %max3A_675 : vector<16xf32>
        %max3A_681 = arith.maximumf %max3A_671, %max3A_675 : vector<16xf32>
        %min3A_682 = arith.minimumf %max3A_672, %max3A_676 : vector<16xf32>
        %max3A_683 = arith.maximumf %max3A_672, %max3A_676 : vector<16xf32>
        %min3A_684 = arith.minimumf %min3A, %min3A_680 : vector<16xf32>
        %max3A_685 = arith.maximumf %min3A, %min3A_680 : vector<16xf32>
        %min3A_686 = arith.minimumf %min3A_678, %min3A_682 : vector<16xf32>
        %max3A_687 = arith.maximumf %min3A_678, %min3A_682 : vector<16xf32>
        %min3A_688 = arith.minimumf %max3A_677, %max3A_681 : vector<16xf32>
        %max3A_689 = arith.maximumf %max3A_677, %max3A_681 : vector<16xf32>
        %min3A_690 = arith.minimumf %max3A_679, %max3A_683 : vector<16xf32>
        %max3A_691 = arith.maximumf %max3A_679, %max3A_683 : vector<16xf32>
        %min3A_692 = arith.minimumf %min3A_684, %min3A_686 : vector<16xf32>
        %max3A_693 = arith.maximumf %min3A_684, %min3A_686 : vector<16xf32>
        %min3A_694 = arith.minimumf %max3A_685, %max3A_687 : vector<16xf32>
        %max3A_695 = arith.maximumf %max3A_685, %max3A_687 : vector<16xf32>
        %min3A_696 = arith.minimumf %min3A_688, %min3A_690 : vector<16xf32>
        %max3A_697 = arith.maximumf %min3A_688, %min3A_690 : vector<16xf32>
        %min3A_698 = arith.minimumf %max3A_689, %max3A_691 : vector<16xf32>
        %max3A_699 = arith.maximumf %max3A_689, %max3A_691 : vector<16xf32>
        %max3A_700 = arith.maximumf %get3A_246, %get3A_381 : vector<16xf32>
        %max3A_701 = arith.maximumf %get3A_255, %get3A_372 : vector<16xf32>
        %max3A_702 = arith.maximumf %get3A_264, %get3A_363 : vector<16xf32>
        %max3A_703 = arith.maximumf %get3A_273, %get3A_354 : vector<16xf32>
        %max3A_704 = arith.maximumf %get3A_282, %get3A_345 : vector<16xf32>
        %max3A_705 = arith.maximumf %get3A_291, %get3A_336 : vector<16xf32>
        %max3A_706 = arith.maximumf %get3A_300, %get3A_327 : vector<16xf32>
        %max3A_707 = arith.maximumf %get3A_309, %get3A_318 : vector<16xf32>
        %min3A_708 = arith.minimumf %max3A_700, %max3A_704 : vector<16xf32>
        %max3A_709 = arith.maximumf %max3A_700, %max3A_704 : vector<16xf32>
        %min3A_710 = arith.minimumf %max3A_701, %max3A_705 : vector<16xf32>
        %max3A_711 = arith.maximumf %max3A_701, %max3A_705 : vector<16xf32>
        %min3A_712 = arith.minimumf %max3A_702, %max3A_706 : vector<16xf32>
        %max3A_713 = arith.maximumf %max3A_702, %max3A_706 : vector<16xf32>
        %min3A_714 = arith.minimumf %max3A_703, %max3A_707 : vector<16xf32>
        %max3A_715 = arith.maximumf %max3A_703, %max3A_707 : vector<16xf32>
        %min3A_716 = arith.minimumf %min3A_708, %min3A_712 : vector<16xf32>
        %max3A_717 = arith.maximumf %min3A_708, %min3A_712 : vector<16xf32>
        %min3A_718 = arith.minimumf %min3A_710, %min3A_714 : vector<16xf32>
        %max3A_719 = arith.maximumf %min3A_710, %min3A_714 : vector<16xf32>
        %min3A_720 = arith.minimumf %max3A_709, %max3A_713 : vector<16xf32>
        %max3A_721 = arith.maximumf %max3A_709, %max3A_713 : vector<16xf32>
        %min3A_722 = arith.minimumf %max3A_711, %max3A_715 : vector<16xf32>
        %max3A_723 = arith.maximumf %max3A_711, %max3A_715 : vector<16xf32>
        %min3A_724 = arith.minimumf %min3A_716, %min3A_718 : vector<16xf32>
        %max3A_725 = arith.maximumf %min3A_716, %min3A_718 : vector<16xf32>
        %min3A_726 = arith.minimumf %max3A_717, %max3A_719 : vector<16xf32>
        %max3A_727 = arith.maximumf %max3A_717, %max3A_719 : vector<16xf32>
        %min3A_728 = arith.minimumf %min3A_720, %min3A_722 : vector<16xf32>
        %max3A_729 = arith.maximumf %min3A_720, %min3A_722 : vector<16xf32>
        %min3A_730 = arith.minimumf %max3A_721, %max3A_723 : vector<16xf32>
        %max3A_731 = arith.maximumf %max3A_721, %max3A_723 : vector<16xf32>
        %max3A_732 = arith.maximumf %get3A_390, %get3A_525 : vector<16xf32>
        %max3A_733 = arith.maximumf %get3A_399, %get3A_516 : vector<16xf32>
        %max3A_734 = arith.maximumf %get3A_408, %get3A_507 : vector<16xf32>
        %max3A_735 = arith.maximumf %get3A_417, %get3A_498 : vector<16xf32>
        %max3A_736 = arith.maximumf %get3A_426, %get3A_489 : vector<16xf32>
        %max3A_737 = arith.maximumf %get3A_435, %get3A_480 : vector<16xf32>
        %max3A_738 = arith.maximumf %get3A_444, %get3A_471 : vector<16xf32>
        %max3A_739 = arith.maximumf %get3A_453, %get3A_462 : vector<16xf32>
        %min3A_740 = arith.minimumf %max3A_732, %max3A_736 : vector<16xf32>
        %max3A_741 = arith.maximumf %max3A_732, %max3A_736 : vector<16xf32>
        %min3A_742 = arith.minimumf %max3A_733, %max3A_737 : vector<16xf32>
        %max3A_743 = arith.maximumf %max3A_733, %max3A_737 : vector<16xf32>
        %min3A_744 = arith.minimumf %max3A_734, %max3A_738 : vector<16xf32>
        %max3A_745 = arith.maximumf %max3A_734, %max3A_738 : vector<16xf32>
        %min3A_746 = arith.minimumf %max3A_735, %max3A_739 : vector<16xf32>
        %max3A_747 = arith.maximumf %max3A_735, %max3A_739 : vector<16xf32>
        %min3A_748 = arith.minimumf %min3A_740, %min3A_744 : vector<16xf32>
        %max3A_749 = arith.maximumf %min3A_740, %min3A_744 : vector<16xf32>
        %min3A_750 = arith.minimumf %min3A_742, %min3A_746 : vector<16xf32>
        %max3A_751 = arith.maximumf %min3A_742, %min3A_746 : vector<16xf32>
        %min3A_752 = arith.minimumf %max3A_741, %max3A_745 : vector<16xf32>
        %max3A_753 = arith.maximumf %max3A_741, %max3A_745 : vector<16xf32>
        %min3A_754 = arith.minimumf %max3A_743, %max3A_747 : vector<16xf32>
        %max3A_755 = arith.maximumf %max3A_743, %max3A_747 : vector<16xf32>
        %min3A_756 = arith.minimumf %min3A_748, %min3A_750 : vector<16xf32>
        %max3A_757 = arith.maximumf %min3A_748, %min3A_750 : vector<16xf32>
        %min3A_758 = arith.minimumf %max3A_749, %max3A_751 : vector<16xf32>
        %max3A_759 = arith.maximumf %max3A_749, %max3A_751 : vector<16xf32>
        %min3A_760 = arith.minimumf %min3A_752, %min3A_754 : vector<16xf32>
        %max3A_761 = arith.maximumf %min3A_752, %min3A_754 : vector<16xf32>
        %min3A_762 = arith.minimumf %max3A_753, %max3A_755 : vector<16xf32>
        %max3A_763 = arith.maximumf %max3A_753, %max3A_755 : vector<16xf32>
        %max3A_764 = arith.maximumf %get3A_534, %get3A_669 : vector<16xf32>
        %max3A_765 = arith.maximumf %get3A_543, %get3A_660 : vector<16xf32>
        %max3A_766 = arith.maximumf %get3A_552, %get3A_651 : vector<16xf32>
        %max3A_767 = arith.maximumf %get3A_561, %get3A_642 : vector<16xf32>
        %max3A_768 = arith.maximumf %get3A_570, %get3A_633 : vector<16xf32>
        %max3A_769 = arith.maximumf %get3A_579, %get3A_624 : vector<16xf32>
        %max3A_770 = arith.maximumf %get3A_588, %get3A_615 : vector<16xf32>
        %max3A_771 = arith.maximumf %get3A_597, %get3A_606 : vector<16xf32>
        %min3A_772 = arith.minimumf %max3A_764, %max3A_768 : vector<16xf32>
        %max3A_773 = arith.maximumf %max3A_764, %max3A_768 : vector<16xf32>
        %min3A_774 = arith.minimumf %max3A_765, %max3A_769 : vector<16xf32>
        %max3A_775 = arith.maximumf %max3A_765, %max3A_769 : vector<16xf32>
        %min3A_776 = arith.minimumf %max3A_766, %max3A_770 : vector<16xf32>
        %max3A_777 = arith.maximumf %max3A_766, %max3A_770 : vector<16xf32>
        %min3A_778 = arith.minimumf %max3A_767, %max3A_771 : vector<16xf32>
        %max3A_779 = arith.maximumf %max3A_767, %max3A_771 : vector<16xf32>
        %min3A_780 = arith.minimumf %min3A_772, %min3A_776 : vector<16xf32>
        %max3A_781 = arith.maximumf %min3A_772, %min3A_776 : vector<16xf32>
        %min3A_782 = arith.minimumf %min3A_774, %min3A_778 : vector<16xf32>
        %max3A_783 = arith.maximumf %min3A_774, %min3A_778 : vector<16xf32>
        %min3A_784 = arith.minimumf %max3A_773, %max3A_777 : vector<16xf32>
        %max3A_785 = arith.maximumf %max3A_773, %max3A_777 : vector<16xf32>
        %min3A_786 = arith.minimumf %max3A_775, %max3A_779 : vector<16xf32>
        %max3A_787 = arith.maximumf %max3A_775, %max3A_779 : vector<16xf32>
        %min3A_788 = arith.minimumf %min3A_780, %min3A_782 : vector<16xf32>
        %max3A_789 = arith.maximumf %min3A_780, %min3A_782 : vector<16xf32>
        %min3A_790 = arith.minimumf %max3A_781, %max3A_783 : vector<16xf32>
        %max3A_791 = arith.maximumf %max3A_781, %max3A_783 : vector<16xf32>
        %min3A_792 = arith.minimumf %min3A_784, %min3A_786 : vector<16xf32>
        %max3A_793 = arith.maximumf %min3A_784, %min3A_786 : vector<16xf32>
        %min3A_794 = arith.minimumf %max3A_785, %max3A_787 : vector<16xf32>
        %max3A_795 = arith.maximumf %max3A_785, %max3A_787 : vector<16xf32>
        %max3A_796 = arith.maximumf %min3A_692, %max3A_731 : vector<16xf32>
        %max3A_797 = arith.maximumf %max3A_693, %min3A_730 : vector<16xf32>
        %max3A_798 = arith.maximumf %min3A_694, %max3A_729 : vector<16xf32>
        %max3A_799 = arith.maximumf %max3A_695, %min3A_728 : vector<16xf32>
        %max3A_800 = arith.maximumf %min3A_696, %max3A_727 : vector<16xf32>
        %max3A_801 = arith.maximumf %max3A_697, %min3A_726 : vector<16xf32>
        %max3A_802 = arith.maximumf %min3A_698, %max3A_725 : vector<16xf32>
        %max3A_803 = arith.maximumf %max3A_699, %min3A_724 : vector<16xf32>
        %min3A_804 = arith.minimumf %max3A_796, %max3A_800 : vector<16xf32>
        %max3A_805 = arith.maximumf %max3A_796, %max3A_800 : vector<16xf32>
        %min3A_806 = arith.minimumf %max3A_797, %max3A_801 : vector<16xf32>
        %max3A_807 = arith.maximumf %max3A_797, %max3A_801 : vector<16xf32>
        %min3A_808 = arith.minimumf %max3A_798, %max3A_802 : vector<16xf32>
        %max3A_809 = arith.maximumf %max3A_798, %max3A_802 : vector<16xf32>
        %min3A_810 = arith.minimumf %max3A_799, %max3A_803 : vector<16xf32>
        %max3A_811 = arith.maximumf %max3A_799, %max3A_803 : vector<16xf32>
        %min3A_812 = arith.minimumf %min3A_804, %min3A_808 : vector<16xf32>
        %max3A_813 = arith.maximumf %min3A_804, %min3A_808 : vector<16xf32>
        %min3A_814 = arith.minimumf %min3A_806, %min3A_810 : vector<16xf32>
        %max3A_815 = arith.maximumf %min3A_806, %min3A_810 : vector<16xf32>
        %min3A_816 = arith.minimumf %max3A_805, %max3A_809 : vector<16xf32>
        %max3A_817 = arith.maximumf %max3A_805, %max3A_809 : vector<16xf32>
        %min3A_818 = arith.minimumf %max3A_807, %max3A_811 : vector<16xf32>
        %max3A_819 = arith.maximumf %max3A_807, %max3A_811 : vector<16xf32>
        %min3A_820 = arith.minimumf %min3A_812, %min3A_814 : vector<16xf32>
        %max3A_821 = arith.maximumf %min3A_812, %min3A_814 : vector<16xf32>
        %min3A_822 = arith.minimumf %max3A_813, %max3A_815 : vector<16xf32>
        %max3A_823 = arith.maximumf %max3A_813, %max3A_815 : vector<16xf32>
        %min3A_824 = arith.minimumf %min3A_816, %min3A_818 : vector<16xf32>
        %max3A_825 = arith.maximumf %min3A_816, %min3A_818 : vector<16xf32>
        %min3A_826 = arith.minimumf %max3A_817, %max3A_819 : vector<16xf32>
        %max3A_827 = arith.maximumf %max3A_817, %max3A_819 : vector<16xf32>
        %max3A_828 = arith.maximumf %min3A_756, %max3A_795 : vector<16xf32>
        %max3A_829 = arith.maximumf %max3A_757, %min3A_794 : vector<16xf32>
        %max3A_830 = arith.maximumf %min3A_758, %max3A_793 : vector<16xf32>
        %max3A_831 = arith.maximumf %max3A_759, %min3A_792 : vector<16xf32>
        %max3A_832 = arith.maximumf %min3A_760, %max3A_791 : vector<16xf32>
        %max3A_833 = arith.maximumf %max3A_761, %min3A_790 : vector<16xf32>
        %max3A_834 = arith.maximumf %min3A_762, %max3A_789 : vector<16xf32>
        %max3A_835 = arith.maximumf %max3A_763, %min3A_788 : vector<16xf32>
        %min3A_836 = arith.minimumf %max3A_828, %max3A_832 : vector<16xf32>
        %max3A_837 = arith.maximumf %max3A_828, %max3A_832 : vector<16xf32>
        %min3A_838 = arith.minimumf %max3A_829, %max3A_833 : vector<16xf32>
        %max3A_839 = arith.maximumf %max3A_829, %max3A_833 : vector<16xf32>
        %min3A_840 = arith.minimumf %max3A_830, %max3A_834 : vector<16xf32>
        %max3A_841 = arith.maximumf %max3A_830, %max3A_834 : vector<16xf32>
        %min3A_842 = arith.minimumf %max3A_831, %max3A_835 : vector<16xf32>
        %max3A_843 = arith.maximumf %max3A_831, %max3A_835 : vector<16xf32>
        %min3A_844 = arith.minimumf %min3A_836, %min3A_840 : vector<16xf32>
        %max3A_845 = arith.maximumf %min3A_836, %min3A_840 : vector<16xf32>
        %min3A_846 = arith.minimumf %min3A_838, %min3A_842 : vector<16xf32>
        %max3A_847 = arith.maximumf %min3A_838, %min3A_842 : vector<16xf32>
        %min3A_848 = arith.minimumf %max3A_837, %max3A_841 : vector<16xf32>
        %max3A_849 = arith.maximumf %max3A_837, %max3A_841 : vector<16xf32>
        %min3A_850 = arith.minimumf %max3A_839, %max3A_843 : vector<16xf32>
        %max3A_851 = arith.maximumf %max3A_839, %max3A_843 : vector<16xf32>
        %min3A_852 = arith.minimumf %min3A_844, %min3A_846 : vector<16xf32>
        %max3A_853 = arith.maximumf %min3A_844, %min3A_846 : vector<16xf32>
        %min3A_854 = arith.minimumf %max3A_845, %max3A_847 : vector<16xf32>
        %max3A_855 = arith.maximumf %max3A_845, %max3A_847 : vector<16xf32>
        %min3A_856 = arith.minimumf %min3A_848, %min3A_850 : vector<16xf32>
        %max3A_857 = arith.maximumf %min3A_848, %min3A_850 : vector<16xf32>
        %min3A_858 = arith.minimumf %max3A_849, %max3A_851 : vector<16xf32>
        %max3A_859 = arith.maximumf %max3A_849, %max3A_851 : vector<16xf32>
        %max3A_860 = arith.maximumf %min3A_820, %max3A_859 : vector<16xf32>
        %max3A_861 = arith.maximumf %max3A_821, %min3A_858 : vector<16xf32>
        %max3A_862 = arith.maximumf %min3A_822, %max3A_857 : vector<16xf32>
        %max3A_863 = arith.maximumf %max3A_823, %min3A_856 : vector<16xf32>
        %max3A_864 = arith.maximumf %min3A_824, %max3A_855 : vector<16xf32>
        %max3A_865 = arith.maximumf %max3A_825, %min3A_854 : vector<16xf32>
        %max3A_866 = arith.maximumf %min3A_826, %max3A_853 : vector<16xf32>
        %max3A_867 = arith.maximumf %max3A_827, %min3A_852 : vector<16xf32>
        %min3A_868 = arith.minimumf %max3A_860, %max3A_864 : vector<16xf32>
        %max3A_869 = arith.maximumf %max3A_860, %max3A_864 : vector<16xf32>
        %min3A_870 = arith.minimumf %max3A_861, %max3A_865 : vector<16xf32>
        %max3A_871 = arith.maximumf %max3A_861, %max3A_865 : vector<16xf32>
        %min3A_872 = arith.minimumf %max3A_862, %max3A_866 : vector<16xf32>
        %max3A_873 = arith.maximumf %max3A_862, %max3A_866 : vector<16xf32>
        %min3A_874 = arith.minimumf %max3A_863, %max3A_867 : vector<16xf32>
        %max3A_875 = arith.maximumf %max3A_863, %max3A_867 : vector<16xf32>
        %min3A_876 = arith.minimumf %min3A_868, %min3A_872 : vector<16xf32>
        %max3A_877 = arith.maximumf %min3A_868, %min3A_872 : vector<16xf32>
        %min3A_878 = arith.minimumf %min3A_870, %min3A_874 : vector<16xf32>
        %max3A_879 = arith.maximumf %min3A_870, %min3A_874 : vector<16xf32>
        %min3A_880 = arith.minimumf %max3A_869, %max3A_873 : vector<16xf32>
        %max3A_881 = arith.maximumf %max3A_869, %max3A_873 : vector<16xf32>
        %min3A_882 = arith.minimumf %max3A_871, %max3A_875 : vector<16xf32>
        %max3A_883 = arith.maximumf %max3A_871, %max3A_875 : vector<16xf32>
        %min3A_884 = arith.minimumf %min3A_876, %min3A_878 : vector<16xf32>
        %max3A_885 = arith.maximumf %min3A_876, %min3A_878 : vector<16xf32>
        %min3A_886 = arith.minimumf %max3A_877, %max3A_879 : vector<16xf32>
        %max3A_887 = arith.maximumf %max3A_877, %max3A_879 : vector<16xf32>
        %min3A_888 = arith.minimumf %min3A_880, %min3A_882 : vector<16xf32>
        %max3A_889 = arith.maximumf %min3A_880, %min3A_882 : vector<16xf32>
        %min3A_890 = arith.minimumf %max3A_881, %max3A_883 : vector<16xf32>
        %max3A_891 = arith.maximumf %max3A_881, %max3A_883 : vector<16xf32>
        %mul3A_892 = arith.constant 16 : i32
        %mul3A_893 = arith.muli %scan3A_92, %mul3A_892 : i32
        %swap3A = arith.constant 0 : i32
        %swap3A_894 = arith.index_cast %swap3A : i32 to index
        %swap3A_895 = arith.index_cast %mul3A_893 : i32 to index
        %swap3A_896 = tpu.vector_load %arg9[%swap3A_894, %swap3A_895] {strides = array<i32>} : memref<8x128xf32, #tpu.memory_space<vmem>>, vector<1x16xf32>,
        %swap3A_897 = vector.shape_cast %swap3A_896 : vector<1x16xf32> to vector<16xf32>
        %swap3A_898 = vector.shape_cast %max3A_891 : vector<16xf32> to vector<1x16xf32>
        tpu.vector_store %arg9[%swap3A_894, %swap3A_895], %swap3A_898 {strides = array<i32>} : memref<8x128xf32, #tpu.memory_space<vmem>>, vector<1x16xf32>,
        %mul3A_899 = arith.constant 16 : i32
        %mul3A_900 = arith.muli %scan3A_92, %mul3A_899 : i32
        %swap3A_901 = arith.constant 1 : i32
        %swap3A_902 = arith.index_cast %swap3A_901 : i32 to index
        %swap3A_903 = arith.index_cast %mul3A_900 : i32 to index
        %swap3A_904 = tpu.vector_load %arg9[%swap3A_902, %swap3A_903] {strides = array<i32>} : memref<8x128xf32, #tpu.memory_space<vmem>>, vector<1x16xf32>,
        %swap3A_905 = vector.shape_cast %swap3A_904 : vector<1x16xf32> to vector<16xf32>
        %swap3A_906 = vector.shape_cast %min3A_890 : vector<16xf32> to vector<1x16xf32>
        tpu.vector_store %arg9[%swap3A_902, %swap3A_903], %swap3A_906 {strides = array<i32>} : memref<8x128xf32, #tpu.memory_space<vmem>>, vector<1x16xf32>,
        %mul3A_907 = arith.constant 16 : i32
        %mul3A_908 = arith.muli %scan3A_92, %mul3A_907 : i32
        %swap3A_909 = arith.constant 2 : i32
        %swap3A_910 = arith.index_cast %swap3A_909 : i32 to index
        %swap3A_911 = arith.index_cast %mul3A_908 : i32 to index
        %swap3A_912 = tpu.vector_load %arg9[%swap3A_910, %swap3A_911] {strides = array<i32>} : memref<8x128xf32, #tpu.memory_space<vmem>>, vector<1x16xf32>,
        %swap3A_913 = vector.shape_cast %swap3A_912 : vector<1x16xf32> to vector<16xf32>
        %swap3A_914 = vector.shape_cast %max3A_889 : vector<16xf32> to vector<1x16xf32>
        tpu.vector_store %arg9[%swap3A_910, %swap3A_911], %swap3A_914 {strides = array<i32>} : memref<8x128xf32, #tpu.memory_space<vmem>>, vector<1x16xf32>,
        %mul3A_915 = arith.constant 16 : i32
        %mul3A_916 = arith.muli %scan3A_92, %mul3A_915 : i32
        %swap3A_917 = arith.constant 3 : i32
        %swap3A_918 = arith.index_cast %swap3A_917 : i32 to index
        %swap3A_919 = arith.index_cast %mul3A_916 : i32 to index
        %swap3A_920 = tpu.vector_load %arg9[%swap3A_918, %swap3A_919] {strides = array<i32>} : memref<8x128xf32, #tpu.memory_space<vmem>>, vector<1x16xf32>,
        %swap3A_921 = vector.shape_cast %swap3A_920 : vector<1x16xf32> to vector<16xf32>
        %swap3A_922 = vector.shape_cast %min3A_888 : vector<16xf32> to vector<1x16xf32>
        tpu.vector_store %arg9[%swap3A_918, %swap3A_919], %swap3A_922 {strides = array<i32>} : memref<8x128xf32, #tpu.memory_space<vmem>>, vector<1x16xf32>,
        %mul3A_923 = arith.constant 16 : i32
        %mul3A_924 = arith.muli %scan3A_92, %mul3A_923 : i32
        %swap3A_925 = arith.constant 4 : i32
        %swap3A_926 = arith.index_cast %swap3A_925 : i32 to index
        %swap3A_927 = arith.index_cast %mul3A_924 : i32 to index
        %swap3A_928 = tpu.vector_load %arg9[%swap3A_926, %swap3A_927] {strides = array<i32>} : memref<8x128xf32, #tpu.memory_space<vmem>>, vector<1x16xf32>,
        %swap3A_929 = vector.shape_cast %swap3A_928 : vector<1x16xf32> to vector<16xf32>
        %swap3A_930 = vector.shape_cast %max3A_887 : vector<16xf32> to vector<1x16xf32>
        tpu.vector_store %arg9[%swap3A_926, %swap3A_927], %swap3A_930 {strides = array<i32>} : memref<8x128xf32, #tpu.memory_space<vmem>>, vector<1x16xf32>,
        %mul3A_931 = arith.constant 16 : i32
        %mul3A_932 = arith.muli %scan3A_92, %mul3A_931 : i32
        %swap3A_933 = arith.constant 5 : i32
        %swap3A_934 = arith.index_cast %swap3A_933 : i32 to index
        %swap3A_935 = arith.index_cast %mul3A_932 : i32 to index
        %swap3A_936 = tpu.vector_load %arg9[%swap3A_934, %swap3A_935] {strides = array<i32>} : memref<8x128xf32, #tpu.memory_space<vmem>>, vector<1x16xf32>,
        %swap3A_937 = vector.shape_cast %swap3A_936 : vector<1x16xf32> to vector<16xf32>
        %swap3A_938 = vector.shape_cast %min3A_886 : vector<16xf32> to vector<1x16xf32>
        tpu.vector_store %arg9[%swap3A_934, %swap3A_935], %swap3A_938 {strides = array<i32>} : memref<8x128xf32, #tpu.memory_space<vmem>>, vector<1x16xf32>,
        %mul3A_939 = arith.constant 16 : i32
        %mul3A_940 = arith.muli %scan3A_92, %mul3A_939 : i32
        %swap3A_941 = arith.constant 6 : i32
        %swap3A_942 = arith.index_cast %swap3A_941 : i32 to index
        %swap3A_943 = arith.index_cast %mul3A_940 : i32 to index
        %swap3A_944 = tpu.vector_load %arg9[%swap3A_942, %swap3A_943] {strides = array<i32>} : memref<8x128xf32, #tpu.memory_space<vmem>>, vector<1x16xf32>,
        %swap3A_945 = vector.shape_cast %swap3A_944 : vector<1x16xf32> to vector<16xf32>
        %swap3A_946 = vector.shape_cast %max3A_885 : vector<16xf32> to vector<1x16xf32>
        tpu.vector_store %arg9[%swap3A_942, %swap3A_943], %swap3A_946 {strides = array<i32>} : memref<8x128xf32, #tpu.memory_space<vmem>>, vector<1x16xf32>,
        %mul3A_947 = arith.constant 16 : i32
        %mul3A_948 = arith.muli %scan3A_92, %mul3A_947 : i32
        %swap3A_949 = arith.constant 7 : i32
        %swap3A_950 = arith.index_cast %swap3A_949 : i32 to index
        %swap3A_951 = arith.index_cast %mul3A_948 : i32 to index
        %swap3A_952 = tpu.vector_load %arg9[%swap3A_950, %swap3A_951] {strides = array<i32>} : memref<8x128xf32, #tpu.memory_space<vmem>>, vector<1x16xf32>,
        %swap3A_953 = vector.shape_cast %swap3A_952 : vector<1x16xf32> to vector<16xf32>
        %swap3A_954 = vector.shape_cast %min3A_884 : vector<16xf32> to vector<1x16xf32>
        tpu.vector_store %arg9[%swap3A_950, %swap3A_951], %swap3A_954 {strides = array<i32>} : memref<8x128xf32, #tpu.memory_space<vmem>>, vector<1x16xf32>,
        %scan3A_955 = arith.constant 0 : i32
        scf.yield %scan3A_955 : i32
      }
      %scan3A_90 = arith.constant 8 : i32
      "tpu.region"() ({
        %run_scoped3A = tpu.sem_alloc : memref<!tpu.dma_semaphore, #tpu.memory_space<semaphore_mem>>
        %dma_start3A = arith.constant 0 : i32
        %dma_start3A_92 = arith.constant 0 : i32
        %dma_start3A_93 = tpu.memref_slice %arg5[%add3A_84, %dma_start3A, %dma_start3A_92] : memref<20x8x128xf32, #tpu.memory_space<hbm>> -> memref<1x8x128xf32, #tpu.memory_space<hbm>>
        %dma_start3A_94 = tpu.memref_squeeze %dma_start3A_93 : memref<1x8x128xf32, #tpu.memory_space<hbm>> -> memref<8x128xf32, #tpu.memory_space<hbm>>
        %dma_start3A_95 = arith.constant 0 : i32
        %dma_start3A_96 = arith.constant 0 : i32
        %dma_start3A_97 = tpu.memref_slice %arg5[%add3A_84, %dma_start3A_95, %dma_start3A_96] : memref<20x8x128xf32, #tpu.memory_space<hbm>> -> memref<1x8x128xf32, #tpu.memory_space<hbm>>
        %dma_start3A_98 = tpu.memref_squeeze %dma_start3A_97 : memref<1x8x128xf32, #tpu.memory_space<hbm>> -> memref<8x128xf32, #tpu.memory_space<hbm>>
        tpu.enqueue_dma source(%arg9 : memref<8x128xf32, #tpu.memory_space<vmem>>) target(%dma_start3A_98 : memref<8x128xf32, #tpu.memory_space<hbm>>) target_semaphore(%run_scoped3A : memref<!tpu.dma_semaphore, #tpu.memory_space<semaphore_mem>>)
        %dma_wait3A = arith.constant 0 : i32
        %dma_wait3A_99 = arith.constant 0 : i32
        %dma_wait3A_100 = tpu.memref_slice %arg5[%add3A_84, %dma_wait3A, %dma_wait3A_99] : memref<20x8x128xf32, #tpu.memory_space<hbm>> -> memref<1x8x128xf32, #tpu.memory_space<hbm>>
        %dma_wait3A_101 = tpu.memref_squeeze %dma_wait3A_100 : memref<1x8x128xf32, #tpu.memory_space<hbm>> -> memref<8x128xf32, #tpu.memory_space<hbm>>
        %dma_wait3A_102 = arith.constant 0 : i32
        %dma_wait3A_103 = arith.constant 0 : i32
        %dma_wait3A_104 = tpu.memref_slice %arg5[%add3A_84, %dma_wait3A_102, %dma_wait3A_103] : memref<20x8x128xf32, #tpu.memory_space<hbm>> -> memref<1x8x128xf32, #tpu.memory_space<hbm>>
        %dma_wait3A_105 = tpu.memref_squeeze %dma_wait3A_104 : memref<1x8x128xf32, #tpu.memory_space<hbm>> -> memref<8x128xf32, #tpu.memory_space<hbm>>
        tpu.wait_dma2 semaphore(%run_scoped3A : memref<!tpu.dma_semaphore, #tpu.memory_space<semaphore_mem>>) src(%arg9 : memref<8x128xf32, #tpu.memory_space<vmem>>) dst(%dma_wait3A_105 : memref<8x128xf32, #tpu.memory_space<hbm>>)
        tpu.yield
      }) : () -> ()
      %while3A_91 = arith.constant 0 : i32
      scf.yield %while3A_91 : i32
    }
    %while3A_76 = arith.constant 1 : i32
    %while3A_77 = scf.for %while3A_78 = %while3A_73 to %while3A_69 step %while3A_76 iter_args(%while3A_79 = %while3A_75) -> (i32)  : i32 {
      %mul3A = arith.constant 10 : i32
      %mul3A_80 = arith.muli %arg0, %mul3A : i32
      %add3A_81 = arith.addi %mul3A_80, %arg1 : i32
      %mul3A_82 = arith.constant 16 : i32
      %mul3A_83 = arith.muli %while3A_78, %mul3A_82 : i32
      %add3A_84 = arith.addi %add3A_81, %mul3A_83 : i32
      "tpu.region"() ({
        %run_scoped3A = tpu.sem_alloc : memref<!tpu.dma_semaphore, #tpu.memory_space<semaphore_mem>>
        %dma_start3A = arith.constant 0 : i32
        %dma_start3A_92 = arith.constant 0 : i32
        %dma_start3A_93 = arith.constant 0 : i32
        %dma_start3A_94 = tpu.memref_slice %arg4[%add3A_84, %dma_start3A, %dma_start3A_92, %dma_start3A_93] : memref<20x8x8x128xf32, #tpu.memory_space<hbm>> -> memref<1x8x8x128xf32, #tpu.memory_space<hbm>>
        %dma_start3A_95 = tpu.memref_squeeze %dma_start3A_94 : memref<1x8x8x128xf32, #tpu.memory_space<hbm>> -> memref<8x8x128xf32, #tpu.memory_space<hbm>>
        %dma_start3A_96 = arith.constant 0 : i32
        %dma_start3A_97 = arith.constant 0 : i32
        %dma_start3A_98 = arith.constant 0 : i32
        %dma_start3A_99 = tpu.memref_slice %arg4[%add3A_84, %dma_start3A_96, %dma_start3A_97, %dma_start3A_98] : memref<20x8x8x128xf32, #tpu.memory_space<hbm>> -> memref<1x8x8x128xf32, #tpu.memory_space<hbm>>
        %dma_start3A_100 = tpu.memref_squeeze %dma_start3A_99 : memref<1x8x8x128xf32, #tpu.memory_space<hbm>> -> memref<8x8x128xf32, #tpu.memory_space<hbm>>
        tpu.enqueue_dma source(%dma_start3A_100 : memref<8x8x128xf32, #tpu.memory_space<hbm>>) target(%arg10 : memref<8x8x128xf32, #tpu.memory_space<vmem>>) target_semaphore(%run_scoped3A : memref<!tpu.dma_semaphore, #tpu.memory_space<semaphore_mem>>)
        %dma_wait3A = arith.constant 0 : i32
        %dma_wait3A_101 = arith.constant 0 : i32
        %dma_wait3A_102 = arith.constant 0 : i32
        %dma_wait3A_103 = tpu.memref_slice %arg4[%add3A_84, %dma_wait3A, %dma_wait3A_101, %dma_wait3A_102] : memref<20x8x8x128xf32, #tpu.memory_space<hbm>> -> memref<1x8x8x128xf32, #tpu.memory_space<hbm>>
        %dma_wait3A_104 = tpu.memref_squeeze %dma_wait3A_103 : memref<1x8x8x128xf32, #tpu.memory_space<hbm>> -> memref<8x8x128xf32, #tpu.memory_space<hbm>>
        %dma_wait3A_105 = arith.constant 0 : i32
        %dma_wait3A_106 = arith.constant 0 : i32
        %dma_wait3A_107 = arith.constant 0 : i32
        %dma_wait3A_108 = tpu.memref_slice %arg4[%add3A_84, %dma_wait3A_105, %dma_wait3A_106, %dma_wait3A_107] : memref<20x8x8x128xf32, #tpu.memory_space<hbm>> -> memref<1x8x8x128xf32, #tpu.memory_space<hbm>>
        %dma_wait3A_109 = tpu.memref_squeeze %dma_wait3A_108 : memref<1x8x8x128xf32, #tpu.memory_space<hbm>> -> memref<8x8x128xf32, #tpu.memory_space<hbm>>
        tpu.wait_dma2 semaphore(%run_scoped3A : memref<!tpu.dma_semaphore, #tpu.memory_space<semaphore_mem>>) src(%dma_wait3A_109 : memref<8x8x128xf32, #tpu.memory_space<hbm>>) dst(%arg10 : memref<8x8x128xf32, #tpu.memory_space<vmem>>)
        tpu.yield
      }) : () -> ()
      %scan3A = arith.constant 0 : i32
      %scan3A_85 = arith.constant 0 : i32
      %scan3A_86 = arith.constant 8 : i32
      %scan3A_87 = arith.addi %scan3A_85, %scan3A_86 : i32
      %scan3A_88 = arith.constant 1 : i32
      %scan3A_89 = scf.for %scan3A_92 = %scan3A_85 to %scan3A_87 step %scan3A_88 iter_args(%scan3A_93 = %scan3A) -> (i32)  : i32 {
        %mul3A_94 = arith.constant 16 : i32
        %mul3A_95 = arith.muli %scan3A_92, %mul3A_94 : i32
        %get3A_96 = arith.constant 0 : i32
        %get3A_97 = arith.constant 0 : i32
        %get3A_98 = arith.index_cast %get3A_96 : i32 to index
        %get3A_99 = arith.index_cast %get3A_97 : i32 to index
        %get3A_100 = arith.index_cast %mul3A_95 : i32 to index
        %get3A_101 = tpu.vector_load %arg10[%get3A_98, %get3A_99, %get3A_100] {strides = array<i32>} : memref<8x8x128xf32, #tpu.memory_space<vmem>>, vector<1x1x16xf32>,
        %get3A_102 = vector.shape_cast %get3A_101 : vector<1x1x16xf32> to vector<16xf32>
        %mul3A_103 = arith.constant 16 : i32
        %mul3A_104 = arith.muli %scan3A_92, %mul3A_103 : i32
        %get3A_105 = arith.constant 0 : i32
        %get3A_106 = arith.constant 1 : i32
        %get3A_107 = arith.index_cast %get3A_105 : i32 to index
        %get3A_108 = arith.index_cast %get3A_106 : i32 to index
        %get3A_109 = arith.index_cast %mul3A_104 : i32 to index
        %get3A_110 = tpu.vector_load %arg10[%get3A_107, %get3A_108, %get3A_109] {strides = array<i32>} : memref<8x8x128xf32, #tpu.memory_space<vmem>>, vector<1x1x16xf32>,
        %get3A_111 = vector.shape_cast %get3A_110 : vector<1x1x16xf32> to vector<16xf32>
        %mul3A_112 = arith.constant 16 : i32
        %mul3A_113 = arith.muli %scan3A_92, %mul3A_112 : i32
        %get3A_114 = arith.constant 0 : i32
        %get3A_115 = arith.constant 2 : i32
        %get3A_116 = arith.index_cast %get3A_114 : i32 to index
        %get3A_117 = arith.index_cast %get3A_115 : i32 to index
        %get3A_118 = arith.index_cast %mul3A_113 : i32 to index
        %get3A_119 = tpu.vector_load %arg10[%get3A_116, %get3A_117, %get3A_118] {strides = array<i32>} : memref<8x8x128xf32, #tpu.memory_space<vmem>>, vector<1x1x16xf32>,
        %get3A_120 = vector.shape_cast %get3A_119 : vector<1x1x16xf32> to vector<16xf32>
        %mul3A_121 = arith.constant 16 : i32
        %mul3A_122 = arith.muli %scan3A_92, %mul3A_121 : i32
        %get3A_123 = arith.constant 0 : i32
        %get3A_124 = arith.constant 3 : i32
        %get3A_125 = arith.index_cast %get3A_123 : i32 to index
        %get3A_126 = arith.index_cast %get3A_124 : i32 to index
        %get3A_127 = arith.index_cast %mul3A_122 : i32 to index
        %get3A_128 = tpu.vector_load %arg10[%get3A_125, %get3A_126, %get3A_127] {strides = array<i32>} : memref<8x8x128xf32, #tpu.memory_space<vmem>>, vector<1x1x16xf32>,
        %get3A_129 = vector.shape_cast %get3A_128 : vector<1x1x16xf32> to vector<16xf32>
        %mul3A_130 = arith.constant 16 : i32
        %mul3A_131 = arith.muli %scan3A_92, %mul3A_130 : i32
        %get3A_132 = arith.constant 0 : i32
        %get3A_133 = arith.constant 4 : i32
        %get3A_134 = arith.index_cast %get3A_132 : i32 to index
        %get3A_135 = arith.index_cast %get3A_133 : i32 to index
        %get3A_136 = arith.index_cast %mul3A_131 : i32 to index
        %get3A_137 = tpu.vector_load %arg10[%get3A_134, %get3A_135, %get3A_136] {strides = array<i32>} : memref<8x8x128xf32, #tpu.memory_space<vmem>>, vector<1x1x16xf32>,
        %get3A_138 = vector.shape_cast %get3A_137 : vector<1x1x16xf32> to vector<16xf32>
        %mul3A_139 = arith.constant 16 : i32
        %mul3A_140 = arith.muli %scan3A_92, %mul3A_139 : i32
        %get3A_141 = arith.constant 0 : i32
        %get3A_142 = arith.constant 5 : i32
        %get3A_143 = arith.index_cast %get3A_141 : i32 to index
        %get3A_144 = arith.index_cast %get3A_142 : i32 to index
        %get3A_145 = arith.index_cast %mul3A_140 : i32 to index
        %get3A_146 = tpu.vector_load %arg10[%get3A_143, %get3A_144, %get3A_145] {strides = array<i32>} : memref<8x8x128xf32, #tpu.memory_space<vmem>>, vector<1x1x16xf32>,
        %get3A_147 = vector.shape_cast %get3A_146 : vector<1x1x16xf32> to vector<16xf32>
        %mul3A_148 = arith.constant 16 : i32
        %mul3A_149 = arith.muli %scan3A_92, %mul3A_148 : i32
        %get3A_150 = arith.constant 0 : i32
        %get3A_151 = arith.constant 6 : i32
        %get3A_152 = arith.index_cast %get3A_150 : i32 to index
        %get3A_153 = arith.index_cast %get3A_151 : i32 to index
        %get3A_154 = arith.index_cast %mul3A_149 : i32 to index
        %get3A_155 = tpu.vector_load %arg10[%get3A_152, %get3A_153, %get3A_154] {strides = array<i32>} : memref<8x8x128xf32, #tpu.memory_space<vmem>>, vector<1x1x16xf32>,
        %get3A_156 = vector.shape_cast %get3A_155 : vector<1x1x16xf32> to vector<16xf32>
        %mul3A_157 = arith.constant 16 : i32
        %mul3A_158 = arith.muli %scan3A_92, %mul3A_157 : i32
        %get3A_159 = arith.constant 0 : i32
        %get3A_160 = arith.constant 7 : i32
        %get3A_161 = arith.index_cast %get3A_159 : i32 to index
        %get3A_162 = arith.index_cast %get3A_160 : i32 to index
        %get3A_163 = arith.index_cast %mul3A_158 : i32 to index
        %get3A_164 = tpu.vector_load %arg10[%get3A_161, %get3A_162, %get3A_163] {strides = array<i32>} : memref<8x8x128xf32, #tpu.memory_space<vmem>>, vector<1x1x16xf32>,
        %get3A_165 = vector.shape_cast %get3A_164 : vector<1x1x16xf32> to vector<16xf32>
        %mul3A_166 = arith.constant 16 : i32
        %mul3A_167 = arith.muli %scan3A_92, %mul3A_166 : i32
        %get3A_168 = arith.constant 1 : i32
        %get3A_169 = arith.constant 0 : i32
        %get3A_170 = arith.index_cast %get3A_168 : i32 to index
        %get3A_171 = arith.index_cast %get3A_169 : i32 to index
        %get3A_172 = arith.index_cast %mul3A_167 : i32 to index
        %get3A_173 = tpu.vector_load %arg10[%get3A_170, %get3A_171, %get3A_172] {strides = array<i32>} : memref<8x8x128xf32, #tpu.memory_space<vmem>>, vector<1x1x16xf32>,
        %get3A_174 = vector.shape_cast %get3A_173 : vector<1x1x16xf32> to vector<16xf32>
        %mul3A_175 = arith.constant 16 : i32
        %mul3A_176 = arith.muli %scan3A_92, %mul3A_175 : i32
        %get3A_177 = arith.constant 1 : i32
        %get3A_178 = arith.constant 1 : i32
        %get3A_179 = arith.index_cast %get3A_177 : i32 to index
        %get3A_180 = arith.index_cast %get3A_178 : i32 to index
        %get3A_181 = arith.index_cast %mul3A_176 : i32 to index
        %get3A_182 = tpu.vector_load %arg10[%get3A_179, %get3A_180, %get3A_181] {strides = array<i32>} : memref<8x8x128xf32, #tpu.memory_space<vmem>>, vector<1x1x16xf32>,
        %get3A_183 = vector.shape_cast %get3A_182 : vector<1x1x16xf32> to vector<16xf32>
        %mul3A_184 = arith.constant 16 : i32
        %mul3A_185 = arith.muli %scan3A_92, %mul3A_184 : i32
        %get3A_186 = arith.constant 1 : i32
        %get3A_187 = arith.constant 2 : i32
        %get3A_188 = arith.index_cast %get3A_186 : i32 to index
        %get3A_189 = arith.index_cast %get3A_187 : i32 to index
        %get3A_190 = arith.index_cast %mul3A_185 : i32 to index
        %get3A_191 = tpu.vector_load %arg10[%get3A_188, %get3A_189, %get3A_190] {strides = array<i32>} : memref<8x8x128xf32, #tpu.memory_space<vmem>>, vector<1x1x16xf32>,
        %get3A_192 = vector.shape_cast %get3A_191 : vector<1x1x16xf32> to vector<16xf32>
        %mul3A_193 = arith.constant 16 : i32
        %mul3A_194 = arith.muli %scan3A_92, %mul3A_193 : i32
        %get3A_195 = arith.constant 1 : i32
        %get3A_196 = arith.constant 3 : i32
        %get3A_197 = arith.index_cast %get3A_195 : i32 to index
        %get3A_198 = arith.index_cast %get3A_196 : i32 to index
        %get3A_199 = arith.index_cast %mul3A_194 : i32 to index
        %get3A_200 = tpu.vector_load %arg10[%get3A_197, %get3A_198, %get3A_199] {strides = array<i32>} : memref<8x8x128xf32, #tpu.memory_space<vmem>>, vector<1x1x16xf32>,
        %get3A_201 = vector.shape_cast %get3A_200 : vector<1x1x16xf32> to vector<16xf32>
        %mul3A_202 = arith.constant 16 : i32
        %mul3A_203 = arith.muli %scan3A_92, %mul3A_202 : i32
        %get3A_204 = arith.constant 1 : i32
        %get3A_205 = arith.constant 4 : i32
        %get3A_206 = arith.index_cast %get3A_204 : i32 to index
        %get3A_207 = arith.index_cast %get3A_205 : i32 to index
        %get3A_208 = arith.index_cast %mul3A_203 : i32 to index
        %get3A_209 = tpu.vector_load %arg10[%get3A_206, %get3A_207, %get3A_208] {strides = array<i32>} : memref<8x8x128xf32, #tpu.memory_space<vmem>>, vector<1x1x16xf32>,
        %get3A_210 = vector.shape_cast %get3A_209 : vector<1x1x16xf32> to vector<16xf32>
        %mul3A_211 = arith.constant 16 : i32
        %mul3A_212 = arith.muli %scan3A_92, %mul3A_211 : i32
        %get3A_213 = arith.constant 1 : i32
        %get3A_214 = arith.constant 5 : i32
        %get3A_215 = arith.index_cast %get3A_213 : i32 to index
        %get3A_216 = arith.index_cast %get3A_214 : i32 to index
        %get3A_217 = arith.index_cast %mul3A_212 : i32 to index
        %get3A_218 = tpu.vector_load %arg10[%get3A_215, %get3A_216, %get3A_217] {strides = array<i32>} : memref<8x8x128xf32, #tpu.memory_space<vmem>>, vector<1x1x16xf32>,
        %get3A_219 = vector.shape_cast %get3A_218 : vector<1x1x16xf32> to vector<16xf32>
        %mul3A_220 = arith.constant 16 : i32
        %mul3A_221 = arith.muli %scan3A_92, %mul3A_220 : i32
        %get3A_222 = arith.constant 1 : i32
        %get3A_223 = arith.constant 6 : i32
        %get3A_224 = arith.index_cast %get3A_222 : i32 to index
        %get3A_225 = arith.index_cast %get3A_223 : i32 to index
        %get3A_226 = arith.index_cast %mul3A_221 : i32 to index
        %get3A_227 = tpu.vector_load %arg10[%get3A_224, %get3A_225, %get3A_226] {strides = array<i32>} : memref<8x8x128xf32, #tpu.memory_space<vmem>>, vector<1x1x16xf32>,
        %get3A_228 = vector.shape_cast %get3A_227 : vector<1x1x16xf32> to vector<16xf32>
        %mul3A_229 = arith.constant 16 : i32
        %mul3A_230 = arith.muli %scan3A_92, %mul3A_229 : i32
        %get3A_231 = arith.constant 1 : i32
        %get3A_232 = arith.constant 7 : i32
        %get3A_233 = arith.index_cast %get3A_231 : i32 to index
        %get3A_234 = arith.index_cast %get3A_232 : i32 to index
        %get3A_235 = arith.index_cast %mul3A_230 : i32 to index
        %get3A_236 = tpu.vector_load %arg10[%get3A_233, %get3A_234, %get3A_235] {strides = array<i32>} : memref<8x8x128xf32, #tpu.memory_space<vmem>>, vector<1x1x16xf32>,
        %get3A_237 = vector.shape_cast %get3A_236 : vector<1x1x16xf32> to vector<16xf32>
        %mul3A_238 = arith.constant 16 : i32
        %mul3A_239 = arith.muli %scan3A_92, %mul3A_238 : i32
        %get3A_240 = arith.constant 2 : i32
        %get3A_241 = arith.constant 0 : i32
        %get3A_242 = arith.index_cast %get3A_240 : i32 to index
        %get3A_243 = arith.index_cast %get3A_241 : i32 to index
        %get3A_244 = arith.index_cast %mul3A_239 : i32 to index
        %get3A_245 = tpu.vector_load %arg10[%get3A_242, %get3A_243, %get3A_244] {strides = array<i32>} : memref<8x8x128xf32, #tpu.memory_space<vmem>>, vector<1x1x16xf32>,
        %get3A_246 = vector.shape_cast %get3A_245 : vector<1x1x16xf32> to vector<16xf32>
        %mul3A_247 = arith.constant 16 : i32
        %mul3A_248 = arith.muli %scan3A_92, %mul3A_247 : i32
        %get3A_249 = arith.constant 2 : i32
        %get3A_250 = arith.constant 1 : i32
        %get3A_251 = arith.index_cast %get3A_249 : i32 to index
        %get3A_252 = arith.index_cast %get3A_250 : i32 to index
        %get3A_253 = arith.index_cast %mul3A_248 : i32 to index
        %get3A_254 = tpu.vector_load %arg10[%get3A_251, %get3A_252, %get3A_253] {strides = array<i32>} : memref<8x8x128xf32, #tpu.memory_space<vmem>>, vector<1x1x16xf32>,
        %get3A_255 = vector.shape_cast %get3A_254 : vector<1x1x16xf32> to vector<16xf32>
        %mul3A_256 = arith.constant 16 : i32
        %mul3A_257 = arith.muli %scan3A_92, %mul3A_256 : i32
        %get3A_258 = arith.constant 2 : i32
        %get3A_259 = arith.constant 2 : i32
        %get3A_260 = arith.index_cast %get3A_258 : i32 to index
        %get3A_261 = arith.index_cast %get3A_259 : i32 to index
        %get3A_262 = arith.index_cast %mul3A_257 : i32 to index
        %get3A_263 = tpu.vector_load %arg10[%get3A_260, %get3A_261, %get3A_262] {strides = array<i32>} : memref<8x8x128xf32, #tpu.memory_space<vmem>>, vector<1x1x16xf32>,
        %get3A_264 = vector.shape_cast %get3A_263 : vector<1x1x16xf32> to vector<16xf32>
        %mul3A_265 = arith.constant 16 : i32
        %mul3A_266 = arith.muli %scan3A_92, %mul3A_265 : i32
        %get3A_267 = arith.constant 2 : i32
        %get3A_268 = arith.constant 3 : i32
        %get3A_269 = arith.index_cast %get3A_267 : i32 to index
        %get3A_270 = arith.index_cast %get3A_268 : i32 to index
        %get3A_271 = arith.index_cast %mul3A_266 : i32 to index
        %get3A_272 = tpu.vector_load %arg10[%get3A_269, %get3A_270, %get3A_271] {strides = array<i32>} : memref<8x8x128xf32, #tpu.memory_space<vmem>>, vector<1x1x16xf32>,
        %get3A_273 = vector.shape_cast %get3A_272 : vector<1x1x16xf32> to vector<16xf32>
        %mul3A_274 = arith.constant 16 : i32
        %mul3A_275 = arith.muli %scan3A_92, %mul3A_274 : i32
        %get3A_276 = arith.constant 2 : i32
        %get3A_277 = arith.constant 4 : i32
        %get3A_278 = arith.index_cast %get3A_276 : i32 to index
        %get3A_279 = arith.index_cast %get3A_277 : i32 to index
        %get3A_280 = arith.index_cast %mul3A_275 : i32 to index
        %get3A_281 = tpu.vector_load %arg10[%get3A_278, %get3A_279, %get3A_280] {strides = array<i32>} : memref<8x8x128xf32, #tpu.memory_space<vmem>>, vector<1x1x16xf32>,
        %get3A_282 = vector.shape_cast %get3A_281 : vector<1x1x16xf32> to vector<16xf32>
        %mul3A_283 = arith.constant 16 : i32
        %mul3A_284 = arith.muli %scan3A_92, %mul3A_283 : i32
        %get3A_285 = arith.constant 2 : i32
        %get3A_286 = arith.constant 5 : i32
        %get3A_287 = arith.index_cast %get3A_285 : i32 to index
        %get3A_288 = arith.index_cast %get3A_286 : i32 to index
        %get3A_289 = arith.index_cast %mul3A_284 : i32 to index
        %get3A_290 = tpu.vector_load %arg10[%get3A_287, %get3A_288, %get3A_289] {strides = array<i32>} : memref<8x8x128xf32, #tpu.memory_space<vmem>>, vector<1x1x16xf32>,
        %get3A_291 = vector.shape_cast %get3A_290 : vector<1x1x16xf32> to vector<16xf32>
        %mul3A_292 = arith.constant 16 : i32
        %mul3A_293 = arith.muli %scan3A_92, %mul3A_292 : i32
        %get3A_294 = arith.constant 2 : i32
        %get3A_295 = arith.constant 6 : i32
        %get3A_296 = arith.index_cast %get3A_294 : i32 to index
        %get3A_297 = arith.index_cast %get3A_295 : i32 to index
        %get3A_298 = arith.index_cast %mul3A_293 : i32 to index
        %get3A_299 = tpu.vector_load %arg10[%get3A_296, %get3A_297, %get3A_298] {strides = array<i32>} : memref<8x8x128xf32, #tpu.memory_space<vmem>>, vector<1x1x16xf32>,
        %get3A_300 = vector.shape_cast %get3A_299 : vector<1x1x16xf32> to vector<16xf32>
        %mul3A_301 = arith.constant 16 : i32
        %mul3A_302 = arith.muli %scan3A_92, %mul3A_301 : i32
        %get3A_303 = arith.constant 2 : i32
        %get3A_304 = arith.constant 7 : i32
        %get3A_305 = arith.index_cast %get3A_303 : i32 to index
        %get3A_306 = arith.index_cast %get3A_304 : i32 to index
        %get3A_307 = arith.index_cast %mul3A_302 : i32 to index
        %get3A_308 = tpu.vector_load %arg10[%get3A_305, %get3A_306, %get3A_307] {strides = array<i32>} : memref<8x8x128xf32, #tpu.memory_space<vmem>>, vector<1x1x16xf32>,
        %get3A_309 = vector.shape_cast %get3A_308 : vector<1x1x16xf32> to vector<16xf32>
        %mul3A_310 = arith.constant 16 : i32
        %mul3A_311 = arith.muli %scan3A_92, %mul3A_310 : i32
        %get3A_312 = arith.constant 3 : i32
        %get3A_313 = arith.constant 0 : i32
        %get3A_314 = arith.index_cast %get3A_312 : i32 to index
        %get3A_315 = arith.index_cast %get3A_313 : i32 to index
        %get3A_316 = arith.index_cast %mul3A_311 : i32 to index
        %get3A_317 = tpu.vector_load %arg10[%get3A_314, %get3A_315, %get3A_316] {strides = array<i32>} : memref<8x8x128xf32, #tpu.memory_space<vmem>>, vector<1x1x16xf32>,
        %get3A_318 = vector.shape_cast %get3A_317 : vector<1x1x16xf32> to vector<16xf32>
        %mul3A_319 = arith.constant 16 : i32
        %mul3A_320 = arith.muli %scan3A_92, %mul3A_319 : i32
        %get3A_321 = arith.constant 3 : i32
        %get3A_322 = arith.constant 1 : i32
        %get3A_323 = arith.index_cast %get3A_321 : i32 to index
        %get3A_324 = arith.index_cast %get3A_322 : i32 to index
        %get3A_325 = arith.index_cast %mul3A_320 : i32 to index
        %get3A_326 = tpu.vector_load %arg10[%get3A_323, %get3A_324, %get3A_325] {strides = array<i32>} : memref<8x8x128xf32, #tpu.memory_space<vmem>>, vector<1x1x16xf32>,
        %get3A_327 = vector.shape_cast %get3A_326 : vector<1x1x16xf32> to vector<16xf32>
        %mul3A_328 = arith.constant 16 : i32
        %mul3A_329 = arith.muli %scan3A_92, %mul3A_328 : i32
        %get3A_330 = arith.constant 3 : i32
        %get3A_331 = arith.constant 2 : i32
        %get3A_332 = arith.index_cast %get3A_330 : i32 to index
        %get3A_333 = arith.index_cast %get3A_331 : i32 to index
        %get3A_334 = arith.index_cast %mul3A_329 : i32 to index
        %get3A_335 = tpu.vector_load %arg10[%get3A_332, %get3A_333, %get3A_334] {strides = array<i32>} : memref<8x8x128xf32, #tpu.memory_space<vmem>>, vector<1x1x16xf32>,
        %get3A_336 = vector.shape_cast %get3A_335 : vector<1x1x16xf32> to vector<16xf32>
        %mul3A_337 = arith.constant 16 : i32
        %mul3A_338 = arith.muli %scan3A_92, %mul3A_337 : i32
        %get3A_339 = arith.constant 3 : i32
        %get3A_340 = arith.constant 3 : i32
        %get3A_341 = arith.index_cast %get3A_339 : i32 to index
        %get3A_342 = arith.index_cast %get3A_340 : i32 to index
        %get3A_343 = arith.index_cast %mul3A_338 : i32 to index
        %get3A_344 = tpu.vector_load %arg10[%get3A_341, %get3A_342, %get3A_343] {strides = array<i32>} : memref<8x8x128xf32, #tpu.memory_space<vmem>>, vector<1x1x16xf32>,
        %get3A_345 = vector.shape_cast %get3A_344 : vector<1x1x16xf32> to vector<16xf32>
        %mul3A_346 = arith.constant 16 : i32
        %mul3A_347 = arith.muli %scan3A_92, %mul3A_346 : i32
        %get3A_348 = arith.constant 3 : i32
        %get3A_349 = arith.constant 4 : i32
        %get3A_350 = arith.index_cast %get3A_348 : i32 to index
        %get3A_351 = arith.index_cast %get3A_349 : i32 to index
        %get3A_352 = arith.index_cast %mul3A_347 : i32 to index
        %get3A_353 = tpu.vector_load %arg10[%get3A_350, %get3A_351, %get3A_352] {strides = array<i32>} : memref<8x8x128xf32, #tpu.memory_space<vmem>>, vector<1x1x16xf32>,
        %get3A_354 = vector.shape_cast %get3A_353 : vector<1x1x16xf32> to vector<16xf32>
        %mul3A_355 = arith.constant 16 : i32
        %mul3A_356 = arith.muli %scan3A_92, %mul3A_355 : i32
        %get3A_357 = arith.constant 3 : i32
        %get3A_358 = arith.constant 5 : i32
        %get3A_359 = arith.index_cast %get3A_357 : i32 to index
        %get3A_360 = arith.index_cast %get3A_358 : i32 to index
        %get3A_361 = arith.index_cast %mul3A_356 : i32 to index
        %get3A_362 = tpu.vector_load %arg10[%get3A_359, %get3A_360, %get3A_361] {strides = array<i32>} : memref<8x8x128xf32, #tpu.memory_space<vmem>>, vector<1x1x16xf32>,
        %get3A_363 = vector.shape_cast %get3A_362 : vector<1x1x16xf32> to vector<16xf32>
        %mul3A_364 = arith.constant 16 : i32
        %mul3A_365 = arith.muli %scan3A_92, %mul3A_364 : i32
        %get3A_366 = arith.constant 3 : i32
        %get3A_367 = arith.constant 6 : i32
        %get3A_368 = arith.index_cast %get3A_366 : i32 to index
        %get3A_369 = arith.index_cast %get3A_367 : i32 to index
        %get3A_370 = arith.index_cast %mul3A_365 : i32 to index
        %get3A_371 = tpu.vector_load %arg10[%get3A_368, %get3A_369, %get3A_370] {strides = array<i32>} : memref<8x8x128xf32, #tpu.memory_space<vmem>>, vector<1x1x16xf32>,
        %get3A_372 = vector.shape_cast %get3A_371 : vector<1x1x16xf32> to vector<16xf32>
        %mul3A_373 = arith.constant 16 : i32
        %mul3A_374 = arith.muli %scan3A_92, %mul3A_373 : i32
        %get3A_375 = arith.constant 3 : i32
        %get3A_376 = arith.constant 7 : i32
        %get3A_377 = arith.index_cast %get3A_375 : i32 to index
        %get3A_378 = arith.index_cast %get3A_376 : i32 to index
        %get3A_379 = arith.index_cast %mul3A_374 : i32 to index
        %get3A_380 = tpu.vector_load %arg10[%get3A_377, %get3A_378, %get3A_379] {strides = array<i32>} : memref<8x8x128xf32, #tpu.memory_space<vmem>>, vector<1x1x16xf32>,
        %get3A_381 = vector.shape_cast %get3A_380 : vector<1x1x16xf32> to vector<16xf32>
        %mul3A_382 = arith.constant 16 : i32
        %mul3A_383 = arith.muli %scan3A_92, %mul3A_382 : i32
        %get3A_384 = arith.constant 4 : i32
        %get3A_385 = arith.constant 0 : i32
        %get3A_386 = arith.index_cast %get3A_384 : i32 to index
        %get3A_387 = arith.index_cast %get3A_385 : i32 to index
        %get3A_388 = arith.index_cast %mul3A_383 : i32 to index
        %get3A_389 = tpu.vector_load %arg10[%get3A_386, %get3A_387, %get3A_388] {strides = array<i32>} : memref<8x8x128xf32, #tpu.memory_space<vmem>>, vector<1x1x16xf32>,
        %get3A_390 = vector.shape_cast %get3A_389 : vector<1x1x16xf32> to vector<16xf32>
        %mul3A_391 = arith.constant 16 : i32
        %mul3A_392 = arith.muli %scan3A_92, %mul3A_391 : i32
        %get3A_393 = arith.constant 4 : i32
        %get3A_394 = arith.constant 1 : i32
        %get3A_395 = arith.index_cast %get3A_393 : i32 to index
        %get3A_396 = arith.index_cast %get3A_394 : i32 to index
        %get3A_397 = arith.index_cast %mul3A_392 : i32 to index
        %get3A_398 = tpu.vector_load %arg10[%get3A_395, %get3A_396, %get3A_397] {strides = array<i32>} : memref<8x8x128xf32, #tpu.memory_space<vmem>>, vector<1x1x16xf32>,
        %get3A_399 = vector.shape_cast %get3A_398 : vector<1x1x16xf32> to vector<16xf32>
        %mul3A_400 = arith.constant 16 : i32
        %mul3A_401 = arith.muli %scan3A_92, %mul3A_400 : i32
        %get3A_402 = arith.constant 4 : i32
        %get3A_403 = arith.constant 2 : i32
        %get3A_404 = arith.index_cast %get3A_402 : i32 to index
        %get3A_405 = arith.index_cast %get3A_403 : i32 to index
        %get3A_406 = arith.index_cast %mul3A_401 : i32 to index
        %get3A_407 = tpu.vector_load %arg10[%get3A_404, %get3A_405, %get3A_406] {strides = array<i32>} : memref<8x8x128xf32, #tpu.memory_space<vmem>>, vector<1x1x16xf32>,
        %get3A_408 = vector.shape_cast %get3A_407 : vector<1x1x16xf32> to vector<16xf32>
        %mul3A_409 = arith.constant 16 : i32
        %mul3A_410 = arith.muli %scan3A_92, %mul3A_409 : i32
        %get3A_411 = arith.constant 4 : i32
        %get3A_412 = arith.constant 3 : i32
        %get3A_413 = arith.index_cast %get3A_411 : i32 to index
        %get3A_414 = arith.index_cast %get3A_412 : i32 to index
        %get3A_415 = arith.index_cast %mul3A_410 : i32 to index
        %get3A_416 = tpu.vector_load %arg10[%get3A_413, %get3A_414, %get3A_415] {strides = array<i32>} : memref<8x8x128xf32, #tpu.memory_space<vmem>>, vector<1x1x16xf32>,
        %get3A_417 = vector.shape_cast %get3A_416 : vector<1x1x16xf32> to vector<16xf32>
        %mul3A_418 = arith.constant 16 : i32
        %mul3A_419 = arith.muli %scan3A_92, %mul3A_418 : i32
        %get3A_420 = arith.constant 4 : i32
        %get3A_421 = arith.constant 4 : i32
        %get3A_422 = arith.index_cast %get3A_420 : i32 to index
        %get3A_423 = arith.index_cast %get3A_421 : i32 to index
        %get3A_424 = arith.index_cast %mul3A_419 : i32 to index
        %get3A_425 = tpu.vector_load %arg10[%get3A_422, %get3A_423, %get3A_424] {strides = array<i32>} : memref<8x8x128xf32, #tpu.memory_space<vmem>>, vector<1x1x16xf32>,
        %get3A_426 = vector.shape_cast %get3A_425 : vector<1x1x16xf32> to vector<16xf32>
        %mul3A_427 = arith.constant 16 : i32
        %mul3A_428 = arith.muli %scan3A_92, %mul3A_427 : i32
        %get3A_429 = arith.constant 4 : i32
        %get3A_430 = arith.constant 5 : i32
        %get3A_431 = arith.index_cast %get3A_429 : i32 to index
        %get3A_432 = arith.index_cast %get3A_430 : i32 to index
        %get3A_433 = arith.index_cast %mul3A_428 : i32 to index
        %get3A_434 = tpu.vector_load %arg10[%get3A_431, %get3A_432, %get3A_433] {strides = array<i32>} : memref<8x8x128xf32, #tpu.memory_space<vmem>>, vector<1x1x16xf32>,
        %get3A_435 = vector.shape_cast %get3A_434 : vector<1x1x16xf32> to vector<16xf32>
        %mul3A_436 = arith.constant 16 : i32
        %mul3A_437 = arith.muli %scan3A_92, %mul3A_436 : i32
        %get3A_438 = arith.constant 4 : i32
        %get3A_439 = arith.constant 6 : i32
        %get3A_440 = arith.index_cast %get3A_438 : i32 to index
        %get3A_441 = arith.index_cast %get3A_439 : i32 to index
        %get3A_442 = arith.index_cast %mul3A_437 : i32 to index
        %get3A_443 = tpu.vector_load %arg10[%get3A_440, %get3A_441, %get3A_442] {strides = array<i32>} : memref<8x8x128xf32, #tpu.memory_space<vmem>>, vector<1x1x16xf32>,
        %get3A_444 = vector.shape_cast %get3A_443 : vector<1x1x16xf32> to vector<16xf32>
        %mul3A_445 = arith.constant 16 : i32
        %mul3A_446 = arith.muli %scan3A_92, %mul3A_445 : i32
        %get3A_447 = arith.constant 4 : i32
        %get3A_448 = arith.constant 7 : i32
        %get3A_449 = arith.index_cast %get3A_447 : i32 to index
        %get3A_450 = arith.index_cast %get3A_448 : i32 to index
        %get3A_451 = arith.index_cast %mul3A_446 : i32 to index
        %get3A_452 = tpu.vector_load %arg10[%get3A_449, %get3A_450, %get3A_451] {strides = array<i32>} : memref<8x8x128xf32, #tpu.memory_space<vmem>>, vector<1x1x16xf32>,
        %get3A_453 = vector.shape_cast %get3A_452 : vector<1x1x16xf32> to vector<16xf32>
        %mul3A_454 = arith.constant 16 : i32
        %mul3A_455 = arith.muli %scan3A_92, %mul3A_454 : i32
        %get3A_456 = arith.constant 5 : i32
        %get3A_457 = arith.constant 0 : i32
        %get3A_458 = arith.index_cast %get3A_456 : i32 to index
        %get3A_459 = arith.index_cast %get3A_457 : i32 to index
        %get3A_460 = arith.index_cast %mul3A_455 : i32 to index
        %get3A_461 = tpu.vector_load %arg10[%get3A_458, %get3A_459, %get3A_460] {strides = array<i32>} : memref<8x8x128xf32, #tpu.memory_space<vmem>>, vector<1x1x16xf32>,
        %get3A_462 = vector.shape_cast %get3A_461 : vector<1x1x16xf32> to vector<16xf32>
        %mul3A_463 = arith.constant 16 : i32
        %mul3A_464 = arith.muli %scan3A_92, %mul3A_463 : i32
        %get3A_465 = arith.constant 5 : i32
        %get3A_466 = arith.constant 1 : i32
        %get3A_467 = arith.index_cast %get3A_465 : i32 to index
        %get3A_468 = arith.index_cast %get3A_466 : i32 to index
        %get3A_469 = arith.index_cast %mul3A_464 : i32 to index
        %get3A_470 = tpu.vector_load %arg10[%get3A_467, %get3A_468, %get3A_469] {strides = array<i32>} : memref<8x8x128xf32, #tpu.memory_space<vmem>>, vector<1x1x16xf32>,
        %get3A_471 = vector.shape_cast %get3A_470 : vector<1x1x16xf32> to vector<16xf32>
        %mul3A_472 = arith.constant 16 : i32
        %mul3A_473 = arith.muli %scan3A_92, %mul3A_472 : i32
        %get3A_474 = arith.constant 5 : i32
        %get3A_475 = arith.constant 2 : i32
        %get3A_476 = arith.index_cast %get3A_474 : i32 to index
        %get3A_477 = arith.index_cast %get3A_475 : i32 to index
        %get3A_478 = arith.index_cast %mul3A_473 : i32 to index
        %get3A_479 = tpu.vector_load %arg10[%get3A_476, %get3A_477, %get3A_478] {strides = array<i32>} : memref<8x8x128xf32, #tpu.memory_space<vmem>>, vector<1x1x16xf32>,
        %get3A_480 = vector.shape_cast %get3A_479 : vector<1x1x16xf32> to vector<16xf32>
        %mul3A_481 = arith.constant 16 : i32
        %mul3A_482 = arith.muli %scan3A_92, %mul3A_481 : i32
        %get3A_483 = arith.constant 5 : i32
        %get3A_484 = arith.constant 3 : i32
        %get3A_485 = arith.index_cast %get3A_483 : i32 to index
        %get3A_486 = arith.index_cast %get3A_484 : i32 to index
        %get3A_487 = arith.index_cast %mul3A_482 : i32 to index
        %get3A_488 = tpu.vector_load %arg10[%get3A_485, %get3A_486, %get3A_487] {strides = array<i32>} : memref<8x8x128xf32, #tpu.memory_space<vmem>>, vector<1x1x16xf32>,
        %get3A_489 = vector.shape_cast %get3A_488 : vector<1x1x16xf32> to vector<16xf32>
        %mul3A_490 = arith.constant 16 : i32
        %mul3A_491 = arith.muli %scan3A_92, %mul3A_490 : i32
        %get3A_492 = arith.constant 5 : i32
        %get3A_493 = arith.constant 4 : i32
        %get3A_494 = arith.index_cast %get3A_492 : i32 to index
        %get3A_495 = arith.index_cast %get3A_493 : i32 to index
        %get3A_496 = arith.index_cast %mul3A_491 : i32 to index
        %get3A_497 = tpu.vector_load %arg10[%get3A_494, %get3A_495, %get3A_496] {strides = array<i32>} : memref<8x8x128xf32, #tpu.memory_space<vmem>>, vector<1x1x16xf32>,
        %get3A_498 = vector.shape_cast %get3A_497 : vector<1x1x16xf32> to vector<16xf32>
        %mul3A_499 = arith.constant 16 : i32
        %mul3A_500 = arith.muli %scan3A_92, %mul3A_499 : i32
        %get3A_501 = arith.constant 5 : i32
        %get3A_502 = arith.constant 5 : i32
        %get3A_503 = arith.index_cast %get3A_501 : i32 to index
        %get3A_504 = arith.index_cast %get3A_502 : i32 to index
        %get3A_505 = arith.index_cast %mul3A_500 : i32 to index
        %get3A_506 = tpu.vector_load %arg10[%get3A_503, %get3A_504, %get3A_505] {strides = array<i32>} : memref<8x8x128xf32, #tpu.memory_space<vmem>>, vector<1x1x16xf32>,
        %get3A_507 = vector.shape_cast %get3A_506 : vector<1x1x16xf32> to vector<16xf32>
        %mul3A_508 = arith.constant 16 : i32
        %mul3A_509 = arith.muli %scan3A_92, %mul3A_508 : i32
        %get3A_510 = arith.constant 5 : i32
        %get3A_511 = arith.constant 6 : i32
        %get3A_512 = arith.index_cast %get3A_510 : i32 to index
        %get3A_513 = arith.index_cast %get3A_511 : i32 to index
        %get3A_514 = arith.index_cast %mul3A_509 : i32 to index
        %get3A_515 = tpu.vector_load %arg10[%get3A_512, %get3A_513, %get3A_514] {strides = array<i32>} : memref<8x8x128xf32, #tpu.memory_space<vmem>>, vector<1x1x16xf32>,
        %get3A_516 = vector.shape_cast %get3A_515 : vector<1x1x16xf32> to vector<16xf32>
        %mul3A_517 = arith.constant 16 : i32
        %mul3A_518 = arith.muli %scan3A_92, %mul3A_517 : i32
        %get3A_519 = arith.constant 5 : i32
        %get3A_520 = arith.constant 7 : i32
        %get3A_521 = arith.index_cast %get3A_519 : i32 to index
        %get3A_522 = arith.index_cast %get3A_520 : i32 to index
        %get3A_523 = arith.index_cast %mul3A_518 : i32 to index
        %get3A_524 = tpu.vector_load %arg10[%get3A_521, %get3A_522, %get3A_523] {strides = array<i32>} : memref<8x8x128xf32, #tpu.memory_space<vmem>>, vector<1x1x16xf32>,
        %get3A_525 = vector.shape_cast %get3A_524 : vector<1x1x16xf32> to vector<16xf32>
        %mul3A_526 = arith.constant 16 : i32
        %mul3A_527 = arith.muli %scan3A_92, %mul3A_526 : i32
        %get3A_528 = arith.constant 6 : i32
        %get3A_529 = arith.constant 0 : i32
        %get3A_530 = arith.index_cast %get3A_528 : i32 to index
        %get3A_531 = arith.index_cast %get3A_529 : i32 to index
        %get3A_532 = arith.index_cast %mul3A_527 : i32 to index
        %get3A_533 = tpu.vector_load %arg10[%get3A_530, %get3A_531, %get3A_532] {strides = array<i32>} : memref<8x8x128xf32, #tpu.memory_space<vmem>>, vector<1x1x16xf32>,
        %get3A_534 = vector.shape_cast %get3A_533 : vector<1x1x16xf32> to vector<16xf32>
        %mul3A_535 = arith.constant 16 : i32
        %mul3A_536 = arith.muli %scan3A_92, %mul3A_535 : i32
        %get3A_537 = arith.constant 6 : i32
        %get3A_538 = arith.constant 1 : i32
        %get3A_539 = arith.index_cast %get3A_537 : i32 to index
        %get3A_540 = arith.index_cast %get3A_538 : i32 to index
        %get3A_541 = arith.index_cast %mul3A_536 : i32 to index
        %get3A_542 = tpu.vector_load %arg10[%get3A_539, %get3A_540, %get3A_541] {strides = array<i32>} : memref<8x8x128xf32, #tpu.memory_space<vmem>>, vector<1x1x16xf32>,
        %get3A_543 = vector.shape_cast %get3A_542 : vector<1x1x16xf32> to vector<16xf32>
        %mul3A_544 = arith.constant 16 : i32
        %mul3A_545 = arith.muli %scan3A_92, %mul3A_544 : i32
        %get3A_546 = arith.constant 6 : i32
        %get3A_547 = arith.constant 2 : i32
        %get3A_548 = arith.index_cast %get3A_546 : i32 to index
        %get3A_549 = arith.index_cast %get3A_547 : i32 to index
        %get3A_550 = arith.index_cast %mul3A_545 : i32 to index
        %get3A_551 = tpu.vector_load %arg10[%get3A_548, %get3A_549, %get3A_550] {strides = array<i32>} : memref<8x8x128xf32, #tpu.memory_space<vmem>>, vector<1x1x16xf32>,
        %get3A_552 = vector.shape_cast %get3A_551 : vector<1x1x16xf32> to vector<16xf32>
        %mul3A_553 = arith.constant 16 : i32
        %mul3A_554 = arith.muli %scan3A_92, %mul3A_553 : i32
        %get3A_555 = arith.constant 6 : i32
        %get3A_556 = arith.constant 3 : i32
        %get3A_557 = arith.index_cast %get3A_555 : i32 to index
        %get3A_558 = arith.index_cast %get3A_556 : i32 to index
        %get3A_559 = arith.index_cast %mul3A_554 : i32 to index
        %get3A_560 = tpu.vector_load %arg10[%get3A_557, %get3A_558, %get3A_559] {strides = array<i32>} : memref<8x8x128xf32, #tpu.memory_space<vmem>>, vector<1x1x16xf32>,
        %get3A_561 = vector.shape_cast %get3A_560 : vector<1x1x16xf32> to vector<16xf32>
        %mul3A_562 = arith.constant 16 : i32
        %mul3A_563 = arith.muli %scan3A_92, %mul3A_562 : i32
        %get3A_564 = arith.constant 6 : i32
        %get3A_565 = arith.constant 4 : i32
        %get3A_566 = arith.index_cast %get3A_564 : i32 to index
        %get3A_567 = arith.index_cast %get3A_565 : i32 to index
        %get3A_568 = arith.index_cast %mul3A_563 : i32 to index
        %get3A_569 = tpu.vector_load %arg10[%get3A_566, %get3A_567, %get3A_568] {strides = array<i32>} : memref<8x8x128xf32, #tpu.memory_space<vmem>>, vector<1x1x16xf32>,
        %get3A_570 = vector.shape_cast %get3A_569 : vector<1x1x16xf32> to vector<16xf32>
        %mul3A_571 = arith.constant 16 : i32
        %mul3A_572 = arith.muli %scan3A_92, %mul3A_571 : i32
        %get3A_573 = arith.constant 6 : i32
        %get3A_574 = arith.constant 5 : i32
        %get3A_575 = arith.index_cast %get3A_573 : i32 to index
        %get3A_576 = arith.index_cast %get3A_574 : i32 to index
        %get3A_577 = arith.index_cast %mul3A_572 : i32 to index
        %get3A_578 = tpu.vector_load %arg10[%get3A_575, %get3A_576, %get3A_577] {strides = array<i32>} : memref<8x8x128xf32, #tpu.memory_space<vmem>>, vector<1x1x16xf32>,
        %get3A_579 = vector.shape_cast %get3A_578 : vector<1x1x16xf32> to vector<16xf32>
        %mul3A_580 = arith.constant 16 : i32
        %mul3A_581 = arith.muli %scan3A_92, %mul3A_580 : i32
        %get3A_582 = arith.constant 6 : i32
        %get3A_583 = arith.constant 6 : i32
        %get3A_584 = arith.index_cast %get3A_582 : i32 to index
        %get3A_585 = arith.index_cast %get3A_583 : i32 to index
        %get3A_586 = arith.index_cast %mul3A_581 : i32 to index
        %get3A_587 = tpu.vector_load %arg10[%get3A_584, %get3A_585, %get3A_586] {strides = array<i32>} : memref<8x8x128xf32, #tpu.memory_space<vmem>>, vector<1x1x16xf32>,
        %get3A_588 = vector.shape_cast %get3A_587 : vector<1x1x16xf32> to vector<16xf32>
        %mul3A_589 = arith.constant 16 : i32
        %mul3A_590 = arith.muli %scan3A_92, %mul3A_589 : i32
        %get3A_591 = arith.constant 6 : i32
        %get3A_592 = arith.constant 7 : i32
        %get3A_593 = arith.index_cast %get3A_591 : i32 to index
        %get3A_594 = arith.index_cast %get3A_592 : i32 to index
        %get3A_595 = arith.index_cast %mul3A_590 : i32 to index
        %get3A_596 = tpu.vector_load %arg10[%get3A_593, %get3A_594, %get3A_595] {strides = array<i32>} : memref<8x8x128xf32, #tpu.memory_space<vmem>>, vector<1x1x16xf32>,
        %get3A_597 = vector.shape_cast %get3A_596 : vector<1x1x16xf32> to vector<16xf32>
        %mul3A_598 = arith.constant 16 : i32
        %mul3A_599 = arith.muli %scan3A_92, %mul3A_598 : i32
        %get3A_600 = arith.constant 7 : i32
        %get3A_601 = arith.constant 0 : i32
        %get3A_602 = arith.index_cast %get3A_600 : i32 to index
        %get3A_603 = arith.index_cast %get3A_601 : i32 to index
        %get3A_604 = arith.index_cast %mul3A_599 : i32 to index
        %get3A_605 = tpu.vector_load %arg10[%get3A_602, %get3A_603, %get3A_604] {strides = array<i32>} : memref<8x8x128xf32, #tpu.memory_space<vmem>>, vector<1x1x16xf32>,
        %get3A_606 = vector.shape_cast %get3A_605 : vector<1x1x16xf32> to vector<16xf32>
        %mul3A_607 = arith.constant 16 : i32
        %mul3A_608 = arith.muli %scan3A_92, %mul3A_607 : i32
        %get3A_609 = arith.constant 7 : i32
        %get3A_610 = arith.constant 1 : i32
        %get3A_611 = arith.index_cast %get3A_609 : i32 to index
        %get3A_612 = arith.index_cast %get3A_610 : i32 to index
        %get3A_613 = arith.index_cast %mul3A_608 : i32 to index
        %get3A_614 = tpu.vector_load %arg10[%get3A_611, %get3A_612, %get3A_613] {strides = array<i32>} : memref<8x8x128xf32, #tpu.memory_space<vmem>>, vector<1x1x16xf32>,
        %get3A_615 = vector.shape_cast %get3A_614 : vector<1x1x16xf32> to vector<16xf32>
        %mul3A_616 = arith.constant 16 : i32
        %mul3A_617 = arith.muli %scan3A_92, %mul3A_616 : i32
        %get3A_618 = arith.constant 7 : i32
        %get3A_619 = arith.constant 2 : i32
        %get3A_620 = arith.index_cast %get3A_618 : i32 to index
        %get3A_621 = arith.index_cast %get3A_619 : i32 to index
        %get3A_622 = arith.index_cast %mul3A_617 : i32 to index
        %get3A_623 = tpu.vector_load %arg10[%get3A_620, %get3A_621, %get3A_622] {strides = array<i32>} : memref<8x8x128xf32, #tpu.memory_space<vmem>>, vector<1x1x16xf32>,
        %get3A_624 = vector.shape_cast %get3A_623 : vector<1x1x16xf32> to vector<16xf32>
        %mul3A_625 = arith.constant 16 : i32
        %mul3A_626 = arith.muli %scan3A_92, %mul3A_625 : i32
        %get3A_627 = arith.constant 7 : i32
        %get3A_628 = arith.constant 3 : i32
        %get3A_629 = arith.index_cast %get3A_627 : i32 to index
        %get3A_630 = arith.index_cast %get3A_628 : i32 to index
        %get3A_631 = arith.index_cast %mul3A_626 : i32 to index
        %get3A_632 = tpu.vector_load %arg10[%get3A_629, %get3A_630, %get3A_631] {strides = array<i32>} : memref<8x8x128xf32, #tpu.memory_space<vmem>>, vector<1x1x16xf32>,
        %get3A_633 = vector.shape_cast %get3A_632 : vector<1x1x16xf32> to vector<16xf32>
        %mul3A_634 = arith.constant 16 : i32
        %mul3A_635 = arith.muli %scan3A_92, %mul3A_634 : i32
        %get3A_636 = arith.constant 7 : i32
        %get3A_637 = arith.constant 4 : i32
        %get3A_638 = arith.index_cast %get3A_636 : i32 to index
        %get3A_639 = arith.index_cast %get3A_637 : i32 to index
        %get3A_640 = arith.index_cast %mul3A_635 : i32 to index
        %get3A_641 = tpu.vector_load %arg10[%get3A_638, %get3A_639, %get3A_640] {strides = array<i32>} : memref<8x8x128xf32, #tpu.memory_space<vmem>>, vector<1x1x16xf32>,
        %get3A_642 = vector.shape_cast %get3A_641 : vector<1x1x16xf32> to vector<16xf32>
        %mul3A_643 = arith.constant 16 : i32
        %mul3A_644 = arith.muli %scan3A_92, %mul3A_643 : i32
        %get3A_645 = arith.constant 7 : i32
        %get3A_646 = arith.constant 5 : i32
        %get3A_647 = arith.index_cast %get3A_645 : i32 to index
        %get3A_648 = arith.index_cast %get3A_646 : i32 to index
        %get3A_649 = arith.index_cast %mul3A_644 : i32 to index
        %get3A_650 = tpu.vector_load %arg10[%get3A_647, %get3A_648, %get3A_649] {strides = array<i32>} : memref<8x8x128xf32, #tpu.memory_space<vmem>>, vector<1x1x16xf32>,
        %get3A_651 = vector.shape_cast %get3A_650 : vector<1x1x16xf32> to vector<16xf32>
        %mul3A_652 = arith.constant 16 : i32
        %mul3A_653 = arith.muli %scan3A_92, %mul3A_652 : i32
        %get3A_654 = arith.constant 7 : i32
        %get3A_655 = arith.constant 6 : i32
        %get3A_656 = arith.index_cast %get3A_654 : i32 to index
        %get3A_657 = arith.index_cast %get3A_655 : i32 to index
        %get3A_658 = arith.index_cast %mul3A_653 : i32 to index
        %get3A_659 = tpu.vector_load %arg10[%get3A_656, %get3A_657, %get3A_658] {strides = array<i32>} : memref<8x8x128xf32, #tpu.memory_space<vmem>>, vector<1x1x16xf32>,
        %get3A_660 = vector.shape_cast %get3A_659 : vector<1x1x16xf32> to vector<16xf32>
        %mul3A_661 = arith.constant 16 : i32
        %mul3A_662 = arith.muli %scan3A_92, %mul3A_661 : i32
        %get3A_663 = arith.constant 7 : i32
        %get3A_664 = arith.constant 7 : i32
        %get3A_665 = arith.index_cast %get3A_663 : i32 to index
        %get3A_666 = arith.index_cast %get3A_664 : i32 to index
        %get3A_667 = arith.index_cast %mul3A_662 : i32 to index
        %get3A_668 = tpu.vector_load %arg10[%get3A_665, %get3A_666, %get3A_667] {strides = array<i32>} : memref<8x8x128xf32, #tpu.memory_space<vmem>>, vector<1x1x16xf32>,
        %get3A_669 = vector.shape_cast %get3A_668 : vector<1x1x16xf32> to vector<16xf32>
        %max3A = arith.maximumf %get3A_102, %get3A_237 : vector<16xf32>
        %max3A_670 = arith.maximumf %get3A_111, %get3A_228 : vector<16xf32>
        %max3A_671 = arith.maximumf %get3A_120, %get3A_219 : vector<16xf32>
        %max3A_672 = arith.maximumf %get3A_129, %get3A_210 : vector<16xf32>
        %max3A_673 = arith.maximumf %get3A_138, %get3A_201 : vector<16xf32>
        %max3A_674 = arith.maximumf %get3A_147, %get3A_192 : vector<16xf32>
        %max3A_675 = arith.maximumf %get3A_156, %get3A_183 : vector<16xf32>
        %max3A_676 = arith.maximumf %get3A_165, %get3A_174 : vector<16xf32>
        %min3A = arith.minimumf %max3A, %max3A_673 : vector<16xf32>
        %max3A_677 = arith.maximumf %max3A, %max3A_673 : vector<16xf32>
        %min3A_678 = arith.minimumf %max3A_670, %max3A_674 : vector<16xf32>
        %max3A_679 = arith.maximumf %max3A_670, %max3A_674 : vector<16xf32>
        %min3A_680 = arith.minimumf %max3A_671, %max3A_675 : vector<16xf32>
        %max3A_681 = arith.maximumf %max3A_671, %max3A_675 : vector<16xf32>
        %min3A_682 = arith.minimumf %max3A_672, %max3A_676 : vector<16xf32>
        %max3A_683 = arith.maximumf %max3A_672, %max3A_676 : vector<16xf32>
        %min3A_684 = arith.minimumf %min3A, %min3A_680 : vector<16xf32>
        %max3A_685 = arith.maximumf %min3A, %min3A_680 : vector<16xf32>
        %min3A_686 = arith.minimumf %min3A_678, %min3A_682 : vector<16xf32>
        %max3A_687 = arith.maximumf %min3A_678, %min3A_682 : vector<16xf32>
        %min3A_688 = arith.minimumf %max3A_677, %max3A_681 : vector<16xf32>
        %max3A_689 = arith.maximumf %max3A_677, %max3A_681 : vector<16xf32>
        %min3A_690 = arith.minimumf %max3A_679, %max3A_683 : vector<16xf32>
        %max3A_691 = arith.maximumf %max3A_679, %max3A_683 : vector<16xf32>
        %min3A_692 = arith.minimumf %min3A_684, %min3A_686 : vector<16xf32>
        %max3A_693 = arith.maximumf %min3A_684, %min3A_686 : vector<16xf32>
        %min3A_694 = arith.minimumf %max3A_685, %max3A_687 : vector<16xf32>
        %max3A_695 = arith.maximumf %max3A_685, %max3A_687 : vector<16xf32>
        %min3A_696 = arith.minimumf %min3A_688, %min3A_690 : vector<16xf32>
        %max3A_697 = arith.maximumf %min3A_688, %min3A_690 : vector<16xf32>
        %min3A_698 = arith.minimumf %max3A_689, %max3A_691 : vector<16xf32>
        %max3A_699 = arith.maximumf %max3A_689, %max3A_691 : vector<16xf32>
        %max3A_700 = arith.maximumf %get3A_246, %get3A_381 : vector<16xf32>
        %max3A_701 = arith.maximumf %get3A_255, %get3A_372 : vector<16xf32>
        %max3A_702 = arith.maximumf %get3A_264, %get3A_363 : vector<16xf32>
        %max3A_703 = arith.maximumf %get3A_273, %get3A_354 : vector<16xf32>
        %max3A_704 = arith.maximumf %get3A_282, %get3A_345 : vector<16xf32>
        %max3A_705 = arith.maximumf %get3A_291, %get3A_336 : vector<16xf32>
        %max3A_706 = arith.maximumf %get3A_300, %get3A_327 : vector<16xf32>
        %max3A_707 = arith.maximumf %get3A_309, %get3A_318 : vector<16xf32>
        %min3A_708 = arith.minimumf %max3A_700, %max3A_704 : vector<16xf32>
        %max3A_709 = arith.maximumf %max3A_700, %max3A_704 : vector<16xf32>
        %min3A_710 = arith.minimumf %max3A_701, %max3A_705 : vector<16xf32>
        %max3A_711 = arith.maximumf %max3A_701, %max3A_705 : vector<16xf32>
        %min3A_712 = arith.minimumf %max3A_702, %max3A_706 : vector<16xf32>
        %max3A_713 = arith.maximumf %max3A_702, %max3A_706 : vector<16xf32>
        %min3A_714 = arith.minimumf %max3A_703, %max3A_707 : vector<16xf32>
        %max3A_715 = arith.maximumf %max3A_703, %max3A_707 : vector<16xf32>
        %min3A_716 = arith.minimumf %min3A_708, %min3A_712 : vector<16xf32>
        %max3A_717 = arith.maximumf %min3A_708, %min3A_712 : vector<16xf32>
        %min3A_718 = arith.minimumf %min3A_710, %min3A_714 : vector<16xf32>
        %max3A_719 = arith.maximumf %min3A_710, %min3A_714 : vector<16xf32>
        %min3A_720 = arith.minimumf %max3A_709, %max3A_713 : vector<16xf32>
        %max3A_721 = arith.maximumf %max3A_709, %max3A_713 : vector<16xf32>
        %min3A_722 = arith.minimumf %max3A_711, %max3A_715 : vector<16xf32>
        %max3A_723 = arith.maximumf %max3A_711, %max3A_715 : vector<16xf32>
        %min3A_724 = arith.minimumf %min3A_716, %min3A_718 : vector<16xf32>
        %max3A_725 = arith.maximumf %min3A_716, %min3A_718 : vector<16xf32>
        %min3A_726 = arith.minimumf %max3A_717, %max3A_719 : vector<16xf32>
        %max3A_727 = arith.maximumf %max3A_717, %max3A_719 : vector<16xf32>
        %min3A_728 = arith.minimumf %min3A_720, %min3A_722 : vector<16xf32>
        %max3A_729 = arith.maximumf %min3A_720, %min3A_722 : vector<16xf32>
        %min3A_730 = arith.minimumf %max3A_721, %max3A_723 : vector<16xf32>
        %max3A_731 = arith.maximumf %max3A_721, %max3A_723 : vector<16xf32>
        %max3A_732 = arith.maximumf %get3A_390, %get3A_525 : vector<16xf32>
        %max3A_733 = arith.maximumf %get3A_399, %get3A_516 : vector<16xf32>
        %max3A_734 = arith.maximumf %get3A_408, %get3A_507 : vector<16xf32>
        %max3A_735 = arith.maximumf %get3A_417, %get3A_498 : vector<16xf32>
        %max3A_736 = arith.maximumf %get3A_426, %get3A_489 : vector<16xf32>
        %max3A_737 = arith.maximumf %get3A_435, %get3A_480 : vector<16xf32>
        %max3A_738 = arith.maximumf %get3A_444, %get3A_471 : vector<16xf32>
        %max3A_739 = arith.maximumf %get3A_453, %get3A_462 : vector<16xf32>
        %min3A_740 = arith.minimumf %max3A_732, %max3A_736 : vector<16xf32>
        %max3A_741 = arith.maximumf %max3A_732, %max3A_736 : vector<16xf32>
        %min3A_742 = arith.minimumf %max3A_733, %max3A_737 : vector<16xf32>
        %max3A_743 = arith.maximumf %max3A_733, %max3A_737 : vector<16xf32>
        %min3A_744 = arith.minimumf %max3A_734, %max3A_738 : vector<16xf32>
        %max3A_745 = arith.maximumf %max3A_734, %max3A_738 : vector<16xf32>
        %min3A_746 = arith.minimumf %max3A_735, %max3A_739 : vector<16xf32>
        %max3A_747 = arith.maximumf %max3A_735, %max3A_739 : vector<16xf32>
        %min3A_748 = arith.minimumf %min3A_740, %min3A_744 : vector<16xf32>
        %max3A_749 = arith.maximumf %min3A_740, %min3A_744 : vector<16xf32>
        %min3A_750 = arith.minimumf %min3A_742, %min3A_746 : vector<16xf32>
        %max3A_751 = arith.maximumf %min3A_742, %min3A_746 : vector<16xf32>
        %min3A_752 = arith.minimumf %max3A_741, %max3A_745 : vector<16xf32>
        %max3A_753 = arith.maximumf %max3A_741, %max3A_745 : vector<16xf32>
        %min3A_754 = arith.minimumf %max3A_743, %max3A_747 : vector<16xf32>
        %max3A_755 = arith.maximumf %max3A_743, %max3A_747 : vector<16xf32>
        %min3A_756 = arith.minimumf %min3A_748, %min3A_750 : vector<16xf32>
        %max3A_757 = arith.maximumf %min3A_748, %min3A_750 : vector<16xf32>
        %min3A_758 = arith.minimumf %max3A_749, %max3A_751 : vector<16xf32>
        %max3A_759 = arith.maximumf %max3A_749, %max3A_751 : vector<16xf32>
        %min3A_760 = arith.minimumf %min3A_752, %min3A_754 : vector<16xf32>
        %max3A_761 = arith.maximumf %min3A_752, %min3A_754 : vector<16xf32>
        %min3A_762 = arith.minimumf %max3A_753, %max3A_755 : vector<16xf32>
        %max3A_763 = arith.maximumf %max3A_753, %max3A_755 : vector<16xf32>
        %max3A_764 = arith.maximumf %get3A_534, %get3A_669 : vector<16xf32>
        %max3A_765 = arith.maximumf %get3A_543, %get3A_660 : vector<16xf32>
        %max3A_766 = arith.maximumf %get3A_552, %get3A_651 : vector<16xf32>
        %max3A_767 = arith.maximumf %get3A_561, %get3A_642 : vector<16xf32>
        %max3A_768 = arith.maximumf %get3A_570, %get3A_633 : vector<16xf32>
        %max3A_769 = arith.maximumf %get3A_579, %get3A_624 : vector<16xf32>
        %max3A_770 = arith.maximumf %get3A_588, %get3A_615 : vector<16xf32>
        %max3A_771 = arith.maximumf %get3A_597, %get3A_606 : vector<16xf32>
        %min3A_772 = arith.minimumf %max3A_764, %max3A_768 : vector<16xf32>
        %max3A_773 = arith.maximumf %max3A_764, %max3A_768 : vector<16xf32>
        %min3A_774 = arith.minimumf %max3A_765, %max3A_769 : vector<16xf32>
        %max3A_775 = arith.maximumf %max3A_765, %max3A_769 : vector<16xf32>
        %min3A_776 = arith.minimumf %max3A_766, %max3A_770 : vector<16xf32>
        %max3A_777 = arith.maximumf %max3A_766, %max3A_770 : vector<16xf32>
        %min3A_778 = arith.minimumf %max3A_767, %max3A_771 : vector<16xf32>
        %max3A_779 = arith.maximumf %max3A_767, %max3A_771 : vector<16xf32>
        %min3A_780 = arith.minimumf %min3A_772, %min3A_776 : vector<16xf32>
        %max3A_781 = arith.maximumf %min3A_772, %min3A_776 : vector<16xf32>
        %min3A_782 = arith.minimumf %min3A_774, %min3A_778 : vector<16xf32>
        %max3A_783 = arith.maximumf %min3A_774, %min3A_778 : vector<16xf32>
        %min3A_784 = arith.minimumf %max3A_773, %max3A_777 : vector<16xf32>
        %max3A_785 = arith.maximumf %max3A_773, %max3A_777 : vector<16xf32>
        %min3A_786 = arith.minimumf %max3A_775, %max3A_779 : vector<16xf32>
        %max3A_787 = arith.maximumf %max3A_775, %max3A_779 : vector<16xf32>
        %min3A_788 = arith.minimumf %min3A_780, %min3A_782 : vector<16xf32>
        %max3A_789 = arith.maximumf %min3A_780, %min3A_782 : vector<16xf32>
        %min3A_790 = arith.minimumf %max3A_781, %max3A_783 : vector<16xf32>
        %max3A_791 = arith.maximumf %max3A_781, %max3A_783 : vector<16xf32>
        %min3A_792 = arith.minimumf %min3A_784, %min3A_786 : vector<16xf32>
        %max3A_793 = arith.maximumf %min3A_784, %min3A_786 : vector<16xf32>
        %min3A_794 = arith.minimumf %max3A_785, %max3A_787 : vector<16xf32>
        %max3A_795 = arith.maximumf %max3A_785, %max3A_787 : vector<16xf32>
        %max3A_796 = arith.maximumf %min3A_692, %max3A_731 : vector<16xf32>
        %max3A_797 = arith.maximumf %max3A_693, %min3A_730 : vector<16xf32>
        %max3A_798 = arith.maximumf %min3A_694, %max3A_729 : vector<16xf32>
        %max3A_799 = arith.maximumf %max3A_695, %min3A_728 : vector<16xf32>
        %max3A_800 = arith.maximumf %min3A_696, %max3A_727 : vector<16xf32>
        %max3A_801 = arith.maximumf %max3A_697, %min3A_726 : vector<16xf32>
        %max3A_802 = arith.maximumf %min3A_698, %max3A_725 : vector<16xf32>
        %max3A_803 = arith.maximumf %max3A_699, %min3A_724 : vector<16xf32>
        %min3A_804 = arith.minimumf %max3A_796, %max3A_800 : vector<16xf32>
        %max3A_805 = arith.maximumf %max3A_796, %max3A_800 : vector<16xf32>
        %min3A_806 = arith.minimumf %max3A_797, %max3A_801 : vector<16xf32>
        %max3A_807 = arith.maximumf %max3A_797, %max3A_801 : vector<16xf32>
        %min3A_808 = arith.minimumf %max3A_798, %max3A_802 : vector<16xf32>
        %max3A_809 = arith.maximumf %max3A_798, %max3A_802 : vector<16xf32>
        %min3A_810 = arith.minimumf %max3A_799, %max3A_803 : vector<16xf32>
        %max3A_811 = arith.maximumf %max3A_799, %max3A_803 : vector<16xf32>
        %min3A_812 = arith.minimumf %min3A_804, %min3A_808 : vector<16xf32>
        %max3A_813 = arith.maximumf %min3A_804, %min3A_808 : vector<16xf32>
        %min3A_814 = arith.minimumf %min3A_806, %min3A_810 : vector<16xf32>
        %max3A_815 = arith.maximumf %min3A_806, %min3A_810 : vector<16xf32>
        %min3A_816 = arith.minimumf %max3A_805, %max3A_809 : vector<16xf32>
        %max3A_817 = arith.maximumf %max3A_805, %max3A_809 : vector<16xf32>
        %min3A_818 = arith.minimumf %max3A_807, %max3A_811 : vector<16xf32>
        %max3A_819 = arith.maximumf %max3A_807, %max3A_811 : vector<16xf32>
        %min3A_820 = arith.minimumf %min3A_812, %min3A_814 : vector<16xf32>
        %max3A_821 = arith.maximumf %min3A_812, %min3A_814 : vector<16xf32>
        %min3A_822 = arith.minimumf %max3A_813, %max3A_815 : vector<16xf32>
        %max3A_823 = arith.maximumf %max3A_813, %max3A_815 : vector<16xf32>
        %min3A_824 = arith.minimumf %min3A_816, %min3A_818 : vector<16xf32>
        %max3A_825 = arith.maximumf %min3A_816, %min3A_818 : vector<16xf32>
        %min3A_826 = arith.minimumf %max3A_817, %max3A_819 : vector<16xf32>
        %max3A_827 = arith.maximumf %max3A_817, %max3A_819 : vector<16xf32>
        %max3A_828 = arith.maximumf %min3A_756, %max3A_795 : vector<16xf32>
        %max3A_829 = arith.maximumf %max3A_757, %min3A_794 : vector<16xf32>
        %max3A_830 = arith.maximumf %min3A_758, %max3A_793 : vector<16xf32>
        %max3A_831 = arith.maximumf %max3A_759, %min3A_792 : vector<16xf32>
        %max3A_832 = arith.maximumf %min3A_760, %max3A_791 : vector<16xf32>
        %max3A_833 = arith.maximumf %max3A_761, %min3A_790 : vector<16xf32>
        %max3A_834 = arith.maximumf %min3A_762, %max3A_789 : vector<16xf32>
        %max3A_835 = arith.maximumf %max3A_763, %min3A_788 : vector<16xf32>
        %min3A_836 = arith.minimumf %max3A_828, %max3A_832 : vector<16xf32>
        %max3A_837 = arith.maximumf %max3A_828, %max3A_832 : vector<16xf32>
        %min3A_838 = arith.minimumf %max3A_829, %max3A_833 : vector<16xf32>
        %max3A_839 = arith.maximumf %max3A_829, %max3A_833 : vector<16xf32>
        %min3A_840 = arith.minimumf %max3A_830, %max3A_834 : vector<16xf32>
        %max3A_841 = arith.maximumf %max3A_830, %max3A_834 : vector<16xf32>
        %min3A_842 = arith.minimumf %max3A_831, %max3A_835 : vector<16xf32>
        %max3A_843 = arith.maximumf %max3A_831, %max3A_835 : vector<16xf32>
        %min3A_844 = arith.minimumf %min3A_836, %min3A_840 : vector<16xf32>
        %max3A_845 = arith.maximumf %min3A_836, %min3A_840 : vector<16xf32>
        %min3A_846 = arith.minimumf %min3A_838, %min3A_842 : vector<16xf32>
        %max3A_847 = arith.maximumf %min3A_838, %min3A_842 : vector<16xf32>
        %min3A_848 = arith.minimumf %max3A_837, %max3A_841 : vector<16xf32>
        %max3A_849 = arith.maximumf %max3A_837, %max3A_841 : vector<16xf32>
        %min3A_850 = arith.minimumf %max3A_839, %max3A_843 : vector<16xf32>
        %max3A_851 = arith.maximumf %max3A_839, %max3A_843 : vector<16xf32>
        %min3A_852 = arith.minimumf %min3A_844, %min3A_846 : vector<16xf32>
        %max3A_853 = arith.maximumf %min3A_844, %min3A_846 : vector<16xf32>
        %min3A_854 = arith.minimumf %max3A_845, %max3A_847 : vector<16xf32>
        %max3A_855 = arith.maximumf %max3A_845, %max3A_847 : vector<16xf32>
        %min3A_856 = arith.minimumf %min3A_848, %min3A_850 : vector<16xf32>
        %max3A_857 = arith.maximumf %min3A_848, %min3A_850 : vector<16xf32>
        %min3A_858 = arith.minimumf %max3A_849, %max3A_851 : vector<16xf32>
        %max3A_859 = arith.maximumf %max3A_849, %max3A_851 : vector<16xf32>
        %max3A_860 = arith.maximumf %min3A_820, %max3A_859 : vector<16xf32>
        %max3A_861 = arith.maximumf %max3A_821, %min3A_858 : vector<16xf32>
        %max3A_862 = arith.maximumf %min3A_822, %max3A_857 : vector<16xf32>
        %max3A_863 = arith.maximumf %max3A_823, %min3A_856 : vector<16xf32>
        %max3A_864 = arith.maximumf %min3A_824, %max3A_855 : vector<16xf32>
        %max3A_865 = arith.maximumf %max3A_825, %min3A_854 : vector<16xf32>
        %max3A_866 = arith.maximumf %min3A_826, %max3A_853 : vector<16xf32>
        %max3A_867 = arith.maximumf %max3A_827, %min3A_852 : vector<16xf32>
        %min3A_868 = arith.minimumf %max3A_860, %max3A_864 : vector<16xf32>
        %max3A_869 = arith.maximumf %max3A_860, %max3A_864 : vector<16xf32>
        %min3A_870 = arith.minimumf %max3A_861, %max3A_865 : vector<16xf32>
        %max3A_871 = arith.maximumf %max3A_861, %max3A_865 : vector<16xf32>
        %min3A_872 = arith.minimumf %max3A_862, %max3A_866 : vector<16xf32>
        %max3A_873 = arith.maximumf %max3A_862, %max3A_866 : vector<16xf32>
        %min3A_874 = arith.minimumf %max3A_863, %max3A_867 : vector<16xf32>
        %max3A_875 = arith.maximumf %max3A_863, %max3A_867 : vector<16xf32>
        %min3A_876 = arith.minimumf %min3A_868, %min3A_872 : vector<16xf32>
        %max3A_877 = arith.maximumf %min3A_868, %min3A_872 : vector<16xf32>
        %min3A_878 = arith.minimumf %min3A_870, %min3A_874 : vector<16xf32>
        %max3A_879 = arith.maximumf %min3A_870, %min3A_874 : vector<16xf32>
        %min3A_880 = arith.minimumf %max3A_869, %max3A_873 : vector<16xf32>
        %max3A_881 = arith.maximumf %max3A_869, %max3A_873 : vector<16xf32>
        %min3A_882 = arith.minimumf %max3A_871, %max3A_875 : vector<16xf32>
        %max3A_883 = arith.maximumf %max3A_871, %max3A_875 : vector<16xf32>
        %min3A_884 = arith.minimumf %min3A_876, %min3A_878 : vector<16xf32>
        %max3A_885 = arith.maximumf %min3A_876, %min3A_878 : vector<16xf32>
        %min3A_886 = arith.minimumf %max3A_877, %max3A_879 : vector<16xf32>
        %max3A_887 = arith.maximumf %max3A_877, %max3A_879 : vector<16xf32>
        %min3A_888 = arith.minimumf %min3A_880, %min3A_882 : vector<16xf32>
        %max3A_889 = arith.maximumf %min3A_880, %min3A_882 : vector<16xf32>
        %min3A_890 = arith.minimumf %max3A_881, %max3A_883 : vector<16xf32>
        %max3A_891 = arith.maximumf %max3A_881, %max3A_883 : vector<16xf32>
        %mul3A_892 = arith.constant 16 : i32
        %mul3A_893 = arith.muli %scan3A_92, %mul3A_892 : i32
        %swap3A = arith.constant 0 : i32
        %swap3A_894 = arith.index_cast %swap3A : i32 to index
        %swap3A_895 = arith.index_cast %mul3A_893 : i32 to index
        %swap3A_896 = tpu.vector_load %arg9[%swap3A_894, %swap3A_895] {strides = array<i32>} : memref<8x128xf32, #tpu.memory_space<vmem>>, vector<1x16xf32>,
        %swap3A_897 = vector.shape_cast %swap3A_896 : vector<1x16xf32> to vector<16xf32>
        %swap3A_898 = vector.shape_cast %max3A_891 : vector<16xf32> to vector<1x16xf32>
        tpu.vector_store %arg9[%swap3A_894, %swap3A_895], %swap3A_898 {strides = array<i32>} : memref<8x128xf32, #tpu.memory_space<vmem>>, vector<1x16xf32>,
        %mul3A_899 = arith.constant 16 : i32
        %mul3A_900 = arith.muli %scan3A_92, %mul3A_899 : i32
        %swap3A_901 = arith.constant 1 : i32
        %swap3A_902 = arith.index_cast %swap3A_901 : i32 to index
        %swap3A_903 = arith.index_cast %mul3A_900 : i32 to index
        %swap3A_904 = tpu.vector_load %arg9[%swap3A_902, %swap3A_903] {strides = array<i32>} : memref<8x128xf32, #tpu.memory_space<vmem>>, vector<1x16xf32>,
        %swap3A_905 = vector.shape_cast %swap3A_904 : vector<1x16xf32> to vector<16xf32>
        %swap3A_906 = vector.shape_cast %min3A_890 : vector<16xf32> to vector<1x16xf32>
        tpu.vector_store %arg9[%swap3A_902, %swap3A_903], %swap3A_906 {strides = array<i32>} : memref<8x128xf32, #tpu.memory_space<vmem>>, vector<1x16xf32>,
        %mul3A_907 = arith.constant 16 : i32
        %mul3A_908 = arith.muli %scan3A_92, %mul3A_907 : i32
        %swap3A_909 = arith.constant 2 : i32
        %swap3A_910 = arith.index_cast %swap3A_909 : i32 to index
        %swap3A_911 = arith.index_cast %mul3A_908 : i32 to index
        %swap3A_912 = tpu.vector_load %arg9[%swap3A_910, %swap3A_911] {strides = array<i32>} : memref<8x128xf32, #tpu.memory_space<vmem>>, vector<1x16xf32>,
        %swap3A_913 = vector.shape_cast %swap3A_912 : vector<1x16xf32> to vector<16xf32>
        %swap3A_914 = vector.shape_cast %max3A_889 : vector<16xf32> to vector<1x16xf32>
        tpu.vector_store %arg9[%swap3A_910, %swap3A_911], %swap3A_914 {strides = array<i32>} : memref<8x128xf32, #tpu.memory_space<vmem>>, vector<1x16xf32>,
        %mul3A_915 = arith.constant 16 : i32
        %mul3A_916 = arith.muli %scan3A_92, %mul3A_915 : i32
        %swap3A_917 = arith.constant 3 : i32
        %swap3A_918 = arith.index_cast %swap3A_917 : i32 to index
        %swap3A_919 = arith.index_cast %mul3A_916 : i32 to index
        %swap3A_920 = tpu.vector_load %arg9[%swap3A_918, %swap3A_919] {strides = array<i32>} : memref<8x128xf32, #tpu.memory_space<vmem>>, vector<1x16xf32>,
        %swap3A_921 = vector.shape_cast %swap3A_920 : vector<1x16xf32> to vector<16xf32>
        %swap3A_922 = vector.shape_cast %min3A_888 : vector<16xf32> to vector<1x16xf32>
        tpu.vector_store %arg9[%swap3A_918, %swap3A_919], %swap3A_922 {strides = array<i32>} : memref<8x128xf32, #tpu.memory_space<vmem>>, vector<1x16xf32>,
        %mul3A_923 = arith.constant 16 : i32
        %mul3A_924 = arith.muli %scan3A_92, %mul3A_923 : i32
        %swap3A_925 = arith.constant 4 : i32
        %swap3A_926 = arith.index_cast %swap3A_925 : i32 to index
        %swap3A_927 = arith.index_cast %mul3A_924 : i32 to index
        %swap3A_928 = tpu.vector_load %arg9[%swap3A_926, %swap3A_927] {strides = array<i32>} : memref<8x128xf32, #tpu.memory_space<vmem>>, vector<1x16xf32>,
        %swap3A_929 = vector.shape_cast %swap3A_928 : vector<1x16xf32> to vector<16xf32>
        %swap3A_930 = vector.shape_cast %max3A_887 : vector<16xf32> to vector<1x16xf32>
        tpu.vector_store %arg9[%swap3A_926, %swap3A_927], %swap3A_930 {strides = array<i32>} : memref<8x128xf32, #tpu.memory_space<vmem>>, vector<1x16xf32>,
        %mul3A_931 = arith.constant 16 : i32
        %mul3A_932 = arith.muli %scan3A_92, %mul3A_931 : i32
        %swap3A_933 = arith.constant 5 : i32
        %swap3A_934 = arith.index_cast %swap3A_933 : i32 to index
        %swap3A_935 = arith.index_cast %mul3A_932 : i32 to index
        %swap3A_936 = tpu.vector_load %arg9[%swap3A_934, %swap3A_935] {strides = array<i32>} : memref<8x128xf32, #tpu.memory_space<vmem>>, vector<1x16xf32>,
        %swap3A_937 = vector.shape_cast %swap3A_936 : vector<1x16xf32> to vector<16xf32>
        %swap3A_938 = vector.shape_cast %min3A_886 : vector<16xf32> to vector<1x16xf32>
        tpu.vector_store %arg9[%swap3A_934, %swap3A_935], %swap3A_938 {strides = array<i32>} : memref<8x128xf32, #tpu.memory_space<vmem>>, vector<1x16xf32>,
        %mul3A_939 = arith.constant 16 : i32
        %mul3A_940 = arith.muli %scan3A_92, %mul3A_939 : i32
        %swap3A_941 = arith.constant 6 : i32
        %swap3A_942 = arith.index_cast %swap3A_941 : i32 to index
        %swap3A_943 = arith.index_cast %mul3A_940 : i32 to index
        %swap3A_944 = tpu.vector_load %arg9[%swap3A_942, %swap3A_943] {strides = array<i32>} : memref<8x128xf32, #tpu.memory_space<vmem>>, vector<1x16xf32>,
        %swap3A_945 = vector.shape_cast %swap3A_944 : vector<1x16xf32> to vector<16xf32>
        %swap3A_946 = vector.shape_cast %max3A_885 : vector<16xf32> to vector<1x16xf32>
        tpu.vector_store %arg9[%swap3A_942, %swap3A_943], %swap3A_946 {strides = array<i32>} : memref<8x128xf32, #tpu.memory_space<vmem>>, vector<1x16xf32>,
        %mul3A_947 = arith.constant 16 : i32
        %mul3A_948 = arith.muli %scan3A_92, %mul3A_947 : i32
        %swap3A_949 = arith.constant 7 : i32
        %swap3A_950 = arith.index_cast %swap3A_949 : i32 to index
        %swap3A_951 = arith.index_cast %mul3A_948 : i32 to index
        %swap3A_952 = tpu.vector_load %arg9[%swap3A_950, %swap3A_951] {strides = array<i32>} : memref<8x128xf32, #tpu.memory_space<vmem>>, vector<1x16xf32>,
        %swap3A_953 = vector.shape_cast %swap3A_952 : vector<1x16xf32> to vector<16xf32>
        %swap3A_954 = vector.shape_cast %min3A_884 : vector<16xf32> to vector<1x16xf32>
        tpu.vector_store %arg9[%swap3A_950, %swap3A_951], %swap3A_954 {strides = array<i32>} : memref<8x128xf32, #tpu.memory_space<vmem>>, vector<1x16xf32>,
        %scan3A_955 = arith.constant 0 : i32
        scf.yield %scan3A_955 : i32
      }
      %scan3A_90 = arith.constant 8 : i32
      "tpu.region"() ({
        %run_scoped3A = tpu.sem_alloc : memref<!tpu.dma_semaphore, #tpu.memory_space<semaphore_mem>>
        %dma_start3A = arith.constant 0 : i32
        %dma_start3A_92 = arith.constant 0 : i32
        %dma_start3A_93 = tpu.memref_slice %arg5[%add3A_84, %dma_start3A, %dma_start3A_92] : memref<20x8x128xf32, #tpu.memory_space<hbm>> -> memref<1x8x128xf32, #tpu.memory_space<hbm>>
        %dma_start3A_94 = tpu.memref_squeeze %dma_start3A_93 : memref<1x8x128xf32, #tpu.memory_space<hbm>> -> memref<8x128xf32, #tpu.memory_space<hbm>>
        %dma_start3A_95 = arith.constant 0 : i32
        %dma_start3A_96 = arith.constant 0 : i32
        %dma_start3A_97 = tpu.memref_slice %arg5[%add3A_84, %dma_start3A_95, %dma_start3A_96] : memref<20x8x128xf32, #tpu.memory_space<hbm>> -> memref<1x8x128xf32, #tpu.memory_space<hbm>>
        %dma_start3A_98 = tpu.memref_squeeze %dma_start3A_97 : memref<1x8x128xf32, #tpu.memory_space<hbm>> -> memref<8x128xf32, #tpu.memory_space<hbm>>
        tpu.enqueue_dma source(%arg9 : memref<8x128xf32, #tpu.memory_space<vmem>>) target(%dma_start3A_98 : memref<8x128xf32, #tpu.memory_space<hbm>>) target_semaphore(%run_scoped3A : memref<!tpu.dma_semaphore, #tpu.memory_space<semaphore_mem>>)
        %dma_wait3A = arith.constant 0 : i32
        %dma_wait3A_99 = arith.constant 0 : i32
        %dma_wait3A_100 = tpu.memref_slice %arg5[%add3A_84, %dma_wait3A, %dma_wait3A_99] : memref<20x8x128xf32, #tpu.memory_space<hbm>> -> memref<1x8x128xf32, #tpu.memory_space<hbm>>
        %dma_wait3A_101 = tpu.memref_squeeze %dma_wait3A_100 : memref<1x8x128xf32, #tpu.memory_space<hbm>> -> memref<8x128xf32, #tpu.memory_space<hbm>>
        %dma_wait3A_102 = arith.constant 0 : i32
        %dma_wait3A_103 = arith.constant 0 : i32
        %dma_wait3A_104 = tpu.memref_slice %arg5[%add3A_84, %dma_wait3A_102, %dma_wait3A_103] : memref<20x8x128xf32, #tpu.memory_space<hbm>> -> memref<1x8x128xf32, #tpu.memory_space<hbm>>
        %dma_wait3A_105 = tpu.memref_squeeze %dma_wait3A_104 : memref<1x8x128xf32, #tpu.memory_space<hbm>> -> memref<8x128xf32, #tpu.memory_space<hbm>>
        tpu.wait_dma2 semaphore(%run_scoped3A : memref<!tpu.dma_semaphore, #tpu.memory_space<semaphore_mem>>) src(%arg9 : memref<8x128xf32, #tpu.memory_space<vmem>>) dst(%dma_wait3A_105 : memref<8x128xf32, #tpu.memory_space<hbm>>)
        tpu.yield
      }) : () -> ()
      %while3A_91 = arith.constant 0 : i32
      scf.yield %while3A_91 : i32
    }
    return
  }
}

module attributes {stable_mosaic.version = 14 : i64} {
  func.func @_tc_block(%arg0: i32, %arg1: memref<1x4096x128xf32, #tpu.memory_space<vmem>>, %arg2: memref<1x8x128xf32, #tpu.memory_space<vmem>>) attributes {dimension_semantics = [#tpu.dimension_semantics<arbitrary>], iteration_bounds = array<i64: 28>, scalar_prefetch = 0 : i64, scratch_operands = 0 : i64, tpu.core_type = #tpu.core_type<tc>, window_params = [{transform_indices = @transform_0, window_bounds = array<i64: 1, 4096, 128>}, {transform_indices = @transform_1, window_bounds = array<i64: 1, 8, 128>}]} {
    %get3A = arith.constant 0 : index
    %get3A_0 = arith.constant 0 : index
    %get3A_1 = arith.constant 0 : index
    %get3A_2 = vector.load %arg1[%get3A, %get3A_0, %get3A_1] : memref<1x4096x128xf32, #tpu.memory_space<vmem>>, vector<1x4096x128xf32>
    %get3A_3 = vector.shape_cast %get3A_2 : vector<1x4096x128xf32> to vector<4096x128xf32>
    %slice3A = vector.extract_strided_slice %get3A_3 {offsets = [0, 0], sizes = [512, 128], strides = [1, 1]} : vector<4096x128xf32> to vector<512x128xf32>
    %slice3A_4 = vector.extract_strided_slice %get3A_3 {offsets = [512, 0], sizes = [512, 128], strides = [1, 1]} : vector<4096x128xf32> to vector<512x128xf32>
    %slice3A_5 = vector.extract_strided_slice %get3A_3 {offsets = [1024, 0], sizes = [512, 128], strides = [1, 1]} : vector<4096x128xf32> to vector<512x128xf32>
    %slice3A_6 = vector.extract_strided_slice %get3A_3 {offsets = [1536, 0], sizes = [512, 128], strides = [1, 1]} : vector<4096x128xf32> to vector<512x128xf32>
    %slice3A_7 = vector.extract_strided_slice %get3A_3 {offsets = [2048, 0], sizes = [512, 128], strides = [1, 1]} : vector<4096x128xf32> to vector<512x128xf32>
    %slice3A_8 = vector.extract_strided_slice %get3A_3 {offsets = [2560, 0], sizes = [512, 128], strides = [1, 1]} : vector<4096x128xf32> to vector<512x128xf32>
    %slice3A_9 = vector.extract_strided_slice %get3A_3 {offsets = [3072, 0], sizes = [512, 128], strides = [1, 1]} : vector<4096x128xf32> to vector<512x128xf32>
    %slice3A_10 = vector.extract_strided_slice %get3A_3 {offsets = [3584, 0], sizes = [512, 128], strides = [1, 1]} : vector<4096x128xf32> to vector<512x128xf32>
    %min3A = arith.minimumf %slice3A, %slice3A_5 : vector<512x128xf32>
    %max3A = arith.maximumf %slice3A, %slice3A_5 : vector<512x128xf32>
    %min3A_11 = arith.minimumf %slice3A_4, %slice3A_6 : vector<512x128xf32>
    %max3A_12 = arith.maximumf %slice3A_4, %slice3A_6 : vector<512x128xf32>
    %min3A_13 = arith.minimumf %slice3A_7, %slice3A_9 : vector<512x128xf32>
    %max3A_14 = arith.maximumf %slice3A_7, %slice3A_9 : vector<512x128xf32>
    %min3A_15 = arith.minimumf %slice3A_8, %slice3A_10 : vector<512x128xf32>
    %max3A_16 = arith.maximumf %slice3A_8, %slice3A_10 : vector<512x128xf32>
    %min3A_17 = arith.minimumf %min3A, %min3A_13 : vector<512x128xf32>
    %max3A_18 = arith.maximumf %min3A, %min3A_13 : vector<512x128xf32>
    %min3A_19 = arith.minimumf %min3A_11, %min3A_15 : vector<512x128xf32>
    %max3A_20 = arith.maximumf %min3A_11, %min3A_15 : vector<512x128xf32>
    %min3A_21 = arith.minimumf %max3A, %max3A_14 : vector<512x128xf32>
    %max3A_22 = arith.maximumf %max3A, %max3A_14 : vector<512x128xf32>
    %min3A_23 = arith.minimumf %max3A_12, %max3A_16 : vector<512x128xf32>
    %max3A_24 = arith.maximumf %max3A_12, %max3A_16 : vector<512x128xf32>
    %min3A_25 = arith.minimumf %min3A_17, %min3A_19 : vector<512x128xf32>
    %max3A_26 = arith.maximumf %min3A_17, %min3A_19 : vector<512x128xf32>
    %min3A_27 = arith.minimumf %min3A_21, %min3A_23 : vector<512x128xf32>
    %max3A_28 = arith.maximumf %min3A_21, %min3A_23 : vector<512x128xf32>
    %min3A_29 = arith.minimumf %max3A_18, %max3A_20 : vector<512x128xf32>
    %max3A_30 = arith.maximumf %max3A_18, %max3A_20 : vector<512x128xf32>
    %min3A_31 = arith.minimumf %max3A_22, %max3A_24 : vector<512x128xf32>
    %max3A_32 = arith.maximumf %max3A_22, %max3A_24 : vector<512x128xf32>
    %min3A_33 = arith.minimumf %min3A_27, %min3A_29 : vector<512x128xf32>
    %max3A_34 = arith.maximumf %min3A_27, %min3A_29 : vector<512x128xf32>
    %min3A_35 = arith.minimumf %max3A_28, %max3A_30 : vector<512x128xf32>
    %max3A_36 = arith.maximumf %max3A_28, %max3A_30 : vector<512x128xf32>
    %min3A_37 = arith.minimumf %max3A_26, %max3A_34 : vector<512x128xf32>
    %max3A_38 = arith.maximumf %max3A_26, %max3A_34 : vector<512x128xf32>
    %min3A_39 = arith.minimumf %min3A_35, %min3A_31 : vector<512x128xf32>
    %max3A_40 = arith.maximumf %min3A_35, %min3A_31 : vector<512x128xf32>
    %min3A_41 = arith.minimumf %min3A_37, %min3A_33 : vector<512x128xf32>
    %max3A_42 = arith.maximumf %min3A_37, %min3A_33 : vector<512x128xf32>
    %min3A_43 = arith.minimumf %min3A_39, %max3A_38 : vector<512x128xf32>
    %max3A_44 = arith.maximumf %min3A_39, %max3A_38 : vector<512x128xf32>
    %min3A_45 = arith.minimumf %max3A_36, %max3A_40 : vector<512x128xf32>
    %max3A_46 = arith.maximumf %max3A_36, %max3A_40 : vector<512x128xf32>
    %slice3A_47 = vector.extract_strided_slice %min3A_25 {offsets = [0, 0], sizes = [256, 128], strides = [1, 1]} : vector<512x128xf32> to vector<256x128xf32>
    %slice3A_48 = vector.extract_strided_slice %min3A_41 {offsets = [0, 0], sizes = [256, 128], strides = [1, 1]} : vector<512x128xf32> to vector<256x128xf32>
    %slice3A_49 = vector.extract_strided_slice %max3A_42 {offsets = [0, 0], sizes = [256, 128], strides = [1, 1]} : vector<512x128xf32> to vector<256x128xf32>
    %slice3A_50 = vector.extract_strided_slice %min3A_43 {offsets = [0, 0], sizes = [256, 128], strides = [1, 1]} : vector<512x128xf32> to vector<256x128xf32>
    %slice3A_51 = vector.extract_strided_slice %max3A_44 {offsets = [0, 0], sizes = [256, 128], strides = [1, 1]} : vector<512x128xf32> to vector<256x128xf32>
    %slice3A_52 = vector.extract_strided_slice %min3A_45 {offsets = [0, 0], sizes = [256, 128], strides = [1, 1]} : vector<512x128xf32> to vector<256x128xf32>
    %slice3A_53 = vector.extract_strided_slice %max3A_46 {offsets = [0, 0], sizes = [256, 128], strides = [1, 1]} : vector<512x128xf32> to vector<256x128xf32>
    %slice3A_54 = vector.extract_strided_slice %max3A_32 {offsets = [0, 0], sizes = [256, 128], strides = [1, 1]} : vector<512x128xf32> to vector<256x128xf32>
    %slice3A_55 = vector.extract_strided_slice %min3A_25 {offsets = [256, 0], sizes = [256, 128], strides = [1, 1]} : vector<512x128xf32> to vector<256x128xf32>
    %slice3A_56 = vector.extract_strided_slice %min3A_41 {offsets = [256, 0], sizes = [256, 128], strides = [1, 1]} : vector<512x128xf32> to vector<256x128xf32>
    %slice3A_57 = vector.extract_strided_slice %max3A_42 {offsets = [256, 0], sizes = [256, 128], strides = [1, 1]} : vector<512x128xf32> to vector<256x128xf32>
    %slice3A_58 = vector.extract_strided_slice %min3A_43 {offsets = [256, 0], sizes = [256, 128], strides = [1, 1]} : vector<512x128xf32> to vector<256x128xf32>
    %slice3A_59 = vector.extract_strided_slice %max3A_44 {offsets = [256, 0], sizes = [256, 128], strides = [1, 1]} : vector<512x128xf32> to vector<256x128xf32>
    %slice3A_60 = vector.extract_strided_slice %min3A_45 {offsets = [256, 0], sizes = [256, 128], strides = [1, 1]} : vector<512x128xf32> to vector<256x128xf32>
    %slice3A_61 = vector.extract_strided_slice %max3A_46 {offsets = [256, 0], sizes = [256, 128], strides = [1, 1]} : vector<512x128xf32> to vector<256x128xf32>
    %slice3A_62 = vector.extract_strided_slice %max3A_32 {offsets = [256, 0], sizes = [256, 128], strides = [1, 1]} : vector<512x128xf32> to vector<256x128xf32>
    %max3A_63 = arith.maximumf %slice3A_47, %slice3A_62 : vector<256x128xf32>
    %max3A_64 = arith.maximumf %slice3A_48, %slice3A_61 : vector<256x128xf32>
    %max3A_65 = arith.maximumf %slice3A_49, %slice3A_60 : vector<256x128xf32>
    %max3A_66 = arith.maximumf %slice3A_50, %slice3A_59 : vector<256x128xf32>
    %max3A_67 = arith.maximumf %slice3A_51, %slice3A_58 : vector<256x128xf32>
    %max3A_68 = arith.maximumf %slice3A_52, %slice3A_57 : vector<256x128xf32>
    %max3A_69 = arith.maximumf %slice3A_53, %slice3A_56 : vector<256x128xf32>
    %max3A_70 = arith.maximumf %slice3A_54, %slice3A_55 : vector<256x128xf32>
    %min3A_71 = arith.minimumf %max3A_63, %max3A_67 : vector<256x128xf32>
    %max3A_72 = arith.maximumf %max3A_63, %max3A_67 : vector<256x128xf32>
    %min3A_73 = arith.minimumf %max3A_64, %max3A_68 : vector<256x128xf32>
    %max3A_74 = arith.maximumf %max3A_64, %max3A_68 : vector<256x128xf32>
    %min3A_75 = arith.minimumf %max3A_65, %max3A_69 : vector<256x128xf32>
    %max3A_76 = arith.maximumf %max3A_65, %max3A_69 : vector<256x128xf32>
    %min3A_77 = arith.minimumf %max3A_66, %max3A_70 : vector<256x128xf32>
    %max3A_78 = arith.maximumf %max3A_66, %max3A_70 : vector<256x128xf32>
    %min3A_79 = arith.minimumf %min3A_71, %min3A_75 : vector<256x128xf32>
    %max3A_80 = arith.maximumf %min3A_71, %min3A_75 : vector<256x128xf32>
    %min3A_81 = arith.minimumf %min3A_73, %min3A_77 : vector<256x128xf32>
    %max3A_82 = arith.maximumf %min3A_73, %min3A_77 : vector<256x128xf32>
    %min3A_83 = arith.minimumf %max3A_72, %max3A_76 : vector<256x128xf32>
    %max3A_84 = arith.maximumf %max3A_72, %max3A_76 : vector<256x128xf32>
    %min3A_85 = arith.minimumf %max3A_74, %max3A_78 : vector<256x128xf32>
    %max3A_86 = arith.maximumf %max3A_74, %max3A_78 : vector<256x128xf32>
    %min3A_87 = arith.minimumf %min3A_79, %min3A_81 : vector<256x128xf32>
    %max3A_88 = arith.maximumf %min3A_79, %min3A_81 : vector<256x128xf32>
    %min3A_89 = arith.minimumf %max3A_80, %max3A_82 : vector<256x128xf32>
    %max3A_90 = arith.maximumf %max3A_80, %max3A_82 : vector<256x128xf32>
    %min3A_91 = arith.minimumf %min3A_83, %min3A_85 : vector<256x128xf32>
    %max3A_92 = arith.maximumf %min3A_83, %min3A_85 : vector<256x128xf32>
    %min3A_93 = arith.minimumf %max3A_84, %max3A_86 : vector<256x128xf32>
    %max3A_94 = arith.maximumf %max3A_84, %max3A_86 : vector<256x128xf32>
    %slice3A_95 = vector.extract_strided_slice %min3A_87 {offsets = [0, 0], sizes = [128, 128], strides = [1, 1]} : vector<256x128xf32> to vector<128x128xf32>
    %slice3A_96 = vector.extract_strided_slice %max3A_88 {offsets = [0, 0], sizes = [128, 128], strides = [1, 1]} : vector<256x128xf32> to vector<128x128xf32>
    %slice3A_97 = vector.extract_strided_slice %min3A_89 {offsets = [0, 0], sizes = [128, 128], strides = [1, 1]} : vector<256x128xf32> to vector<128x128xf32>
    %slice3A_98 = vector.extract_strided_slice %max3A_90 {offsets = [0, 0], sizes = [128, 128], strides = [1, 1]} : vector<256x128xf32> to vector<128x128xf32>
    %slice3A_99 = vector.extract_strided_slice %min3A_91 {offsets = [0, 0], sizes = [128, 128], strides = [1, 1]} : vector<256x128xf32> to vector<128x128xf32>
    %slice3A_100 = vector.extract_strided_slice %max3A_92 {offsets = [0, 0], sizes = [128, 128], strides = [1, 1]} : vector<256x128xf32> to vector<128x128xf32>
    %slice3A_101 = vector.extract_strided_slice %min3A_93 {offsets = [0, 0], sizes = [128, 128], strides = [1, 1]} : vector<256x128xf32> to vector<128x128xf32>
    %slice3A_102 = vector.extract_strided_slice %max3A_94 {offsets = [0, 0], sizes = [128, 128], strides = [1, 1]} : vector<256x128xf32> to vector<128x128xf32>
    %slice3A_103 = vector.extract_strided_slice %min3A_87 {offsets = [128, 0], sizes = [128, 128], strides = [1, 1]} : vector<256x128xf32> to vector<128x128xf32>
    %slice3A_104 = vector.extract_strided_slice %max3A_88 {offsets = [128, 0], sizes = [128, 128], strides = [1, 1]} : vector<256x128xf32> to vector<128x128xf32>
    %slice3A_105 = vector.extract_strided_slice %min3A_89 {offsets = [128, 0], sizes = [128, 128], strides = [1, 1]} : vector<256x128xf32> to vector<128x128xf32>
    %slice3A_106 = vector.extract_strided_slice %max3A_90 {offsets = [128, 0], sizes = [128, 128], strides = [1, 1]} : vector<256x128xf32> to vector<128x128xf32>
    %slice3A_107 = vector.extract_strided_slice %min3A_91 {offsets = [128, 0], sizes = [128, 128], strides = [1, 1]} : vector<256x128xf32> to vector<128x128xf32>
    %slice3A_108 = vector.extract_strided_slice %max3A_92 {offsets = [128, 0], sizes = [128, 128], strides = [1, 1]} : vector<256x128xf32> to vector<128x128xf32>
    %slice3A_109 = vector.extract_strided_slice %min3A_93 {offsets = [128, 0], sizes = [128, 128], strides = [1, 1]} : vector<256x128xf32> to vector<128x128xf32>
    %slice3A_110 = vector.extract_strided_slice %max3A_94 {offsets = [128, 0], sizes = [128, 128], strides = [1, 1]} : vector<256x128xf32> to vector<128x128xf32>
    %max3A_111 = arith.maximumf %slice3A_95, %slice3A_110 : vector<128x128xf32>
    %max3A_112 = arith.maximumf %slice3A_96, %slice3A_109 : vector<128x128xf32>
    %max3A_113 = arith.maximumf %slice3A_97, %slice3A_108 : vector<128x128xf32>
    %max3A_114 = arith.maximumf %slice3A_98, %slice3A_107 : vector<128x128xf32>
    %max3A_115 = arith.maximumf %slice3A_99, %slice3A_106 : vector<128x128xf32>
    %max3A_116 = arith.maximumf %slice3A_100, %slice3A_105 : vector<128x128xf32>
    %max3A_117 = arith.maximumf %slice3A_101, %slice3A_104 : vector<128x128xf32>
    %max3A_118 = arith.maximumf %slice3A_102, %slice3A_103 : vector<128x128xf32>
    %min3A_119 = arith.minimumf %max3A_111, %max3A_115 : vector<128x128xf32>
    %max3A_120 = arith.maximumf %max3A_111, %max3A_115 : vector<128x128xf32>
    %min3A_121 = arith.minimumf %max3A_112, %max3A_116 : vector<128x128xf32>
    %max3A_122 = arith.maximumf %max3A_112, %max3A_116 : vector<128x128xf32>
    %min3A_123 = arith.minimumf %max3A_113, %max3A_117 : vector<128x128xf32>
    %max3A_124 = arith.maximumf %max3A_113, %max3A_117 : vector<128x128xf32>
    %min3A_125 = arith.minimumf %max3A_114, %max3A_118 : vector<128x128xf32>
    %max3A_126 = arith.maximumf %max3A_114, %max3A_118 : vector<128x128xf32>
    %min3A_127 = arith.minimumf %min3A_119, %min3A_123 : vector<128x128xf32>
    %max3A_128 = arith.maximumf %min3A_119, %min3A_123 : vector<128x128xf32>
    %min3A_129 = arith.minimumf %min3A_121, %min3A_125 : vector<128x128xf32>
    %max3A_130 = arith.maximumf %min3A_121, %min3A_125 : vector<128x128xf32>
    %min3A_131 = arith.minimumf %max3A_120, %max3A_124 : vector<128x128xf32>
    %max3A_132 = arith.maximumf %max3A_120, %max3A_124 : vector<128x128xf32>
    %min3A_133 = arith.minimumf %max3A_122, %max3A_126 : vector<128x128xf32>
    %max3A_134 = arith.maximumf %max3A_122, %max3A_126 : vector<128x128xf32>
    %min3A_135 = arith.minimumf %min3A_127, %min3A_129 : vector<128x128xf32>
    %max3A_136 = arith.maximumf %min3A_127, %min3A_129 : vector<128x128xf32>
    %min3A_137 = arith.minimumf %max3A_128, %max3A_130 : vector<128x128xf32>
    %max3A_138 = arith.maximumf %max3A_128, %max3A_130 : vector<128x128xf32>
    %min3A_139 = arith.minimumf %min3A_131, %min3A_133 : vector<128x128xf32>
    %max3A_140 = arith.maximumf %min3A_131, %min3A_133 : vector<128x128xf32>
    %min3A_141 = arith.minimumf %max3A_132, %max3A_134 : vector<128x128xf32>
    %max3A_142 = arith.maximumf %max3A_132, %max3A_134 : vector<128x128xf32>
    %slice3A_143 = vector.extract_strided_slice %min3A_135 {offsets = [0, 0], sizes = [64, 128], strides = [1, 1]} : vector<128x128xf32> to vector<64x128xf32>
    %slice3A_144 = vector.extract_strided_slice %max3A_136 {offsets = [0, 0], sizes = [64, 128], strides = [1, 1]} : vector<128x128xf32> to vector<64x128xf32>
    %slice3A_145 = vector.extract_strided_slice %min3A_137 {offsets = [0, 0], sizes = [64, 128], strides = [1, 1]} : vector<128x128xf32> to vector<64x128xf32>
    %slice3A_146 = vector.extract_strided_slice %max3A_138 {offsets = [0, 0], sizes = [64, 128], strides = [1, 1]} : vector<128x128xf32> to vector<64x128xf32>
    %slice3A_147 = vector.extract_strided_slice %min3A_139 {offsets = [0, 0], sizes = [64, 128], strides = [1, 1]} : vector<128x128xf32> to vector<64x128xf32>
    %slice3A_148 = vector.extract_strided_slice %max3A_140 {offsets = [0, 0], sizes = [64, 128], strides = [1, 1]} : vector<128x128xf32> to vector<64x128xf32>
    %slice3A_149 = vector.extract_strided_slice %min3A_141 {offsets = [0, 0], sizes = [64, 128], strides = [1, 1]} : vector<128x128xf32> to vector<64x128xf32>
    %slice3A_150 = vector.extract_strided_slice %max3A_142 {offsets = [0, 0], sizes = [64, 128], strides = [1, 1]} : vector<128x128xf32> to vector<64x128xf32>
    %slice3A_151 = vector.extract_strided_slice %min3A_135 {offsets = [64, 0], sizes = [64, 128], strides = [1, 1]} : vector<128x128xf32> to vector<64x128xf32>
    %slice3A_152 = vector.extract_strided_slice %max3A_136 {offsets = [64, 0], sizes = [64, 128], strides = [1, 1]} : vector<128x128xf32> to vector<64x128xf32>
    %slice3A_153 = vector.extract_strided_slice %min3A_137 {offsets = [64, 0], sizes = [64, 128], strides = [1, 1]} : vector<128x128xf32> to vector<64x128xf32>
    %slice3A_154 = vector.extract_strided_slice %max3A_138 {offsets = [64, 0], sizes = [64, 128], strides = [1, 1]} : vector<128x128xf32> to vector<64x128xf32>
    %slice3A_155 = vector.extract_strided_slice %min3A_139 {offsets = [64, 0], sizes = [64, 128], strides = [1, 1]} : vector<128x128xf32> to vector<64x128xf32>
    %slice3A_156 = vector.extract_strided_slice %max3A_140 {offsets = [64, 0], sizes = [64, 128], strides = [1, 1]} : vector<128x128xf32> to vector<64x128xf32>
    %slice3A_157 = vector.extract_strided_slice %min3A_141 {offsets = [64, 0], sizes = [64, 128], strides = [1, 1]} : vector<128x128xf32> to vector<64x128xf32>
    %slice3A_158 = vector.extract_strided_slice %max3A_142 {offsets = [64, 0], sizes = [64, 128], strides = [1, 1]} : vector<128x128xf32> to vector<64x128xf32>
    %max3A_159 = arith.maximumf %slice3A_143, %slice3A_158 : vector<64x128xf32>
    %max3A_160 = arith.maximumf %slice3A_144, %slice3A_157 : vector<64x128xf32>
    %max3A_161 = arith.maximumf %slice3A_145, %slice3A_156 : vector<64x128xf32>
    %max3A_162 = arith.maximumf %slice3A_146, %slice3A_155 : vector<64x128xf32>
    %max3A_163 = arith.maximumf %slice3A_147, %slice3A_154 : vector<64x128xf32>
    %max3A_164 = arith.maximumf %slice3A_148, %slice3A_153 : vector<64x128xf32>
    %max3A_165 = arith.maximumf %slice3A_149, %slice3A_152 : vector<64x128xf32>
    %max3A_166 = arith.maximumf %slice3A_150, %slice3A_151 : vector<64x128xf32>
    %min3A_167 = arith.minimumf %max3A_159, %max3A_163 : vector<64x128xf32>
    %max3A_168 = arith.maximumf %max3A_159, %max3A_163 : vector<64x128xf32>
    %min3A_169 = arith.minimumf %max3A_160, %max3A_164 : vector<64x128xf32>
    %max3A_170 = arith.maximumf %max3A_160, %max3A_164 : vector<64x128xf32>
    %min3A_171 = arith.minimumf %max3A_161, %max3A_165 : vector<64x128xf32>
    %max3A_172 = arith.maximumf %max3A_161, %max3A_165 : vector<64x128xf32>
    %min3A_173 = arith.minimumf %max3A_162, %max3A_166 : vector<64x128xf32>
    %max3A_174 = arith.maximumf %max3A_162, %max3A_166 : vector<64x128xf32>
    %min3A_175 = arith.minimumf %min3A_167, %min3A_171 : vector<64x128xf32>
    %max3A_176 = arith.maximumf %min3A_167, %min3A_171 : vector<64x128xf32>
    %min3A_177 = arith.minimumf %min3A_169, %min3A_173 : vector<64x128xf32>
    %max3A_178 = arith.maximumf %min3A_169, %min3A_173 : vector<64x128xf32>
    %min3A_179 = arith.minimumf %max3A_168, %max3A_172 : vector<64x128xf32>
    %max3A_180 = arith.maximumf %max3A_168, %max3A_172 : vector<64x128xf32>
    %min3A_181 = arith.minimumf %max3A_170, %max3A_174 : vector<64x128xf32>
    %max3A_182 = arith.maximumf %max3A_170, %max3A_174 : vector<64x128xf32>
    %min3A_183 = arith.minimumf %min3A_175, %min3A_177 : vector<64x128xf32>
    %max3A_184 = arith.maximumf %min3A_175, %min3A_177 : vector<64x128xf32>
    %min3A_185 = arith.minimumf %max3A_176, %max3A_178 : vector<64x128xf32>
    %max3A_186 = arith.maximumf %max3A_176, %max3A_178 : vector<64x128xf32>
    %min3A_187 = arith.minimumf %min3A_179, %min3A_181 : vector<64x128xf32>
    %max3A_188 = arith.maximumf %min3A_179, %min3A_181 : vector<64x128xf32>
    %min3A_189 = arith.minimumf %max3A_180, %max3A_182 : vector<64x128xf32>
    %max3A_190 = arith.maximumf %max3A_180, %max3A_182 : vector<64x128xf32>
    %slice3A_191 = vector.extract_strided_slice %min3A_183 {offsets = [0, 0], sizes = [32, 128], strides = [1, 1]} : vector<64x128xf32> to vector<32x128xf32>
    %slice3A_192 = vector.extract_strided_slice %max3A_184 {offsets = [0, 0], sizes = [32, 128], strides = [1, 1]} : vector<64x128xf32> to vector<32x128xf32>
    %slice3A_193 = vector.extract_strided_slice %min3A_185 {offsets = [0, 0], sizes = [32, 128], strides = [1, 1]} : vector<64x128xf32> to vector<32x128xf32>
    %slice3A_194 = vector.extract_strided_slice %max3A_186 {offsets = [0, 0], sizes = [32, 128], strides = [1, 1]} : vector<64x128xf32> to vector<32x128xf32>
    %slice3A_195 = vector.extract_strided_slice %min3A_187 {offsets = [0, 0], sizes = [32, 128], strides = [1, 1]} : vector<64x128xf32> to vector<32x128xf32>
    %slice3A_196 = vector.extract_strided_slice %max3A_188 {offsets = [0, 0], sizes = [32, 128], strides = [1, 1]} : vector<64x128xf32> to vector<32x128xf32>
    %slice3A_197 = vector.extract_strided_slice %min3A_189 {offsets = [0, 0], sizes = [32, 128], strides = [1, 1]} : vector<64x128xf32> to vector<32x128xf32>
    %slice3A_198 = vector.extract_strided_slice %max3A_190 {offsets = [0, 0], sizes = [32, 128], strides = [1, 1]} : vector<64x128xf32> to vector<32x128xf32>
    %slice3A_199 = vector.extract_strided_slice %min3A_183 {offsets = [32, 0], sizes = [32, 128], strides = [1, 1]} : vector<64x128xf32> to vector<32x128xf32>
    %slice3A_200 = vector.extract_strided_slice %max3A_184 {offsets = [32, 0], sizes = [32, 128], strides = [1, 1]} : vector<64x128xf32> to vector<32x128xf32>
    %slice3A_201 = vector.extract_strided_slice %min3A_185 {offsets = [32, 0], sizes = [32, 128], strides = [1, 1]} : vector<64x128xf32> to vector<32x128xf32>
    %slice3A_202 = vector.extract_strided_slice %max3A_186 {offsets = [32, 0], sizes = [32, 128], strides = [1, 1]} : vector<64x128xf32> to vector<32x128xf32>
    %slice3A_203 = vector.extract_strided_slice %min3A_187 {offsets = [32, 0], sizes = [32, 128], strides = [1, 1]} : vector<64x128xf32> to vector<32x128xf32>
    %slice3A_204 = vector.extract_strided_slice %max3A_188 {offsets = [32, 0], sizes = [32, 128], strides = [1, 1]} : vector<64x128xf32> to vector<32x128xf32>
    %slice3A_205 = vector.extract_strided_slice %min3A_189 {offsets = [32, 0], sizes = [32, 128], strides = [1, 1]} : vector<64x128xf32> to vector<32x128xf32>
    %slice3A_206 = vector.extract_strided_slice %max3A_190 {offsets = [32, 0], sizes = [32, 128], strides = [1, 1]} : vector<64x128xf32> to vector<32x128xf32>
    %max3A_207 = arith.maximumf %slice3A_191, %slice3A_206 : vector<32x128xf32>
    %max3A_208 = arith.maximumf %slice3A_192, %slice3A_205 : vector<32x128xf32>
    %max3A_209 = arith.maximumf %slice3A_193, %slice3A_204 : vector<32x128xf32>
    %max3A_210 = arith.maximumf %slice3A_194, %slice3A_203 : vector<32x128xf32>
    %max3A_211 = arith.maximumf %slice3A_195, %slice3A_202 : vector<32x128xf32>
    %max3A_212 = arith.maximumf %slice3A_196, %slice3A_201 : vector<32x128xf32>
    %max3A_213 = arith.maximumf %slice3A_197, %slice3A_200 : vector<32x128xf32>
    %max3A_214 = arith.maximumf %slice3A_198, %slice3A_199 : vector<32x128xf32>
    %min3A_215 = arith.minimumf %max3A_207, %max3A_211 : vector<32x128xf32>
    %max3A_216 = arith.maximumf %max3A_207, %max3A_211 : vector<32x128xf32>
    %min3A_217 = arith.minimumf %max3A_208, %max3A_212 : vector<32x128xf32>
    %max3A_218 = arith.maximumf %max3A_208, %max3A_212 : vector<32x128xf32>
    %min3A_219 = arith.minimumf %max3A_209, %max3A_213 : vector<32x128xf32>
    %max3A_220 = arith.maximumf %max3A_209, %max3A_213 : vector<32x128xf32>
    %min3A_221 = arith.minimumf %max3A_210, %max3A_214 : vector<32x128xf32>
    %max3A_222 = arith.maximumf %max3A_210, %max3A_214 : vector<32x128xf32>
    %min3A_223 = arith.minimumf %min3A_215, %min3A_219 : vector<32x128xf32>
    %max3A_224 = arith.maximumf %min3A_215, %min3A_219 : vector<32x128xf32>
    %min3A_225 = arith.minimumf %min3A_217, %min3A_221 : vector<32x128xf32>
    %max3A_226 = arith.maximumf %min3A_217, %min3A_221 : vector<32x128xf32>
    %min3A_227 = arith.minimumf %max3A_216, %max3A_220 : vector<32x128xf32>
    %max3A_228 = arith.maximumf %max3A_216, %max3A_220 : vector<32x128xf32>
    %min3A_229 = arith.minimumf %max3A_218, %max3A_222 : vector<32x128xf32>
    %max3A_230 = arith.maximumf %max3A_218, %max3A_222 : vector<32x128xf32>
    %min3A_231 = arith.minimumf %min3A_223, %min3A_225 : vector<32x128xf32>
    %max3A_232 = arith.maximumf %min3A_223, %min3A_225 : vector<32x128xf32>
    %min3A_233 = arith.minimumf %max3A_224, %max3A_226 : vector<32x128xf32>
    %max3A_234 = arith.maximumf %max3A_224, %max3A_226 : vector<32x128xf32>
    %min3A_235 = arith.minimumf %min3A_227, %min3A_229 : vector<32x128xf32>
    %max3A_236 = arith.maximumf %min3A_227, %min3A_229 : vector<32x128xf32>
    %min3A_237 = arith.minimumf %max3A_228, %max3A_230 : vector<32x128xf32>
    %max3A_238 = arith.maximumf %max3A_228, %max3A_230 : vector<32x128xf32>
    %slice3A_239 = vector.extract_strided_slice %min3A_231 {offsets = [0, 0], sizes = [16, 128], strides = [1, 1]} : vector<32x128xf32> to vector<16x128xf32>
    %slice3A_240 = vector.extract_strided_slice %max3A_232 {offsets = [0, 0], sizes = [16, 128], strides = [1, 1]} : vector<32x128xf32> to vector<16x128xf32>
    %slice3A_241 = vector.extract_strided_slice %min3A_233 {offsets = [0, 0], sizes = [16, 128], strides = [1, 1]} : vector<32x128xf32> to vector<16x128xf32>
    %slice3A_242 = vector.extract_strided_slice %max3A_234 {offsets = [0, 0], sizes = [16, 128], strides = [1, 1]} : vector<32x128xf32> to vector<16x128xf32>
    %slice3A_243 = vector.extract_strided_slice %min3A_235 {offsets = [0, 0], sizes = [16, 128], strides = [1, 1]} : vector<32x128xf32> to vector<16x128xf32>
    %slice3A_244 = vector.extract_strided_slice %max3A_236 {offsets = [0, 0], sizes = [16, 128], strides = [1, 1]} : vector<32x128xf32> to vector<16x128xf32>
    %slice3A_245 = vector.extract_strided_slice %min3A_237 {offsets = [0, 0], sizes = [16, 128], strides = [1, 1]} : vector<32x128xf32> to vector<16x128xf32>
    %slice3A_246 = vector.extract_strided_slice %max3A_238 {offsets = [0, 0], sizes = [16, 128], strides = [1, 1]} : vector<32x128xf32> to vector<16x128xf32>
    %slice3A_247 = vector.extract_strided_slice %min3A_231 {offsets = [16, 0], sizes = [16, 128], strides = [1, 1]} : vector<32x128xf32> to vector<16x128xf32>
    %slice3A_248 = vector.extract_strided_slice %max3A_232 {offsets = [16, 0], sizes = [16, 128], strides = [1, 1]} : vector<32x128xf32> to vector<16x128xf32>
    %slice3A_249 = vector.extract_strided_slice %min3A_233 {offsets = [16, 0], sizes = [16, 128], strides = [1, 1]} : vector<32x128xf32> to vector<16x128xf32>
    %slice3A_250 = vector.extract_strided_slice %max3A_234 {offsets = [16, 0], sizes = [16, 128], strides = [1, 1]} : vector<32x128xf32> to vector<16x128xf32>
    %slice3A_251 = vector.extract_strided_slice %min3A_235 {offsets = [16, 0], sizes = [16, 128], strides = [1, 1]} : vector<32x128xf32> to vector<16x128xf32>
    %slice3A_252 = vector.extract_strided_slice %max3A_236 {offsets = [16, 0], sizes = [16, 128], strides = [1, 1]} : vector<32x128xf32> to vector<16x128xf32>
    %slice3A_253 = vector.extract_strided_slice %min3A_237 {offsets = [16, 0], sizes = [16, 128], strides = [1, 1]} : vector<32x128xf32> to vector<16x128xf32>
    %slice3A_254 = vector.extract_strided_slice %max3A_238 {offsets = [16, 0], sizes = [16, 128], strides = [1, 1]} : vector<32x128xf32> to vector<16x128xf32>
    %max3A_255 = arith.maximumf %slice3A_239, %slice3A_254 : vector<16x128xf32>
    %max3A_256 = arith.maximumf %slice3A_240, %slice3A_253 : vector<16x128xf32>
    %max3A_257 = arith.maximumf %slice3A_241, %slice3A_252 : vector<16x128xf32>
    %max3A_258 = arith.maximumf %slice3A_242, %slice3A_251 : vector<16x128xf32>
    %max3A_259 = arith.maximumf %slice3A_243, %slice3A_250 : vector<16x128xf32>
    %max3A_260 = arith.maximumf %slice3A_244, %slice3A_249 : vector<16x128xf32>
    %max3A_261 = arith.maximumf %slice3A_245, %slice3A_248 : vector<16x128xf32>
    %max3A_262 = arith.maximumf %slice3A_246, %slice3A_247 : vector<16x128xf32>
    %min3A_263 = arith.minimumf %max3A_255, %max3A_259 : vector<16x128xf32>
    %max3A_264 = arith.maximumf %max3A_255, %max3A_259 : vector<16x128xf32>
    %min3A_265 = arith.minimumf %max3A_256, %max3A_260 : vector<16x128xf32>
    %max3A_266 = arith.maximumf %max3A_256, %max3A_260 : vector<16x128xf32>
    %min3A_267 = arith.minimumf %max3A_257, %max3A_261 : vector<16x128xf32>
    %max3A_268 = arith.maximumf %max3A_257, %max3A_261 : vector<16x128xf32>
    %min3A_269 = arith.minimumf %max3A_258, %max3A_262 : vector<16x128xf32>
    %max3A_270 = arith.maximumf %max3A_258, %max3A_262 : vector<16x128xf32>
    %min3A_271 = arith.minimumf %min3A_263, %min3A_267 : vector<16x128xf32>
    %max3A_272 = arith.maximumf %min3A_263, %min3A_267 : vector<16x128xf32>
    %min3A_273 = arith.minimumf %min3A_265, %min3A_269 : vector<16x128xf32>
    %max3A_274 = arith.maximumf %min3A_265, %min3A_269 : vector<16x128xf32>
    %min3A_275 = arith.minimumf %max3A_264, %max3A_268 : vector<16x128xf32>
    %max3A_276 = arith.maximumf %max3A_264, %max3A_268 : vector<16x128xf32>
    %min3A_277 = arith.minimumf %max3A_266, %max3A_270 : vector<16x128xf32>
    %max3A_278 = arith.maximumf %max3A_266, %max3A_270 : vector<16x128xf32>
    %min3A_279 = arith.minimumf %min3A_271, %min3A_273 : vector<16x128xf32>
    %max3A_280 = arith.maximumf %min3A_271, %min3A_273 : vector<16x128xf32>
    %min3A_281 = arith.minimumf %max3A_272, %max3A_274 : vector<16x128xf32>
    %max3A_282 = arith.maximumf %max3A_272, %max3A_274 : vector<16x128xf32>
    %min3A_283 = arith.minimumf %min3A_275, %min3A_277 : vector<16x128xf32>
    %max3A_284 = arith.maximumf %min3A_275, %min3A_277 : vector<16x128xf32>
    %min3A_285 = arith.minimumf %max3A_276, %max3A_278 : vector<16x128xf32>
    %max3A_286 = arith.maximumf %max3A_276, %max3A_278 : vector<16x128xf32>
    %slice3A_287 = vector.extract_strided_slice %min3A_279 {offsets = [0, 0], sizes = [8, 128], strides = [1, 1]} : vector<16x128xf32> to vector<8x128xf32>
    %slice3A_288 = vector.extract_strided_slice %max3A_280 {offsets = [0, 0], sizes = [8, 128], strides = [1, 1]} : vector<16x128xf32> to vector<8x128xf32>
    %slice3A_289 = vector.extract_strided_slice %min3A_281 {offsets = [0, 0], sizes = [8, 128], strides = [1, 1]} : vector<16x128xf32> to vector<8x128xf32>
    %slice3A_290 = vector.extract_strided_slice %max3A_282 {offsets = [0, 0], sizes = [8, 128], strides = [1, 1]} : vector<16x128xf32> to vector<8x128xf32>
    %slice3A_291 = vector.extract_strided_slice %min3A_283 {offsets = [0, 0], sizes = [8, 128], strides = [1, 1]} : vector<16x128xf32> to vector<8x128xf32>
    %slice3A_292 = vector.extract_strided_slice %max3A_284 {offsets = [0, 0], sizes = [8, 128], strides = [1, 1]} : vector<16x128xf32> to vector<8x128xf32>
    %slice3A_293 = vector.extract_strided_slice %min3A_285 {offsets = [0, 0], sizes = [8, 128], strides = [1, 1]} : vector<16x128xf32> to vector<8x128xf32>
    %slice3A_294 = vector.extract_strided_slice %max3A_286 {offsets = [0, 0], sizes = [8, 128], strides = [1, 1]} : vector<16x128xf32> to vector<8x128xf32>
    %slice3A_295 = vector.extract_strided_slice %min3A_279 {offsets = [8, 0], sizes = [8, 128], strides = [1, 1]} : vector<16x128xf32> to vector<8x128xf32>
    %slice3A_296 = vector.extract_strided_slice %max3A_280 {offsets = [8, 0], sizes = [8, 128], strides = [1, 1]} : vector<16x128xf32> to vector<8x128xf32>
    %slice3A_297 = vector.extract_strided_slice %min3A_281 {offsets = [8, 0], sizes = [8, 128], strides = [1, 1]} : vector<16x128xf32> to vector<8x128xf32>
    %slice3A_298 = vector.extract_strided_slice %max3A_282 {offsets = [8, 0], sizes = [8, 128], strides = [1, 1]} : vector<16x128xf32> to vector<8x128xf32>
    %slice3A_299 = vector.extract_strided_slice %min3A_283 {offsets = [8, 0], sizes = [8, 128], strides = [1, 1]} : vector<16x128xf32> to vector<8x128xf32>
    %slice3A_300 = vector.extract_strided_slice %max3A_284 {offsets = [8, 0], sizes = [8, 128], strides = [1, 1]} : vector<16x128xf32> to vector<8x128xf32>
    %slice3A_301 = vector.extract_strided_slice %min3A_285 {offsets = [8, 0], sizes = [8, 128], strides = [1, 1]} : vector<16x128xf32> to vector<8x128xf32>
    %slice3A_302 = vector.extract_strided_slice %max3A_286 {offsets = [8, 0], sizes = [8, 128], strides = [1, 1]} : vector<16x128xf32> to vector<8x128xf32>
    %max3A_303 = arith.maximumf %slice3A_287, %slice3A_302 : vector<8x128xf32>
    %max3A_304 = arith.maximumf %slice3A_288, %slice3A_301 : vector<8x128xf32>
    %max3A_305 = arith.maximumf %slice3A_289, %slice3A_300 : vector<8x128xf32>
    %max3A_306 = arith.maximumf %slice3A_290, %slice3A_299 : vector<8x128xf32>
    %max3A_307 = arith.maximumf %slice3A_291, %slice3A_298 : vector<8x128xf32>
    %max3A_308 = arith.maximumf %slice3A_292, %slice3A_297 : vector<8x128xf32>
    %max3A_309 = arith.maximumf %slice3A_293, %slice3A_296 : vector<8x128xf32>
    %max3A_310 = arith.maximumf %slice3A_294, %slice3A_295 : vector<8x128xf32>
    %min3A_311 = arith.minimumf %max3A_303, %max3A_307 : vector<8x128xf32>
    %max3A_312 = arith.maximumf %max3A_303, %max3A_307 : vector<8x128xf32>
    %min3A_313 = arith.minimumf %max3A_304, %max3A_308 : vector<8x128xf32>
    %max3A_314 = arith.maximumf %max3A_304, %max3A_308 : vector<8x128xf32>
    %min3A_315 = arith.minimumf %max3A_305, %max3A_309 : vector<8x128xf32>
    %max3A_316 = arith.maximumf %max3A_305, %max3A_309 : vector<8x128xf32>
    %min3A_317 = arith.minimumf %max3A_306, %max3A_310 : vector<8x128xf32>
    %max3A_318 = arith.maximumf %max3A_306, %max3A_310 : vector<8x128xf32>
    %min3A_319 = arith.minimumf %min3A_311, %min3A_315 : vector<8x128xf32>
    %max3A_320 = arith.maximumf %min3A_311, %min3A_315 : vector<8x128xf32>
    %min3A_321 = arith.minimumf %min3A_313, %min3A_317 : vector<8x128xf32>
    %max3A_322 = arith.maximumf %min3A_313, %min3A_317 : vector<8x128xf32>
    %min3A_323 = arith.minimumf %max3A_312, %max3A_316 : vector<8x128xf32>
    %max3A_324 = arith.maximumf %max3A_312, %max3A_316 : vector<8x128xf32>
    %min3A_325 = arith.minimumf %max3A_314, %max3A_318 : vector<8x128xf32>
    %max3A_326 = arith.maximumf %max3A_314, %max3A_318 : vector<8x128xf32>
    %min3A_327 = arith.minimumf %min3A_319, %min3A_321 : vector<8x128xf32>
    %max3A_328 = arith.maximumf %min3A_319, %min3A_321 : vector<8x128xf32>
    %min3A_329 = arith.minimumf %max3A_320, %max3A_322 : vector<8x128xf32>
    %max3A_330 = arith.maximumf %max3A_320, %max3A_322 : vector<8x128xf32>
    %min3A_331 = arith.minimumf %min3A_323, %min3A_325 : vector<8x128xf32>
    %max3A_332 = arith.maximumf %min3A_323, %min3A_325 : vector<8x128xf32>
    %min3A_333 = arith.minimumf %max3A_324, %max3A_326 : vector<8x128xf32>
    %max3A_334 = arith.maximumf %max3A_324, %max3A_326 : vector<8x128xf32>
    %slice3A_335 = vector.extract_strided_slice %min3A_327 {offsets = [0, 0], sizes = [4, 128], strides = [1, 1]} : vector<8x128xf32> to vector<4x128xf32>
    %slice3A_336 = vector.extract_strided_slice %max3A_328 {offsets = [0, 0], sizes = [4, 128], strides = [1, 1]} : vector<8x128xf32> to vector<4x128xf32>
    %slice3A_337 = vector.extract_strided_slice %min3A_329 {offsets = [0, 0], sizes = [4, 128], strides = [1, 1]} : vector<8x128xf32> to vector<4x128xf32>
    %slice3A_338 = vector.extract_strided_slice %max3A_330 {offsets = [0, 0], sizes = [4, 128], strides = [1, 1]} : vector<8x128xf32> to vector<4x128xf32>
    %slice3A_339 = vector.extract_strided_slice %min3A_331 {offsets = [0, 0], sizes = [4, 128], strides = [1, 1]} : vector<8x128xf32> to vector<4x128xf32>
    %slice3A_340 = vector.extract_strided_slice %max3A_332 {offsets = [0, 0], sizes = [4, 128], strides = [1, 1]} : vector<8x128xf32> to vector<4x128xf32>
    %slice3A_341 = vector.extract_strided_slice %min3A_333 {offsets = [0, 0], sizes = [4, 128], strides = [1, 1]} : vector<8x128xf32> to vector<4x128xf32>
    %slice3A_342 = vector.extract_strided_slice %max3A_334 {offsets = [0, 0], sizes = [4, 128], strides = [1, 1]} : vector<8x128xf32> to vector<4x128xf32>
    %slice3A_343 = vector.extract_strided_slice %min3A_327 {offsets = [4, 0], sizes = [4, 128], strides = [1, 1]} : vector<8x128xf32> to vector<4x128xf32>
    %slice3A_344 = vector.extract_strided_slice %max3A_328 {offsets = [4, 0], sizes = [4, 128], strides = [1, 1]} : vector<8x128xf32> to vector<4x128xf32>
    %slice3A_345 = vector.extract_strided_slice %min3A_329 {offsets = [4, 0], sizes = [4, 128], strides = [1, 1]} : vector<8x128xf32> to vector<4x128xf32>
    %slice3A_346 = vector.extract_strided_slice %max3A_330 {offsets = [4, 0], sizes = [4, 128], strides = [1, 1]} : vector<8x128xf32> to vector<4x128xf32>
    %slice3A_347 = vector.extract_strided_slice %min3A_331 {offsets = [4, 0], sizes = [4, 128], strides = [1, 1]} : vector<8x128xf32> to vector<4x128xf32>
    %slice3A_348 = vector.extract_strided_slice %max3A_332 {offsets = [4, 0], sizes = [4, 128], strides = [1, 1]} : vector<8x128xf32> to vector<4x128xf32>
    %slice3A_349 = vector.extract_strided_slice %min3A_333 {offsets = [4, 0], sizes = [4, 128], strides = [1, 1]} : vector<8x128xf32> to vector<4x128xf32>
    %slice3A_350 = vector.extract_strided_slice %max3A_334 {offsets = [4, 0], sizes = [4, 128], strides = [1, 1]} : vector<8x128xf32> to vector<4x128xf32>
    %max3A_351 = arith.maximumf %slice3A_335, %slice3A_350 : vector<4x128xf32>
    %max3A_352 = arith.maximumf %slice3A_336, %slice3A_349 : vector<4x128xf32>
    %max3A_353 = arith.maximumf %slice3A_337, %slice3A_348 : vector<4x128xf32>
    %max3A_354 = arith.maximumf %slice3A_338, %slice3A_347 : vector<4x128xf32>
    %max3A_355 = arith.maximumf %slice3A_339, %slice3A_346 : vector<4x128xf32>
    %max3A_356 = arith.maximumf %slice3A_340, %slice3A_345 : vector<4x128xf32>
    %max3A_357 = arith.maximumf %slice3A_341, %slice3A_344 : vector<4x128xf32>
    %max3A_358 = arith.maximumf %slice3A_342, %slice3A_343 : vector<4x128xf32>
    %min3A_359 = arith.minimumf %max3A_351, %max3A_355 : vector<4x128xf32>
    %max3A_360 = arith.maximumf %max3A_351, %max3A_355 : vector<4x128xf32>
    %min3A_361 = arith.minimumf %max3A_352, %max3A_356 : vector<4x128xf32>
    %max3A_362 = arith.maximumf %max3A_352, %max3A_356 : vector<4x128xf32>
    %min3A_363 = arith.minimumf %max3A_353, %max3A_357 : vector<4x128xf32>
    %max3A_364 = arith.maximumf %max3A_353, %max3A_357 : vector<4x128xf32>
    %min3A_365 = arith.minimumf %max3A_354, %max3A_358 : vector<4x128xf32>
    %max3A_366 = arith.maximumf %max3A_354, %max3A_358 : vector<4x128xf32>
    %min3A_367 = arith.minimumf %min3A_359, %min3A_363 : vector<4x128xf32>
    %max3A_368 = arith.maximumf %min3A_359, %min3A_363 : vector<4x128xf32>
    %min3A_369 = arith.minimumf %min3A_361, %min3A_365 : vector<4x128xf32>
    %max3A_370 = arith.maximumf %min3A_361, %min3A_365 : vector<4x128xf32>
    %min3A_371 = arith.minimumf %max3A_360, %max3A_364 : vector<4x128xf32>
    %max3A_372 = arith.maximumf %max3A_360, %max3A_364 : vector<4x128xf32>
    %min3A_373 = arith.minimumf %max3A_362, %max3A_366 : vector<4x128xf32>
    %max3A_374 = arith.maximumf %max3A_362, %max3A_366 : vector<4x128xf32>
    %min3A_375 = arith.minimumf %min3A_367, %min3A_369 : vector<4x128xf32>
    %max3A_376 = arith.maximumf %min3A_367, %min3A_369 : vector<4x128xf32>
    %min3A_377 = arith.minimumf %max3A_368, %max3A_370 : vector<4x128xf32>
    %max3A_378 = arith.maximumf %max3A_368, %max3A_370 : vector<4x128xf32>
    %min3A_379 = arith.minimumf %min3A_371, %min3A_373 : vector<4x128xf32>
    %max3A_380 = arith.maximumf %min3A_371, %min3A_373 : vector<4x128xf32>
    %min3A_381 = arith.minimumf %max3A_372, %max3A_374 : vector<4x128xf32>
    %max3A_382 = arith.maximumf %max3A_372, %max3A_374 : vector<4x128xf32>
    %slice3A_383 = vector.extract_strided_slice %min3A_375 {offsets = [0, 0], sizes = [2, 128], strides = [1, 1]} : vector<4x128xf32> to vector<2x128xf32>
    %slice3A_384 = vector.extract_strided_slice %max3A_376 {offsets = [0, 0], sizes = [2, 128], strides = [1, 1]} : vector<4x128xf32> to vector<2x128xf32>
    %slice3A_385 = vector.extract_strided_slice %min3A_377 {offsets = [0, 0], sizes = [2, 128], strides = [1, 1]} : vector<4x128xf32> to vector<2x128xf32>
    %slice3A_386 = vector.extract_strided_slice %max3A_378 {offsets = [0, 0], sizes = [2, 128], strides = [1, 1]} : vector<4x128xf32> to vector<2x128xf32>
    %slice3A_387 = vector.extract_strided_slice %min3A_379 {offsets = [0, 0], sizes = [2, 128], strides = [1, 1]} : vector<4x128xf32> to vector<2x128xf32>
    %slice3A_388 = vector.extract_strided_slice %max3A_380 {offsets = [0, 0], sizes = [2, 128], strides = [1, 1]} : vector<4x128xf32> to vector<2x128xf32>
    %slice3A_389 = vector.extract_strided_slice %min3A_381 {offsets = [0, 0], sizes = [2, 128], strides = [1, 1]} : vector<4x128xf32> to vector<2x128xf32>
    %slice3A_390 = vector.extract_strided_slice %max3A_382 {offsets = [0, 0], sizes = [2, 128], strides = [1, 1]} : vector<4x128xf32> to vector<2x128xf32>
    %slice3A_391 = vector.extract_strided_slice %min3A_375 {offsets = [2, 0], sizes = [2, 128], strides = [1, 1]} : vector<4x128xf32> to vector<2x128xf32>
    %slice3A_392 = vector.extract_strided_slice %max3A_376 {offsets = [2, 0], sizes = [2, 128], strides = [1, 1]} : vector<4x128xf32> to vector<2x128xf32>
    %slice3A_393 = vector.extract_strided_slice %min3A_377 {offsets = [2, 0], sizes = [2, 128], strides = [1, 1]} : vector<4x128xf32> to vector<2x128xf32>
    %slice3A_394 = vector.extract_strided_slice %max3A_378 {offsets = [2, 0], sizes = [2, 128], strides = [1, 1]} : vector<4x128xf32> to vector<2x128xf32>
    %slice3A_395 = vector.extract_strided_slice %min3A_379 {offsets = [2, 0], sizes = [2, 128], strides = [1, 1]} : vector<4x128xf32> to vector<2x128xf32>
    %slice3A_396 = vector.extract_strided_slice %max3A_380 {offsets = [2, 0], sizes = [2, 128], strides = [1, 1]} : vector<4x128xf32> to vector<2x128xf32>
    %slice3A_397 = vector.extract_strided_slice %min3A_381 {offsets = [2, 0], sizes = [2, 128], strides = [1, 1]} : vector<4x128xf32> to vector<2x128xf32>
    %slice3A_398 = vector.extract_strided_slice %max3A_382 {offsets = [2, 0], sizes = [2, 128], strides = [1, 1]} : vector<4x128xf32> to vector<2x128xf32>
    %max3A_399 = arith.maximumf %slice3A_383, %slice3A_398 : vector<2x128xf32>
    %max3A_400 = arith.maximumf %slice3A_384, %slice3A_397 : vector<2x128xf32>
    %max3A_401 = arith.maximumf %slice3A_385, %slice3A_396 : vector<2x128xf32>
    %max3A_402 = arith.maximumf %slice3A_386, %slice3A_395 : vector<2x128xf32>
    %max3A_403 = arith.maximumf %slice3A_387, %slice3A_394 : vector<2x128xf32>
    %max3A_404 = arith.maximumf %slice3A_388, %slice3A_393 : vector<2x128xf32>
    %max3A_405 = arith.maximumf %slice3A_389, %slice3A_392 : vector<2x128xf32>
    %max3A_406 = arith.maximumf %slice3A_390, %slice3A_391 : vector<2x128xf32>
    %min3A_407 = arith.minimumf %max3A_399, %max3A_403 : vector<2x128xf32>
    %max3A_408 = arith.maximumf %max3A_399, %max3A_403 : vector<2x128xf32>
    %min3A_409 = arith.minimumf %max3A_400, %max3A_404 : vector<2x128xf32>
    %max3A_410 = arith.maximumf %max3A_400, %max3A_404 : vector<2x128xf32>
    %min3A_411 = arith.minimumf %max3A_401, %max3A_405 : vector<2x128xf32>
    %max3A_412 = arith.maximumf %max3A_401, %max3A_405 : vector<2x128xf32>
    %min3A_413 = arith.minimumf %max3A_402, %max3A_406 : vector<2x128xf32>
    %max3A_414 = arith.maximumf %max3A_402, %max3A_406 : vector<2x128xf32>
    %min3A_415 = arith.minimumf %min3A_407, %min3A_411 : vector<2x128xf32>
    %max3A_416 = arith.maximumf %min3A_407, %min3A_411 : vector<2x128xf32>
    %min3A_417 = arith.minimumf %min3A_409, %min3A_413 : vector<2x128xf32>
    %max3A_418 = arith.maximumf %min3A_409, %min3A_413 : vector<2x128xf32>
    %min3A_419 = arith.minimumf %max3A_408, %max3A_412 : vector<2x128xf32>
    %max3A_420 = arith.maximumf %max3A_408, %max3A_412 : vector<2x128xf32>
    %min3A_421 = arith.minimumf %max3A_410, %max3A_414 : vector<2x128xf32>
    %max3A_422 = arith.maximumf %max3A_410, %max3A_414 : vector<2x128xf32>
    %min3A_423 = arith.minimumf %min3A_415, %min3A_417 : vector<2x128xf32>
    %max3A_424 = arith.maximumf %min3A_415, %min3A_417 : vector<2x128xf32>
    %min3A_425 = arith.minimumf %max3A_416, %max3A_418 : vector<2x128xf32>
    %max3A_426 = arith.maximumf %max3A_416, %max3A_418 : vector<2x128xf32>
    %min3A_427 = arith.minimumf %min3A_419, %min3A_421 : vector<2x128xf32>
    %max3A_428 = arith.maximumf %min3A_419, %min3A_421 : vector<2x128xf32>
    %min3A_429 = arith.minimumf %max3A_420, %max3A_422 : vector<2x128xf32>
    %max3A_430 = arith.maximumf %max3A_420, %max3A_422 : vector<2x128xf32>
    %slice3A_431 = vector.extract_strided_slice %min3A_423 {offsets = [0, 0], sizes = [1, 128], strides = [1, 1]} : vector<2x128xf32> to vector<1x128xf32>
    %slice3A_432 = vector.extract_strided_slice %max3A_424 {offsets = [0, 0], sizes = [1, 128], strides = [1, 1]} : vector<2x128xf32> to vector<1x128xf32>
    %slice3A_433 = vector.extract_strided_slice %min3A_425 {offsets = [0, 0], sizes = [1, 128], strides = [1, 1]} : vector<2x128xf32> to vector<1x128xf32>
    %slice3A_434 = vector.extract_strided_slice %max3A_426 {offsets = [0, 0], sizes = [1, 128], strides = [1, 1]} : vector<2x128xf32> to vector<1x128xf32>
    %slice3A_435 = vector.extract_strided_slice %min3A_427 {offsets = [0, 0], sizes = [1, 128], strides = [1, 1]} : vector<2x128xf32> to vector<1x128xf32>
    %slice3A_436 = vector.extract_strided_slice %max3A_428 {offsets = [0, 0], sizes = [1, 128], strides = [1, 1]} : vector<2x128xf32> to vector<1x128xf32>
    %slice3A_437 = vector.extract_strided_slice %min3A_429 {offsets = [0, 0], sizes = [1, 128], strides = [1, 1]} : vector<2x128xf32> to vector<1x128xf32>
    %slice3A_438 = vector.extract_strided_slice %max3A_430 {offsets = [0, 0], sizes = [1, 128], strides = [1, 1]} : vector<2x128xf32> to vector<1x128xf32>
    %slice3A_439 = vector.extract_strided_slice %min3A_423 {offsets = [1, 0], sizes = [1, 128], strides = [1, 1]} : vector<2x128xf32> to vector<1x128xf32>
    %slice3A_440 = vector.extract_strided_slice %max3A_424 {offsets = [1, 0], sizes = [1, 128], strides = [1, 1]} : vector<2x128xf32> to vector<1x128xf32>
    %slice3A_441 = vector.extract_strided_slice %min3A_425 {offsets = [1, 0], sizes = [1, 128], strides = [1, 1]} : vector<2x128xf32> to vector<1x128xf32>
    %slice3A_442 = vector.extract_strided_slice %max3A_426 {offsets = [1, 0], sizes = [1, 128], strides = [1, 1]} : vector<2x128xf32> to vector<1x128xf32>
    %slice3A_443 = vector.extract_strided_slice %min3A_427 {offsets = [1, 0], sizes = [1, 128], strides = [1, 1]} : vector<2x128xf32> to vector<1x128xf32>
    %slice3A_444 = vector.extract_strided_slice %max3A_428 {offsets = [1, 0], sizes = [1, 128], strides = [1, 1]} : vector<2x128xf32> to vector<1x128xf32>
    %slice3A_445 = vector.extract_strided_slice %min3A_429 {offsets = [1, 0], sizes = [1, 128], strides = [1, 1]} : vector<2x128xf32> to vector<1x128xf32>
    %slice3A_446 = vector.extract_strided_slice %max3A_430 {offsets = [1, 0], sizes = [1, 128], strides = [1, 1]} : vector<2x128xf32> to vector<1x128xf32>
    %max3A_447 = arith.maximumf %slice3A_431, %slice3A_446 : vector<1x128xf32>
    %max3A_448 = arith.maximumf %slice3A_432, %slice3A_445 : vector<1x128xf32>
    %max3A_449 = arith.maximumf %slice3A_433, %slice3A_444 : vector<1x128xf32>
    %max3A_450 = arith.maximumf %slice3A_434, %slice3A_443 : vector<1x128xf32>
    %max3A_451 = arith.maximumf %slice3A_435, %slice3A_442 : vector<1x128xf32>
    %max3A_452 = arith.maximumf %slice3A_436, %slice3A_441 : vector<1x128xf32>
    %max3A_453 = arith.maximumf %slice3A_437, %slice3A_440 : vector<1x128xf32>
    %max3A_454 = arith.maximumf %slice3A_438, %slice3A_439 : vector<1x128xf32>
    %min3A_455 = arith.minimumf %max3A_447, %max3A_451 : vector<1x128xf32>
    %max3A_456 = arith.maximumf %max3A_447, %max3A_451 : vector<1x128xf32>
    %min3A_457 = arith.minimumf %max3A_448, %max3A_452 : vector<1x128xf32>
    %max3A_458 = arith.maximumf %max3A_448, %max3A_452 : vector<1x128xf32>
    %min3A_459 = arith.minimumf %max3A_449, %max3A_453 : vector<1x128xf32>
    %max3A_460 = arith.maximumf %max3A_449, %max3A_453 : vector<1x128xf32>
    %min3A_461 = arith.minimumf %max3A_450, %max3A_454 : vector<1x128xf32>
    %max3A_462 = arith.maximumf %max3A_450, %max3A_454 : vector<1x128xf32>
    %min3A_463 = arith.minimumf %min3A_455, %min3A_459 : vector<1x128xf32>
    %max3A_464 = arith.maximumf %min3A_455, %min3A_459 : vector<1x128xf32>
    %min3A_465 = arith.minimumf %min3A_457, %min3A_461 : vector<1x128xf32>
    %max3A_466 = arith.maximumf %min3A_457, %min3A_461 : vector<1x128xf32>
    %min3A_467 = arith.minimumf %max3A_456, %max3A_460 : vector<1x128xf32>
    %max3A_468 = arith.maximumf %max3A_456, %max3A_460 : vector<1x128xf32>
    %min3A_469 = arith.minimumf %max3A_458, %max3A_462 : vector<1x128xf32>
    %max3A_470 = arith.maximumf %max3A_458, %max3A_462 : vector<1x128xf32>
    %min3A_471 = arith.minimumf %min3A_463, %min3A_465 : vector<1x128xf32>
    %max3A_472 = arith.maximumf %min3A_463, %min3A_465 : vector<1x128xf32>
    %min3A_473 = arith.minimumf %max3A_464, %max3A_466 : vector<1x128xf32>
    %max3A_474 = arith.maximumf %max3A_464, %max3A_466 : vector<1x128xf32>
    %min3A_475 = arith.minimumf %min3A_467, %min3A_469 : vector<1x128xf32>
    %max3A_476 = arith.maximumf %min3A_467, %min3A_469 : vector<1x128xf32>
    %min3A_477 = arith.minimumf %max3A_468, %max3A_470 : vector<1x128xf32>
    %max3A_478 = arith.maximumf %max3A_468, %max3A_470 : vector<1x128xf32>
    %squeeze3A = vector.shape_cast %max3A_478 : vector<1x128xf32> to vector<128xf32>
    %swap3A = arith.constant 0 : index
    %swap3A_479 = arith.constant 0 : index
    %swap3A_480 = arith.constant 0 : index
    %swap3A_481 = vector.load %arg2[%swap3A, %swap3A_479, %swap3A_480] : memref<1x8x128xf32, #tpu.memory_space<vmem>>, vector<1x1x128xf32>
    %swap3A_482 = vector.shape_cast %swap3A_481 : vector<1x1x128xf32> to vector<128xf32>
    %swap3A_483 = vector.shape_cast %squeeze3A : vector<128xf32> to vector<1x1x128xf32>
    tpu.vector_store %arg2[%swap3A, %swap3A_479, %swap3A_480], %swap3A_483 {strides = array<i32>} : memref<1x8x128xf32, #tpu.memory_space<vmem>>, vector<1x1x128xf32>,
    %squeeze3A_484 = vector.shape_cast %min3A_477 : vector<1x128xf32> to vector<128xf32>
    %swap3A_485 = arith.constant 0 : index
    %swap3A_486 = arith.constant 1 : index
    %swap3A_487 = arith.constant 0 : index
    %swap3A_488 = vector.load %arg2[%swap3A_485, %swap3A_486, %swap3A_487] : memref<1x8x128xf32, #tpu.memory_space<vmem>>, vector<1x1x128xf32>
    %swap3A_489 = vector.shape_cast %swap3A_488 : vector<1x1x128xf32> to vector<128xf32>
    %swap3A_490 = vector.shape_cast %squeeze3A_484 : vector<128xf32> to vector<1x1x128xf32>
    tpu.vector_store %arg2[%swap3A_485, %swap3A_486, %swap3A_487], %swap3A_490 {strides = array<i32>} : memref<1x8x128xf32, #tpu.memory_space<vmem>>, vector<1x1x128xf32>,
    %squeeze3A_491 = vector.shape_cast %max3A_476 : vector<1x128xf32> to vector<128xf32>
    %swap3A_492 = arith.constant 0 : index
    %swap3A_493 = arith.constant 2 : index
    %swap3A_494 = arith.constant 0 : index
    %swap3A_495 = vector.load %arg2[%swap3A_492, %swap3A_493, %swap3A_494] : memref<1x8x128xf32, #tpu.memory_space<vmem>>, vector<1x1x128xf32>
    %swap3A_496 = vector.shape_cast %swap3A_495 : vector<1x1x128xf32> to vector<128xf32>
    %swap3A_497 = vector.shape_cast %squeeze3A_491 : vector<128xf32> to vector<1x1x128xf32>
    tpu.vector_store %arg2[%swap3A_492, %swap3A_493, %swap3A_494], %swap3A_497 {strides = array<i32>} : memref<1x8x128xf32, #tpu.memory_space<vmem>>, vector<1x1x128xf32>,
    %squeeze3A_498 = vector.shape_cast %min3A_475 : vector<1x128xf32> to vector<128xf32>
    %swap3A_499 = arith.constant 0 : index
    %swap3A_500 = arith.constant 3 : index
    %swap3A_501 = arith.constant 0 : index
    %swap3A_502 = vector.load %arg2[%swap3A_499, %swap3A_500, %swap3A_501] : memref<1x8x128xf32, #tpu.memory_space<vmem>>, vector<1x1x128xf32>
    %swap3A_503 = vector.shape_cast %swap3A_502 : vector<1x1x128xf32> to vector<128xf32>
    %swap3A_504 = vector.shape_cast %squeeze3A_498 : vector<128xf32> to vector<1x1x128xf32>
    tpu.vector_store %arg2[%swap3A_499, %swap3A_500, %swap3A_501], %swap3A_504 {strides = array<i32>} : memref<1x8x128xf32, #tpu.memory_space<vmem>>, vector<1x1x128xf32>,
    %squeeze3A_505 = vector.shape_cast %max3A_474 : vector<1x128xf32> to vector<128xf32>
    %swap3A_506 = arith.constant 0 : index
    %swap3A_507 = arith.constant 4 : index
    %swap3A_508 = arith.constant 0 : index
    %swap3A_509 = vector.load %arg2[%swap3A_506, %swap3A_507, %swap3A_508] : memref<1x8x128xf32, #tpu.memory_space<vmem>>, vector<1x1x128xf32>
    %swap3A_510 = vector.shape_cast %swap3A_509 : vector<1x1x128xf32> to vector<128xf32>
    %swap3A_511 = vector.shape_cast %squeeze3A_505 : vector<128xf32> to vector<1x1x128xf32>
    tpu.vector_store %arg2[%swap3A_506, %swap3A_507, %swap3A_508], %swap3A_511 {strides = array<i32>} : memref<1x8x128xf32, #tpu.memory_space<vmem>>, vector<1x1x128xf32>,
    %squeeze3A_512 = vector.shape_cast %min3A_473 : vector<1x128xf32> to vector<128xf32>
    %swap3A_513 = arith.constant 0 : index
    %swap3A_514 = arith.constant 5 : index
    %swap3A_515 = arith.constant 0 : index
    %swap3A_516 = vector.load %arg2[%swap3A_513, %swap3A_514, %swap3A_515] : memref<1x8x128xf32, #tpu.memory_space<vmem>>, vector<1x1x128xf32>
    %swap3A_517 = vector.shape_cast %swap3A_516 : vector<1x1x128xf32> to vector<128xf32>
    %swap3A_518 = vector.shape_cast %squeeze3A_512 : vector<128xf32> to vector<1x1x128xf32>
    tpu.vector_store %arg2[%swap3A_513, %swap3A_514, %swap3A_515], %swap3A_518 {strides = array<i32>} : memref<1x8x128xf32, #tpu.memory_space<vmem>>, vector<1x1x128xf32>,
    %squeeze3A_519 = vector.shape_cast %max3A_472 : vector<1x128xf32> to vector<128xf32>
    %swap3A_520 = arith.constant 0 : index
    %swap3A_521 = arith.constant 6 : index
    %swap3A_522 = arith.constant 0 : index
    %swap3A_523 = vector.load %arg2[%swap3A_520, %swap3A_521, %swap3A_522] : memref<1x8x128xf32, #tpu.memory_space<vmem>>, vector<1x1x128xf32>
    %swap3A_524 = vector.shape_cast %swap3A_523 : vector<1x1x128xf32> to vector<128xf32>
    %swap3A_525 = vector.shape_cast %squeeze3A_519 : vector<128xf32> to vector<1x1x128xf32>
    tpu.vector_store %arg2[%swap3A_520, %swap3A_521, %swap3A_522], %swap3A_525 {strides = array<i32>} : memref<1x8x128xf32, #tpu.memory_space<vmem>>, vector<1x1x128xf32>,
    %squeeze3A_526 = vector.shape_cast %min3A_471 : vector<1x128xf32> to vector<128xf32>
    %swap3A_527 = arith.constant 0 : index
    %swap3A_528 = arith.constant 7 : index
    %swap3A_529 = arith.constant 0 : index
    %swap3A_530 = vector.load %arg2[%swap3A_527, %swap3A_528, %swap3A_529] : memref<1x8x128xf32, #tpu.memory_space<vmem>>, vector<1x1x128xf32>
    %swap3A_531 = vector.shape_cast %swap3A_530 : vector<1x1x128xf32> to vector<128xf32>
    %swap3A_532 = vector.shape_cast %squeeze3A_526 : vector<128xf32> to vector<1x1x128xf32>
    tpu.vector_store %arg2[%swap3A_527, %swap3A_528, %swap3A_529], %swap3A_532 {strides = array<i32>} : memref<1x8x128xf32, #tpu.memory_space<vmem>>, vector<1x1x128xf32>,
    return
  }
  func.func @transform_0(%arg0: i32) -> (i32, i32, i32) {
    %jit3A = arith.constant 6 : i32
    %div3A = arith.divsi %arg0, %jit3A : i32
    %sign3A = arith.constant 0 : i32
    %sign3A_0 = arith.cmpi sgt, %arg0, %sign3A : i32
    %sign3A_1 = arith.extui %sign3A_0 : i1 to i32
    %sign3A_2 = arith.constant 0 : i32
    %sign3A_3 = arith.cmpi slt, %arg0, %sign3A_2 : i32
    %sign3A_4 = arith.extui %sign3A_3 : i1 to i32
    %sign3A_5 = arith.subi %sign3A_1, %sign3A_4 : i32
    %sign3A_6 = arith.constant 0 : i32
    %sign3A_7 = arith.cmpi sgt, %jit3A, %sign3A_6 : i32
    %sign3A_8 = arith.extui %sign3A_7 : i1 to i32
    %sign3A_9 = arith.constant 0 : i32
    %sign3A_10 = arith.cmpi slt, %jit3A, %sign3A_9 : i32
    %sign3A_11 = arith.extui %sign3A_10 : i1 to i32
    %sign3A_12 = arith.subi %sign3A_8, %sign3A_11 : i32
    %ne3A = arith.cmpi ne, %sign3A_5, %sign3A_12 : i32
    %rem3A = arith.remsi %arg0, %jit3A : i32
    %ne3A_13 = arith.constant 0 : i32
    %ne3A_14 = arith.cmpi ne, %rem3A, %ne3A_13 : i32
    %and3A = arith.andi %ne3A, %ne3A_14 : i1
    %sub3A = arith.constant 1 : i32
    %sub3A_15 = arith.subi %div3A, %sub3A : i32
    %select_n3A = arith.select %and3A, %sub3A_15, %div3A : i32
    %jit3A_16 = arith.constant 6 : i32
    %eq3A = arith.constant 0 : i32
    %eq3A_17 = arith.cmpi eq, %jit3A_16, %eq3A : i32
    %jit3A_18 = arith.constant 1 : i32
    %select_n3A_19 = arith.select %eq3A_17, %jit3A_18, %jit3A_16 : i32
    %rem3A_20 = arith.remsi %arg0, %select_n3A_19 : i32
    %ne3A_21 = arith.constant 0 : i32
    %ne3A_22 = arith.cmpi ne, %rem3A_20, %ne3A_21 : i32
    %lt3A = arith.constant 0 : i32
    %lt3A_23 = arith.cmpi slt, %rem3A_20, %lt3A : i32
    %lt3A_24 = arith.constant 0 : i32
    %lt3A_25 = arith.cmpi slt, %select_n3A_19, %lt3A_24 : i32
    %ne3A_26 = arith.xori %lt3A_23, %lt3A_25 : i1
    %and3A_27 = arith.andi %ne3A_26, %ne3A_22 : i1
    %add3A = arith.addi %rem3A_20, %select_n3A_19 : i32
    %select_n3A_28 = arith.select %and3A_27, %add3A, %rem3A_20 : i32
    %c0_i32 = arith.constant 0 : i32
    %c0_i32_29 = arith.constant 0 : i32
    return %select_n3A, %c0_i32, %select_n3A_28 : i32, i32, i32
  }
  func.func @transform_1(%arg0: i32) -> (i32, i32, i32) {
    %c0_i32 = arith.constant 0 : i32
    %c0_i32_0 = arith.constant 0 : i32
    %c0_i32_1 = arith.constant 0 : i32
    return %arg0, %c0_i32, %c0_i32_0 : i32, i32, i32
  }
}

</mosaic_0001>

<sc_bundles>
// kernel: kernel.4.cloned.1.call-start
scs
__scs_entry_jumppad:
0x0: {  	(pc) =	sbr.rel $0x88, $3  }
0x1: {  	(tag) =	ssettag $0x0;
	lr =	simm.s32 $0x1  }
0x2: {  	[smem:$0x3FA0] =	sst lr;
	_ =	strace $0xD0000000  }
0x3: {  	_ = 	snop  }
0x4: {  	_ = 	snop  }
0x5: {  	_ = 	snop  }
0x6: {  	_ = 	snop  }
0x7: {  	_ = 	snop  }
__scs_overlays_trampoline_lowered:
0x8: {  	[smem:$0x3FAF] =	sst s0  }
0x9: {  	[smem:$0x3FB0] =	sst s1  }
0xa: {  	[smem:$0x3FB1] =	sst s2  }
0xb: {  	[smem:$0x3FB2] =	sst s3  }
0xc: {  	[smem:$0x3FB3] =	sst s4  }
0xd: {  	[smem:$0x3FB4] =	sst s5  }
0xe: {  	[smem:$0x3FB5] =	sst s6  }
0xf: {  	[smem:$0x3FB6] =	sst s7  }
0x10: {  	[smem:$0x3FB7] =	sst s8  }
0x11: {  	[smem:$0x3FB8] =	sst s9;
	s0 =	simm.s32 @!p0 $0x0  }
0x12: {  	s1 =	sld [smem:$0x3F9E];
	s0 =	simm.s32 @p0 $0x1  }
0x13: {  	[smem:$0x3FB9] =	sst s0;
	s0 =	simm.s32 @!p1 $0x0  }
0x14: {  	s2 =	sld [smem:$0x3F9D];
	s0 =	simm.s32 @p1 $0x1  }
0x15: {  	[smem:$0x3FBA] =	sst s0;
	s0 =	simm.s32 @!p2 $0x0  }
0x16: {  	s3 =	sld [smem:$0x3FDB];
	s0 =	simm.s32 @p2 $0x1  }
0x17: {  	s4 =	simm.s32 $0x1BF5;
	[smem:$0x3FBC] =	sst s0  }
0x18: {  	s0 =	sld [smem:$0x3F9F];
	_ =	swait.ge [sflag:s4], $0x0  }
0x19: {  	s7 =	sld [smem:$0x3FA0]  }
0x1a: {  	s8 =	sadd.s32 $0xFFFFE003, lr  }
0x1b: {  	s9 =	sadd.s32 $0xFFFFFEF7, lr;
	s5 =	simm.s32 $0xFFFFFFFF;
	p2 =	slt.u32 s8, $0xFFFFF086  }
0x1c: {  	p1 =	slt.u32 s9, $0xF7A;
	s5 =	simm.s32 @!p2 $0x0  }
0x1d: {  	s5 =	simm.s32 @p1 $0x1;
	p0 =	seq.s32 s7, s2  }
0x1e: {  	s7 =	smul.u32 @!p0 $0xF7A, s2;
	p2 =	seq.s32 @!p0 s5, $0x0  }
0x1f: {  	s9 =	smul.u32 $0xF7A, s1;
	s8 =	simm.s32 @!p0 $0x1BF5;
	p2 =	por !p2, p0  }
0x20: {  	[sflag:s8] =	ssyncset.s32 @!p0 $0xFFFFF086;
	s6 =	sadd.s32 @!p0 s3, s7;
	s7 =	simm.s32 @!p0 $0x108  }
0x21: {  	s3 =	sadd.s32 s3, s9;
	s6 =	sadd.s32 @!p0 $0x88, s6;
	s7 =	simm.s32 @p2 $0x1082  }
0x22: {  	[simem:s7], [sflag:s8] =	dma.local @!p0 [hbm:s6], $0xF7A  }
0x23: {  	s9 =	sor.u32 $0xD0000000, s2;
	s6 =	simm.s32 $0x108;
	_ =	swait.ge @!p0 [sflag:s8], $0x0  }
0x24: {  	s3 =	sadd.s32 $0x88, s3;
	s6 =	simm.s32 @!p1 $0x1082;
	[sflag:s4] =	ssyncset.s32 $0xFFFFF086  }
0x25: {  	[simem:s6], [sflag:s4] =	dma.local [hbm:s3], $0xF7A  }
0x26: {  	[smem:$0x3FA0] =	sst s1;
	(tag) =	ssettag s2;
	_ =	strace s9  }
0x27: {  	s1 =	sld [smem:$0x3FB0]  }
0x28: {  	s2 =	sld [smem:$0x3FB1]  }
0x29: {  	s4 =	sld [smem:$0x3FB3]  }
0x2a: {  	p0 =	seq.s32 s5, $0x0;
	s5 =	sld [smem:$0x3FB4]  }
0x2b: {  	s6 =	sld [smem:$0x3FB5]  }
0x2c: {  	s7 =	sld [smem:$0x3FB6]  }
0x2d: {  	s3 =	simm.s32 $0x108;
	s8 =	sld [smem:$0x3FB7]  }
0x2e: {  	s3 =	simm.s32 @!p0 $0x1082;
	s9 =	sld [smem:$0x3FB8]  }
0x2f: {  	lr =	sadd.s32 s0, s3;
	s0 =	sld [smem:$0x3FAF]  }
0x30: {  	s3 =	sld [smem:$0x3FB2]  }
0x31: {  	[smem:$0x3FBB] =	sst s10  }
0x32: {  	s10 =	sld [smem:$0x3FB9];
	_ =	sdelay $0x3  }
0x33: {  	p0 =	seq.s32 s10, $0x1;
	s10 =	sld [smem:$0x3FBB];
	_ =	sdelay $0x3  }
0x34: {  	[smem:$0x3FBB] =	sst s10  }
0x35: {  	s10 =	sld [smem:$0x3FBA];
	_ =	sdelay $0x3  }
0x36: {  	p1 =	seq.s32 s10, $0x1;
	s10 =	sld [smem:$0x3FBB];
	_ =	sdelay $0x3  }
0x37: {  	[smem:$0x3FBB] =	sst s10  }
0x38: {  	s10 =	sld [smem:$0x3FBC]  }
0x39: {  	_ = 	snop;
	(pc) =	sbr.ind lr, $3  }
0x3a: {  	_ = 	snop  }
0x3b: {  	_ = 	snop  }
0x3c: {  	p2 =	seq.s32 s10, $0x1;
	s10 =	sld [smem:$0x3FBB]  }
0x3d: {  	_ =	shalt  }
0x3e: {  	_ =	shalt  }
0x3f: {  	_ =	shalt  }
0x40: {  	_ =	shalt  }
0x41: {  	_ =	shalt  }
0x42: {  	_ =	shalt  }
0x43: {  	_ =	shalt  }
0x44: {  	_ =	shalt  }
0x45: {  	_ =	shalt  }
0x46: {  	_ =	shalt  }
0x47: {  	_ =	shalt  }
0x48: {  	_ =	shalt  }
0x49: {  	_ =	shalt  }
0x4a: {  	_ =	shalt  }
0x4b: {  	_ =	shalt  }
0x4c: {  	_ =	shalt  }
0x4d: {  	_ =	shalt  }
0x4e: {  	_ =	shalt  }
0x4f: {  	_ =	shalt  }
0x50: {  	_ =	shalt  }
0x51: {  	_ =	shalt  }
0x52: {  	_ =	shalt  }
0x53: {  	_ =	shalt  }
0x54: {  	_ =	shalt  }
0x55: {  	_ =	shalt  }
0x56: {  	_ =	shalt  }
0x57: {  	_ =	shalt  }
0x58: {  	_ =	shalt  }
0x59: {  	_ =	shalt  }
0x5a: {  	_ =	shalt  }
0x5b: {  	_ =	shalt  }
0x5c: {  	_ =	shalt  }
0x5d: {  	_ =	shalt  }
0x5e: {  	_ =	shalt  }
0x5f: {  	_ =	shalt  }
0x60: {  	_ =	shalt  }
0x61: {  	_ =	shalt  }
0x62: {  	_ =	shalt  }
0x63: {  	_ =	shalt  }
0x64: {  	_ =	shalt  }
0x65: {  	_ =	shalt  }
0x66: {  	_ =	shalt  }
0x67: {  	_ =	shalt  }
0x68: {  	_ =	shalt  }
0x69: {  	_ =	shalt  }
0x6a: {  	_ =	shalt  }
0x6b: {  	_ =	shalt  }
0x6c: {  	_ =	shalt  }
0x6d: {  	_ =	shalt  }
0x6e: {  	_ =	shalt  }
0x6f: {  	_ =	shalt  }
0x70: {  	_ =	shalt  }
0x71: {  	_ =	shalt  }
0x72: {  	_ =	shalt  }
0x73: {  	_ =	shalt  }
0x74: {  	_ =	shalt  }
0x75: {  	_ =	shalt  }
0x76: {  	_ =	shalt  }
0x77: {  	_ =	shalt  }
0x78: {  	_ =	shalt  }
0x79: {  	_ =	shalt  }
0x7a: {  	_ =	shalt  }
0x7b: {  	_ =	shalt  }
0x7c: {  	_ =	shalt  }
0x7d: {  	_ =	shalt  }
0x7e: {  	_ =	shalt  }
0x7f: {  	_ =	shalt  }
0x80: {  	_ =	shalt  }
0x81: {  	_ =	shalt  }
0x82: {  	_ =	shalt  }
0x83: {  	_ =	shalt  }
0x84: {  	_ =	shalt  }
0x85: {  	_ =	shalt  }
0x86: {  	_ =	shalt  }
0x87: {  	_ =	shalt  }
.Lfunc_end0:
.L_simem_size_0:
called_computation_lowered:
.L_overlay_start_0:
0x88: {  	s2 =	sld [smem:$0x3FD9]  }
0x89: {  	s3 =	sld [smem:$0x3FFE];
	_ =	sdelay $0x1  }
0x8a: {  	s1 =	srdreg.scid  }
0x8b: {  	s0 =	sand.u32 $0x1, s1  }
0x8c: {  	s17 =	sshll.u32 s0, $0xA;
	s2 =	sadd.s32 s3, s2  }
0x8d: {  	s2 =	sadd.s32 s2, s17  }
0x8e: {  	[smem:$0x3FC7] =	sst s2  }
0x8f: {  	_ = 	snop  }
0x90: {  	s2 =	sld [smem:$0x3FC9]  }
0x91: {  	s18 =	sld [smem:$0x3FD0];
	(tm) =	ssettm $0x1  }
0x92: {  	s4 =	sld [smem:$0x3FFB];
	_ =	sdelay $0x3  }
0x93: {  	_ =	strace s4  }
0x94: {  	s4 =	sld [smem:$0x3FFC];
	_ =	sdelay $0x3  }
0x95: {  	_ =	strace s4  }
0x96: {  	s4 =	sld [smem:$0x3FFD];
	_ =	sdelay $0x3  }
0x97: {  	_ =	strace s4  }
0x98: {  	_ =	strace $0x8FFFFFFF  }
0x99: {  	s19 =	sld [smem:$0x3FDB];
	_ =	sdelay $0x1  }
0x9a: {  	s5 =	simm.s32 $_scs_section_size  }
0x9b: {  	s6 =	simm.s32 $_size__tile_overlayer_lowered;
	s7 =	simm.s32 $_tile_overlayer_lowered  }
0x9c: {  	s22 =	simm.s32 $0x1BFF;
	s21 =	sshll.u32 s7, $0x1;
	s4 =	sadd.s32 s5, s19  }
0x9d: {  	s8 =	simm.s32 $0x0;
	s20 =	sshll.u32 s6, $0x1;
	s6 =	sadd.s32 s21, s4  }
0x9e: {  	[timem:s8], [sflag:s22] =	dma.local [hbm:s6], s20  }
0x9f: {  	_ =	swait.ge [sflag:s22], s20  }
0xa0: {  	s5 =	ssub.s32 $0x0, s20;
	[sflag:s22] =	ssyncset.done $0x0  }
0xa1: {  	[sflag:s22] =	ssyncadd.s32 s5;
	_ =	sdelay $0x1  }
0xa2: {  	s23 =	simm.s32 $0x1B8B  }
0xa3: {  	_ =	swait.ge [sflag:s23], $0x1  }
0xa4: {  	[sflag:s23] =	ssyncset.done $0x0  }
0xa5: {  	s25 =	simm.s32 $0x1B8E;
	s24 =	sld [smem:$0x3FFE];
	[sflag:s23] =	ssyncadd.s32 $0xFFFFFFFF  }
0xa6: {  	s26 =	simm.s32 $execute0_lowered;
	[smem:$0x3FD2] =	sst s25  }
0xa7: {  	s6 =	sshll.u32 s26, $0x1;
	_ =	strace $0x80000046;
	[dreg:$0x1] =	wrdreg $0xFFFFFFFF  }
0xa8: {  	s28 =	simm.s32 $_size_execute0_lowered;
	s4 =	sadd.s32 s4, s6;
	[dreg:$0x0] =	wrdreg $0x0  }
0xa9: {  	s6 =	sshll.u32 s28, $0x1;
	[dreg:$0x2] =	wrdreg s4  }
0xaa: {  	[dreg:$0x3] =	wrdreg s6  }
0xab: {  	[dreg:$0x4] =	wrdreg $0xC0  }
0xac: {  	_ =	task [dreg:s8], $0x5FFFF  }
0xad: {  	[dreg:$0x1] =	wrdreg $0xFFFFFFFF  }
0xae: {  	[dreg:$0x0] =	wrdreg $0x60  }
0xaf: {  	[dreg:$0x2] =	wrdreg s2  }
0xb0: {  	[dreg:$0x3] =	wrdreg s24  }
0xb1: {  	[dreg:$0x4] =	wrdreg s18  }
0xb2: {  	[dreg:$0x5] =	wrdreg $0x9  }
0xb3: {  	_ =	task.clear_ibuf [dreg:s8], $0x6FFFF;
	_ =	strace $0x90000046  }
0xb4: {  	s29 =	simm.s32 $0x9;
	_ =	strace $0x80000048  }
0xb5: {  	_ =	swait.ge [sflag:s29], $0x1  }
0xb6: {  	[sflag:s29] =	ssyncadd.s32 $0xFFFFFFFF  }
0xb7: {  	_ =	strace $0x90000048  }
0xb8: {  	_ =	sfence  }
0xb9: {  	s30 =	sld [smem:$0x0];
	_ =	sdelay $0x2  }
0xba: {  	s31 =	sshll.u32 s1, $0xD;
	s1 =	sshrl.u32 s1, $0x2  }
0xbb: {  	s3 =	sand.u32 $0x4000, s31;
	s1 =	sadd.s32 s1, s30  }
0xbc: {  	s0 =	sor.u32 s3, s0;
	s1 =	sshll.u32 s1, $0x11  }
0xbd: {  	s0 =	sor.u32 s1, s0  }
0xbe: {  	s0 =	sadd.s32 $0x8F2B, s0  }
0xbf: {  	[sflag:s0] =	ssyncadd.remote.s32 $0x1  }
0xc0: {  	_ =	sfence.sel $0xFFFF  }
0xc1: {  	[dreg:$0x0] =	wrdreg $0xFFFFFFFF;
	(pc) =	sbr.abs _section_cstart, $3  }
0xc2: {  	[dreg:$0x1] =	wrdreg $0xFFFFFFFF  }
0xc3: {  	_ =	task.clear_ibuf [dreg:s8], $0x2FFFF;
	_ =	strace $0x9FFFFFFF  }
0xc4: {  	(tm) =	ssettm $0x7FFFFFFF  }
0xc5: {  	_ =	shalt  }
tec
execute0_lowered:
.L_overlay_start_1:
0x0: {  	(tag) =	ssettag $0x1  }
0x1: {  	s6 =	rddreg [dreg:$0x1]  }
0x2: {  	s0 =	srdreg.scid;
	s13 =	rddreg [dreg:$0x2];
	s16 =	simm.s32 $0x3  }
0x3: {  	s17 =	simm.s32 $0x400;
	s18 =	simm.s32 $0x1800;
	s20 =	simm.s32 $0x8000  }
0x4: {  	s21 =	simm.s32 $0x2;
	s22 =	simm.s32 $0x12000;
	s2 =	sand.u32 $0x1, s0  }
0x5: {  	s24 =	simm.s32 $0x0;
	s0 =	stileid.u32;
	s1 =	smul.u32 $0xA, s2  }
0x6: {  	s3 =	sshrl.u32 s0, $0x3;
	s19 =	sand.u32 $0x7, s0;
	s2 =	ssub.s32 $0x2, s2  }
0x7: {  	s31 =	sshll.u32 s0, $0x6;
	p1 =	sgt.u32 s0, $0x9;
	s3 =	sor.u32 s3, s1  }
0x8: {  	s9 =	smul.u32 $0x60000, s19;
	s10 =	sshrl.u32 s2, $0x1;
	s5 =	sadd.s32 $0x1C, s3  }
0x9: {  	s11 =	sshll.u32 s19, $0xA;
	p0 =	sne.s32 s19, $0x0;
	s4 =	smul.u32 $0x2B, s5  }
0xa: {  	s19 =	simm.s32 $0x1;
	s2 =	ssub.s32 s2, s10;
	s10 =	sand.u32 $0x1C0, s31  }
0xb: {  	s12 =	sadd.s32 s0, s1;
	s10 =	smul.u32 $0x1800, s10;
	s7 =	sshrl.u32 s4, $0x8  }
0xc: {  	s3 =	rddreg [dreg:$0x0];
	s15 =	sshll.u32 s12, $0x7;
	s8 =	smul.u32 $0x6, s7  }
0xd: {  	s14 =	sshll.u32 s12, $0xA;
	s13 =	sadd.s32 s13, s15;
	s15 =	simm.s32 $0x14400  }
0xe: {  	s4 =	simm.s32 $0x0;
	s7 =	smul.u32 $0x300000, s7;
	s8 =	ssub.s32 s5, s8  }
.Ltmp0:
0xf: {  	[smem:$0x7FF] =	sst s4;
	s8 =	sand.u32 $0xFF, s8;
	(pc) =	sbr.rel .LBB2_1-.Ltmp0, $4  }
0x10: {  	_ =	strace $0x80000047;
	s7 =	sadd.s32 s9, s7;
	s8 =	sshll.u32 s8, $0xA  }
0x11: {  	s5 =	sadd.s32 $0x800, s6;
	s6 =	sadd.s32 $0xA00, s6;
	s7 =	sor.u32 s8, s7  }
0x12: {  	s12 =	sadd.s32 s6, s14;
	s14 =	smax.u32 s2, $0x1;
	s7 =	sshrl.u32 s7, $0x3  }
0x13: {  	s8 =	sadd.s32 $0x30000, s9;
	s9 =	sadd.s32 $0x1C, s1;
	s7 =	sadd.s32 s3, s7  }
.LBB2_15:
0x14: {  	s24 =	sadd.s32 $0x1, s24  }
0x15: {  	p2 =	sne.s32 s24, s14  }
.Ltmp1:
0x16: {  	_ = 	snop;
	(pc) =	sbr.rel @!p2 .LBB2_16-.Ltmp1, $1  }
0x17: {  	_ =	sdelay $0x3  }
.LBB2_1:
0x18: {  	[tilespmem:s15], [sflag:$0x3] =	stream.linear.gather [hbm4b:s5+s4], $0x1, $0x38;
	[tilespmem:$0x14480] =	vst v63  }
0x19: {  	_ =	swait.ge [sflag:s16], $0x1  }
0x1a: {  	[sflag:s16] =	ssyncset.done $0x0  }
0x1b: {  	s25 =	simm.s32 $0x0;
	[sflag:s16] =	ssyncadd.s32 $0xFFFFFFFF  }
0x1c: {  	v0 =	vld.msk [tilespmem:$0x14400 ss:$0x0], $0xffff;
	[tilespmem:s4], [sflag:$0x1] =	stream.strided.gather [hbm4b:s7+s17], $0x8000, s18, s17, $0x38  }
.LBB2_2:
0x1d: {  	_ =	sdelay $0x3  }
0x1e: {  	[tilespmem:$0x10000] =	vst v0  }
0x1f: {  	[tilespmem:$0x10080] =	vst v0  }
0x20: {  	[tilespmem:$0x10100] =	vst v0  }
0x21: {  	[tilespmem:$0x10180] =	vst v0  }
0x22: {  	[tilespmem:$0x10200] =	vst v0  }
0x23: {  	[tilespmem:$0x10280] =	vst v0  }
0x24: {  	[tilespmem:$0x10300] =	vst v0  }
0x25: {  	[tilespmem:$0x10380] =	vst v0  }
0x26: {  	[tilespmem:$0x10400] =	vst v0  }
0x27: {  	[tilespmem:$0x10480] =	vst v0  }
0x28: {  	[tilespmem:$0x10500] =	vst v0  }
0x29: {  	[tilespmem:$0x10580] =	vst v0  }
0x2a: {  	[tilespmem:$0x10600] =	vst v0  }
0x2b: {  	[tilespmem:$0x10680] =	vst v0  }
0x2c: {  	[tilespmem:$0x10700] =	vst v0  }
0x2d: {  	[tilespmem:$0x10780] =	vst v0  }
0x2e: {  	[tilespmem:$0x10800] =	vst v0  }
0x2f: {  	[tilespmem:$0x10880] =	vst v0  }
0x30: {  	[tilespmem:$0x10900] =	vst v0  }
0x31: {  	[tilespmem:$0x10980] =	vst v0  }
0x32: {  	[tilespmem:$0x10A00] =	vst v0  }
0x33: {  	[tilespmem:$0x10A80] =	vst v0  }
0x34: {  	[tilespmem:$0x10B00] =	vst v0  }
0x35: {  	[tilespmem:$0x10B80] =	vst v0  }
0x36: {  	[tilespmem:$0x10C00] =	vst v0  }
0x37: {  	[tilespmem:$0x10C80] =	vst v0  }
0x38: {  	[tilespmem:$0x10D00] =	vst v0  }
0x39: {  	[tilespmem:$0x10D80] =	vst v0  }
0x3a: {  	[tilespmem:$0x10E00] =	vst v0  }
0x3b: {  	[tilespmem:$0x10E80] =	vst v0  }
0x3c: {  	[tilespmem:$0x10F00] =	vst v0  }
0x3d: {  	[tilespmem:$0x10F80] =	vst v0  }
0x3e: {  	[tilespmem:$0x11000] =	vst v0  }
0x3f: {  	[tilespmem:$0x11080] =	vst v0  }
0x40: {  	[tilespmem:$0x11100] =	vst v0  }
0x41: {  	[tilespmem:$0x11180] =	vst v0  }
0x42: {  	[tilespmem:$0x11200] =	vst v0  }
0x43: {  	[tilespmem:$0x11280] =	vst v0  }
0x44: {  	[tilespmem:$0x11300] =	vst v0  }
0x45: {  	[tilespmem:$0x11380] =	vst v0  }
0x46: {  	[tilespmem:$0x11400] =	vst v0  }
0x47: {  	[tilespmem:$0x11480] =	vst v0  }
0x48: {  	[tilespmem:$0x11500] =	vst v0  }
0x49: {  	[tilespmem:$0x11580] =	vst v0  }
0x4a: {  	[tilespmem:$0x11600] =	vst v0  }
0x4b: {  	s2 =	sshll.u32 s25, $0x4;
	[tilespmem:$0x11680] =	vst v0  }
0x4c: {  	s28 =	sor.u32 s0, s2;
	[tilespmem:$0x11700] =	vst v0  }
0x4d: {  	p2 =	seq.s32 s28, $0x0;
	[tilespmem:$0x11780] =	vst v0  }
0x4e: {  	p2 =	por !p0, !p2;
	[tilespmem:$0x11800] =	vst v0  }
0x4f: {  	s23 =	simm.s32 $0x1;
	s2 =	sshrl.u32 s28, $0x3;
	[tilespmem:$0x11880] =	vst v0;
	p2 =	por !p2, !p2  }
0x50: {  	s2 =	sadd.s32 s1, s2;
	[tilespmem:$0x11900] =	vst v0;
	s23 =	simm.s32 @!p2 $0x0  }
0x51: {  	[tilespmem:$0x11980] =	vst v0;
	s26 =	ssub.s32 s2, s23  }
0x52: {  	[tilespmem:$0x11A00] =	vst v0;
	s2 =	sadd.s32 $0x1C, s26  }
0x53: {  	[tilespmem:$0x11A80] =	vst v0;
	s31 =	smulhi.u32 $0xAAAAAAAB, s2  }
0x54: {  	[tilespmem:$0x11B00] =	vst v0  }
0x55: {  	[tilespmem:$0x11B80] =	vst v0;
	s23 =	sshrl.u32 s31, $0x2  }
0x56: {  	[tilespmem:$0x11C00] =	vst v0;
	s29 =	smul.u32 $0x6, s23  }
0x57: {  	[tilespmem:$0x11C80] =	vst v0  }
0x58: {  	[tilespmem:$0x11D00] =	vst v0;
	s2 =	ssub.s32 s2, s29  }
0x59: {  	[tilespmem:$0x11D80] =	vst v0;
	s23 =	smul.u32 $0x300000, s23;
	s2 =	sshll.u32 s2, $0xA  }
0x5a: {  	[tilespmem:$0x11E00] =	vst v0;
	s2 =	sor.u32 s2, s8  }
0x5b: {  	[tilespmem:$0x11E80] =	vst v0;
	s2 =	sadd.s32 s23, s2  }
0x5c: {  	[tilespmem:$0x11F00] =	vst v0;
	s2 =	sshrl.u32 s2, $0x3  }
0x5d: {  	[tilespmem:$0x11F80] =	vst v0;
	s29 =	simm.s32 $0x400;
	s2 =	sadd.s32 s3, s2  }
0x5e: {  	[tilespmem:s20], [sflag:$0x2] =	stream.strided.gather [hbm4b:s2+s29], $0x8000, s18, s29, $0x38;
	[tilespmem:$0x14480] =	vst v63  }
0x5f: {  	_ =	swait.ge [sflag:s19], $0x8000  }
0x60: {  	[sflag:s19] =	ssyncset.done $0x0  }
0x61: {  	s30 =	simm.s32 $0x0;
	[sflag:s19] =	ssyncadd.s32 $0xFFFF8000  }
.LBB2_3:
0x62: {  	v1 =	vmov s29;
	_ =	sdelay $0x3  }
0x63: {  	s2 =	simm.s32 $0x0  }
0x64: {  	v2 =	vld.idx.msk [tilespmem:v1+s2+$0xFFFFFC00 ss:$0x1], $0xffff  }
0x65: {  	v3 =	vld.idx.msk [tilespmem:v1+s2+$0xFFFFFC80 ss:$0x1], $0xffff  }
0x66: {  	v4 =	vld.idx.msk [tilespmem:v1+s2+$0xFFFFFD00 ss:$0x1], $0xffff  }
0x67: {  	v5 =	vld.idx.msk [tilespmem:v1+s2+$0xFFFFFD80 ss:$0x1], $0xffff  }
0x68: {  	v6 =	vld.idx.msk [tilespmem:v1+s2+$0xFFFFFE00 ss:$0x1], $0xffff  }
0x69: {  	v7 =	vld.idx.msk [tilespmem:v1+s2+$0xFFFFFE80 ss:$0x1], $0xffff  }
0x6a: {  	v8 =	vld.idx.msk [tilespmem:v1+s2+$0xFFFFFF00 ss:$0x1], $0xffff  }
0x6b: {  	v9 =	vld.idx.msk [tilespmem:v1+s2+$0xFFFFFF80 ss:$0x1], $0xffff  }
0x6c: {  	v10 =	vld.idx.msk [tilespmem:v1+s2+$0x0 ss:$0x1], $0xffff  }
0x6d: {  	v11 =	vld.idx.msk [tilespmem:v1+s2+$0x80 ss:$0x1], $0xffff  }
0x6e: {  	v12 =	vld.idx.msk [tilespmem:v1+s2+$0x100 ss:$0x1], $0xffff  }
0x6f: {  	v13 =	vld.idx.msk [tilespmem:v1+s2+$0x180 ss:$0x1], $0xffff  }
0x70: {  	v14 =	vld.idx.msk [tilespmem:v1+s2+$0x200 ss:$0x1], $0xffff  }
0x71: {  	v15 =	vld.idx.msk [tilespmem:v1+s2+$0x280 ss:$0x1], $0xffff  }
0x72: {  	v16 =	vld.idx.msk [tilespmem:v1+s2+$0x300 ss:$0x1], $0xffff  }
0x73: {  	v17 =	vld.idx.msk [tilespmem:v1+s2+$0x380 ss:$0x1], $0xffff  }
0x74: {  	v18 =	vmin.f32 v2, v4;
	v2 =	vmax.f32 v2, v4;
	v4 =	vmin.f32 v3, v5  }
0x75: {  	v3 =	vmax.f32 v3, v5;
	v5 =	vmin.f32 v6, v8;
	v6 =	vmax.f32 v6, v8  }
0x76: {  	v8 =	vmin.f32 v7, v9;
	v7 =	vmax.f32 v7, v9;
	v9 =	vmin.f32 v10, v12  }
0x77: {  	v10 =	vmax.f32 v10, v12;
	v12 =	vmin.f32 v11, v13;
	v11 =	vmax.f32 v11, v13  }
0x78: {  	v13 =	vmin.f32 v14, v16;
	v14 =	vmax.f32 v14, v16;
	v16 =	vmin.f32 v15, v17  }
0x79: {  	v15 =	vmax.f32 v15, v17;
	v19 =	vmin.f32 v18, v5;
	v20 =	vmin.f32 v4, v8  }
0x7a: {  	v17 =	vmax.f32 v2, v6;
	v21 =	vmax.f32 v3, v7;
	v22 =	vmin.f32 v9, v13  }
0x7b: {  	v23 =	vmin.f32 v12, v16;
	v24 =	vmax.f32 v10, v14;
	v25 =	vmax.f32 v11, v15  }
0x7c: {  	v5 =	vmax.f32 v18, v5;
	v4 =	vmax.f32 v4, v8;
	v2 =	vmin.f32 v2, v6  }
0x7d: {  	v3 =	vmin.f32 v3, v7;
	v6 =	vmax.f32 v9, v13;
	v7 =	vmax.f32 v12, v16  }
0x7e: {  	v9 =	vmin.f32 v10, v14;
	v10 =	vmin.f32 v11, v15;
	v8 =	vmin.f32 v19, v20  }
0x7f: {  	v12 =	vmax.f32 v17, v21;
	v13 =	vmin.f32 v22, v23;
	v11 =	vmax.f32 v24, v25  }
0x80: {  	s23 =	sshll.u32 s30, $0xA;
	v16 =	vmax.f32 v19, v20;
	v17 =	vmin.f32 v17, v21;
	v18 =	vmax.f32 v22, v23  }
0x81: {  	s31 =	sand.u32 $0x3FFFFC00, s23;
	v19 =	vmin.f32 v2, v3;
	v2 =	vmax.f32 v2, v3;
	v24 =	vmin.f32 v24, v25  }
0x82: {  	v3 =	vld [tilespmem:s31+$0x10000];
	v20 =	vmin.f32 v5, v4;
	v21 =	vmax.f32 v5, v4;
	v22 =	vmin.f32 v9, v10  }
0x83: {  	v4 =	vld [tilespmem:s31+$0x10080];
	v9 =	vmax.f32 v9, v10;
	v23 =	vmin.f32 v6, v7;
	v63 =	vmax.f32 v6, v7  }
0x84: {  	v5 =	vld [tilespmem:s31+$0x10100];
	v15 =	vmin.f32 v19, v20;
	v11 =	vmax.f32 v8, v11;
	v10 =	vmax.f32 v12, v13  }
0x85: {  	v6 =	vld [tilespmem:s31+$0x10180];
	v14 =	vmax.f32 v2, v21;
	v13 =	vmin.f32 v22, v23;
	v12 =	vmax.f32 v9, v63  }
0x86: {  	v7 =	vld [tilespmem:s31+$0x10200];
	v19 =	vmax.f32 v19, v20;
	v2 =	vmin.f32 v2, v21;
	v20 =	vmax.f32 v22, v23  }
0x87: {  	v8 =	vld [tilespmem:s31+$0x10280];
	v25 =	vmin.f32 v9, v63;
	v21 =	vmin.f32 v16, v19;
	v16 =	vmax.f32 v16, v19  }
0x88: {  	v9 =	vld [tilespmem:s31+$0x10300];
	v23 =	vmin.f32 v2, v17;
	v22 =	vmax.f32 v2, v17;
	v19 =	vmin.f32 v18, v20  }
0x89: {  	s2 =	simm.s32 $0x2000;
	v2 =	vld [tilespmem:s31+$0x10380];
	v17 =	vmax.f32 v18, v20;
	v20 =	vmin.f32 v25, v24;
	v18 =	vmax.f32 v25, v24  }
.LBB2_4:
0x8a: {  	p2 =	sne.s32 s2, $0x1E000;
	v24 =	vmin.f32 v21, v15;
	v15 =	vmax.f32 v21, v15;
	v21 =	vmin.f32 v23, v16  }
0x8b: {  	v16 =	vmax.f32 v23, v16;
	v23 =	vmin.f32 v14, v22;
	v14 =	vmax.f32 v14, v22  }
0x8c: {  	v22 =	vmin.f32 v19, v13;
	v13 =	vmax.f32 v19, v13;
	v19 =	vmin.f32 v20, v17  }
0x8d: {  	v17 =	vmax.f32 v20, v17;
	v20 =	vmin.f32 v12, v18;
	v12 =	vmax.f32 v12, v18  }
0x8e: {  	v12 =	vmax.f32 v24, v12;
	v15 =	vmax.f32 v15, v20;
	v17 =	vmax.f32 v21, v17  }
0x8f: {  	v16 =	vmax.f32 v16, v19;
	v13 =	vmax.f32 v23, v13;
	v14 =	vmax.f32 v14, v22  }
0x90: {  	v18 =	vmin.f32 v11, v16;
	v11 =	vmax.f32 v11, v16;
	v16 =	vmin.f32 v12, v13  }
0x91: {  	s23 =	sshra.s32 s2, $0x2;
	v12 =	vmax.f32 v12, v13;
	v13 =	vmin.f32 v15, v14;
	v14 =	vmax.f32 v15, v14  }
0x92: {  	v19 =	vmin.f32 v17, v10;
	v10 =	vmax.f32 v17, v10;
	v17 =	vmin.f32 v18, v13;
	v15 =	vld.idx.msk [tilespmem:v1+s23+$0xFFFFFC00 ss:$0x1], $0xffff  }
0x93: {  	v13 =	vmax.f32 v18, v13;
	v18 =	vmin.f32 v16, v19;
	v16 =	vmax.f32 v16, v19;
	v20 =	vld.idx.msk [tilespmem:v1+s23+$0xFFFFFC80 ss:$0x1], $0xffff  }
0x94: {  	v21 =	vmin.f32 v11, v14;
	v11 =	vmax.f32 v11, v14;
	v14 =	vmin.f32 v12, v10;
	v19 =	vld.idx.msk [tilespmem:v1+s23+$0xFFFFFD00 ss:$0x1], $0xffff  }
0x95: {  	v10 =	vmax.f32 v12, v10;
	v12 =	vmin.f32 v17, v18;
	v17 =	vmax.f32 v17, v18;
	v22 =	vld.idx.msk [tilespmem:v1+s23+$0xFFFFFD80 ss:$0x1], $0xffff  }
0x96: {  	v23 =	vmin.f32 v13, v16;
	v13 =	vmax.f32 v13, v16;
	v16 =	vmin.f32 v21, v14;
	v18 =	vld.idx.msk [tilespmem:v1+s23+$0xFFFFFE00 ss:$0x1], $0xffff  }
0x97: {  	v14 =	vmax.f32 v21, v14;
	v21 =	vmin.f32 v11, v10;
	v10 =	vmax.f32 v11, v10;
	v24 =	vld.idx.msk [tilespmem:v1+s23+$0xFFFFFE80 ss:$0x1], $0xffff  }
0x98: {  	v3 =	vmax.f32 v3, v10;
	v4 =	vmax.f32 v4, v21;
	v5 =	vmax.f32 v5, v14;
	v11 =	vld.idx.msk [tilespmem:v1+s23+$0xFFFFFF00 ss:$0x1], $0xffff  }
0x99: {  	v6 =	vmax.f32 v6, v16;
	v7 =	vmax.f32 v7, v13;
	v8 =	vmax.f32 v8, v23;
	v10 =	vld.idx.msk [tilespmem:v1+s23+$0xFFFFFF80 ss:$0x1], $0xffff  }
0x9a: {  	v9 =	vmax.f32 v9, v17;
	v12 =	vmax.f32 v2, v12;
	v14 =	vmax.f32 v3, v7;
	v13 =	vld.idx.msk [tilespmem:v1+s23+$0x0 ss:$0x1], $0xffff  }
0x9b: {  	v17 =	vmax.f32 v4, v8;
	v21 =	vmax.f32 v5, v9;
	v23 =	vmax.f32 v6, v12;
	v16 =	vld.idx.msk [tilespmem:v1+s23+$0x80 ss:$0x1], $0xffff  }
0x9c: {  	v3 =	vmin.f32 v3, v7;
	v26 =	vmax.f32 v14, v21;
	v27 =	vmax.f32 v17, v23;
	v25 =	vld.idx.msk [tilespmem:v1+s23+$0x100 ss:$0x1], $0xffff  }
0x9d: {  	v4 =	vmin.f32 v4, v8;
	v5 =	vmin.f32 v5, v9;
	v2 =	vmax.f32 v26, v27;
	v28 =	vld.idx.msk [tilespmem:v1+s23+$0x180 ss:$0x1], $0xffff  }
0x9e: {  	v6 =	vmin.f32 v6, v12;
	v7 =	vmin.f32 v3, v5;
	v8 =	vmax.f32 v3, v5;
	v29 =	vld.idx.msk [tilespmem:v1+s23+$0x200 ss:$0x1], $0xffff  }
0x9f: {  	v5 =	vmin.f32 v4, v6;
	v6 =	vmax.f32 v4, v6;
	v9 =	vmin.f32 v14, v21;
	v12 =	vld.idx.msk [tilespmem:v1+s23+$0x280 ss:$0x1], $0xffff  }
0xa0: {  	v17 =	vmin.f32 v17, v23;
	v3 =	vmin.f32 v7, v5;
	v4 =	vmax.f32 v7, v5;
	v14 =	vld.idx.msk [tilespmem:v1+s23+$0x300 ss:$0x1], $0xffff  }
0xa1: {  	v5 =	vmin.f32 v8, v6;
	v6 =	vmax.f32 v8, v6;
	v7 =	vmin.f32 v9, v17;
	v21 =	vld.idx.msk [tilespmem:v1+s23+$0x380 ss:$0x1], $0xffff  }
0xa2: {  	v8 =	vmax.f32 v9, v17;
	v9 =	vmin.f32 v26, v27  }
0xa3: {  	v17 =	vmin.f32 v15, v19;
	v15 =	vmax.f32 v15, v19;
	v19 =	vmin.f32 v20, v22  }
0xa4: {  	v20 =	vmax.f32 v20, v22;
	v22 =	vmin.f32 v18, v11;
	v11 =	vmax.f32 v18, v11  }
0xa5: {  	v18 =	vmin.f32 v24, v10;
	v10 =	vmax.f32 v24, v10;
	v23 =	vmin.f32 v13, v25  }
0xa6: {  	v13 =	vmax.f32 v13, v25;
	v24 =	vmin.f32 v16, v28;
	v16 =	vmax.f32 v16, v28  }
0xa7: {  	v25 =	vmin.f32 v29, v14;
	v14 =	vmax.f32 v29, v14;
	v26 =	vmin.f32 v12, v21  }
0xa8: {  	v27 =	vmin.f32 v17, v22;
	v28 =	vmin.f32 v19, v18;
	v12 =	vmax.f32 v12, v21  }
0xa9: {  	v29 =	vmax.f32 v20, v10;
	v21 =	vmax.f32 v15, v11;
	v30 =	vmin.f32 v23, v25  }
0xaa: {  	v32 =	vmax.f32 v13, v14;
	v31 =	vmin.f32 v24, v26;
	v33 =	vmax.f32 v16, v12  }
0xab: {  	v17 =	vmax.f32 v17, v22;
	v18 =	vmax.f32 v19, v18;
	v11 =	vmin.f32 v15, v11  }
0xac: {  	v10 =	vmin.f32 v20, v10;
	v15 =	vmax.f32 v23, v25;
	v19 =	vmax.f32 v24, v26  }
0xad: {  	v20 =	vmin.f32 v27, v28;
	v13 =	vmin.f32 v13, v14;
	v12 =	vmin.f32 v16, v12  }
0xae: {  	v14 =	vmax.f32 v21, v29;
	v16 =	vmin.f32 v30, v31;
	v22 =	vmax.f32 v32, v33  }
0xaf: {  	v23 =	vmax.f32 v27, v28;
	v24 =	vmin.f32 v21, v29;
	v25 =	vmax.f32 v30, v31  }
0xb0: {  	v21 =	vmin.f32 v11, v10;
	v26 =	vmax.f32 v11, v10;
	v27 =	vmin.f32 v32, v33  }
0xb1: {  	v28 =	vmin.f32 v17, v18;
	v17 =	vmax.f32 v17, v18;
	v18 =	vmin.f32 v13, v12  }
0xb2: {  	v29 =	vmax.f32 v13, v12;
	v30 =	vmin.f32 v15, v19;
	v19 =	vmax.f32 v15, v19  }
0xb3: {  	v15 =	vmin.f32 v21, v28;
	v11 =	vmax.f32 v20, v22;
	v10 =	vmax.f32 v14, v16  }
.Ltmp2:
0xb4: {  	v14 =	vmax.f32 v26, v17;
	v13 =	vmin.f32 v18, v30;
	v12 =	vmax.f32 v29, v19;
	(pc) =	sbr.rel @p2 .LBB2_4-.Ltmp2, $4  }
0xb5: {  	v16 =	vmax.f32 v21, v28;
	v17 =	vmin.f32 v26, v17;
	v18 =	vmax.f32 v18, v30  }
0xb6: {  	v26 =	vmin.f32 v29, v19;
	v21 =	vmin.f32 v23, v16;
	v16 =	vmax.f32 v23, v16  }
0xb7: {  	v23 =	vmin.f32 v17, v24;
	v22 =	vmax.f32 v17, v24;
	v19 =	vmin.f32 v25, v18  }
0xb8: {  	s2 =	sadd.s32 $0x2000, s2;
	v17 =	vmax.f32 v25, v18;
	v20 =	vmin.f32 v26, v27;
	v18 =	vmax.f32 v26, v27  }
0xb9: {  	v1 =	vmin.f32 v21, v15;
	v58 =	vmax.f32 v21, v15;
	v59 =	vmin.f32 v23, v16  }
0xba: {  	v60 =	vmax.f32 v23, v16;
	v61 =	vmin.f32 v14, v22;
	v62 =	vmax.f32 v14, v22  }
0xbb: {  	v63 =	vmin.f32 v19, v13;
	v24 =	vmax.f32 v19, v13;
	v25 =	vmin.f32 v20, v17  }
0xbc: {  	v26 =	vmax.f32 v20, v17;
	v27 =	vmin.f32 v12, v18;
	v28 =	vmax.f32 v12, v18  }
0xbd: {  	v1 =	vmax.f32 v1, v28;
	v29 =	vmax.f32 v58, v27;
	v30 =	vmax.f32 v59, v26  }
0xbe: {  	v16 =	vmax.f32 v60, v25;
	v13 =	vmax.f32 v61, v24;
	v14 =	vmax.f32 v62, v63  }
0xbf: {  	v31 =	vmin.f32 v11, v16;
	v32 =	vmax.f32 v11, v16;
	v33 =	vmin.f32 v1, v13  }
0xc0: {  	v1 =	vmax.f32 v1, v13;
	v34 =	vmin.f32 v29, v14;
	v12 =	vmax.f32 v29, v14  }
0xc1: {  	v35 =	vmin.f32 v30, v10;
	v36 =	vmax.f32 v30, v10;
	v37 =	vmin.f32 v31, v34  }
0xc2: {  	v13 =	vmax.f32 v31, v34;
	v38 =	vmin.f32 v33, v35;
	v14 =	vmax.f32 v33, v35  }
0xc3: {  	v39 =	vmin.f32 v32, v12;
	v11 =	vmax.f32 v32, v12;
	v40 =	vmin.f32 v1, v36  }
0xc4: {  	v1 =	vmax.f32 v1, v36;
	v41 =	vmin.f32 v37, v38;
	v15 =	vmax.f32 v37, v38  }
0xc5: {  	v42 =	vmin.f32 v13, v14;
	v13 =	vmax.f32 v13, v14;
	v43 =	vmin.f32 v39, v40  }
0xc6: {  	v12 =	vmax.f32 v39, v40;
	v44 =	vmin.f32 v11, v1;
	v1 =	vmax.f32 v11, v1  }
0xc7: {  	v1 =	vmax.f32 v3, v1;
	v3 =	vmax.f32 v4, v44;
	v45 =	vmax.f32 v5, v12  }
0xc8: {  	v46 =	vmax.f32 v6, v43;
	v47 =	vmax.f32 v7, v13;
	v48 =	vmax.f32 v8, v42  }
0xc9: {  	v49 =	vmax.f32 v9, v15;
	v2 =	vmax.f32 v2, v41;
	v50 =	vmin.f32 v1, v47  }
0xca: {  	v51 =	vmin.f32 v3, v48;
	v52 =	vmin.f32 v45, v49;
	v53 =	vmin.f32 v46, v2  }
0xcb: {  	v54 =	vmin.f32 v50, v52;
	v55 =	vmin.f32 v51, v53  }
0xcc: {  	v1 =	vmax.f32 v1, v47;
	v3 =	vmax.f32 v3, v48;
	v56 =	vmin.f32 v54, v55  }
0xcd: {  	v57 =	vmax.f32 v50, v52;
	v58 =	vmax.f32 v51, v53;
	v59 =	vmax.f32 v54, v55;
	[tilespmem:s31+$0x10000] =	vst v56  }
0xce: {  	s30 =	sadd.s32 $0x1, s30;
	v4 =	vmax.f32 v45, v49;
	v2 =	vmax.f32 v46, v2;
	v60 =	vmin.f32 v57, v58;
	[tilespmem:s31+$0x10080] =	vst v59  }
0xcf: {  	p2 =	sne.s32 s30, $0x8;
	v61 =	vmin.f32 v1, v4;
	v62 =	vmin.f32 v3, v2;
	v7 =	vmax.f32 v57, v58;
	[tilespmem:s31+$0x10100] =	vst v60  }
.Ltmp3:
0xd0: {  	v63 =	vmin.f32 v61, v62;
	[tilespmem:s31+$0x10180] =	vst v7;
	(pc) =	sbr.rel @p2 .LBB2_3-.Ltmp3, $4  }
0xd1: {  	v1 =	vmax.f32 v1, v4;
	v2 =	vmax.f32 v3, v2;
	v3 =	vmax.f32 v61, v62;
	[tilespmem:s31+$0x10200] =	vst v63  }
0xd2: {  	v4 =	vmin.f32 v1, v2;
	[tilespmem:s31+$0x10280] =	vst v3  }
0xd3: {  	v1 =	vmax.f32 v1, v2;
	[tilespmem:s31+$0x10300] =	vst v4  }
0xd4: {  	s29 =	sadd.s32 $0x10, s29;
	[tilespmem:s31+$0x10380] =	vst v1  }
0xd5: {  	p2 =	seq.s32 s25, $0x4  }
0xd6: {  	s2 =	sshrl.u32 @!p2 s28, $0x3  }
0xd7: {  	s2 =	sadd.s32 @!p2 s9, s2  }
0xd8: {  	s2 =	sadd.s32 @!p2 $0x2, s2  }
0xd9: {  	s23 =	smulhi.u32 @!p2 $0x2AAAAAAB, s2;
	_ =	sdelay $0x1  }
0xda: {  	s28 =	smul.u32 @!p2 $0x6, s23  }
0xdb: {  	s23 =	smul.u32 @!p2 $0x300000, s23  }
0xdc: {  	s2 =	ssub.s32 @!p2 s2, s28  }
0xdd: {  	s23 =	sadd.s32 @!p2 s10, s23;
	s2 =	sshll.u32 @!p2 s2, $0xA  }
0xde: {  	s2 =	sor.u32 @!p2 s2, s23  }
0xdf: {  	s29 =	simm.s32 @!p2 $0x0;
	s2 =	sshrl.u32 @!p2 s2, $0x3  }
0xe0: {  	s28 =	simm.s32 @!p2 $0x1800;
	s23 =	simm.s32 @!p2 $0x400;
	s2 =	sadd.s32 @!p2 s3, s2  }
0xe1: {  	[tilespmem:s29], [sflag:$0x1] =	stream.strided.gather @!p2 [hbm4b:s2+s23], $0x8000, s28, s23, $0x38;
	[tilespmem:$0x14480] =	vst v63  }
0xe2: {  	_ =	swait.ge [sflag:s21], $0x8000  }
0xe3: {  	[sflag:s21] =	ssyncset.done $0x0  }
0xe4: {  	s28 =	simm.s32 $0x0;
	s29 =	simm.s32 $0x8400;
	[sflag:s21] =	ssyncadd.s32 $0xFFFF8000  }
.LBB2_7:
0xe5: {  	v1 =	vmov s29;
	_ =	sdelay $0x3  }
0xe6: {  	s2 =	simm.s32 $0x0  }
0xe7: {  	v2 =	vld.idx.msk [tilespmem:v1+s2+$0xFFFFFC00 ss:$0x1], $0xffff  }
0xe8: {  	v3 =	vld.idx.msk [tilespmem:v1+s2+$0xFFFFFC80 ss:$0x1], $0xffff  }
0xe9: {  	v4 =	vld.idx.msk [tilespmem:v1+s2+$0xFFFFFD00 ss:$0x1], $0xffff  }
0xea: {  	v5 =	vld.idx.msk [tilespmem:v1+s2+$0xFFFFFD80 ss:$0x1], $0xffff  }
0xeb: {  	v6 =	vld.idx.msk [tilespmem:v1+s2+$0xFFFFFE00 ss:$0x1], $0xffff  }
0xec: {  	v7 =	vld.idx.msk [tilespmem:v1+s2+$0xFFFFFE80 ss:$0x1], $0xffff  }
0xed: {  	v8 =	vld.idx.msk [tilespmem:v1+s2+$0xFFFFFF00 ss:$0x1], $0xffff  }
0xee: {  	v9 =	vld.idx.msk [tilespmem:v1+s2+$0xFFFFFF80 ss:$0x1], $0xffff  }
0xef: {  	v10 =	vld.idx.msk [tilespmem:v1+s2+$0x0 ss:$0x1], $0xffff  }
0xf0: {  	v11 =	vld.idx.msk [tilespmem:v1+s2+$0x80 ss:$0x1], $0xffff  }
0xf1: {  	v12 =	vld.idx.msk [tilespmem:v1+s2+$0x100 ss:$0x1], $0xffff  }
0xf2: {  	v13 =	vld.idx.msk [tilespmem:v1+s2+$0x180 ss:$0x1], $0xffff  }
0xf3: {  	v14 =	vld.idx.msk [tilespmem:v1+s2+$0x200 ss:$0x1], $0xffff  }
0xf4: {  	v15 =	vld.idx.msk [tilespmem:v1+s2+$0x280 ss:$0x1], $0xffff  }
0xf5: {  	v16 =	vld.idx.msk [tilespmem:v1+s2+$0x300 ss:$0x1], $0xffff  }
0xf6: {  	v17 =	vld.idx.msk [tilespmem:v1+s2+$0x380 ss:$0x1], $0xffff  }
0xf7: {  	v18 =	vmin.f32 v2, v4;
	v2 =	vmax.f32 v2, v4;
	v4 =	vmin.f32 v3, v5  }
0xf8: {  	v3 =	vmax.f32 v3, v5;
	v5 =	vmin.f32 v6, v8;
	v6 =	vmax.f32 v6, v8  }
0xf9: {  	v8 =	vmin.f32 v7, v9;
	v7 =	vmax.f32 v7, v9;
	v9 =	vmin.f32 v10, v12  }
0xfa: {  	v10 =	vmax.f32 v10, v12;
	v12 =	vmin.f32 v11, v13;
	v11 =	vmax.f32 v11, v13  }
0xfb: {  	v13 =	vmin.f32 v14, v16;
	v14 =	vmax.f32 v14, v16;
	v16 =	vmin.f32 v15, v17  }
0xfc: {  	v15 =	vmax.f32 v15, v17;
	v19 =	vmin.f32 v18, v5;
	v20 =	vmin.f32 v4, v8  }
0xfd: {  	v17 =	vmax.f32 v2, v6;
	v21 =	vmax.f32 v3, v7;
	v22 =	vmin.f32 v9, v13  }
0xfe: {  	v23 =	vmin.f32 v12, v16;
	v24 =	vmax.f32 v10, v14;
	v25 =	vmax.f32 v11, v15  }
0xff: {  	v5 =	vmax.f32 v18, v5;
	v4 =	vmax.f32 v4, v8;
	v2 =	vmin.f32 v2, v6  }
0x100: {  	v3 =	vmin.f32 v3, v7;
	v6 =	vmax.f32 v9, v13;
	v7 =	vmax.f32 v12, v16  }
0x101: {  	v9 =	vmin.f32 v10, v14;
	v10 =	vmin.f32 v11, v15;
	v8 =	vmin.f32 v19, v20  }
0x102: {  	v12 =	vmax.f32 v17, v21;
	v13 =	vmin.f32 v22, v23;
	v11 =	vmax.f32 v24, v25  }
0x103: {  	s31 =	sshll.u32 s28, $0xA;
	v16 =	vmax.f32 v19, v20;
	v17 =	vmin.f32 v17, v21;
	v18 =	vmax.f32 v22, v23  }
0x104: {  	s30 =	sand.u32 $0x3FFFFC00, s31;
	v19 =	vmin.f32 v2, v3;
	v2 =	vmax.f32 v2, v3;
	v24 =	vmin.f32 v24, v25  }
0x105: {  	v3 =	vld [tilespmem:s30+$0x10000];
	v20 =	vmin.f32 v5, v4;
	v21 =	vmax.f32 v5, v4;
	v22 =	vmin.f32 v9, v10  }
0x106: {  	v4 =	vld [tilespmem:s30+$0x10080];
	v9 =	vmax.f32 v9, v10;
	v23 =	vmin.f32 v6, v7;
	v63 =	vmax.f32 v6, v7  }
0x107: {  	v5 =	vld [tilespmem:s30+$0x10100];
	v15 =	vmin.f32 v19, v20;
	v11 =	vmax.f32 v8, v11;
	v10 =	vmax.f32 v12, v13  }
0x108: {  	v6 =	vld [tilespmem:s30+$0x10180];
	v14 =	vmax.f32 v2, v21;
	v13 =	vmin.f32 v22, v23;
	v12 =	vmax.f32 v9, v63  }
0x109: {  	v7 =	vld [tilespmem:s30+$0x10200];
	v19 =	vmax.f32 v19, v20;
	v2 =	vmin.f32 v2, v21;
	v20 =	vmax.f32 v22, v23  }
0x10a: {  	v8 =	vld [tilespmem:s30+$0x10280];
	v25 =	vmin.f32 v9, v63;
	v21 =	vmin.f32 v16, v19;
	v16 =	vmax.f32 v16, v19  }
0x10b: {  	v9 =	vld [tilespmem:s30+$0x10300];
	v23 =	vmin.f32 v2, v17;
	v22 =	vmax.f32 v2, v17;
	v19 =	vmin.f32 v18, v20  }
0x10c: {  	s2 =	simm.s32 $0x2000;
	v2 =	vld [tilespmem:s30+$0x10380];
	v17 =	vmax.f32 v18, v20;
	v20 =	vmin.f32 v25, v24;
	v18 =	vmax.f32 v25, v24  }
.LBB2_8:
0x10d: {  	p2 =	sne.s32 s2, $0x1E000;
	v24 =	vmin.f32 v21, v15;
	v15 =	vmax.f32 v21, v15;
	v21 =	vmin.f32 v23, v16  }
0x10e: {  	v16 =	vmax.f32 v23, v16;
	v23 =	vmin.f32 v14, v22;
	v14 =	vmax.f32 v14, v22  }
0x10f: {  	v22 =	vmin.f32 v19, v13;
	v13 =	vmax.f32 v19, v13;
	v19 =	vmin.f32 v20, v17  }
0x110: {  	v17 =	vmax.f32 v20, v17;
	v20 =	vmin.f32 v12, v18;
	v12 =	vmax.f32 v12, v18  }
0x111: {  	v12 =	vmax.f32 v24, v12;
	v15 =	vmax.f32 v15, v20;
	v17 =	vmax.f32 v21, v17  }
0x112: {  	v16 =	vmax.f32 v16, v19;
	v13 =	vmax.f32 v23, v13;
	v14 =	vmax.f32 v14, v22  }
0x113: {  	v18 =	vmin.f32 v11, v16;
	v11 =	vmax.f32 v11, v16;
	v16 =	vmin.f32 v12, v13  }
0x114: {  	s23 =	sshra.s32 s2, $0x2;
	v12 =	vmax.f32 v12, v13;
	v13 =	vmin.f32 v15, v14;
	v14 =	vmax.f32 v15, v14  }
0x115: {  	v19 =	vmin.f32 v17, v10;
	v10 =	vmax.f32 v17, v10;
	v17 =	vmin.f32 v18, v13;
	v15 =	vld.idx.msk [tilespmem:v1+s23+$0xFFFFFC00 ss:$0x1], $0xffff  }
0x116: {  	v13 =	vmax.f32 v18, v13;
	v18 =	vmin.f32 v16, v19;
	v16 =	vmax.f32 v16, v19;
	v20 =	vld.idx.msk [tilespmem:v1+s23+$0xFFFFFC80 ss:$0x1], $0xffff  }
0x117: {  	v21 =	vmin.f32 v11, v14;
	v11 =	vmax.f32 v11, v14;
	v14 =	vmin.f32 v12, v10;
	v19 =	vld.idx.msk [tilespmem:v1+s23+$0xFFFFFD00 ss:$0x1], $0xffff  }
0x118: {  	v10 =	vmax.f32 v12, v10;
	v12 =	vmin.f32 v17, v18;
	v17 =	vmax.f32 v17, v18;
	v22 =	vld.idx.msk [tilespmem:v1+s23+$0xFFFFFD80 ss:$0x1], $0xffff  }
0x119: {  	v23 =	vmin.f32 v13, v16;
	v13 =	vmax.f32 v13, v16;
	v16 =	vmin.f32 v21, v14;
	v18 =	vld.idx.msk [tilespmem:v1+s23+$0xFFFFFE00 ss:$0x1], $0xffff  }
0x11a: {  	v14 =	vmax.f32 v21, v14;
	v21 =	vmin.f32 v11, v10;
	v10 =	vmax.f32 v11, v10;
	v24 =	vld.idx.msk [tilespmem:v1+s23+$0xFFFFFE80 ss:$0x1], $0xffff  }
0x11b: {  	v3 =	vmax.f32 v3, v10;
	v4 =	vmax.f32 v4, v21;
	v5 =	vmax.f32 v5, v14;
	v11 =	vld.idx.msk [tilespmem:v1+s23+$0xFFFFFF00 ss:$0x1], $0xffff  }
0x11c: {  	v6 =	vmax.f32 v6, v16;
	v7 =	vmax.f32 v7, v13;
	v8 =	vmax.f32 v8, v23;
	v10 =	vld.idx.msk [tilespmem:v1+s23+$0xFFFFFF80 ss:$0x1], $0xffff  }
0x11d: {  	v9 =	vmax.f32 v9, v17;
	v12 =	vmax.f32 v2, v12;
	v14 =	vmax.f32 v3, v7;
	v13 =	vld.idx.msk [tilespmem:v1+s23+$0x0 ss:$0x1], $0xffff  }
0x11e: {  	v17 =	vmax.f32 v4, v8;
	v21 =	vmax.f32 v5, v9;
	v23 =	vmax.f32 v6, v12;
	v16 =	vld.idx.msk [tilespmem:v1+s23+$0x80 ss:$0x1], $0xffff  }
0x11f: {  	v3 =	vmin.f32 v3, v7;
	v26 =	vmax.f32 v14, v21;
	v27 =	vmax.f32 v17, v23;
	v25 =	vld.idx.msk [tilespmem:v1+s23+$0x100 ss:$0x1], $0xffff  }
0x120: {  	v4 =	vmin.f32 v4, v8;
	v5 =	vmin.f32 v5, v9;
	v2 =	vmax.f32 v26, v27;
	v28 =	vld.idx.msk [tilespmem:v1+s23+$0x180 ss:$0x1], $0xffff  }
0x121: {  	v6 =	vmin.f32 v6, v12;
	v7 =	vmin.f32 v3, v5;
	v8 =	vmax.f32 v3, v5;
	v29 =	vld.idx.msk [tilespmem:v1+s23+$0x200 ss:$0x1], $0xffff  }
0x122: {  	v5 =	vmin.f32 v4, v6;
	v6 =	vmax.f32 v4, v6;
	v9 =	vmin.f32 v14, v21;
	v12 =	vld.idx.msk [tilespmem:v1+s23+$0x280 ss:$0x1], $0xffff  }
0x123: {  	v17 =	vmin.f32 v17, v23;
	v3 =	vmin.f32 v7, v5;
	v4 =	vmax.f32 v7, v5;
	v14 =	vld.idx.msk [tilespmem:v1+s23+$0x300 ss:$0x1], $0xffff  }
0x124: {  	v5 =	vmin.f32 v8, v6;
	v6 =	vmax.f32 v8, v6;
	v7 =	vmin.f32 v9, v17;
	v21 =	vld.idx.msk [tilespmem:v1+s23+$0x380 ss:$0x1], $0xffff  }
0x125: {  	v8 =	vmax.f32 v9, v17;
	v9 =	vmin.f32 v26, v27  }
0x126: {  	v17 =	vmin.f32 v15, v19;
	v15 =	vmax.f32 v15, v19;
	v19 =	vmin.f32 v20, v22  }
0x127: {  	v20 =	vmax.f32 v20, v22;
	v22 =	vmin.f32 v18, v11;
	v11 =	vmax.f32 v18, v11  }
0x128: {  	v18 =	vmin.f32 v24, v10;
	v10 =	vmax.f32 v24, v10;
	v23 =	vmin.f32 v13, v25  }
0x129: {  	v13 =	vmax.f32 v13, v25;
	v24 =	vmin.f32 v16, v28;
	v16 =	vmax.f32 v16, v28  }
0x12a: {  	v25 =	vmin.f32 v29, v14;
	v14 =	vmax.f32 v29, v14;
	v26 =	vmin.f32 v12, v21  }
0x12b: {  	v27 =	vmin.f32 v17, v22;
	v28 =	vmin.f32 v19, v18;
	v12 =	vmax.f32 v12, v21  }
0x12c: {  	v29 =	vmax.f32 v20, v10;
	v21 =	vmax.f32 v15, v11;
	v30 =	vmin.f32 v23, v25  }
0x12d: {  	v32 =	vmax.f32 v13, v14;
	v31 =	vmin.f32 v24, v26;
	v33 =	vmax.f32 v16, v12  }
0x12e: {  	v17 =	vmax.f32 v17, v22;
	v18 =	vmax.f32 v19, v18;
	v11 =	vmin.f32 v15, v11  }
0x12f: {  	v10 =	vmin.f32 v20, v10;
	v15 =	vmax.f32 v23, v25;
	v19 =	vmax.f32 v24, v26  }
0x130: {  	v20 =	vmin.f32 v27, v28;
	v13 =	vmin.f32 v13, v14;
	v12 =	vmin.f32 v16, v12  }
0x131: {  	v14 =	vmax.f32 v21, v29;
	v16 =	vmin.f32 v30, v31;
	v22 =	vmax.f32 v32, v33  }
0x132: {  	v23 =	vmax.f32 v27, v28;
	v24 =	vmin.f32 v21, v29;
	v25 =	vmax.f32 v30, v31  }
0x133: {  	v21 =	vmin.f32 v11, v10;
	v26 =	vmax.f32 v11, v10;
	v27 =	vmin.f32 v32, v33  }
0x134: {  	v28 =	vmin.f32 v17, v18;
	v17 =	vmax.f32 v17, v18;
	v18 =	vmin.f32 v13, v12  }
0x135: {  	v29 =	vmax.f32 v13, v12;
	v30 =	vmin.f32 v15, v19;
	v19 =	vmax.f32 v15, v19  }
0x136: {  	v15 =	vmin.f32 v21, v28;
	v11 =	vmax.f32 v20, v22;
	v10 =	vmax.f32 v14, v16  }
.Ltmp4:
0x137: {  	v14 =	vmax.f32 v26, v17;
	v13 =	vmin.f32 v18, v30;
	v12 =	vmax.f32 v29, v19;
	(pc) =	sbr.rel @p2 .LBB2_8-.Ltmp4, $4  }
0x138: {  	v16 =	vmax.f32 v21, v28;
	v17 =	vmin.f32 v26, v17;
	v18 =	vmax.f32 v18, v30  }
0x139: {  	v26 =	vmin.f32 v29, v19;
	v21 =	vmin.f32 v23, v16;
	v16 =	vmax.f32 v23, v16  }
0x13a: {  	v23 =	vmin.f32 v17, v24;
	v22 =	vmax.f32 v17, v24;
	v19 =	vmin.f32 v25, v18  }
0x13b: {  	s2 =	sadd.s32 $0x2000, s2;
	v17 =	vmax.f32 v25, v18;
	v20 =	vmin.f32 v26, v27;
	v18 =	vmax.f32 v26, v27  }
0x13c: {  	v1 =	vmin.f32 v21, v15;
	v58 =	vmax.f32 v21, v15;
	v59 =	vmin.f32 v23, v16  }
0x13d: {  	v60 =	vmax.f32 v23, v16;
	v61 =	vmin.f32 v14, v22;
	v62 =	vmax.f32 v14, v22  }
0x13e: {  	v63 =	vmin.f32 v19, v13;
	v24 =	vmax.f32 v19, v13;
	v25 =	vmin.f32 v20, v17  }
0x13f: {  	v26 =	vmax.f32 v20, v17;
	v27 =	vmin.f32 v12, v18;
	v28 =	vmax.f32 v12, v18  }
0x140: {  	v1 =	vmax.f32 v1, v28;
	v29 =	vmax.f32 v58, v27;
	v30 =	vmax.f32 v59, v26  }
0x141: {  	v16 =	vmax.f32 v60, v25;
	v13 =	vmax.f32 v61, v24;
	v14 =	vmax.f32 v62, v63  }
0x142: {  	v31 =	vmin.f32 v11, v16;
	v32 =	vmax.f32 v11, v16;
	v33 =	vmin.f32 v1, v13  }
0x143: {  	v1 =	vmax.f32 v1, v13;
	v34 =	vmin.f32 v29, v14;
	v12 =	vmax.f32 v29, v14  }
0x144: {  	v35 =	vmin.f32 v30, v10;
	v36 =	vmax.f32 v30, v10;
	v37 =	vmin.f32 v31, v34  }
0x145: {  	v13 =	vmax.f32 v31, v34;
	v38 =	vmin.f32 v33, v35;
	v14 =	vmax.f32 v33, v35  }
0x146: {  	v39 =	vmin.f32 v32, v12;
	v11 =	vmax.f32 v32, v12;
	v40 =	vmin.f32 v1, v36  }
0x147: {  	v1 =	vmax.f32 v1, v36;
	v41 =	vmin.f32 v37, v38;
	v15 =	vmax.f32 v37, v38  }
0x148: {  	v42 =	vmin.f32 v13, v14;
	v13 =	vmax.f32 v13, v14;
	v43 =	vmin.f32 v39, v40  }
0x149: {  	v12 =	vmax.f32 v39, v40;
	v44 =	vmin.f32 v11, v1;
	v1 =	vmax.f32 v11, v1  }
0x14a: {  	v1 =	vmax.f32 v3, v1;
	v3 =	vmax.f32 v4, v44;
	v45 =	vmax.f32 v5, v12  }
0x14b: {  	v46 =	vmax.f32 v6, v43;
	v47 =	vmax.f32 v7, v13;
	v48 =	vmax.f32 v8, v42  }
0x14c: {  	v49 =	vmax.f32 v9, v15;
	v2 =	vmax.f32 v2, v41;
	v50 =	vmin.f32 v1, v47  }
0x14d: {  	v51 =	vmin.f32 v3, v48;
	v52 =	vmin.f32 v45, v49;
	v53 =	vmin.f32 v46, v2  }
0x14e: {  	v54 =	vmin.f32 v50, v52;
	v55 =	vmin.f32 v51, v53  }
0x14f: {  	v1 =	vmax.f32 v1, v47;
	v3 =	vmax.f32 v3, v48;
	v56 =	vmin.f32 v54, v55  }
0x150: {  	v57 =	vmax.f32 v50, v52;
	v58 =	vmax.f32 v51, v53;
	v59 =	vmax.f32 v54, v55;
	[tilespmem:s30+$0x10000] =	vst v56  }
0x151: {  	s28 =	sadd.s32 $0x1, s28;
	v4 =	vmax.f32 v45, v49;
	v2 =	vmax.f32 v46, v2;
	v60 =	vmin.f32 v57, v58;
	[tilespmem:s30+$0x10080] =	vst v59  }
0x152: {  	p2 =	sne.s32 s28, $0x8;
	v61 =	vmin.f32 v1, v4;
	v62 =	vmin.f32 v3, v2;
	v7 =	vmax.f32 v57, v58;
	[tilespmem:s30+$0x10100] =	vst v60  }
.Ltmp5:
0x153: {  	v63 =	vmin.f32 v61, v62;
	[tilespmem:s30+$0x10180] =	vst v7;
	(pc) =	sbr.rel @p2 .LBB2_7-.Ltmp5, $4  }
0x154: {  	v1 =	vmax.f32 v1, v4;
	v2 =	vmax.f32 v3, v2;
	v3 =	vmax.f32 v61, v62;
	[tilespmem:s30+$0x10200] =	vst v63  }
0x155: {  	v4 =	vmin.f32 v1, v2;
	[tilespmem:s30+$0x10280] =	vst v3  }
0x156: {  	v1 =	vmax.f32 v1, v2;
	[tilespmem:s30+$0x10300] =	vst v4  }
0x157: {  	s29 =	sadd.s32 $0x10, s29;
	[tilespmem:s30+$0x10380] =	vst v1  }
0x158: {  	v1 =	vld [tilespmem:$0x10000]  }
0x159: {  	v2 =	vld [tilespmem:$0x10080]  }
0x15a: {  	v3 =	vld [tilespmem:$0x10100]  }
0x15b: {  	v4 =	vld [tilespmem:$0x10180]  }
0x15c: {  	v5 =	vld [tilespmem:$0x10200]  }
0x15d: {  	v41 =	vld [tilespmem:$0x10400];
	[tilespmem:$0x12000] =	vst v1  }
0x15e: {  	v1 =	vld [tilespmem:$0x10280];
	[tilespmem:$0x12080] =	vst v2  }
0x15f: {  	v2 =	vld [tilespmem:$0x10300];
	[tilespmem:$0x12100] =	vst v3  }
0x160: {  	v3 =	vld [tilespmem:$0x10380];
	[tilespmem:$0x12180] =	vst v4  }
0x161: {  	v42 =	vld [tilespmem:$0x10480];
	[tilespmem:$0x12200] =	vst v5  }
0x162: {  	v43 =	vld [tilespmem:$0x10680];
	[tilespmem:$0x12010] =	vst v41  }
0x163: {  	[tilespmem:$0x12280] =	vst v1;
	v1 =	vld [tilespmem:$0x10500]  }
0x164: {  	[tilespmem:$0x12300] =	vst v2;
	v2 =	vld [tilespmem:$0x10580]  }
0x165: {  	[tilespmem:$0x12380] =	vst v3;
	v3 =	vld [tilespmem:$0x10600]  }
0x166: {  	v44 =	vld [tilespmem:$0x10700];
	[tilespmem:$0x12090] =	vst v42  }
0x167: {  	v45 =	vld [tilespmem:$0x10900];
	[tilespmem:$0x12290] =	vst v43  }
0x168: {  	[tilespmem:$0x12110] =	vst v1;
	v1 =	vld [tilespmem:$0x10780]  }
0x169: {  	[tilespmem:$0x12190] =	vst v2;
	v2 =	vld [tilespmem:$0x10800]  }
0x16a: {  	[tilespmem:$0x12210] =	vst v3;
	v3 =	vld [tilespmem:$0x10880]  }
0x16b: {  	v46 =	vld [tilespmem:$0x10980];
	[tilespmem:$0x12310] =	vst v44  }
0x16c: {  	v47 =	vld [tilespmem:$0x10B80];
	[tilespmem:$0x12120] =	vst v45  }
0x16d: {  	[tilespmem:$0x12390] =	vst v1;
	v1 =	vld [tilespmem:$0x10A00]  }
0x16e: {  	[tilespmem:$0x12020] =	vst v2;
	v2 =	vld [tilespmem:$0x10A80]  }
0x16f: {  	[tilespmem:$0x120A0] =	vst v3;
	v3 =	vld [tilespmem:$0x10B00]  }
0x170: {  	v48 =	vld [tilespmem:$0x10C00];
	[tilespmem:$0x121A0] =	vst v46  }
0x171: {  	v49 =	vld [tilespmem:$0x10E00];
	[tilespmem:$0x123A0] =	vst v47  }
0x172: {  	[tilespmem:$0x12220] =	vst v1;
	v1 =	vld [tilespmem:$0x10C80]  }
0x173: {  	[tilespmem:$0x122A0] =	vst v2;
	v2 =	vld [tilespmem:$0x10D00]  }
0x174: {  	[tilespmem:$0x12320] =	vst v3;
	v3 =	vld [tilespmem:$0x10D80]  }
0x175: {  	v50 =	vld [tilespmem:$0x10E80];
	[tilespmem:$0x12030] =	vst v48  }
0x176: {  	v51 =	vld [tilespmem:$0x11080];
	[tilespmem:$0x12230] =	vst v49  }
0x177: {  	[tilespmem:$0x120B0] =	vst v1;
	v1 =	vld [tilespmem:$0x10F00]  }
0x178: {  	[tilespmem:$0x12130] =	vst v2;
	v2 =	vld [tilespmem:$0x10F80]  }
0x179: {  	[tilespmem:$0x121B0] =	vst v3;
	v3 =	vld [tilespmem:$0x11000]  }
0x17a: {  	v52 =	vld [tilespmem:$0x11100];
	[tilespmem:$0x122B0] =	vst v50  }
0x17b: {  	v53 =	vld [tilespmem:$0x11300];
	[tilespmem:$0x120C0] =	vst v51  }
0x17c: {  	[tilespmem:$0x12330] =	vst v1;
	v1 =	vld [tilespmem:$0x11180]  }
0x17d: {  	[tilespmem:$0x123B0] =	vst v2;
	v2 =	vld [tilespmem:$0x11200]  }
0x17e: {  	[tilespmem:$0x12040] =	vst v3;
	v3 =	vld [tilespmem:$0x11280]  }
0x17f: {  	v54 =	vld [tilespmem:$0x11380];
	[tilespmem:$0x12140] =	vst v52  }
0x180: {  	v55 =	vld [tilespmem:$0x11580];
	[tilespmem:$0x12340] =	vst v53  }
0x181: {  	[tilespmem:$0x121C0] =	vst v1;
	v1 =	vld [tilespmem:$0x11400]  }
0x182: {  	[tilespmem:$0x12240] =	vst v2;
	v2 =	vld [tilespmem:$0x11480]  }
0x183: {  	[tilespmem:$0x122C0] =	vst v3;
	v3 =	vld [tilespmem:$0x11500]  }
0x184: {  	v56 =	vld [tilespmem:$0x11600];
	[tilespmem:$0x123C0] =	vst v54  }
0x185: {  	v57 =	vld [tilespmem:$0x11800];
	[tilespmem:$0x121D0] =	vst v55  }
0x186: {  	[tilespmem:$0x12050] =	vst v1;
	v1 =	vld [tilespmem:$0x11680]  }
0x187: {  	[tilespmem:$0x120D0] =	vst v2;
	v2 =	vld [tilespmem:$0x11700]  }
0x188: {  	[tilespmem:$0x12150] =	vst v3;
	v3 =	vld [tilespmem:$0x11780]  }
0x189: {  	v58 =	vld [tilespmem:$0x11880];
	[tilespmem:$0x12250] =	vst v56  }
0x18a: {  	v59 =	vld [tilespmem:$0x11A80];
	[tilespmem:$0x12060] =	vst v57  }
0x18b: {  	[tilespmem:$0x122D0] =	vst v1;
	v1 =	vld [tilespmem:$0x11900]  }
0x18c: {  	[tilespmem:$0x12350] =	vst v2;
	v2 =	vld [tilespmem:$0x11980]  }
0x18d: {  	[tilespmem:$0x123D0] =	vst v3;
	v3 =	vld [tilespmem:$0x11A00]  }
0x18e: {  	v60 =	vld [tilespmem:$0x11B00];
	[tilespmem:$0x120E0] =	vst v58  }
0x18f: {  	v61 =	vld [tilespmem:$0x11D00];
	[tilespmem:$0x122E0] =	vst v59  }
0x190: {  	[tilespmem:$0x12160] =	vst v1;
	v1 =	vld [tilespmem:$0x11B80]  }
0x191: {  	[tilespmem:$0x121E0] =	vst v2;
	v2 =	vld [tilespmem:$0x11C00]  }
0x192: {  	[tilespmem:$0x12260] =	vst v3;
	v3 =	vld [tilespmem:$0x11C80]  }
0x193: {  	v62 =	vld [tilespmem:$0x11D80];
	[tilespmem:$0x12360] =	vst v60  }
0x194: {  	v63 =	vld [tilespmem:$0x11F80];
	[tilespmem:$0x12170] =	vst v61  }
0x195: {  	[tilespmem:$0x123E0] =	vst v1;
	v1 =	vld [tilespmem:$0x11E00]  }
0x196: {  	[tilespmem:$0x12070] =	vst v2;
	v2 =	vld [tilespmem:$0x11E80]  }
0x197: {  	[tilespmem:$0x120F0] =	vst v3;
	v3 =	vld [tilespmem:$0x11F00]  }
0x198: {  	[tilespmem:$0x121F0] =	vst v62  }
0x199: {  	s2 =	sshll.u32 s26, $0xD;
	[tilespmem:$0x123F0] =	vst v63  }
0x19a: {  	s25 =	sadd.s32 $0x1, s25;
	s2 =	sor.u32 s11, s2;
	[tilespmem:$0x12270] =	vst v1  }
0x19b: {  	p2 =	sne.s32 s25, $0x5;
	s2 =	sshrl.u32 s2, $0x3;
	[tilespmem:$0x122F0] =	vst v2  }
.Ltmp6:
0x19c: {  	s2 =	sadd.s32 s6, s2;
	[tilespmem:$0x12370] =	vst v3;
	(pc) =	sbr.rel @p2 .LBB2_2-.Ltmp6, $4  }
0x19d: {  	[hbm4b:s2+s4] =	stream.linear.scatter [tilespmem:s22], [sflag:$0x3], $0x400, $0x38;
	[tilespmem:$0x14480] =	vst v63  }
0x19e: {  	_ =	swait.ge [sflag:s16], $0x400  }
0x19f: {  	[sflag:s16] =	ssyncset.done $0x0  }
0x1a0: {  	[sflag:s16] =	ssyncadd.s32 $0xFFFFFC00  }
.Ltmp7:
0x1a1: {  	(pc) =	sbr.rel @p1 .LBB2_15-.Ltmp7, $2  }
0x1a2: {  	_ =	sdelay $0x1  }
0x1a3: {  	[bflag:$0x0] =	sbarrier.arrive $0xFFFF;
	_ =	sdelay $0x1  }
0x1a4: {  	s2 =	simm.s32 $0x12400  }
0x1a5: {  	[tilespmem:s2], [sflag:$0x3] =	stream.linear.gather [hbm4b:s12+s4], $0x2000, $0x38;
	[tilespmem:$0x14480] =	vst v63  }
0x1a6: {  	_ =	swait.ge [sflag:s16], $0x2000  }
0x1a7: {  	[sflag:s16] =	ssyncset.done $0x0  }
0x1a8: {  	s25 =	simm.s32 $0xFFFFFF80;
	[sflag:s16] =	ssyncadd.s32 $0xFFFFE000  }
0x1a9: {  	v0 =	vld [tilespmem:s25+$0x12480]  }
0x1aa: {  	v1 =	vld [tilespmem:s25+$0x12500]  }
0x1ab: {  	v2 =	vld [tilespmem:s25+$0x12580]  }
0x1ac: {  	v3 =	vld [tilespmem:s25+$0x12600]  }
0x1ad: {  	v4 =	vld [tilespmem:s25+$0x12680]  }
0x1ae: {  	v5 =	vld [tilespmem:s25+$0x12700]  }
0x1af: {  	v6 =	vld [tilespmem:s25+$0x12780]  }
0x1b0: {  	v7 =	vld [tilespmem:s25+$0x12800]  }
0x1b1: {  	v8 =	vld [tilespmem:s25+$0x12880]  }
0x1b2: {  	v9 =	vld [tilespmem:s25+$0x12900]  }
0x1b3: {  	v10 =	vld [tilespmem:s25+$0x12980]  }
0x1b4: {  	v11 =	vld [tilespmem:s25+$0x12A00]  }
0x1b5: {  	v12 =	vld [tilespmem:s25+$0x12A80]  }
0x1b6: {  	v13 =	vld [tilespmem:s25+$0x12B00]  }
0x1b7: {  	v14 =	vld [tilespmem:s25+$0x12B80]  }
0x1b8: {  	v15 =	vld [tilespmem:s25+$0x12C00]  }
0x1b9: {  	v16 =	vld [tilespmem:s25+$0x12C80]  }
0x1ba: {  	v17 =	vld [tilespmem:s25+$0x12D00]  }
0x1bb: {  	v18 =	vld [tilespmem:s25+$0x12D80]  }
0x1bc: {  	v19 =	vld [tilespmem:s25+$0x12E00]  }
0x1bd: {  	v20 =	vld [tilespmem:s25+$0x12E80]  }
0x1be: {  	v21 =	vld [tilespmem:s25+$0x12F00]  }
0x1bf: {  	v22 =	vld [tilespmem:s25+$0x12F80]  }
0x1c0: {  	v23 =	vld [tilespmem:s25+$0x13000]  }
0x1c1: {  	v24 =	vld [tilespmem:s25+$0x13080]  }
0x1c2: {  	v25 =	vld [tilespmem:s25+$0x13100]  }
0x1c3: {  	v26 =	vld [tilespmem:s25+$0x13180]  }
0x1c4: {  	v27 =	vld [tilespmem:s25+$0x13200]  }
0x1c5: {  	v28 =	vld [tilespmem:s25+$0x13280]  }
0x1c6: {  	v29 =	vld [tilespmem:s25+$0x13300]  }
0x1c7: {  	v30 =	vld [tilespmem:s25+$0x13380]  }
0x1c8: {  	v31 =	vld [tilespmem:s25+$0x13400]  }
0x1c9: {  	v32 =	vld [tilespmem:s25+$0x13480]  }
0x1ca: {  	v33 =	vld [tilespmem:s25+$0x13500]  }
0x1cb: {  	v34 =	vld [tilespmem:s25+$0x13580]  }
0x1cc: {  	v35 =	vld [tilespmem:s25+$0x13600]  }
0x1cd: {  	v36 =	vld [tilespmem:s25+$0x13680]  }
0x1ce: {  	v37 =	vld [tilespmem:s25+$0x13700]  }
0x1cf: {  	v38 =	vld [tilespmem:s25+$0x13780]  }
0x1d0: {  	v39 =	vld [tilespmem:s25+$0x13800]  }
0x1d1: {  	v40 =	vld [tilespmem:s25+$0x13880]  }
0x1d2: {  	v41 =	vld [tilespmem:s25+$0x13900]  }
0x1d3: {  	v42 =	vld [tilespmem:s25+$0x13980]  }
0x1d4: {  	v43 =	vld [tilespmem:s25+$0x13A00]  }
0x1d5: {  	v44 =	vld [tilespmem:s25+$0x13A80]  }
0x1d6: {  	v45 =	vld [tilespmem:s25+$0x13B00]  }
0x1d7: {  	v46 =	vld [tilespmem:s25+$0x13B80]  }
0x1d8: {  	v47 =	vld [tilespmem:s25+$0x13C00]  }
0x1d9: {  	v52 =	vld [tilespmem:s25+$0x13E80]  }
0x1da: {  	v53 =	vld [tilespmem:s25+$0x13F00]  }
0x1db: {  	v55 =	vld [tilespmem:s25+$0x14000];
	v0 =	vmax.f32 v0, v15;
	v1 =	vmax.f32 v1, v14;
	v2 =	vmax.f32 v2, v13  }
0x1dc: {  	v56 =	vld [tilespmem:s25+$0x14080];
	v3 =	vmax.f32 v3, v12;
	v4 =	vmax.f32 v4, v11;
	v5 =	vmax.f32 v5, v10  }
0x1dd: {  	v57 =	vld [tilespmem:s25+$0x14180];
	v6 =	vmax.f32 v6, v9;
	v7 =	vmax.f32 v7, v8;
	v8 =	vmax.f32 v16, v31  }
0x1de: {  	v58 =	vld [tilespmem:s25+$0x14200];
	v11 =	vmax.f32 v17, v30;
	v12 =	vmax.f32 v18, v29;
	v14 =	vmax.f32 v19, v28  }
0x1df: {  	v16 =	vmax.f32 v20, v27;
	v17 =	vmax.f32 v21, v26;
	v18 =	vmax.f32 v22, v25  }
0x1e0: {  	v20 =	vmax.f32 v23, v24;
	v21 =	vmax.f32 v32, v47;
	v46 =	vmax.f32 v33, v46  }
0x1e1: {  	v48 =	vld [tilespmem:s25+$0x13C80];
	v47 =	vmax.f32 v34, v45;
	v59 =	vmax.f32 v35, v44;
	v60 =	vmax.f32 v36, v43  }
0x1e2: {  	v49 =	vld [tilespmem:s25+$0x13D00];
	v61 =	vmax.f32 v37, v42;
	v62 =	vmax.f32 v38, v41;
	v63 =	vmax.f32 v39, v40  }
0x1e3: {  	v50 =	vld [tilespmem:s25+$0x13D80];
	v36 =	vmax.f32 v52, v58;
	v37 =	vmax.f32 v53, v57;
	v39 =	vmax.f32 v55, v56  }
0x1e4: {  	v51 =	vld [tilespmem:s25+$0x13E00];
	v38 =	vmin.f32 v0, v4;
	v0 =	vmax.f32 v0, v4;
	v4 =	vmin.f32 v1, v5  }
0x1e5: {  	v54 =	vld [tilespmem:s25+$0x13F80];
	v1 =	vmax.f32 v1, v5;
	v5 =	vmin.f32 v2, v6;
	v2 =	vmax.f32 v2, v6  }
0x1e6: {  	v13 =	vld [tilespmem:s25+$0x14300];
	v6 =	vmin.f32 v3, v7;
	v3 =	vmax.f32 v3, v7;
	v7 =	vmin.f32 v8, v16  }
0x1e7: {  	v10 =	vld [tilespmem:s25+$0x14380];
	v8 =	vmax.f32 v8, v16;
	v16 =	vmin.f32 v11, v17;
	v11 =	vmax.f32 v11, v17  }
0x1e8: {  	v9 =	vld [tilespmem:s25+$0x14400];
	v17 =	vmin.f32 v12, v18;
	v12 =	vmax.f32 v12, v18;
	v18 =	vmin.f32 v14, v20  }
0x1e9: {  	v15 =	vld [tilespmem:s25+$0x14280];
	v14 =	vmax.f32 v14, v20;
	v40 =	vmin.f32 v21, v60;
	v21 =	vmax.f32 v21, v60  }
0x1ea: {  	v19 =	vld [tilespmem:s25+$0x14100];
	v41 =	vmin.f32 v46, v61;
	v22 =	vmax.f32 v46, v61;
	v42 =	vmin.f32 v47, v62  }
0x1eb: {  	v23 =	vmax.f32 v47, v62;
	v43 =	vmin.f32 v59, v63;
	v24 =	vmax.f32 v59, v63  }
0x1ec: {  	v47 =	vmin.f32 v38, v5;
	v20 =	vmax.f32 v40, v42;
	v25 =	vmax.f32 v41, v43  }
0x1ed: {  	v5 =	vmax.f32 v38, v5;
	v56 =	vmin.f32 v20, v25;
	v20 =	vmax.f32 v20, v25  }
0x1ee: {  	v9 =	vmax.f32 v48, v9;
	v10 =	vmax.f32 v49, v10;
	v13 =	vmax.f32 v50, v13  }
0x1ef: {  	v15 =	vmax.f32 v51, v15;
	v19 =	vmax.f32 v54, v19;
	v48 =	vmin.f32 v4, v6  }
0x1f0: {  	v4 =	vmax.f32 v4, v6;
	v6 =	vmin.f32 v0, v2;
	v0 =	vmax.f32 v0, v2  }
0x1f1: {  	v2 =	vmin.f32 v1, v3;
	v1 =	vmax.f32 v1, v3;
	v3 =	vmin.f32 v7, v17  }
0x1f2: {  	v7 =	vmax.f32 v7, v17;
	v17 =	vmin.f32 v16, v18;
	v16 =	vmax.f32 v16, v18  }
0x1f3: {  	v18 =	vmin.f32 v8, v12;
	v8 =	vmax.f32 v8, v12;
	v12 =	vmin.f32 v11, v14  }
0x1f4: {  	v11 =	vmax.f32 v11, v14;
	v14 =	vmin.f32 v40, v42;
	v49 =	vmin.f32 v41, v43  }
0x1f5: {  	v50 =	vmin.f32 v21, v23;
	v21 =	vmax.f32 v21, v23;
	v51 =	vmin.f32 v22, v24  }
0x1f6: {  	v22 =	vmax.f32 v22, v24;
	v44 =	vmin.f32 v9, v36;
	v9 =	vmax.f32 v9, v36  }
0x1f7: {  	v45 =	vmin.f32 v10, v37;
	v10 =	vmax.f32 v10, v37;
	v46 =	vmin.f32 v13, v19  }
0x1f8: {  	v13 =	vmax.f32 v13, v19;
	v19 =	vmin.f32 v15, v39;
	v15 =	vmax.f32 v15, v39  }
0x1f9: {  	v31 =	vmax.f32 v47, v48;
	v55 =	vmin.f32 v5, v4;
	v4 =	vmax.f32 v5, v4  }
0x1fa: {  	v5 =	vmin.f32 v6, v2;
	v2 =	vmax.f32 v6, v2;
	v6 =	vmin.f32 v0, v1  }
0x1fb: {  	v0 =	vmax.f32 v0, v1;
	v1 =	vmin.f32 v3, v17;
	v3 =	vmax.f32 v3, v17  }
0x1fc: {  	v17 =	vmin.f32 v7, v16;
	v7 =	vmax.f32 v7, v16;
	v16 =	vmin.f32 v18, v12  }
0x1fd: {  	v12 =	vmax.f32 v18, v12;
	v18 =	vmin.f32 v8, v11;
	v8 =	vmax.f32 v8, v11  }
0x1fe: {  	v11 =	vmin.f32 v14, v49;
	v14 =	vmax.f32 v14, v49;
	v57 =	vmin.f32 v50, v51  }
0x1ff: {  	v23 =	vmax.f32 v50, v51;
	v58 =	vmin.f32 v21, v22;
	v21 =	vmax.f32 v21, v22  }
0x200: {  	v52 =	vmin.f32 v44, v46;
	v28 =	vmax.f32 v44, v46;
	v53 =	vmin.f32 v45, v19  }
0x201: {  	v19 =	vmax.f32 v45, v19;
	v54 =	vmin.f32 v9, v13;
	v9 =	vmax.f32 v9, v13  }
0x202: {  	v13 =	vmin.f32 v10, v15;
	v10 =	vmax.f32 v10, v15;
	v15 =	vmin.f32 v47, v48  }
0x203: {  	v4 =	vmax.f32 v4, v16;
	v5 =	vmax.f32 v5, v7;
	v7 =	vmax.f32 v2, v17  }
0x204: {  	v6 =	vmax.f32 v6, v3;
	v17 =	vmax.f32 v0, v1;
	v59 =	vmin.f32 v52, v53  }
0x205: {  	v24 =	vmax.f32 v52, v53;
	v60 =	vmin.f32 v28, v19;
	v19 =	vmax.f32 v28, v19  }
0x206: {  	v61 =	vmin.f32 v54, v13;
	v13 =	vmax.f32 v54, v13;
	v62 =	vmin.f32 v9, v10  }
0x207: {  	v9 =	vmax.f32 v9, v10;
	v8 =	vmax.f32 v15, v8;
	v10 =	vmax.f32 v31, v18  }
0x208: {  	v15 =	vmax.f32 v55, v12;
	v9 =	vmax.f32 v11, v9;
	v14 =	vmax.f32 v14, v62  }
0x209: {  	v13 =	vmax.f32 v56, v13;
	v0 =	vmax.f32 v20, v61;
	v18 =	vmax.f32 v57, v19  }
0x20a: {  	v19 =	vmax.f32 v23, v60;
	v63 =	vmax.f32 v58, v24;
	v1 =	vmax.f32 v21, v59  }
0x20b: {  	v12 =	vmin.f32 v8, v5;
	v2 =	vmax.f32 v8, v5;
	v8 =	vmin.f32 v10, v7  }
0x20c: {  	v3 =	vmax.f32 v10, v7;
	v16 =	vmin.f32 v15, v6;
	v10 =	vmax.f32 v15, v6  }
0x20d: {  	v15 =	vmin.f32 v4, v17;
	v11 =	vmax.f32 v4, v17;
	v7 =	vmin.f32 v9, v18  }
0x20e: {  	v4 =	vmax.f32 v9, v18;
	v6 =	vmin.f32 v14, v19;
	v5 =	vmax.f32 v14, v19  }
0x20f: {  	s26 =	simm.s32 $0xFFFFFE40;
	v14 =	vmin.f32 v13, v63;
	v9 =	vmax.f32 v13, v63;
	v13 =	vmin.f32 v0, v1  }
.LBB2_13:
0x210: {  	s2 =	sshra.s32 s26, $0x2;
	p2 =	sne.s32 s26, $0xFFFFFFC0;
	v17 =	vmin.f32 v12, v16;
	v12 =	vmax.f32 v12, v16;
	v16 =	vmax.f32 v0, v1  }
0x211: {  	v18 =	vmin.f32 v8, v15;
	v8 =	vmax.f32 v8, v15;
	v15 =	vmin.f32 v2, v10;
	v0 =	vld [tilespmem:s2+$0x12480]  }
0x212: {  	v10 =	vmax.f32 v2, v10;
	v19 =	vmin.f32 v3, v11;
	v11 =	vmax.f32 v3, v11;
	v1 =	vld [tilespmem:s2+$0x12500]  }
0x213: {  	v20 =	vmin.f32 v7, v14;
	v14 =	vmax.f32 v7, v14;
	v21 =	vmin.f32 v6, v13;
	v2 =	vld [tilespmem:s2+$0x12580]  }
0x214: {  	v13 =	vmax.f32 v6, v13;
	v22 =	vmin.f32 v4, v9;
	v23 =	vmax.f32 v4, v9;
	v3 =	vld [tilespmem:s2+$0x12600]  }
0x215: {  	v24 =	vmin.f32 v17, v18;
	v25 =	vmin.f32 v5, v16;
	v16 =	vmax.f32 v5, v16;
	v4 =	vld [tilespmem:s2+$0x12680]  }
0x216: {  	v17 =	vmax.f32 v17, v18;
	v18 =	vmin.f32 v12, v8;
	v12 =	vmax.f32 v12, v8;
	v5 =	vld [tilespmem:s2+$0x12700]  }
0x217: {  	v26 =	vmin.f32 v15, v19;
	v15 =	vmax.f32 v15, v19;
	v19 =	vmin.f32 v10, v11;
	v6 =	vld [tilespmem:s2+$0x12780]  }
0x218: {  	v27 =	vmax.f32 v10, v11;
	v28 =	vmin.f32 v20, v21;
	v20 =	vmax.f32 v20, v21;
	v7 =	vld [tilespmem:s2+$0x12800]  }
0x219: {  	v21 =	vmin.f32 v14, v13;
	v13 =	vmax.f32 v14, v13;
	v14 =	vmin.f32 v22, v25;
	v8 =	vld [tilespmem:s2+$0x12880]  }
0x21a: {  	v11 =	vmax.f32 v22, v25;
	v22 =	vmin.f32 v23, v16;
	v16 =	vmax.f32 v23, v16;
	v9 =	vld [tilespmem:s2+$0x12900]  }
0x21b: {  	v16 =	vmax.f32 v24, v16;
	v17 =	vmax.f32 v17, v22;
	v18 =	vmax.f32 v18, v11;
	v10 =	vld [tilespmem:s2+$0x12980]  }
0x21c: {  	v13 =	vmax.f32 v26, v13;
	v15 =	vmax.f32 v15, v21;
	v14 =	vmax.f32 v12, v14;
	v11 =	vld [tilespmem:s2+$0x12A00]  }
0x21d: {  	v19 =	vmax.f32 v19, v20;
	v20 =	vmax.f32 v27, v28;
	v21 =	vmin.f32 v16, v13;
	v12 =	vld [tilespmem:s2+$0x12A80]  }
0x21e: {  	v23 =	vmin.f32 v17, v15;
	v24 =	vmin.f32 v18, v19;
	v25 =	vmin.f32 v14, v20;
	v22 =	vld [tilespmem:s2+$0x12B00]  }
0x21f: {  	v13 =	vmax.f32 v16, v13;
	v16 =	vmin.f32 v21, v24;
	v27 =	vmin.f32 v23, v25;
	v26 =	vld [tilespmem:s2+$0x12B80]  }
0x220: {  	v15 =	vmax.f32 v17, v15;
	v17 =	vmax.f32 v18, v19;
	v18 =	vmin.f32 v16, v27;
	v28 =	vld [tilespmem:s2+$0x12C00]  }
0x221: {  	v14 =	vmax.f32 v14, v20;
	v20 =	vmax.f32 v21, v24;
	v21 =	vmax.f32 v23, v25;
	v19 =	vld [tilespmem:s2+$0x12C80];
	[tilespmem:s25+$0x12400] =	vst v18  }
0x222: {  	v23 =	vmin.f32 v13, v17;
	v13 =	vmax.f32 v13, v17;
	v17 =	vmin.f32 v15, v14;
	v18 =	vld [tilespmem:s2+$0x12D00]  }
0x223: {  	v14 =	vmax.f32 v15, v14;
	v15 =	vmax.f32 v16, v27;
	v16 =	vmin.f32 v20, v21;
	v24 =	vld [tilespmem:s2+$0x12D80]  }
0x224: {  	v20 =	vmax.f32 v20, v21;
	v21 =	vmin.f32 v23, v17;
	v17 =	vmax.f32 v23, v17;
	v25 =	vld [tilespmem:s2+$0x12E00];
	[tilespmem:s25+$0x12300] =	vst v16  }
0x225: {  	v23 =	vmin.f32 v13, v14;
	v13 =	vmax.f32 v13, v14;
	v16 =	vld [tilespmem:s2+$0x12E80];
	[tilespmem:s25+$0x12180] =	vst v17  }
0x226: {  	v14 =	vld [tilespmem:s2+$0x12F00];
	[tilespmem:s25+$0x12080] =	vst v13  }
0x227: {  	v13 =	vld [tilespmem:s2+$0x12F80];
	[tilespmem:s25+$0x12100] =	vst v23  }
0x228: {  	v17 =	vld [tilespmem:s2+$0x13000];
	[tilespmem:s25+$0x12200] =	vst v21  }
0x229: {  	v21 =	vld [tilespmem:s2+$0x13080];
	[tilespmem:s25+$0x12280] =	vst v20  }
0x22a: {  	v20 =	vld [tilespmem:s2+$0x13100];
	[tilespmem:s25+$0x12380] =	vst v15;
	s25 =	smov.u32 s2  }
0x22b: {  	v15 =	vld [tilespmem:s25+$0x13180]  }
0x22c: {  	v23 =	vld [tilespmem:s25+$0x13200]  }
0x22d: {  	v27 =	vld [tilespmem:s25+$0x13280]  }
0x22e: {  	v29 =	vld [tilespmem:s25+$0x13300]  }
0x22f: {  	v30 =	vld [tilespmem:s25+$0x13380]  }
0x230: {  	v31 =	vld [tilespmem:s25+$0x13400]  }
0x231: {  	v32 =	vld [tilespmem:s25+$0x13480]  }
0x232: {  	v33 =	vld [tilespmem:s25+$0x13500]  }
0x233: {  	v34 =	vld [tilespmem:s25+$0x13580]  }
0x234: {  	v35 =	vld [tilespmem:s25+$0x13600]  }
0x235: {  	v36 =	vld [tilespmem:s25+$0x13680]  }
0x236: {  	v37 =	vld [tilespmem:s25+$0x13700]  }
0x237: {  	v38 =	vld [tilespmem:s25+$0x13780]  }
0x238: {  	v39 =	vld [tilespmem:s25+$0x13800]  }
0x239: {  	v40 =	vld [tilespmem:s25+$0x13880]  }
0x23a: {  	v41 =	vld [tilespmem:s25+$0x13900]  }
0x23b: {  	v42 =	vld [tilespmem:s25+$0x13980]  }
0x23c: {  	v43 =	vld [tilespmem:s25+$0x13A00]  }
0x23d: {  	v44 =	vld [tilespmem:s25+$0x13A80]  }
0x23e: {  	v45 =	vld [tilespmem:s25+$0x13B00]  }
0x23f: {  	v46 =	vld [tilespmem:s25+$0x13B80]  }
0x240: {  	v47 =	vld [tilespmem:s25+$0x13C00]  }
0x241: {  	v48 =	vld [tilespmem:s25+$0x13C80]  }
0x242: {  	v49 =	vld [tilespmem:s25+$0x13D00]  }
0x243: {  	v50 =	vld [tilespmem:s25+$0x13D80]  }
0x244: {  	v51 =	vld [tilespmem:s25+$0x13E00]  }
0x245: {  	v52 =	vld [tilespmem:s25+$0x13E80]  }
0x246: {  	v53 =	vld [tilespmem:s25+$0x13F00]  }
0x247: {  	v54 =	vld [tilespmem:s25+$0x13F80]  }
0x248: {  	v55 =	vld [tilespmem:s25+$0x14000]  }
0x249: {  	v56 =	vld [tilespmem:s25+$0x14080]  }
0x24a: {  	v57 =	vld [tilespmem:s25+$0x14180]  }
0x24b: {  	v2 =	vmax.f32 v2, v22;
	v1 =	vmax.f32 v1, v26;
	v0 =	vmax.f32 v0, v28;
	v58 =	vld [tilespmem:s25+$0x14200]  }
0x24c: {  	v5 =	vmax.f32 v5, v10;
	v4 =	vmax.f32 v4, v11;
	v3 =	vmax.f32 v3, v12;
	v22 =	vld [tilespmem:s25+$0x14300]  }
0x24d: {  	v7 =	vmax.f32 v7, v8;
	v6 =	vmax.f32 v6, v9;
	v8 =	vmax.f32 v19, v31;
	v10 =	vld [tilespmem:s25+$0x14380]  }
0x24e: {  	v12 =	vmax.f32 v24, v29;
	v11 =	vmax.f32 v18, v30;
	v18 =	vmax.f32 v25, v27;
	v9 =	vld [tilespmem:s25+$0x14400]  }
0x24f: {  	v13 =	vmax.f32 v13, v20;
	v14 =	vmax.f32 v14, v15;
	v16 =	vmax.f32 v16, v23;
	v19 =	vld [tilespmem:s25+$0x14280]  }
0x250: {  	v17 =	vmax.f32 v17, v21;
	v21 =	vmax.f32 v33, v46;
	v20 =	vmax.f32 v32, v47;
	v15 =	vld [tilespmem:s25+$0x14100]  }
0x251: {  	v25 =	vmax.f32 v36, v43;
	v24 =	vmax.f32 v35, v44;
	v23 =	vmax.f32 v34, v45  }
0x252: {  	v28 =	vmax.f32 v39, v40;
	v27 =	vmax.f32 v38, v41;
	v26 =	vmax.f32 v37, v42  }
0x253: {  	v22 =	vmax.f32 v50, v22;
	v10 =	vmax.f32 v49, v10;
	v9 =	vmax.f32 v48, v9  }
0x254: {  	v30 =	vmax.f32 v53, v57;
	v29 =	vmax.f32 v52, v58;
	v19 =	vmax.f32 v51, v19  }
0x255: {  	v31 =	vmin.f32 v0, v4;
	v32 =	vmax.f32 v55, v56;
	v15 =	vmax.f32 v54, v15  }
0x256: {  	v0 =	vmax.f32 v0, v4;
	v4 =	vmin.f32 v1, v5;
	v1 =	vmax.f32 v1, v5  }
0x257: {  	v5 =	vmin.f32 v2, v6;
	v2 =	vmax.f32 v2, v6;
	v6 =	vmin.f32 v3, v7  }
0x258: {  	v3 =	vmax.f32 v3, v7;
	v7 =	vmin.f32 v8, v16;
	v8 =	vmax.f32 v8, v16  }
0x259: {  	v16 =	vmin.f32 v11, v14;
	v11 =	vmax.f32 v11, v14;
	v14 =	vmin.f32 v12, v13  }
0x25a: {  	v12 =	vmax.f32 v12, v13;
	v13 =	vmin.f32 v18, v17;
	v17 =	vmax.f32 v18, v17  }
0x25b: {  	v18 =	vmin.f32 v20, v25;
	v20 =	vmax.f32 v20, v25;
	v25 =	vmin.f32 v21, v26  }
0x25c: {  	v21 =	vmax.f32 v21, v26;
	v26 =	vmin.f32 v23, v27;
	v23 =	vmax.f32 v23, v27  }
0x25d: {  	v27 =	vmin.f32 v24, v28;
	v24 =	vmax.f32 v24, v28;
	v28 =	vmin.f32 v9, v29  }
0x25e: {  	v9 =	vmax.f32 v9, v29;
	v29 =	vmin.f32 v10, v30;
	v10 =	vmax.f32 v10, v30  }
0x25f: {  	v30 =	vmin.f32 v22, v15;
	v15 =	vmax.f32 v22, v15;
	v22 =	vmin.f32 v19, v32  }
0x260: {  	v33 =	vmin.f32 v31, v5;
	v5 =	vmax.f32 v31, v5;
	v19 =	vmax.f32 v19, v32  }
0x261: {  	v31 =	vmin.f32 v4, v6;
	v4 =	vmax.f32 v4, v6;
	v6 =	vmin.f32 v0, v2  }
0x262: {  	v0 =	vmax.f32 v0, v2;
	v2 =	vmin.f32 v1, v3;
	v1 =	vmax.f32 v1, v3  }
0x263: {  	v3 =	vmin.f32 v7, v14;
	v7 =	vmax.f32 v7, v14;
	v14 =	vmin.f32 v16, v13  }
0x264: {  	v13 =	vmax.f32 v16, v13;
	v16 =	vmin.f32 v8, v12;
	v8 =	vmax.f32 v8, v12  }
0x265: {  	v12 =	vmin.f32 v11, v17;
	v11 =	vmax.f32 v11, v17;
	v17 =	vmin.f32 v18, v26  }
0x266: {  	v18 =	vmax.f32 v18, v26;
	v26 =	vmin.f32 v25, v27;
	v25 =	vmax.f32 v25, v27  }
0x267: {  	v27 =	vmin.f32 v20, v23;
	v20 =	vmax.f32 v20, v23;
	v23 =	vmin.f32 v21, v24  }
0x268: {  	v21 =	vmax.f32 v21, v24;
	v24 =	vmin.f32 v28, v30;
	v28 =	vmax.f32 v28, v30  }
0x269: {  	v30 =	vmin.f32 v29, v22;
	v22 =	vmax.f32 v29, v22;
	v29 =	vmin.f32 v9, v15  }
0x26a: {  	v9 =	vmax.f32 v9, v15;
	v15 =	vmin.f32 v10, v19;
	v10 =	vmax.f32 v10, v19  }
0x26b: {  	v32 =	vmin.f32 v5, v4;
	v19 =	vmin.f32 v33, v31;
	v31 =	vmax.f32 v33, v31  }
0x26c: {  	v4 =	vmax.f32 v5, v4;
	v5 =	vmin.f32 v6, v2;
	v2 =	vmax.f32 v6, v2  }
0x26d: {  	v6 =	vmin.f32 v0, v1;
	v0 =	vmax.f32 v0, v1;
	v1 =	vmin.f32 v3, v14  }
0x26e: {  	v3 =	vmax.f32 v3, v14;
	v14 =	vmin.f32 v7, v13;
	v7 =	vmax.f32 v7, v13  }
0x26f: {  	v13 =	vmin.f32 v16, v12;
	v12 =	vmax.f32 v16, v12;
	v16 =	vmin.f32 v8, v11  }
0x270: {  	v8 =	vmax.f32 v8, v11;
	v11 =	vmin.f32 v17, v26;
	v17 =	vmax.f32 v17, v26  }
0x271: {  	v26 =	vmin.f32 v18, v25;
	v18 =	vmax.f32 v18, v25;
	v25 =	vmin.f32 v27, v23  }
0x272: {  	v23 =	vmax.f32 v27, v23;
	v27 =	vmin.f32 v20, v21;
	v20 =	vmax.f32 v20, v21  }
0x273: {  	v21 =	vmin.f32 v24, v30;
	v24 =	vmax.f32 v24, v30;
	v30 =	vmin.f32 v28, v22  }
0x274: {  	v22 =	vmax.f32 v28, v22;
	v28 =	vmin.f32 v29, v15;
	v15 =	vmax.f32 v29, v15  }
0x275: {  	v29 =	vmin.f32 v9, v10;
	v9 =	vmax.f32 v9, v10;
	v8 =	vmax.f32 v19, v8  }
0x276: {  	v4 =	vmax.f32 v4, v13;
	v10 =	vmax.f32 v31, v16;
	v19 =	vmax.f32 v32, v12  }
0x277: {  	v5 =	vmax.f32 v5, v7;
	v7 =	vmax.f32 v2, v14;
	v6 =	vmax.f32 v6, v3  }
0x278: {  	v13 =	vmax.f32 v0, v1;
	v9 =	vmax.f32 v11, v9;
	v14 =	vmax.f32 v17, v29  }
0x279: {  	v17 =	vmax.f32 v26, v15;
	v0 =	vmax.f32 v18, v28;
	v18 =	vmax.f32 v25, v22  }
0x27a: {  	v22 =	vmax.f32 v23, v30;
	v23 =	vmax.f32 v27, v24;
	v1 =	vmax.f32 v20, v21  }
.Ltmp8:
0x27b: {  	v12 =	vmin.f32 v8, v5;
	v2 =	vmax.f32 v8, v5;
	v8 =	vmin.f32 v10, v7;
	(pc) =	sbr.rel @p2 .LBB2_13-.Ltmp8, $4  }
0x27c: {  	v3 =	vmax.f32 v10, v7;
	v16 =	vmin.f32 v19, v6;
	v10 =	vmax.f32 v19, v6  }
0x27d: {  	v15 =	vmin.f32 v4, v13;
	v11 =	vmax.f32 v4, v13;
	v7 =	vmin.f32 v9, v18  }
0x27e: {  	v4 =	vmax.f32 v9, v18;
	v6 =	vmin.f32 v14, v22;
	v5 =	vmax.f32 v14, v22  }
0x27f: {  	s26 =	sadd.s32 $0x40, s26;
	v14 =	vmin.f32 v17, v23;
	v9 =	vmax.f32 v17, v23;
	v13 =	vmin.f32 v0, v1  }
0x280: {  	v17 =	vmin.f32 v12, v16;
	v24 =	vmax.f32 v12, v16;
	v0 =	vmax.f32 v0, v1  }
0x281: {  	v25 =	vmin.f32 v8, v15;
	v26 =	vmax.f32 v8, v15;
	v27 =	vmin.f32 v2, v10  }
0x282: {  	v28 =	vmax.f32 v2, v10;
	v29 =	vmin.f32 v3, v11;
	v30 =	vmax.f32 v3, v11  }
0x283: {  	v31 =	vmin.f32 v7, v14;
	v32 =	vmax.f32 v7, v14;
	v33 =	vmin.f32 v6, v13  }
0x284: {  	v34 =	vmax.f32 v6, v13;
	v35 =	vmin.f32 v4, v9;
	v36 =	vmax.f32 v4, v9  }
0x285: {  	v37 =	vmin.f32 v17, v25;
	v38 =	vmin.f32 v5, v0;
	v0 =	vmax.f32 v5, v0  }
0x286: {  	v1 =	vmax.f32 v17, v25;
	v39 =	vmin.f32 v24, v26;
	v8 =	vmax.f32 v24, v26  }
0x287: {  	v40 =	vmin.f32 v27, v29;
	v10 =	vmax.f32 v27, v29;
	v41 =	vmin.f32 v28, v30  }
0x288: {  	v2 =	vmax.f32 v28, v30;
	v42 =	vmin.f32 v31, v33;
	v11 =	vmax.f32 v31, v33  }
0x289: {  	v43 =	vmin.f32 v32, v34;
	v6 =	vmax.f32 v32, v34;
	v44 =	vmin.f32 v35, v38  }
0x28a: {  	v13 =	vmax.f32 v35, v38;
	v45 =	vmin.f32 v36, v0;
	v0 =	vmax.f32 v36, v0  }
0x28b: {  	v6 =	vmax.f32 v40, v6;
	v48 =	vmax.f32 v10, v43;
	v49 =	vmax.f32 v41, v11  }
0x28c: {  	v2 =	vmax.f32 v2, v42;
	v0 =	vmax.f32 v37, v0;
	v1 =	vmax.f32 v1, v45  }
0x28d: {  	v46 =	vmax.f32 v39, v13;
	v47 =	vmax.f32 v8, v44;
	v50 =	vmin.f32 v0, v6  }
0x28e: {  	v51 =	vmin.f32 v1, v48;
	v52 =	vmin.f32 v46, v49;
	v53 =	vmin.f32 v47, v2  }
0x28f: {  	v0 =	vmax.f32 v0, v6;
	v1 =	vmax.f32 v1, v48;
	v4 =	vmax.f32 v46, v49  }
0x290: {  	v2 =	vmax.f32 v47, v2;
	v54 =	vmin.f32 v50, v52;
	v55 =	vmin.f32 v51, v53  }
0x291: {  	v3 =	vmax.f32 v50, v52;
	v57 =	vmax.f32 v51, v53;
	v56 =	vmin.f32 v54, v55  }
0x292: {  	v58 =	vmin.f32 v0, v4;
	v59 =	vmin.f32 v1, v2;
	v9 =	vmin.f32 v3, v57;
	[tilespmem:s25+$0x12400] =	vst v56  }
0x293: {  	v0 =	vmax.f32 v0, v4;
	v1 =	vmax.f32 v1, v2;
	v60 =	vmax.f32 v58, v59;
	[tilespmem:s25+$0x12300] =	vst v9  }
0x294: {  	v4 =	vmax.f32 v0, v1;
	[tilespmem:s25+$0x12180] =	vst v60  }
0x295: {  	v0 =	vmin.f32 v0, v1;
	[tilespmem:s25+$0x12080] =	vst v4  }
0x296: {  	v61 =	vmin.f32 v58, v59;
	[tilespmem:s25+$0x12100] =	vst v0  }
0x297: {  	v62 =	vmax.f32 v3, v57;
	[tilespmem:s25+$0x12200] =	vst v61  }
0x298: {  	v63 =	vmax.f32 v54, v55;
	[tilespmem:s25+$0x12280] =	vst v62  }
.Ltmp9:
0x299: {  	[tilespmem:s25+$0x12380] =	vst v63;
	(pc) =	sbr.rel .LBB2_15-.Ltmp9, $4  }
0x29a: {  	[hbm4b:s13+s4] =	stream.linear.scatter [tilespmem:s22], [sflag:$0x3], $0x400, $0x38;
	[tilespmem:$0x14480] =	vst v63  }
0x29b: {  	_ =	swait.ge [sflag:s16], $0x400  }
0x29c: {  	[sflag:s16] =	ssyncset.done $0x0  }
0x29d: {  	[sflag:s16] =	ssyncadd.s32 $0xFFFFFC00  }
.LBB2_16:
0x29e: {  	_ =	sfence.sel $0x180000  }
0x29f: {  	[bflag:$0x0] =	sbarrier.arrive $0xFFFF  }
0x2a0: {  	_ =	strace $0x90000047  }
0x2a1: {  	[bflag:$0x2] =	sbarrier.arrive $0xFFFF  }
0x2a2: {  	p0 =	sne.s32 s0, $0x0;
	s0 =	rddreg [dreg:$0x3]  }
0x2a3: {  	s0 =	sadd.s32 @!p0 $0x100000, s0  }
0x2a4: {  	[sflag:s0] =	ssyncadd.tile.s32 @!p0 $0x1;
	_ =	shalt  }
.Lfunc_end2:
_tile_overlayer_lowered:
.L_overlay_start_2:
0x2a5: {  	(tag) =	ssettag $0x2  }
0x2a6: {  	s0 =	rddreg [dreg:$0x0];
	s2 =	stileid.u32  }
0x2a7: {  	s1 =	rddreg [dreg:$0x1];
	p0 =	sne.s32 s2, $0x0  }
0x2a8: {  	s3 =	rddreg [dreg:$0x2];
	[bflag:$0x3] =	sbarrier.arrive $0xFFFF;
	s2 =	simm.s32 @!p0 $0x1C03  }
0x2a9: {  	[timem:s3], [sflag:s2] =	dma.local @!p0 [hbm:s0], s1  }
0x2aa: {  	s0 =	simm.s32 @!p0 $0x3  }
0x2ab: {  	_ =	swait.ge @!p0 [sflag:s0], s1  }
0x2ac: {  	s1 =	ssub.s32 @!p0 $0x0, s1;
	[sflag:s0] =	ssyncset.done @!p0 $0x0  }
0x2ad: {  	[sflag:s0] =	ssyncadd.s32 @!p0 s1  }
0x2ae: {  	[bflag:$0x3] =	sbarrier.arrive $0xFFFF  }
0x2af: {  	_ =	shalt  }

</sc_bundles>
